<compile_context>
chip_gen: v7x
topology: tpu7x:2x2x1
jax: 0.10.2.dev20260603
libtpu: 0.0.44.dev20260713+nightly
codegen_flags: <defaults>
</compile_context>

<pallas_src>
import jax
import jax.numpy as jnp
from jax import lax
from jax.experimental import pallas as pl
from jax.experimental.pallas import tpu as pltpu
from jax.experimental.pallas import tpu_sc as plsc

B = 16384
R = 32
L = 16
NC = 2
NS = 16
NW = NC * NS
BPW = B // NW
V = 100000
VS = 25088
TRB = 3584
TGRID = VS // TRB
GCHUNK = 128
NCHUNK = BPW // GCHUNK


def _pack_body(*refs):
    ins = refs[:12]
    outs = refs[12:15]
    k_i = lax.broadcasted_iota(jnp.int32, (32, 128), 0)
    c_i = lax.broadcasted_iota(jnp.int32, (32, 128), 1)
    sel = [jnp.where(c_i - 32 * q == k_i, 1.0, 0.0).astype(jnp.bfloat16)
           for q in range(4)]
    for t in range(3):
        acc = None
        for q in range(4):
            y = lax.dot_general(
                ins[t * 4 + q][...].astype(jnp.bfloat16), sel[q],
                (((0,), (0,)), ((), ())),
                preferred_element_type=jnp.float32)
            acc = y if acc is None else acc + y
        outs[t][...] = acc


def _pack_tables_tc(Ev0, Ev1, Ev2):
    in_specs = []
    for _t in range(3):
        for q in range(4):
            in_specs.append(pl.BlockSpec(
                (32, TRB), lambda i, q=q: (0, q * TGRID + i)))
    out_specs = [pl.BlockSpec((TRB, 128), lambda i: (i, 0))] * 3
    shape = jax.ShapeDtypeStruct((VS, 128), jnp.float32)
    return pl.pallas_call(
        _pack_body,
        grid=(TGRID,),
        in_specs=in_specs,
        out_specs=out_specs,
        out_shape=[shape, shape, shape],
        compiler_params=pltpu.CompilerParams(
            dimension_semantics=("parallel",)),
    )(Ev0, Ev0, Ev0, Ev0, Ev1, Ev1, Ev1, Ev1, Ev2, Ev2, Ev2, Ev2)


def _cpd_body(idxs_t_hbm, e0_hbm, e1_hbm, e2_hbm, out_hbm,
              row0_v, row1_v, row2_v, offw_v,
              r0a_v, r1a_v, r2a_v, r0b_v, r1b_v, r2b_v,
              sums_v, sem0, sem1):
    wid = lax.axis_index("s") * NC + lax.axis_index("c")
    base = wid * BPW
    obase = wid * (BPW * L // 128)

    pltpu.sync_copy(idxs_t_hbm.at[0, pl.ds(base, BPW)], row0_v)
    pltpu.sync_copy(idxs_t_hbm.at[1, pl.ds(base, BPW)], row1_v)
    pltpu.sync_copy(idxs_t_hbm.at[2, pl.ds(base, BPW)], row2_v)
    pltpu.sync_copy(idxs_t_hbm.at[3, pl.ds(base, BPW)], offw_v)

    bufs = ((r0a_v, r1a_v, r2a_v), (r0b_v, r1b_v, r2b_v))
    sems = (sem0, sem1)

    def fire(c):
        buf, sem = bufs[c % 2], sems[c % 2]
        cbase = c * GCHUNK
        return [pltpu.async_copy(
                    e_hbm.at[row_v.at[pl.ds(cbase, GCHUNK)]], r_v, sem)
                for e_hbm, row_v, r_v in ((e0_hbm, row0_v, buf[0]),
                                          (e1_hbm, row1_v, buf[1]),
                                          (e2_hbm, row2_v, buf[2]))]

    pending = {0: fire(0)}
    for c in range(NCHUNK):
        if c + 1 < NCHUNK:
            pending[c + 1] = fire(c + 1)
        for cp in pending.pop(c):
            cp.wait()
        r0_v, r1_v, r2_v = bufs[c % 2]
        cbase = c * GCHUNK

        def group_body(g, carry, cbase=cbase, r0_v=r0_v, r1_v=r1_v,
                       r2_v=r2_v):
            gb = cbase + g * L
            offw = offw_v[pl.ds(gb, L)]
            for jj in range(L):
                j = g * L + jj
                w = offw[jj]
                o0 = pl.multiple_of(w & 255, R)
                o1 = pl.multiple_of((w >> 8) & 255, R)
                o2 = pl.multiple_of(w >> 16, R)
                a = (r0_v[j, pl.ds(o0, L)] * r1_v[j, pl.ds(o1, L)]
                     * r2_v[j, pl.ds(o2, L)])
                b = (r0_v[j, pl.ds(o0 + L, L)] * r1_v[j, pl.ds(o1 + L, L)]
                     * r2_v[j, pl.ds(o2 + L, L)])
                sums_v[(gb >> 3) + (jj >> 3), pl.ds((jj & 7) * L, L)] = a + b
            return carry
        lax.fori_loop(0, GCHUNK // L, group_body, 0)

    pltpu.sync_copy(sums_v, out_hbm.at[pl.ds(obase, BPW * L // 128), :])


def _rank_fold_sc(idxs_t, P0, P1, P2):
    run = pl.kernel(
        _cpd_body,
        out_type=jax.ShapeDtypeStruct((B * L // 128, 128), jnp.float32),
        mesh=plsc.VectorSubcoreMesh(core_axis_name="c", subcore_axis_name="s"),
        compiler_params=pltpu.CompilerParams(use_tc_tiling_on_sc=True),
        scratch_types=[
            pltpu.VMEM((BPW,), jnp.int32),
            pltpu.VMEM((BPW,), jnp.int32),
            pltpu.VMEM((BPW,), jnp.int32),
            pltpu.VMEM((BPW,), jnp.int32),
            pltpu.VMEM((GCHUNK, 128), jnp.float32),
            pltpu.VMEM((GCHUNK, 128), jnp.float32),
            pltpu.VMEM((GCHUNK, 128), jnp.float32),
            pltpu.VMEM((GCHUNK, 128), jnp.float32),
            pltpu.VMEM((GCHUNK, 128), jnp.float32),
            pltpu.VMEM((GCHUNK, 128), jnp.float32),
            pltpu.VMEM((BPW * L // 128, 128), jnp.float32),
            pltpu.SemaphoreType.DMA,
            pltpu.SemaphoreType.DMA,
        ],
    )
    return run(idxs_t, P0, P1, P2)


def _lane_sum_body(p_ref, o_ref):
    c = lax.broadcasted_iota(jnp.int32, (128, 8), 0)
    k = lax.broadcasted_iota(jnp.int32, (128, 8), 1)
    m = jnp.where(c // L == k, 1.0, 0.0).astype(jnp.float32)
    o_ref[:] = jnp.dot(p_ref[:], m, preferred_element_type=jnp.float32)


def _lane_sum_tc(partials):
    folded = pl.pallas_call(
        _lane_sum_body,
        out_shape=jax.ShapeDtypeStruct((B // 8, 8), jnp.float32),
    )(partials)
    return folded.reshape(B)


@jax.jit
def kernel(idxs, E0, E1, E2):
    t = idxs.astype(jnp.int32).T
    q = t // VS
    offw = (q[0] * R) | ((q[1] * R) << 8) | ((q[2] * R) << 16)
    idxs_t = (jnp.zeros((8, B), jnp.int32)
              .at[:3].set(t - q * VS)
              .at[3].set(offw))
    P0, P1, P2 = _pack_tables_tc(jnp.swapaxes(E0, 0, 1),
                                 jnp.swapaxes(E1, 0, 1),
                                 jnp.swapaxes(E2, 0, 1))
    partials = _rank_fold_sc(idxs_t, P0, P1, P2)
    return _lane_sum_tc(partials)

# --- scband reference (transcript-rebuilt; emitter-appended) ---
"""Pipeline reference for scband-cpd-smooth-18433999635120 (READ-ONLY COPY).

The authoritative reference and input builder live on the scoring server;
editing this copy changes nothing except your own understanding.
"""

import jax, jax.numpy as jnp
import numpy as np

B = 16384
NMODE = 3
SIZES = [100000, 100000, 100000]
RANK = 32

def setup_inputs(seed: int = 0) -> dict:
    key = jax.random.key(seed)
    k_idx, k0, k1, k2 = jax.random.split(key, 4)
    idxs = jax.random.randint(k_idx, (B, NMODE), 0, 100000, dtype=jnp.int64) if jax.config.jax_enable_x64 else jax.random.randint(k_idx, (B, NMODE), 0, 100000, dtype=jnp.int32)
    E0 = jax.random.normal(k0, (SIZES[0], RANK), dtype=jnp.float32)
    E1 = jax.random.normal(k1, (SIZES[1], RANK), dtype=jnp.float32)
    E2 = jax.random.normal(k2, (SIZES[2], RANK), dtype=jnp.float32)
    return {"idxs": idxs, "E0": E0, "E1": E1, "E2": E2}

def reference(idxs, E0, E1, E2):
    # CPD reconstruction: gather factor rows per mode, elementwise product over modes, sum over rank
    f0 = jnp.take(E0, idxs[:, 0], axis=0)  # [B, R]
    f1 = jnp.take(E1, idxs[:, 1], axis=0)  # [B, R]
    f2 = jnp.take(E2, idxs[:, 2], axis=0)  # [B, R]
    concat = jnp.stack([f0, f1, f2], axis=-1)  # [B, R, nmode]
    rec = jnp.prod(concat, axis=-1)            # [B, R]
    return rec.sum(-1)                          # [B]

if __name__ == "__main__":
    import jax
    _d = setup_inputs()
    print(jax.jit(kernel)(*tuple(_d.values())))

</pallas_src>

<mosaic_0001>
#map = affine_map<(d0, d1) -> (0, 0)>
module attributes {stable_mosaic.version = 14 : i64} {
  func.func @_cpd_body(%arg0: i32, %arg1: i32, %arg2: memref<8x16384xi32, #tpu.memory_space<hbm>>, %arg3: memref<25088x128xf32, #tpu.memory_space<hbm>>, %arg4: memref<25088x128xf32, #tpu.memory_space<hbm>>, %arg5: memref<25088x128xf32, #tpu.memory_space<hbm>>, %arg6: memref<2048x128xf32, #tpu.memory_space<hbm>>, %arg7: memref<512xi32, #tpu.memory_space<vmem>>, %arg8: memref<512xi32, #tpu.memory_space<vmem>>, %arg9: memref<512xi32, #tpu.memory_space<vmem>>, %arg10: memref<512xi32, #tpu.memory_space<vmem>>, %arg11: memref<128x128xf32, #tpu.memory_space<vmem>>, %arg12: memref<128x128xf32, #tpu.memory_space<vmem>>, %arg13: memref<128x128xf32, #tpu.memory_space<vmem>>, %arg14: memref<128x128xf32, #tpu.memory_space<vmem>>, %arg15: memref<128x128xf32, #tpu.memory_space<vmem>>, %arg16: memref<128x128xf32, #tpu.memory_space<vmem>>, %arg17: memref<64x128xf32, #tpu.memory_space<vmem>>, %arg18: memref<!tpu.dma_semaphore, #tpu.memory_space<semaphore_mem>>, %arg19: memref<!tpu.dma_semaphore, #tpu.memory_space<semaphore_mem>>) attributes {dimension_semantics = [#tpu.dimension_semantics<core_parallel>, #tpu.dimension_semantics<subcore_parallel>], iteration_bounds = array<i64: 2, 16>, scalar_prefetch = 0 : i64, scratch_operands = 13 : i64, tpu.core_type = #tpu.core_type<sc_vector_subcore>, window_params = [{transform_indices = #map}, {transform_indices = #map}, {transform_indices = #map}, {transform_indices = #map}, {transform_indices = #map}]} {
    %mul3A = arith.constant 2 : i32
    %mul3A_0 = arith.muli %arg1, %mul3A : i32
    %add3A = arith.addi %mul3A_0, %arg0 : i32
    %mul3A_1 = arith.constant 512 : i32
    %mul3A_2 = arith.muli %add3A, %mul3A_1 : i32
    %mul3A_3 = arith.constant 64 : i32
    %mul3A_4 = arith.muli %add3A, %mul3A_3 : i32
    %run_scoped3A = arith.constant 0 : i32
    "tpu.region"() ({
      %run_scoped3A_149 = tpu.sem_alloc : memref<!tpu.dma_semaphore, #tpu.memory_space<semaphore_mem>>
      %dma_start3A_150 = tpu.memref_slice %arg2[%run_scoped3A, %mul3A_2] : memref<8x16384xi32, #tpu.memory_space<hbm>> -> memref<1x512xi32, #tpu.memory_space<hbm>>
      %dma_start3A_151 = tpu.memref_squeeze %dma_start3A_150 : memref<1x512xi32, #tpu.memory_space<hbm>> -> memref<512xi32, #tpu.memory_space<hbm>>
      %dma_start3A_152 = tpu.memref_slice %arg2[%run_scoped3A, %mul3A_2] : memref<8x16384xi32, #tpu.memory_space<hbm>> -> memref<1x512xi32, #tpu.memory_space<hbm>>
      %dma_start3A_153 = tpu.memref_squeeze %dma_start3A_152 : memref<1x512xi32, #tpu.memory_space<hbm>> -> memref<512xi32, #tpu.memory_space<hbm>>
      tpu.enqueue_dma source(%dma_start3A_153 : memref<512xi32, #tpu.memory_space<hbm>>) target(%arg7 : memref<512xi32, #tpu.memory_space<vmem>>) target_semaphore(%run_scoped3A_149 : memref<!tpu.dma_semaphore, #tpu.memory_space<semaphore_mem>>)
      %dma_wait3A_154 = tpu.memref_slice %arg2[%run_scoped3A, %mul3A_2] : memref<8x16384xi32, #tpu.memory_space<hbm>> -> memref<1x512xi32, #tpu.memory_space<hbm>>
      %dma_wait3A_155 = tpu.memref_squeeze %dma_wait3A_154 : memref<1x512xi32, #tpu.memory_space<hbm>> -> memref<512xi32, #tpu.memory_space<hbm>>
      %dma_wait3A_156 = tpu.memref_slice %arg2[%run_scoped3A, %mul3A_2] : memref<8x16384xi32, #tpu.memory_space<hbm>> -> memref<1x512xi32, #tpu.memory_space<hbm>>
      %dma_wait3A_157 = tpu.memref_squeeze %dma_wait3A_156 : memref<1x512xi32, #tpu.memory_space<hbm>> -> memref<512xi32, #tpu.memory_space<hbm>>
      tpu.wait_dma2 semaphore(%run_scoped3A_149 : memref<!tpu.dma_semaphore, #tpu.memory_space<semaphore_mem>>) src(%dma_wait3A_157 : memref<512xi32, #tpu.memory_space<hbm>>) dst(%arg7 : memref<512xi32, #tpu.memory_space<vmem>>)
      tpu.yield
    }) : () -> ()
    %run_scoped3A_5 = arith.constant 1 : i32
    "tpu.region"() ({
      %run_scoped3A_149 = tpu.sem_alloc : memref<!tpu.dma_semaphore, #tpu.memory_space<semaphore_mem>>
      %dma_start3A_150 = tpu.memref_slice %arg2[%run_scoped3A_5, %mul3A_2] : memref<8x16384xi32, #tpu.memory_space<hbm>> -> memref<1x512xi32, #tpu.memory_space<hbm>>
      %dma_start3A_151 = tpu.memref_squeeze %dma_start3A_150 : memref<1x512xi32, #tpu.memory_space<hbm>> -> memref<512xi32, #tpu.memory_space<hbm>>
      %dma_start3A_152 = tpu.memref_slice %arg2[%run_scoped3A_5, %mul3A_2] : memref<8x16384xi32, #tpu.memory_space<hbm>> -> memref<1x512xi32, #tpu.memory_space<hbm>>
      %dma_start3A_153 = tpu.memref_squeeze %dma_start3A_152 : memref<1x512xi32, #tpu.memory_space<hbm>> -> memref<512xi32, #tpu.memory_space<hbm>>
      tpu.enqueue_dma source(%dma_start3A_153 : memref<512xi32, #tpu.memory_space<hbm>>) target(%arg8 : memref<512xi32, #tpu.memory_space<vmem>>) target_semaphore(%run_scoped3A_149 : memref<!tpu.dma_semaphore, #tpu.memory_space<semaphore_mem>>)
      %dma_wait3A_154 = tpu.memref_slice %arg2[%run_scoped3A_5, %mul3A_2] : memref<8x16384xi32, #tpu.memory_space<hbm>> -> memref<1x512xi32, #tpu.memory_space<hbm>>
      %dma_wait3A_155 = tpu.memref_squeeze %dma_wait3A_154 : memref<1x512xi32, #tpu.memory_space<hbm>> -> memref<512xi32, #tpu.memory_space<hbm>>
      %dma_wait3A_156 = tpu.memref_slice %arg2[%run_scoped3A_5, %mul3A_2] : memref<8x16384xi32, #tpu.memory_space<hbm>> -> memref<1x512xi32, #tpu.memory_space<hbm>>
      %dma_wait3A_157 = tpu.memref_squeeze %dma_wait3A_156 : memref<1x512xi32, #tpu.memory_space<hbm>> -> memref<512xi32, #tpu.memory_space<hbm>>
      tpu.wait_dma2 semaphore(%run_scoped3A_149 : memref<!tpu.dma_semaphore, #tpu.memory_space<semaphore_mem>>) src(%dma_wait3A_157 : memref<512xi32, #tpu.memory_space<hbm>>) dst(%arg8 : memref<512xi32, #tpu.memory_space<vmem>>)
      tpu.yield
    }) : () -> ()
    %run_scoped3A_6 = arith.constant 2 : i32
    "tpu.region"() ({
      %run_scoped3A_149 = tpu.sem_alloc : memref<!tpu.dma_semaphore, #tpu.memory_space<semaphore_mem>>
      %dma_start3A_150 = tpu.memref_slice %arg2[%run_scoped3A_6, %mul3A_2] : memref<8x16384xi32, #tpu.memory_space<hbm>> -> memref<1x512xi32, #tpu.memory_space<hbm>>
      %dma_start3A_151 = tpu.memref_squeeze %dma_start3A_150 : memref<1x512xi32, #tpu.memory_space<hbm>> -> memref<512xi32, #tpu.memory_space<hbm>>
      %dma_start3A_152 = tpu.memref_slice %arg2[%run_scoped3A_6, %mul3A_2] : memref<8x16384xi32, #tpu.memory_space<hbm>> -> memref<1x512xi32, #tpu.memory_space<hbm>>
      %dma_start3A_153 = tpu.memref_squeeze %dma_start3A_152 : memref<1x512xi32, #tpu.memory_space<hbm>> -> memref<512xi32, #tpu.memory_space<hbm>>
      tpu.enqueue_dma source(%dma_start3A_153 : memref<512xi32, #tpu.memory_space<hbm>>) target(%arg9 : memref<512xi32, #tpu.memory_space<vmem>>) target_semaphore(%run_scoped3A_149 : memref<!tpu.dma_semaphore, #tpu.memory_space<semaphore_mem>>)
      %dma_wait3A_154 = tpu.memref_slice %arg2[%run_scoped3A_6, %mul3A_2] : memref<8x16384xi32, #tpu.memory_space<hbm>> -> memref<1x512xi32, #tpu.memory_space<hbm>>
      %dma_wait3A_155 = tpu.memref_squeeze %dma_wait3A_154 : memref<1x512xi32, #tpu.memory_space<hbm>> -> memref<512xi32, #tpu.memory_space<hbm>>
      %dma_wait3A_156 = tpu.memref_slice %arg2[%run_scoped3A_6, %mul3A_2] : memref<8x16384xi32, #tpu.memory_space<hbm>> -> memref<1x512xi32, #tpu.memory_space<hbm>>
      %dma_wait3A_157 = tpu.memref_squeeze %dma_wait3A_156 : memref<1x512xi32, #tpu.memory_space<hbm>> -> memref<512xi32, #tpu.memory_space<hbm>>
      tpu.wait_dma2 semaphore(%run_scoped3A_149 : memref<!tpu.dma_semaphore, #tpu.memory_space<semaphore_mem>>) src(%dma_wait3A_157 : memref<512xi32, #tpu.memory_space<hbm>>) dst(%arg9 : memref<512xi32, #tpu.memory_space<vmem>>)
      tpu.yield
    }) : () -> ()
    %run_scoped3A_7 = arith.constant 3 : i32
    "tpu.region"() ({
      %run_scoped3A_149 = tpu.sem_alloc : memref<!tpu.dma_semaphore, #tpu.memory_space<semaphore_mem>>
      %dma_start3A_150 = tpu.memref_slice %arg2[%run_scoped3A_7, %mul3A_2] : memref<8x16384xi32, #tpu.memory_space<hbm>> -> memref<1x512xi32, #tpu.memory_space<hbm>>
      %dma_start3A_151 = tpu.memref_squeeze %dma_start3A_150 : memref<1x512xi32, #tpu.memory_space<hbm>> -> memref<512xi32, #tpu.memory_space<hbm>>
      %dma_start3A_152 = tpu.memref_slice %arg2[%run_scoped3A_7, %mul3A_2] : memref<8x16384xi32, #tpu.memory_space<hbm>> -> memref<1x512xi32, #tpu.memory_space<hbm>>
      %dma_start3A_153 = tpu.memref_squeeze %dma_start3A_152 : memref<1x512xi32, #tpu.memory_space<hbm>> -> memref<512xi32, #tpu.memory_space<hbm>>
      tpu.enqueue_dma source(%dma_start3A_153 : memref<512xi32, #tpu.memory_space<hbm>>) target(%arg10 : memref<512xi32, #tpu.memory_space<vmem>>) target_semaphore(%run_scoped3A_149 : memref<!tpu.dma_semaphore, #tpu.memory_space<semaphore_mem>>)
      %dma_wait3A_154 = tpu.memref_slice %arg2[%run_scoped3A_7, %mul3A_2] : memref<8x16384xi32, #tpu.memory_space<hbm>> -> memref<1x512xi32, #tpu.memory_space<hbm>>
      %dma_wait3A_155 = tpu.memref_squeeze %dma_wait3A_154 : memref<1x512xi32, #tpu.memory_space<hbm>> -> memref<512xi32, #tpu.memory_space<hbm>>
      %dma_wait3A_156 = tpu.memref_slice %arg2[%run_scoped3A_7, %mul3A_2] : memref<8x16384xi32, #tpu.memory_space<hbm>> -> memref<1x512xi32, #tpu.memory_space<hbm>>
      %dma_wait3A_157 = tpu.memref_squeeze %dma_wait3A_156 : memref<1x512xi32, #tpu.memory_space<hbm>> -> memref<512xi32, #tpu.memory_space<hbm>>
      tpu.wait_dma2 semaphore(%run_scoped3A_149 : memref<!tpu.dma_semaphore, #tpu.memory_space<semaphore_mem>>) src(%dma_wait3A_157 : memref<512xi32, #tpu.memory_space<hbm>>) dst(%arg10 : memref<512xi32, #tpu.memory_space<vmem>>)
      tpu.yield
    }) : () -> ()
    %dma_start3A = arith.constant 0 : i32
    %dma_start3A_8 = tpu.memref_slice %arg7[%dma_start3A] : memref<512xi32, #tpu.memory_space<vmem>> -> memref<128xi32, #tpu.memory_space<vmem>>
    %dma_start3A_9 = arith.constant 0 : i32
    %dma_start3A_10 = arith.constant 0 : i32
    %dma_start3A_11 = tpu.memref_slice %arg3[%dma_start3A_9, %dma_start3A_10] : memref<25088x128xf32, #tpu.memory_space<hbm>> -> memref<25088x128xf32, #tpu.memory_space<hbm>>
    tpu.enqueue_indirect_dma source(%dma_start3A_11 : memref<25088x128xf32, #tpu.memory_space<hbm>>) target(%arg11 : memref<128x128xf32, #tpu.memory_space<vmem>>) offsets(%dma_start3A_8 : memref<128xi32, #tpu.memory_space<vmem>>) semaphore(%arg18 : memref<!tpu.dma_semaphore, #tpu.memory_space<semaphore_mem>>)
    %dma_start3A_12 = arith.constant 0 : i32
    %dma_start3A_13 = tpu.memref_slice %arg8[%dma_start3A_12] : memref<512xi32, #tpu.memory_space<vmem>> -> memref<128xi32, #tpu.memory_space<vmem>>
    %dma_start3A_14 = arith.constant 0 : i32
    %dma_start3A_15 = arith.constant 0 : i32
    %dma_start3A_16 = tpu.memref_slice %arg4[%dma_start3A_14, %dma_start3A_15] : memref<25088x128xf32, #tpu.memory_space<hbm>> -> memref<25088x128xf32, #tpu.memory_space<hbm>>
    tpu.enqueue_indirect_dma source(%dma_start3A_16 : memref<25088x128xf32, #tpu.memory_space<hbm>>) target(%arg12 : memref<128x128xf32, #tpu.memory_space<vmem>>) offsets(%dma_start3A_13 : memref<128xi32, #tpu.memory_space<vmem>>) semaphore(%arg18 : memref<!tpu.dma_semaphore, #tpu.memory_space<semaphore_mem>>)
    %dma_start3A_17 = arith.constant 0 : i32
    %dma_start3A_18 = tpu.memref_slice %arg9[%dma_start3A_17] : memref<512xi32, #tpu.memory_space<vmem>> -> memref<128xi32, #tpu.memory_space<vmem>>
    %dma_start3A_19 = arith.constant 0 : i32
    %dma_start3A_20 = arith.constant 0 : i32
    %dma_start3A_21 = tpu.memref_slice %arg5[%dma_start3A_19, %dma_start3A_20] : memref<25088x128xf32, #tpu.memory_space<hbm>> -> memref<25088x128xf32, #tpu.memory_space<hbm>>
    tpu.enqueue_indirect_dma source(%dma_start3A_21 : memref<25088x128xf32, #tpu.memory_space<hbm>>) target(%arg13 : memref<128x128xf32, #tpu.memory_space<vmem>>) offsets(%dma_start3A_18 : memref<128xi32, #tpu.memory_space<vmem>>) semaphore(%arg18 : memref<!tpu.dma_semaphore, #tpu.memory_space<semaphore_mem>>)
    %dma_start3A_22 = arith.constant 128 : i32
    %dma_start3A_23 = tpu.memref_slice %arg7[%dma_start3A_22] : memref<512xi32, #tpu.memory_space<vmem>> -> memref<128xi32, #tpu.memory_space<vmem>>
    %dma_start3A_24 = arith.constant 0 : i32
    %dma_start3A_25 = arith.constant 0 : i32
    %dma_start3A_26 = tpu.memref_slice %arg3[%dma_start3A_24, %dma_start3A_25] : memref<25088x128xf32, #tpu.memory_space<hbm>> -> memref<25088x128xf32, #tpu.memory_space<hbm>>
    tpu.enqueue_indirect_dma source(%dma_start3A_26 : memref<25088x128xf32, #tpu.memory_space<hbm>>) target(%arg14 : memref<128x128xf32, #tpu.memory_space<vmem>>) offsets(%dma_start3A_23 : memref<128xi32, #tpu.memory_space<vmem>>) semaphore(%arg19 : memref<!tpu.dma_semaphore, #tpu.memory_space<semaphore_mem>>)
    %dma_start3A_27 = arith.constant 128 : i32
    %dma_start3A_28 = tpu.memref_slice %arg8[%dma_start3A_27] : memref<512xi32, #tpu.memory_space<vmem>> -> memref<128xi32, #tpu.memory_space<vmem>>
    %dma_start3A_29 = arith.constant 0 : i32
    %dma_start3A_30 = arith.constant 0 : i32
    %dma_start3A_31 = tpu.memref_slice %arg4[%dma_start3A_29, %dma_start3A_30] : memref<25088x128xf32, #tpu.memory_space<hbm>> -> memref<25088x128xf32, #tpu.memory_space<hbm>>
    tpu.enqueue_indirect_dma source(%dma_start3A_31 : memref<25088x128xf32, #tpu.memory_space<hbm>>) target(%arg15 : memref<128x128xf32, #tpu.memory_space<vmem>>) offsets(%dma_start3A_28 : memref<128xi32, #tpu.memory_space<vmem>>) semaphore(%arg19 : memref<!tpu.dma_semaphore, #tpu.memory_space<semaphore_mem>>)
    %dma_start3A_32 = arith.constant 128 : i32
    %dma_start3A_33 = tpu.memref_slice %arg9[%dma_start3A_32] : memref<512xi32, #tpu.memory_space<vmem>> -> memref<128xi32, #tpu.memory_space<vmem>>
    %dma_start3A_34 = arith.constant 0 : i32
    %dma_start3A_35 = arith.constant 0 : i32
    %dma_start3A_36 = tpu.memref_slice %arg5[%dma_start3A_34, %dma_start3A_35] : memref<25088x128xf32, #tpu.memory_space<hbm>> -> memref<25088x128xf32, #tpu.memory_space<hbm>>
    tpu.enqueue_indirect_dma source(%dma_start3A_36 : memref<25088x128xf32, #tpu.memory_space<hbm>>) target(%arg16 : memref<128x128xf32, #tpu.memory_space<vmem>>) offsets(%dma_start3A_33 : memref<128xi32, #tpu.memory_space<vmem>>) semaphore(%arg19 : memref<!tpu.dma_semaphore, #tpu.memory_space<semaphore_mem>>)
    %dma_wait3A = arith.constant 0 : i32
    %dma_wait3A_37 = tpu.memref_slice %arg7[%dma_wait3A] : memref<512xi32, #tpu.memory_space<vmem>> -> memref<128xi32, #tpu.memory_space<vmem>>
    %dma_wait3A_38 = arith.constant 0 : i32
    %dma_wait3A_39 = arith.constant 0 : i32
    %dma_wait3A_40 = tpu.memref_slice %arg3[%dma_wait3A_38, %dma_wait3A_39] : memref<25088x128xf32, #tpu.memory_space<hbm>> -> memref<25088x128xf32, #tpu.memory_space<hbm>>
    tpu.wait_indirect_dma semaphore(%arg18 : memref<!tpu.dma_semaphore, #tpu.memory_space<semaphore_mem>>) src(%dma_wait3A_40 : memref<25088x128xf32, #tpu.memory_space<hbm>>) dst(%arg11 : memref<128x128xf32, #tpu.memory_space<vmem>>)
    %dma_wait3A_41 = arith.constant 0 : i32
    %dma_wait3A_42 = tpu.memref_slice %arg8[%dma_wait3A_41] : memref<512xi32, #tpu.memory_space<vmem>> -> memref<128xi32, #tpu.memory_space<vmem>>
    %dma_wait3A_43 = arith.constant 0 : i32
    %dma_wait3A_44 = arith.constant 0 : i32
    %dma_wait3A_45 = tpu.memref_slice %arg4[%dma_wait3A_43, %dma_wait3A_44] : memref<25088x128xf32, #tpu.memory_space<hbm>> -> memref<25088x128xf32, #tpu.memory_space<hbm>>
    tpu.wait_indirect_dma semaphore(%arg18 : memref<!tpu.dma_semaphore, #tpu.memory_space<semaphore_mem>>) src(%dma_wait3A_45 : memref<25088x128xf32, #tpu.memory_space<hbm>>) dst(%arg12 : memref<128x128xf32, #tpu.memory_space<vmem>>)
    %dma_wait3A_46 = arith.constant 0 : i32
    %dma_wait3A_47 = tpu.memref_slice %arg9[%dma_wait3A_46] : memref<512xi32, #tpu.memory_space<vmem>> -> memref<128xi32, #tpu.memory_space<vmem>>
    %dma_wait3A_48 = arith.constant 0 : i32
    %dma_wait3A_49 = arith.constant 0 : i32
    %dma_wait3A_50 = tpu.memref_slice %arg5[%dma_wait3A_48, %dma_wait3A_49] : memref<25088x128xf32, #tpu.memory_space<hbm>> -> memref<25088x128xf32, #tpu.memory_space<hbm>>
    tpu.wait_indirect_dma semaphore(%arg18 : memref<!tpu.dma_semaphore, #tpu.memory_space<semaphore_mem>>) src(%dma_wait3A_50 : memref<25088x128xf32, #tpu.memory_space<hbm>>) dst(%arg13 : memref<128x128xf32, #tpu.memory_space<vmem>>)
    %scan3A = arith.constant 0 : i32
    %scan3A_51 = arith.constant 0 : i32
    %scan3A_52 = arith.constant 8 : i32
    %scan3A_53 = arith.addi %scan3A_51, %scan3A_52 : i32
    %scan3A_54 = arith.constant 1 : i32
    scf.for %scan3A_149 = %scan3A_51 to %scan3A_53 step %scan3A_54  : i32 {
      %mul3A_150 = arith.constant 16 : i32
      %mul3A_151 = arith.muli %scan3A_149, %mul3A_150 : i32
      %add3A_152 = arith.constant 0 : i32
      %add3A_153 = arith.addi %add3A_152, %mul3A_151 : i32
      %get3A = arith.index_cast %add3A_153 : i32 to index
      %get3A_154 = tpu.vector_load %arg10[%get3A] {strides = array<i32>} : memref<512xi32, #tpu.memory_space<vmem>>, vector<16xi32>,
      %get3A_155 = vector.shape_cast %get3A_154 : vector<16xi32> to vector<16xi32>
      %mul3A_156 = arith.constant 16 : i32
      %mul3A_157 = arith.muli %scan3A_149, %mul3A_156 : i32
      %add3A_158 = arith.constant 0 : i32
      %add3A_159 = arith.addi %mul3A_157, %add3A_158 : i32
      %slice3A = vector.extract_strided_slice %get3A_155 {offsets = [0], sizes = [1], strides = [1]} : vector<16xi32> to vector<1xi32>
      %squeeze3A = vector.extract %slice3A[0] : i32 from vector<1xi32>
      %and3A = arith.constant 255 : i32
      %and3A_160 = arith.andi %squeeze3A, %and3A : i32
      %multiple_of3A = tpu.assume_multiple %and3A_160, 32 : i32
      %shift_right_arithmetic3A = arith.constant 8 : i32
      %shift_right_arithmetic3A_161 = arith.shrsi %squeeze3A, %shift_right_arithmetic3A : i32
      %and3A_162 = arith.constant 255 : i32
      %and3A_163 = arith.andi %shift_right_arithmetic3A_161, %and3A_162 : i32
      %multiple_of3A_164 = tpu.assume_multiple %and3A_163, 32 : i32
      %shift_right_arithmetic3A_165 = arith.constant 16 : i32
      %shift_right_arithmetic3A_166 = arith.shrsi %squeeze3A, %shift_right_arithmetic3A_165 : i32
      %multiple_of3A_167 = tpu.assume_multiple %shift_right_arithmetic3A_166, 32 : i32
      %get3A_168 = arith.index_cast %add3A_159 : i32 to index
      %get3A_169 = arith.index_cast %multiple_of3A : i32 to index
      %get3A_170 = tpu.vector_load %arg11[%get3A_168, %get3A_169] {strides = array<i32>} : memref<128x128xf32, #tpu.memory_space<vmem>>, vector<1x16xf32>,
      %get3A_171 = vector.shape_cast %get3A_170 : vector<1x16xf32> to vector<16xf32>
      %get3A_172 = arith.index_cast %add3A_159 : i32 to index
      %get3A_173 = arith.index_cast %multiple_of3A_164 : i32 to index
      %get3A_174 = tpu.vector_load %arg12[%get3A_172, %get3A_173] {strides = array<i32>} : memref<128x128xf32, #tpu.memory_space<vmem>>, vector<1x16xf32>,
      %get3A_175 = vector.shape_cast %get3A_174 : vector<1x16xf32> to vector<16xf32>
      %mul3A_176 = arith.mulf %get3A_171, %get3A_175 : vector<16xf32>
      %get3A_177 = arith.index_cast %add3A_159 : i32 to index
      %get3A_178 = arith.index_cast %multiple_of3A_167 : i32 to index
      %get3A_179 = tpu.vector_load %arg13[%get3A_177, %get3A_178] {strides = array<i32>} : memref<128x128xf32, #tpu.memory_space<vmem>>, vector<1x16xf32>,
      %get3A_180 = vector.shape_cast %get3A_179 : vector<1x16xf32> to vector<16xf32>
      %mul3A_181 = arith.mulf %mul3A_176, %get3A_180 : vector<16xf32>
      %add3A_182 = arith.constant 16 : i32
      %add3A_183 = arith.addi %multiple_of3A, %add3A_182 : i32
      %get3A_184 = arith.index_cast %add3A_159 : i32 to index
      %get3A_185 = arith.index_cast %add3A_183 : i32 to index
      %get3A_186 = tpu.vector_load %arg11[%get3A_184, %get3A_185] {strides = array<i32>} : memref<128x128xf32, #tpu.memory_space<vmem>>, vector<1x16xf32>,
      %get3A_187 = vector.shape_cast %get3A_186 : vector<1x16xf32> to vector<16xf32>
      %add3A_188 = arith.constant 16 : i32
      %add3A_189 = arith.addi %multiple_of3A_164, %add3A_188 : i32
      %get3A_190 = arith.index_cast %add3A_159 : i32 to index
      %get3A_191 = arith.index_cast %add3A_189 : i32 to index
      %get3A_192 = tpu.vector_load %arg12[%get3A_190, %get3A_191] {strides = array<i32>} : memref<128x128xf32, #tpu.memory_space<vmem>>, vector<1x16xf32>,
      %get3A_193 = vector.shape_cast %get3A_192 : vector<1x16xf32> to vector<16xf32>
      %mul3A_194 = arith.mulf %get3A_187, %get3A_193 : vector<16xf32>
      %add3A_195 = arith.constant 16 : i32
      %add3A_196 = arith.addi %multiple_of3A_167, %add3A_195 : i32
      %get3A_197 = arith.index_cast %add3A_159 : i32 to index
      %get3A_198 = arith.index_cast %add3A_196 : i32 to index
      %get3A_199 = tpu.vector_load %arg13[%get3A_197, %get3A_198] {strides = array<i32>} : memref<128x128xf32, #tpu.memory_space<vmem>>, vector<1x16xf32>,
      %get3A_200 = vector.shape_cast %get3A_199 : vector<1x16xf32> to vector<16xf32>
      %mul3A_201 = arith.mulf %mul3A_194, %get3A_200 : vector<16xf32>
      %add3A_202 = arith.addf %mul3A_181, %mul3A_201 : vector<16xf32>
      %shift_right_arithmetic3A_203 = arith.constant 3 : i32
      %shift_right_arithmetic3A_204 = arith.shrsi %add3A_153, %shift_right_arithmetic3A_203 : i32
      %add3A_205 = arith.constant 0 : i32
      %add3A_206 = arith.addi %shift_right_arithmetic3A_204, %add3A_205 : i32
      %swap3A = arith.index_cast %add3A_206 : i32 to index
      %swap3A_207 = arith.constant 0 : index
      %swap3A_208 = tpu.vector_load %arg17[%swap3A, %swap3A_207] {strides = array<i32>} : memref<64x128xf32, #tpu.memory_space<vmem>>, vector<1x16xf32>,
      %swap3A_209 = vector.shape_cast %swap3A_208 : vector<1x16xf32> to vector<16xf32>
      %swap3A_210 = vector.shape_cast %add3A_202 : vector<16xf32> to vector<1x16xf32>
      tpu.vector_store %arg17[%swap3A, %swap3A_207], %swap3A_210 {strides = array<i32>} : memref<64x128xf32, #tpu.memory_space<vmem>>, vector<1x16xf32>,
      %mul3A_211 = arith.constant 16 : i32
      %mul3A_212 = arith.muli %scan3A_149, %mul3A_211 : i32
      %add3A_213 = arith.constant 1 : i32
      %add3A_214 = arith.addi %mul3A_212, %add3A_213 : i32
      %slice3A_215 = vector.extract_strided_slice %get3A_155 {offsets = [1], sizes = [1], strides = [1]} : vector<16xi32> to vector<1xi32>
      %squeeze3A_216 = vector.extract %slice3A_215[0] : i32 from vector<1xi32>
      %and3A_217 = arith.constant 255 : i32
      %and3A_218 = arith.andi %squeeze3A_216, %and3A_217 : i32
      %multiple_of3A_219 = tpu.assume_multiple %and3A_218, 32 : i32
      %shift_right_arithmetic3A_220 = arith.constant 8 : i32
      %shift_right_arithmetic3A_221 = arith.shrsi %squeeze3A_216, %shift_right_arithmetic3A_220 : i32
      %and3A_222 = arith.constant 255 : i32
      %and3A_223 = arith.andi %shift_right_arithmetic3A_221, %and3A_222 : i32
      %multiple_of3A_224 = tpu.assume_multiple %and3A_223, 32 : i32
      %shift_right_arithmetic3A_225 = arith.constant 16 : i32
      %shift_right_arithmetic3A_226 = arith.shrsi %squeeze3A_216, %shift_right_arithmetic3A_225 : i32
      %multiple_of3A_227 = tpu.assume_multiple %shift_right_arithmetic3A_226, 32 : i32
      %get3A_228 = arith.index_cast %add3A_214 : i32 to index
      %get3A_229 = arith.index_cast %multiple_of3A_219 : i32 to index
      %get3A_230 = tpu.vector_load %arg11[%get3A_228, %get3A_229] {strides = array<i32>} : memref<128x128xf32, #tpu.memory_space<vmem>>, vector<1x16xf32>,
      %get3A_231 = vector.shape_cast %get3A_230 : vector<1x16xf32> to vector<16xf32>
      %get3A_232 = arith.index_cast %add3A_214 : i32 to index
      %get3A_233 = arith.index_cast %multiple_of3A_224 : i32 to index
      %get3A_234 = tpu.vector_load %arg12[%get3A_232, %get3A_233] {strides = array<i32>} : memref<128x128xf32, #tpu.memory_space<vmem>>, vector<1x16xf32>,
      %get3A_235 = vector.shape_cast %get3A_234 : vector<1x16xf32> to vector<16xf32>
      %mul3A_236 = arith.mulf %get3A_231, %get3A_235 : vector<16xf32>
      %get3A_237 = arith.index_cast %add3A_214 : i32 to index
      %get3A_238 = arith.index_cast %multiple_of3A_227 : i32 to index
      %get3A_239 = tpu.vector_load %arg13[%get3A_237, %get3A_238] {strides = array<i32>} : memref<128x128xf32, #tpu.memory_space<vmem>>, vector<1x16xf32>,
      %get3A_240 = vector.shape_cast %get3A_239 : vector<1x16xf32> to vector<16xf32>
      %mul3A_241 = arith.mulf %mul3A_236, %get3A_240 : vector<16xf32>
      %add3A_242 = arith.constant 16 : i32
      %add3A_243 = arith.addi %multiple_of3A_219, %add3A_242 : i32
      %get3A_244 = arith.index_cast %add3A_214 : i32 to index
      %get3A_245 = arith.index_cast %add3A_243 : i32 to index
      %get3A_246 = tpu.vector_load %arg11[%get3A_244, %get3A_245] {strides = array<i32>} : memref<128x128xf32, #tpu.memory_space<vmem>>, vector<1x16xf32>,
      %get3A_247 = vector.shape_cast %get3A_246 : vector<1x16xf32> to vector<16xf32>
      %add3A_248 = arith.constant 16 : i32
      %add3A_249 = arith.addi %multiple_of3A_224, %add3A_248 : i32
      %get3A_250 = arith.index_cast %add3A_214 : i32 to index
      %get3A_251 = arith.index_cast %add3A_249 : i32 to index
      %get3A_252 = tpu.vector_load %arg12[%get3A_250, %get3A_251] {strides = array<i32>} : memref<128x128xf32, #tpu.memory_space<vmem>>, vector<1x16xf32>,
      %get3A_253 = vector.shape_cast %get3A_252 : vector<1x16xf32> to vector<16xf32>
      %mul3A_254 = arith.mulf %get3A_247, %get3A_253 : vector<16xf32>
      %add3A_255 = arith.constant 16 : i32
      %add3A_256 = arith.addi %multiple_of3A_227, %add3A_255 : i32
      %get3A_257 = arith.index_cast %add3A_214 : i32 to index
      %get3A_258 = arith.index_cast %add3A_256 : i32 to index
      %get3A_259 = tpu.vector_load %arg13[%get3A_257, %get3A_258] {strides = array<i32>} : memref<128x128xf32, #tpu.memory_space<vmem>>, vector<1x16xf32>,
      %get3A_260 = vector.shape_cast %get3A_259 : vector<1x16xf32> to vector<16xf32>
      %mul3A_261 = arith.mulf %mul3A_254, %get3A_260 : vector<16xf32>
      %add3A_262 = arith.addf %mul3A_241, %mul3A_261 : vector<16xf32>
      %shift_right_arithmetic3A_263 = arith.constant 3 : i32
      %shift_right_arithmetic3A_264 = arith.shrsi %add3A_153, %shift_right_arithmetic3A_263 : i32
      %add3A_265 = arith.constant 0 : i32
      %add3A_266 = arith.addi %shift_right_arithmetic3A_264, %add3A_265 : i32
      %swap3A_267 = arith.index_cast %add3A_266 : i32 to index
      %swap3A_268 = arith.constant 16 : index
      %swap3A_269 = tpu.vector_load %arg17[%swap3A_267, %swap3A_268] {strides = array<i32>} : memref<64x128xf32, #tpu.memory_space<vmem>>, vector<1x16xf32>,
      %swap3A_270 = vector.shape_cast %swap3A_269 : vector<1x16xf32> to vector<16xf32>
      %swap3A_271 = vector.shape_cast %add3A_262 : vector<16xf32> to vector<1x16xf32>
      tpu.vector_store %arg17[%swap3A_267, %swap3A_268], %swap3A_271 {strides = array<i32>} : memref<64x128xf32, #tpu.memory_space<vmem>>, vector<1x16xf32>,
      %mul3A_272 = arith.constant 16 : i32
      %mul3A_273 = arith.muli %scan3A_149, %mul3A_272 : i32
      %add3A_274 = arith.constant 2 : i32
      %add3A_275 = arith.addi %mul3A_273, %add3A_274 : i32
      %slice3A_276 = vector.extract_strided_slice %get3A_155 {offsets = [2], sizes = [1], strides = [1]} : vector<16xi32> to vector<1xi32>
      %squeeze3A_277 = vector.extract %slice3A_276[0] : i32 from vector<1xi32>
      %and3A_278 = arith.constant 255 : i32
      %and3A_279 = arith.andi %squeeze3A_277, %and3A_278 : i32
      %multiple_of3A_280 = tpu.assume_multiple %and3A_279, 32 : i32
      %shift_right_arithmetic3A_281 = arith.constant 8 : i32
      %shift_right_arithmetic3A_282 = arith.shrsi %squeeze3A_277, %shift_right_arithmetic3A_281 : i32
      %and3A_283 = arith.constant 255 : i32
      %and3A_284 = arith.andi %shift_right_arithmetic3A_282, %and3A_283 : i32
      %multiple_of3A_285 = tpu.assume_multiple %and3A_284, 32 : i32
      %shift_right_arithmetic3A_286 = arith.constant 16 : i32
      %shift_right_arithmetic3A_287 = arith.shrsi %squeeze3A_277, %shift_right_arithmetic3A_286 : i32
      %multiple_of3A_288 = tpu.assume_multiple %shift_right_arithmetic3A_287, 32 : i32
      %get3A_289 = arith.index_cast %add3A_275 : i32 to index
      %get3A_290 = arith.index_cast %multiple_of3A_280 : i32 to index
      %get3A_291 = tpu.vector_load %arg11[%get3A_289, %get3A_290] {strides = array<i32>} : memref<128x128xf32, #tpu.memory_space<vmem>>, vector<1x16xf32>,
      %get3A_292 = vector.shape_cast %get3A_291 : vector<1x16xf32> to vector<16xf32>
      %get3A_293 = arith.index_cast %add3A_275 : i32 to index
      %get3A_294 = arith.index_cast %multiple_of3A_285 : i32 to index
      %get3A_295 = tpu.vector_load %arg12[%get3A_293, %get3A_294] {strides = array<i32>} : memref<128x128xf32, #tpu.memory_space<vmem>>, vector<1x16xf32>,
      %get3A_296 = vector.shape_cast %get3A_295 : vector<1x16xf32> to vector<16xf32>
      %mul3A_297 = arith.mulf %get3A_292, %get3A_296 : vector<16xf32>
      %get3A_298 = arith.index_cast %add3A_275 : i32 to index
      %get3A_299 = arith.index_cast %multiple_of3A_288 : i32 to index
      %get3A_300 = tpu.vector_load %arg13[%get3A_298, %get3A_299] {strides = array<i32>} : memref<128x128xf32, #tpu.memory_space<vmem>>, vector<1x16xf32>,
      %get3A_301 = vector.shape_cast %get3A_300 : vector<1x16xf32> to vector<16xf32>
      %mul3A_302 = arith.mulf %mul3A_297, %get3A_301 : vector<16xf32>
      %add3A_303 = arith.constant 16 : i32
      %add3A_304 = arith.addi %multiple_of3A_280, %add3A_303 : i32
      %get3A_305 = arith.index_cast %add3A_275 : i32 to index
      %get3A_306 = arith.index_cast %add3A_304 : i32 to index
      %get3A_307 = tpu.vector_load %arg11[%get3A_305, %get3A_306] {strides = array<i32>} : memref<128x128xf32, #tpu.memory_space<vmem>>, vector<1x16xf32>,
      %get3A_308 = vector.shape_cast %get3A_307 : vector<1x16xf32> to vector<16xf32>
      %add3A_309 = arith.constant 16 : i32
      %add3A_310 = arith.addi %multiple_of3A_285, %add3A_309 : i32
      %get3A_311 = arith.index_cast %add3A_275 : i32 to index
      %get3A_312 = arith.index_cast %add3A_310 : i32 to index
      %get3A_313 = tpu.vector_load %arg12[%get3A_311, %get3A_312] {strides = array<i32>} : memref<128x128xf32, #tpu.memory_space<vmem>>, vector<1x16xf32>,
      %get3A_314 = vector.shape_cast %get3A_313 : vector<1x16xf32> to vector<16xf32>
      %mul3A_315 = arith.mulf %get3A_308, %get3A_314 : vector<16xf32>
      %add3A_316 = arith.constant 16 : i32
      %add3A_317 = arith.addi %multiple_of3A_288, %add3A_316 : i32
      %get3A_318 = arith.index_cast %add3A_275 : i32 to index
      %get3A_319 = arith.index_cast %add3A_317 : i32 to index
      %get3A_320 = tpu.vector_load %arg13[%get3A_318, %get3A_319] {strides = array<i32>} : memref<128x128xf32, #tpu.memory_space<vmem>>, vector<1x16xf32>,
      %get3A_321 = vector.shape_cast %get3A_320 : vector<1x16xf32> to vector<16xf32>
      %mul3A_322 = arith.mulf %mul3A_315, %get3A_321 : vector<16xf32>
      %add3A_323 = arith.addf %mul3A_302, %mul3A_322 : vector<16xf32>
      %shift_right_arithmetic3A_324 = arith.constant 3 : i32
      %shift_right_arithmetic3A_325 = arith.shrsi %add3A_153, %shift_right_arithmetic3A_324 : i32
      %add3A_326 = arith.constant 0 : i32
      %add3A_327 = arith.addi %shift_right_arithmetic3A_325, %add3A_326 : i32
      %swap3A_328 = arith.index_cast %add3A_327 : i32 to index
      %swap3A_329 = arith.constant 32 : index
      %swap3A_330 = tpu.vector_load %arg17[%swap3A_328, %swap3A_329] {strides = array<i32>} : memref<64x128xf32, #tpu.memory_space<vmem>>, vector<1x16xf32>,
      %swap3A_331 = vector.shape_cast %swap3A_330 : vector<1x16xf32> to vector<16xf32>
      %swap3A_332 = vector.shape_cast %add3A_323 : vector<16xf32> to vector<1x16xf32>
      tpu.vector_store %arg17[%swap3A_328, %swap3A_329], %swap3A_332 {strides = array<i32>} : memref<64x128xf32, #tpu.memory_space<vmem>>, vector<1x16xf32>,
      %mul3A_333 = arith.constant 16 : i32
      %mul3A_334 = arith.muli %scan3A_149, %mul3A_333 : i32
      %add3A_335 = arith.constant 3 : i32
      %add3A_336 = arith.addi %mul3A_334, %add3A_335 : i32
      %slice3A_337 = vector.extract_strided_slice %get3A_155 {offsets = [3], sizes = [1], strides = [1]} : vector<16xi32> to vector<1xi32>
      %squeeze3A_338 = vector.extract %slice3A_337[0] : i32 from vector<1xi32>
      %and3A_339 = arith.constant 255 : i32
      %and3A_340 = arith.andi %squeeze3A_338, %and3A_339 : i32
      %multiple_of3A_341 = tpu.assume_multiple %and3A_340, 32 : i32
      %shift_right_arithmetic3A_342 = arith.constant 8 : i32
      %shift_right_arithmetic3A_343 = arith.shrsi %squeeze3A_338, %shift_right_arithmetic3A_342 : i32
      %and3A_344 = arith.constant 255 : i32
      %and3A_345 = arith.andi %shift_right_arithmetic3A_343, %and3A_344 : i32
      %multiple_of3A_346 = tpu.assume_multiple %and3A_345, 32 : i32
      %shift_right_arithmetic3A_347 = arith.constant 16 : i32
      %shift_right_arithmetic3A_348 = arith.shrsi %squeeze3A_338, %shift_right_arithmetic3A_347 : i32
      %multiple_of3A_349 = tpu.assume_multiple %shift_right_arithmetic3A_348, 32 : i32
      %get3A_350 = arith.index_cast %add3A_336 : i32 to index
      %get3A_351 = arith.index_cast %multiple_of3A_341 : i32 to index
      %get3A_352 = tpu.vector_load %arg11[%get3A_350, %get3A_351] {strides = array<i32>} : memref<128x128xf32, #tpu.memory_space<vmem>>, vector<1x16xf32>,
      %get3A_353 = vector.shape_cast %get3A_352 : vector<1x16xf32> to vector<16xf32>
      %get3A_354 = arith.index_cast %add3A_336 : i32 to index
      %get3A_355 = arith.index_cast %multiple_of3A_346 : i32 to index
      %get3A_356 = tpu.vector_load %arg12[%get3A_354, %get3A_355] {strides = array<i32>} : memref<128x128xf32, #tpu.memory_space<vmem>>, vector<1x16xf32>,
      %get3A_357 = vector.shape_cast %get3A_356 : vector<1x16xf32> to vector<16xf32>
      %mul3A_358 = arith.mulf %get3A_353, %get3A_357 : vector<16xf32>
      %get3A_359 = arith.index_cast %add3A_336 : i32 to index
      %get3A_360 = arith.index_cast %multiple_of3A_349 : i32 to index
      %get3A_361 = tpu.vector_load %arg13[%get3A_359, %get3A_360] {strides = array<i32>} : memref<128x128xf32, #tpu.memory_space<vmem>>, vector<1x16xf32>,
      %get3A_362 = vector.shape_cast %get3A_361 : vector<1x16xf32> to vector<16xf32>
      %mul3A_363 = arith.mulf %mul3A_358, %get3A_362 : vector<16xf32>
      %add3A_364 = arith.constant 16 : i32
      %add3A_365 = arith.addi %multiple_of3A_341, %add3A_364 : i32
      %get3A_366 = arith.index_cast %add3A_336 : i32 to index
      %get3A_367 = arith.index_cast %add3A_365 : i32 to index
      %get3A_368 = tpu.vector_load %arg11[%get3A_366, %get3A_367] {strides = array<i32>} : memref<128x128xf32, #tpu.memory_space<vmem>>, vector<1x16xf32>,
      %get3A_369 = vector.shape_cast %get3A_368 : vector<1x16xf32> to vector<16xf32>
      %add3A_370 = arith.constant 16 : i32
      %add3A_371 = arith.addi %multiple_of3A_346, %add3A_370 : i32
      %get3A_372 = arith.index_cast %add3A_336 : i32 to index
      %get3A_373 = arith.index_cast %add3A_371 : i32 to index
      %get3A_374 = tpu.vector_load %arg12[%get3A_372, %get3A_373] {strides = array<i32>} : memref<128x128xf32, #tpu.memory_space<vmem>>, vector<1x16xf32>,
      %get3A_375 = vector.shape_cast %get3A_374 : vector<1x16xf32> to vector<16xf32>
      %mul3A_376 = arith.mulf %get3A_369, %get3A_375 : vector<16xf32>
      %add3A_377 = arith.constant 16 : i32
      %add3A_378 = arith.addi %multiple_of3A_349, %add3A_377 : i32
      %get3A_379 = arith.index_cast %add3A_336 : i32 to index
      %get3A_380 = arith.index_cast %add3A_378 : i32 to index
      %get3A_381 = tpu.vector_load %arg13[%get3A_379, %get3A_380] {strides = array<i32>} : memref<128x128xf32, #tpu.memory_space<vmem>>, vector<1x16xf32>,
      %get3A_382 = vector.shape_cast %get3A_381 : vector<1x16xf32> to vector<16xf32>
      %mul3A_383 = arith.mulf %mul3A_376, %get3A_382 : vector<16xf32>
      %add3A_384 = arith.addf %mul3A_363, %mul3A_383 : vector<16xf32>
      %shift_right_arithmetic3A_385 = arith.constant 3 : i32
      %shift_right_arithmetic3A_386 = arith.shrsi %add3A_153, %shift_right_arithmetic3A_385 : i32
      %add3A_387 = arith.constant 0 : i32
      %add3A_388 = arith.addi %shift_right_arithmetic3A_386, %add3A_387 : i32
      %swap3A_389 = arith.index_cast %add3A_388 : i32 to index
      %swap3A_390 = arith.constant 48 : index
      %swap3A_391 = tpu.vector_load %arg17[%swap3A_389, %swap3A_390] {strides = array<i32>} : memref<64x128xf32, #tpu.memory_space<vmem>>, vector<1x16xf32>,
      %swap3A_392 = vector.shape_cast %swap3A_391 : vector<1x16xf32> to vector<16xf32>
      %swap3A_393 = vector.shape_cast %add3A_384 : vector<16xf32> to vector<1x16xf32>
      tpu.vector_store %arg17[%swap3A_389, %swap3A_390], %swap3A_393 {strides = array<i32>} : memref<64x128xf32, #tpu.memory_space<vmem>>, vector<1x16xf32>,
      %mul3A_394 = arith.constant 16 : i32
      %mul3A_395 = arith.muli %scan3A_149, %mul3A_394 : i32
      %add3A_396 = arith.constant 4 : i32
      %add3A_397 = arith.addi %mul3A_395, %add3A_396 : i32
      %slice3A_398 = vector.extract_strided_slice %get3A_155 {offsets = [4], sizes = [1], strides = [1]} : vector<16xi32> to vector<1xi32>
      %squeeze3A_399 = vector.extract %slice3A_398[0] : i32 from vector<1xi32>
      %and3A_400 = arith.constant 255 : i32
      %and3A_401 = arith.andi %squeeze3A_399, %and3A_400 : i32
      %multiple_of3A_402 = tpu.assume_multiple %and3A_401, 32 : i32
      %shift_right_arithmetic3A_403 = arith.constant 8 : i32
      %shift_right_arithmetic3A_404 = arith.shrsi %squeeze3A_399, %shift_right_arithmetic3A_403 : i32
      %and3A_405 = arith.constant 255 : i32
      %and3A_406 = arith.andi %shift_right_arithmetic3A_404, %and3A_405 : i32
      %multiple_of3A_407 = tpu.assume_multiple %and3A_406, 32 : i32
      %shift_right_arithmetic3A_408 = arith.constant 16 : i32
      %shift_right_arithmetic3A_409 = arith.shrsi %squeeze3A_399, %shift_right_arithmetic3A_408 : i32
      %multiple_of3A_410 = tpu.assume_multiple %shift_right_arithmetic3A_409, 32 : i32
      %get3A_411 = arith.index_cast %add3A_397 : i32 to index
      %get3A_412 = arith.index_cast %multiple_of3A_402 : i32 to index
      %get3A_413 = tpu.vector_load %arg11[%get3A_411, %get3A_412] {strides = array<i32>} : memref<128x128xf32, #tpu.memory_space<vmem>>, vector<1x16xf32>,
      %get3A_414 = vector.shape_cast %get3A_413 : vector<1x16xf32> to vector<16xf32>
      %get3A_415 = arith.index_cast %add3A_397 : i32 to index
      %get3A_416 = arith.index_cast %multiple_of3A_407 : i32 to index
      %get3A_417 = tpu.vector_load %arg12[%get3A_415, %get3A_416] {strides = array<i32>} : memref<128x128xf32, #tpu.memory_space<vmem>>, vector<1x16xf32>,
      %get3A_418 = vector.shape_cast %get3A_417 : vector<1x16xf32> to vector<16xf32>
      %mul3A_419 = arith.mulf %get3A_414, %get3A_418 : vector<16xf32>
      %get3A_420 = arith.index_cast %add3A_397 : i32 to index
      %get3A_421 = arith.index_cast %multiple_of3A_410 : i32 to index
      %get3A_422 = tpu.vector_load %arg13[%get3A_420, %get3A_421] {strides = array<i32>} : memref<128x128xf32, #tpu.memory_space<vmem>>, vector<1x16xf32>,
      %get3A_423 = vector.shape_cast %get3A_422 : vector<1x16xf32> to vector<16xf32>
      %mul3A_424 = arith.mulf %mul3A_419, %get3A_423 : vector<16xf32>
      %add3A_425 = arith.constant 16 : i32
      %add3A_426 = arith.addi %multiple_of3A_402, %add3A_425 : i32
      %get3A_427 = arith.index_cast %add3A_397 : i32 to index
      %get3A_428 = arith.index_cast %add3A_426 : i32 to index
      %get3A_429 = tpu.vector_load %arg11[%get3A_427, %get3A_428] {strides = array<i32>} : memref<128x128xf32, #tpu.memory_space<vmem>>, vector<1x16xf32>,
      %get3A_430 = vector.shape_cast %get3A_429 : vector<1x16xf32> to vector<16xf32>
      %add3A_431 = arith.constant 16 : i32
      %add3A_432 = arith.addi %multiple_of3A_407, %add3A_431 : i32
      %get3A_433 = arith.index_cast %add3A_397 : i32 to index
      %get3A_434 = arith.index_cast %add3A_432 : i32 to index
      %get3A_435 = tpu.vector_load %arg12[%get3A_433, %get3A_434] {strides = array<i32>} : memref<128x128xf32, #tpu.memory_space<vmem>>, vector<1x16xf32>,
      %get3A_436 = vector.shape_cast %get3A_435 : vector<1x16xf32> to vector<16xf32>
      %mul3A_437 = arith.mulf %get3A_430, %get3A_436 : vector<16xf32>
      %add3A_438 = arith.constant 16 : i32
      %add3A_439 = arith.addi %multiple_of3A_410, %add3A_438 : i32
      %get3A_440 = arith.index_cast %add3A_397 : i32 to index
      %get3A_441 = arith.index_cast %add3A_439 : i32 to index
      %get3A_442 = tpu.vector_load %arg13[%get3A_440, %get3A_441] {strides = array<i32>} : memref<128x128xf32, #tpu.memory_space<vmem>>, vector<1x16xf32>,
      %get3A_443 = vector.shape_cast %get3A_442 : vector<1x16xf32> to vector<16xf32>
      %mul3A_444 = arith.mulf %mul3A_437, %get3A_443 : vector<16xf32>
      %add3A_445 = arith.addf %mul3A_424, %mul3A_444 : vector<16xf32>
      %shift_right_arithmetic3A_446 = arith.constant 3 : i32
      %shift_right_arithmetic3A_447 = arith.shrsi %add3A_153, %shift_right_arithmetic3A_446 : i32
      %add3A_448 = arith.constant 0 : i32
      %add3A_449 = arith.addi %shift_right_arithmetic3A_447, %add3A_448 : i32
      %swap3A_450 = arith.index_cast %add3A_449 : i32 to index
      %swap3A_451 = arith.constant 64 : index
      %swap3A_452 = tpu.vector_load %arg17[%swap3A_450, %swap3A_451] {strides = array<i32>} : memref<64x128xf32, #tpu.memory_space<vmem>>, vector<1x16xf32>,
      %swap3A_453 = vector.shape_cast %swap3A_452 : vector<1x16xf32> to vector<16xf32>
      %swap3A_454 = vector.shape_cast %add3A_445 : vector<16xf32> to vector<1x16xf32>
      tpu.vector_store %arg17[%swap3A_450, %swap3A_451], %swap3A_454 {strides = array<i32>} : memref<64x128xf32, #tpu.memory_space<vmem>>, vector<1x16xf32>,
      %mul3A_455 = arith.constant 16 : i32
      %mul3A_456 = arith.muli %scan3A_149, %mul3A_455 : i32
      %add3A_457 = arith.constant 5 : i32
      %add3A_458 = arith.addi %mul3A_456, %add3A_457 : i32
      %slice3A_459 = vector.extract_strided_slice %get3A_155 {offsets = [5], sizes = [1], strides = [1]} : vector<16xi32> to vector<1xi32>
      %squeeze3A_460 = vector.extract %slice3A_459[0] : i32 from vector<1xi32>
      %and3A_461 = arith.constant 255 : i32
      %and3A_462 = arith.andi %squeeze3A_460, %and3A_461 : i32
      %multiple_of3A_463 = tpu.assume_multiple %and3A_462, 32 : i32
      %shift_right_arithmetic3A_464 = arith.constant 8 : i32
      %shift_right_arithmetic3A_465 = arith.shrsi %squeeze3A_460, %shift_right_arithmetic3A_464 : i32
      %and3A_466 = arith.constant 255 : i32
      %and3A_467 = arith.andi %shift_right_arithmetic3A_465, %and3A_466 : i32
      %multiple_of3A_468 = tpu.assume_multiple %and3A_467, 32 : i32
      %shift_right_arithmetic3A_469 = arith.constant 16 : i32
      %shift_right_arithmetic3A_470 = arith.shrsi %squeeze3A_460, %shift_right_arithmetic3A_469 : i32
      %multiple_of3A_471 = tpu.assume_multiple %shift_right_arithmetic3A_470, 32 : i32
      %get3A_472 = arith.index_cast %add3A_458 : i32 to index
      %get3A_473 = arith.index_cast %multiple_of3A_463 : i32 to index
      %get3A_474 = tpu.vector_load %arg11[%get3A_472, %get3A_473] {strides = array<i32>} : memref<128x128xf32, #tpu.memory_space<vmem>>, vector<1x16xf32>,
      %get3A_475 = vector.shape_cast %get3A_474 : vector<1x16xf32> to vector<16xf32>
      %get3A_476 = arith.index_cast %add3A_458 : i32 to index
      %get3A_477 = arith.index_cast %multiple_of3A_468 : i32 to index
      %get3A_478 = tpu.vector_load %arg12[%get3A_476, %get3A_477] {strides = array<i32>} : memref<128x128xf32, #tpu.memory_space<vmem>>, vector<1x16xf32>,
      %get3A_479 = vector.shape_cast %get3A_478 : vector<1x16xf32> to vector<16xf32>
      %mul3A_480 = arith.mulf %get3A_475, %get3A_479 : vector<16xf32>
      %get3A_481 = arith.index_cast %add3A_458 : i32 to index
      %get3A_482 = arith.index_cast %multiple_of3A_471 : i32 to index
      %get3A_483 = tpu.vector_load %arg13[%get3A_481, %get3A_482] {strides = array<i32>} : memref<128x128xf32, #tpu.memory_space<vmem>>, vector<1x16xf32>,
      %get3A_484 = vector.shape_cast %get3A_483 : vector<1x16xf32> to vector<16xf32>
      %mul3A_485 = arith.mulf %mul3A_480, %get3A_484 : vector<16xf32>
      %add3A_486 = arith.constant 16 : i32
      %add3A_487 = arith.addi %multiple_of3A_463, %add3A_486 : i32
      %get3A_488 = arith.index_cast %add3A_458 : i32 to index
      %get3A_489 = arith.index_cast %add3A_487 : i32 to index
      %get3A_490 = tpu.vector_load %arg11[%get3A_488, %get3A_489] {strides = array<i32>} : memref<128x128xf32, #tpu.memory_space<vmem>>, vector<1x16xf32>,
      %get3A_491 = vector.shape_cast %get3A_490 : vector<1x16xf32> to vector<16xf32>
      %add3A_492 = arith.constant 16 : i32
      %add3A_493 = arith.addi %multiple_of3A_468, %add3A_492 : i32
      %get3A_494 = arith.index_cast %add3A_458 : i32 to index
      %get3A_495 = arith.index_cast %add3A_493 : i32 to index
      %get3A_496 = tpu.vector_load %arg12[%get3A_494, %get3A_495] {strides = array<i32>} : memref<128x128xf32, #tpu.memory_space<vmem>>, vector<1x16xf32>,
      %get3A_497 = vector.shape_cast %get3A_496 : vector<1x16xf32> to vector<16xf32>
      %mul3A_498 = arith.mulf %get3A_491, %get3A_497 : vector<16xf32>
      %add3A_499 = arith.constant 16 : i32
      %add3A_500 = arith.addi %multiple_of3A_471, %add3A_499 : i32
      %get3A_501 = arith.index_cast %add3A_458 : i32 to index
      %get3A_502 = arith.index_cast %add3A_500 : i32 to index
      %get3A_503 = tpu.vector_load %arg13[%get3A_501, %get3A_502] {strides = array<i32>} : memref<128x128xf32, #tpu.memory_space<vmem>>, vector<1x16xf32>,
      %get3A_504 = vector.shape_cast %get3A_503 : vector<1x16xf32> to vector<16xf32>
      %mul3A_505 = arith.mulf %mul3A_498, %get3A_504 : vector<16xf32>
      %add3A_506 = arith.addf %mul3A_485, %mul3A_505 : vector<16xf32>
      %shift_right_arithmetic3A_507 = arith.constant 3 : i32
      %shift_right_arithmetic3A_508 = arith.shrsi %add3A_153, %shift_right_arithmetic3A_507 : i32
      %add3A_509 = arith.constant 0 : i32
      %add3A_510 = arith.addi %shift_right_arithmetic3A_508, %add3A_509 : i32
      %swap3A_511 = arith.index_cast %add3A_510 : i32 to index
      %swap3A_512 = arith.constant 80 : index
      %swap3A_513 = tpu.vector_load %arg17[%swap3A_511, %swap3A_512] {strides = array<i32>} : memref<64x128xf32, #tpu.memory_space<vmem>>, vector<1x16xf32>,
      %swap3A_514 = vector.shape_cast %swap3A_513 : vector<1x16xf32> to vector<16xf32>
      %swap3A_515 = vector.shape_cast %add3A_506 : vector<16xf32> to vector<1x16xf32>
      tpu.vector_store %arg17[%swap3A_511, %swap3A_512], %swap3A_515 {strides = array<i32>} : memref<64x128xf32, #tpu.memory_space<vmem>>, vector<1x16xf32>,
      %mul3A_516 = arith.constant 16 : i32
      %mul3A_517 = arith.muli %scan3A_149, %mul3A_516 : i32
      %add3A_518 = arith.constant 6 : i32
      %add3A_519 = arith.addi %mul3A_517, %add3A_518 : i32
      %slice3A_520 = vector.extract_strided_slice %get3A_155 {offsets = [6], sizes = [1], strides = [1]} : vector<16xi32> to vector<1xi32>
      %squeeze3A_521 = vector.extract %slice3A_520[0] : i32 from vector<1xi32>
      %and3A_522 = arith.constant 255 : i32
      %and3A_523 = arith.andi %squeeze3A_521, %and3A_522 : i32
      %multiple_of3A_524 = tpu.assume_multiple %and3A_523, 32 : i32
      %shift_right_arithmetic3A_525 = arith.constant 8 : i32
      %shift_right_arithmetic3A_526 = arith.shrsi %squeeze3A_521, %shift_right_arithmetic3A_525 : i32
      %and3A_527 = arith.constant 255 : i32
      %and3A_528 = arith.andi %shift_right_arithmetic3A_526, %and3A_527 : i32
      %multiple_of3A_529 = tpu.assume_multiple %and3A_528, 32 : i32
      %shift_right_arithmetic3A_530 = arith.constant 16 : i32
      %shift_right_arithmetic3A_531 = arith.shrsi %squeeze3A_521, %shift_right_arithmetic3A_530 : i32
      %multiple_of3A_532 = tpu.assume_multiple %shift_right_arithmetic3A_531, 32 : i32
      %get3A_533 = arith.index_cast %add3A_519 : i32 to index
      %get3A_534 = arith.index_cast %multiple_of3A_524 : i32 to index
      %get3A_535 = tpu.vector_load %arg11[%get3A_533, %get3A_534] {strides = array<i32>} : memref<128x128xf32, #tpu.memory_space<vmem>>, vector<1x16xf32>,
      %get3A_536 = vector.shape_cast %get3A_535 : vector<1x16xf32> to vector<16xf32>
      %get3A_537 = arith.index_cast %add3A_519 : i32 to index
      %get3A_538 = arith.index_cast %multiple_of3A_529 : i32 to index
      %get3A_539 = tpu.vector_load %arg12[%get3A_537, %get3A_538] {strides = array<i32>} : memref<128x128xf32, #tpu.memory_space<vmem>>, vector<1x16xf32>,
      %get3A_540 = vector.shape_cast %get3A_539 : vector<1x16xf32> to vector<16xf32>
      %mul3A_541 = arith.mulf %get3A_536, %get3A_540 : vector<16xf32>
      %get3A_542 = arith.index_cast %add3A_519 : i32 to index
      %get3A_543 = arith.index_cast %multiple_of3A_532 : i32 to index
      %get3A_544 = tpu.vector_load %arg13[%get3A_542, %get3A_543] {strides = array<i32>} : memref<128x128xf32, #tpu.memory_space<vmem>>, vector<1x16xf32>,
      %get3A_545 = vector.shape_cast %get3A_544 : vector<1x16xf32> to vector<16xf32>
      %mul3A_546 = arith.mulf %mul3A_541, %get3A_545 : vector<16xf32>
      %add3A_547 = arith.constant 16 : i32
      %add3A_548 = arith.addi %multiple_of3A_524, %add3A_547 : i32
      %get3A_549 = arith.index_cast %add3A_519 : i32 to index
      %get3A_550 = arith.index_cast %add3A_548 : i32 to index
      %get3A_551 = tpu.vector_load %arg11[%get3A_549, %get3A_550] {strides = array<i32>} : memref<128x128xf32, #tpu.memory_space<vmem>>, vector<1x16xf32>,
      %get3A_552 = vector.shape_cast %get3A_551 : vector<1x16xf32> to vector<16xf32>
      %add3A_553 = arith.constant 16 : i32
      %add3A_554 = arith.addi %multiple_of3A_529, %add3A_553 : i32
      %get3A_555 = arith.index_cast %add3A_519 : i32 to index
      %get3A_556 = arith.index_cast %add3A_554 : i32 to index
      %get3A_557 = tpu.vector_load %arg12[%get3A_555, %get3A_556] {strides = array<i32>} : memref<128x128xf32, #tpu.memory_space<vmem>>, vector<1x16xf32>,
      %get3A_558 = vector.shape_cast %get3A_557 : vector<1x16xf32> to vector<16xf32>
      %mul3A_559 = arith.mulf %get3A_552, %get3A_558 : vector<16xf32>
      %add3A_560 = arith.constant 16 : i32
      %add3A_561 = arith.addi %multiple_of3A_532, %add3A_560 : i32
      %get3A_562 = arith.index_cast %add3A_519 : i32 to index
      %get3A_563 = arith.index_cast %add3A_561 : i32 to index
      %get3A_564 = tpu.vector_load %arg13[%get3A_562, %get3A_563] {strides = array<i32>} : memref<128x128xf32, #tpu.memory_space<vmem>>, vector<1x16xf32>,
      %get3A_565 = vector.shape_cast %get3A_564 : vector<1x16xf32> to vector<16xf32>
      %mul3A_566 = arith.mulf %mul3A_559, %get3A_565 : vector<16xf32>
      %add3A_567 = arith.addf %mul3A_546, %mul3A_566 : vector<16xf32>
      %shift_right_arithmetic3A_568 = arith.constant 3 : i32
      %shift_right_arithmetic3A_569 = arith.shrsi %add3A_153, %shift_right_arithmetic3A_568 : i32
      %add3A_570 = arith.constant 0 : i32
      %add3A_571 = arith.addi %shift_right_arithmetic3A_569, %add3A_570 : i32
      %swap3A_572 = arith.index_cast %add3A_571 : i32 to index
      %swap3A_573 = arith.constant 96 : index
      %swap3A_574 = tpu.vector_load %arg17[%swap3A_572, %swap3A_573] {strides = array<i32>} : memref<64x128xf32, #tpu.memory_space<vmem>>, vector<1x16xf32>,
      %swap3A_575 = vector.shape_cast %swap3A_574 : vector<1x16xf32> to vector<16xf32>
      %swap3A_576 = vector.shape_cast %add3A_567 : vector<16xf32> to vector<1x16xf32>
      tpu.vector_store %arg17[%swap3A_572, %swap3A_573], %swap3A_576 {strides = array<i32>} : memref<64x128xf32, #tpu.memory_space<vmem>>, vector<1x16xf32>,
      %mul3A_577 = arith.constant 16 : i32
      %mul3A_578 = arith.muli %scan3A_149, %mul3A_577 : i32
      %add3A_579 = arith.constant 7 : i32
      %add3A_580 = arith.addi %mul3A_578, %add3A_579 : i32
      %slice3A_581 = vector.extract_strided_slice %get3A_155 {offsets = [7], sizes = [1], strides = [1]} : vector<16xi32> to vector<1xi32>
      %squeeze3A_582 = vector.extract %slice3A_581[0] : i32 from vector<1xi32>
      %and3A_583 = arith.constant 255 : i32
      %and3A_584 = arith.andi %squeeze3A_582, %and3A_583 : i32
      %multiple_of3A_585 = tpu.assume_multiple %and3A_584, 32 : i32
      %shift_right_arithmetic3A_586 = arith.constant 8 : i32
      %shift_right_arithmetic3A_587 = arith.shrsi %squeeze3A_582, %shift_right_arithmetic3A_586 : i32
      %and3A_588 = arith.constant 255 : i32
      %and3A_589 = arith.andi %shift_right_arithmetic3A_587, %and3A_588 : i32
      %multiple_of3A_590 = tpu.assume_multiple %and3A_589, 32 : i32
      %shift_right_arithmetic3A_591 = arith.constant 16 : i32
      %shift_right_arithmetic3A_592 = arith.shrsi %squeeze3A_582, %shift_right_arithmetic3A_591 : i32
      %multiple_of3A_593 = tpu.assume_multiple %shift_right_arithmetic3A_592, 32 : i32
      %get3A_594 = arith.index_cast %add3A_580 : i32 to index
      %get3A_595 = arith.index_cast %multiple_of3A_585 : i32 to index
      %get3A_596 = tpu.vector_load %arg11[%get3A_594, %get3A_595] {strides = array<i32>} : memref<128x128xf32, #tpu.memory_space<vmem>>, vector<1x16xf32>,
      %get3A_597 = vector.shape_cast %get3A_596 : vector<1x16xf32> to vector<16xf32>
      %get3A_598 = arith.index_cast %add3A_580 : i32 to index
      %get3A_599 = arith.index_cast %multiple_of3A_590 : i32 to index
      %get3A_600 = tpu.vector_load %arg12[%get3A_598, %get3A_599] {strides = array<i32>} : memref<128x128xf32, #tpu.memory_space<vmem>>, vector<1x16xf32>,
      %get3A_601 = vector.shape_cast %get3A_600 : vector<1x16xf32> to vector<16xf32>
      %mul3A_602 = arith.mulf %get3A_597, %get3A_601 : vector<16xf32>
      %get3A_603 = arith.index_cast %add3A_580 : i32 to index
      %get3A_604 = arith.index_cast %multiple_of3A_593 : i32 to index
      %get3A_605 = tpu.vector_load %arg13[%get3A_603, %get3A_604] {strides = array<i32>} : memref<128x128xf32, #tpu.memory_space<vmem>>, vector<1x16xf32>,
      %get3A_606 = vector.shape_cast %get3A_605 : vector<1x16xf32> to vector<16xf32>
      %mul3A_607 = arith.mulf %mul3A_602, %get3A_606 : vector<16xf32>
      %add3A_608 = arith.constant 16 : i32
      %add3A_609 = arith.addi %multiple_of3A_585, %add3A_608 : i32
      %get3A_610 = arith.index_cast %add3A_580 : i32 to index
      %get3A_611 = arith.index_cast %add3A_609 : i32 to index
      %get3A_612 = tpu.vector_load %arg11[%get3A_610, %get3A_611] {strides = array<i32>} : memref<128x128xf32, #tpu.memory_space<vmem>>, vector<1x16xf32>,
      %get3A_613 = vector.shape_cast %get3A_612 : vector<1x16xf32> to vector<16xf32>
      %add3A_614 = arith.constant 16 : i32
      %add3A_615 = arith.addi %multiple_of3A_590, %add3A_614 : i32
      %get3A_616 = arith.index_cast %add3A_580 : i32 to index
      %get3A_617 = arith.index_cast %add3A_615 : i32 to index
      %get3A_618 = tpu.vector_load %arg12[%get3A_616, %get3A_617] {strides = array<i32>} : memref<128x128xf32, #tpu.memory_space<vmem>>, vector<1x16xf32>,
      %get3A_619 = vector.shape_cast %get3A_618 : vector<1x16xf32> to vector<16xf32>
      %mul3A_620 = arith.mulf %get3A_613, %get3A_619 : vector<16xf32>
      %add3A_621 = arith.constant 16 : i32
      %add3A_622 = arith.addi %multiple_of3A_593, %add3A_621 : i32
      %get3A_623 = arith.index_cast %add3A_580 : i32 to index
      %get3A_624 = arith.index_cast %add3A_622 : i32 to index
      %get3A_625 = tpu.vector_load %arg13[%get3A_623, %get3A_624] {strides = array<i32>} : memref<128x128xf32, #tpu.memory_space<vmem>>, vector<1x16xf32>,
      %get3A_626 = vector.shape_cast %get3A_625 : vector<1x16xf32> to vector<16xf32>
      %mul3A_627 = arith.mulf %mul3A_620, %get3A_626 : vector<16xf32>
      %add3A_628 = arith.addf %mul3A_607, %mul3A_627 : vector<16xf32>
      %shift_right_arithmetic3A_629 = arith.constant 3 : i32
      %shift_right_arithmetic3A_630 = arith.shrsi %add3A_153, %shift_right_arithmetic3A_629 : i32
      %add3A_631 = arith.constant 0 : i32
      %add3A_632 = arith.addi %shift_right_arithmetic3A_630, %add3A_631 : i32
      %swap3A_633 = arith.index_cast %add3A_632 : i32 to index
      %swap3A_634 = arith.constant 112 : index
      %swap3A_635 = tpu.vector_load %arg17[%swap3A_633, %swap3A_634] {strides = array<i32>} : memref<64x128xf32, #tpu.memory_space<vmem>>, vector<1x16xf32>,
      %swap3A_636 = vector.shape_cast %swap3A_635 : vector<1x16xf32> to vector<16xf32>
      %swap3A_637 = vector.shape_cast %add3A_628 : vector<16xf32> to vector<1x16xf32>
      tpu.vector_store %arg17[%swap3A_633, %swap3A_634], %swap3A_637 {strides = array<i32>} : memref<64x128xf32, #tpu.memory_space<vmem>>, vector<1x16xf32>,
      %mul3A_638 = arith.constant 16 : i32
      %mul3A_639 = arith.muli %scan3A_149, %mul3A_638 : i32
      %add3A_640 = arith.constant 8 : i32
      %add3A_641 = arith.addi %mul3A_639, %add3A_640 : i32
      %slice3A_642 = vector.extract_strided_slice %get3A_155 {offsets = [8], sizes = [1], strides = [1]} : vector<16xi32> to vector<1xi32>
      %squeeze3A_643 = vector.extract %slice3A_642[0] : i32 from vector<1xi32>
      %and3A_644 = arith.constant 255 : i32
      %and3A_645 = arith.andi %squeeze3A_643, %and3A_644 : i32
      %multiple_of3A_646 = tpu.assume_multiple %and3A_645, 32 : i32
      %shift_right_arithmetic3A_647 = arith.constant 8 : i32
      %shift_right_arithmetic3A_648 = arith.shrsi %squeeze3A_643, %shift_right_arithmetic3A_647 : i32
      %and3A_649 = arith.constant 255 : i32
      %and3A_650 = arith.andi %shift_right_arithmetic3A_648, %and3A_649 : i32
      %multiple_of3A_651 = tpu.assume_multiple %and3A_650, 32 : i32
      %shift_right_arithmetic3A_652 = arith.constant 16 : i32
      %shift_right_arithmetic3A_653 = arith.shrsi %squeeze3A_643, %shift_right_arithmetic3A_652 : i32
      %multiple_of3A_654 = tpu.assume_multiple %shift_right_arithmetic3A_653, 32 : i32
      %get3A_655 = arith.index_cast %add3A_641 : i32 to index
      %get3A_656 = arith.index_cast %multiple_of3A_646 : i32 to index
      %get3A_657 = tpu.vector_load %arg11[%get3A_655, %get3A_656] {strides = array<i32>} : memref<128x128xf32, #tpu.memory_space<vmem>>, vector<1x16xf32>,
      %get3A_658 = vector.shape_cast %get3A_657 : vector<1x16xf32> to vector<16xf32>
      %get3A_659 = arith.index_cast %add3A_641 : i32 to index
      %get3A_660 = arith.index_cast %multiple_of3A_651 : i32 to index
      %get3A_661 = tpu.vector_load %arg12[%get3A_659, %get3A_660] {strides = array<i32>} : memref<128x128xf32, #tpu.memory_space<vmem>>, vector<1x16xf32>,
      %get3A_662 = vector.shape_cast %get3A_661 : vector<1x16xf32> to vector<16xf32>
      %mul3A_663 = arith.mulf %get3A_658, %get3A_662 : vector<16xf32>
      %get3A_664 = arith.index_cast %add3A_641 : i32 to index
      %get3A_665 = arith.index_cast %multiple_of3A_654 : i32 to index
      %get3A_666 = tpu.vector_load %arg13[%get3A_664, %get3A_665] {strides = array<i32>} : memref<128x128xf32, #tpu.memory_space<vmem>>, vector<1x16xf32>,
      %get3A_667 = vector.shape_cast %get3A_666 : vector<1x16xf32> to vector<16xf32>
      %mul3A_668 = arith.mulf %mul3A_663, %get3A_667 : vector<16xf32>
      %add3A_669 = arith.constant 16 : i32
      %add3A_670 = arith.addi %multiple_of3A_646, %add3A_669 : i32
      %get3A_671 = arith.index_cast %add3A_641 : i32 to index
      %get3A_672 = arith.index_cast %add3A_670 : i32 to index
      %get3A_673 = tpu.vector_load %arg11[%get3A_671, %get3A_672] {strides = array<i32>} : memref<128x128xf32, #tpu.memory_space<vmem>>, vector<1x16xf32>,
      %get3A_674 = vector.shape_cast %get3A_673 : vector<1x16xf32> to vector<16xf32>
      %add3A_675 = arith.constant 16 : i32
      %add3A_676 = arith.addi %multiple_of3A_651, %add3A_675 : i32
      %get3A_677 = arith.index_cast %add3A_641 : i32 to index
      %get3A_678 = arith.index_cast %add3A_676 : i32 to index
      %get3A_679 = tpu.vector_load %arg12[%get3A_677, %get3A_678] {strides = array<i32>} : memref<128x128xf32, #tpu.memory_space<vmem>>, vector<1x16xf32>,
      %get3A_680 = vector.shape_cast %get3A_679 : vector<1x16xf32> to vector<16xf32>
      %mul3A_681 = arith.mulf %get3A_674, %get3A_680 : vector<16xf32>
      %add3A_682 = arith.constant 16 : i32
      %add3A_683 = arith.addi %multiple_of3A_654, %add3A_682 : i32
      %get3A_684 = arith.index_cast %add3A_641 : i32 to index
      %get3A_685 = arith.index_cast %add3A_683 : i32 to index
      %get3A_686 = tpu.vector_load %arg13[%get3A_684, %get3A_685] {strides = array<i32>} : memref<128x128xf32, #tpu.memory_space<vmem>>, vector<1x16xf32>,
      %get3A_687 = vector.shape_cast %get3A_686 : vector<1x16xf32> to vector<16xf32>
      %mul3A_688 = arith.mulf %mul3A_681, %get3A_687 : vector<16xf32>
      %add3A_689 = arith.addf %mul3A_668, %mul3A_688 : vector<16xf32>
      %shift_right_arithmetic3A_690 = arith.constant 3 : i32
      %shift_right_arithmetic3A_691 = arith.shrsi %add3A_153, %shift_right_arithmetic3A_690 : i32
      %add3A_692 = arith.constant 1 : i32
      %add3A_693 = arith.addi %shift_right_arithmetic3A_691, %add3A_692 : i32
      %swap3A_694 = arith.index_cast %add3A_693 : i32 to index
      %swap3A_695 = arith.constant 0 : index
      %swap3A_696 = tpu.vector_load %arg17[%swap3A_694, %swap3A_695] {strides = array<i32>} : memref<64x128xf32, #tpu.memory_space<vmem>>, vector<1x16xf32>,
      %swap3A_697 = vector.shape_cast %swap3A_696 : vector<1x16xf32> to vector<16xf32>
      %swap3A_698 = vector.shape_cast %add3A_689 : vector<16xf32> to vector<1x16xf32>
      tpu.vector_store %arg17[%swap3A_694, %swap3A_695], %swap3A_698 {strides = array<i32>} : memref<64x128xf32, #tpu.memory_space<vmem>>, vector<1x16xf32>,
      %mul3A_699 = arith.constant 16 : i32
      %mul3A_700 = arith.muli %scan3A_149, %mul3A_699 : i32
      %add3A_701 = arith.constant 9 : i32
      %add3A_702 = arith.addi %mul3A_700, %add3A_701 : i32
      %slice3A_703 = vector.extract_strided_slice %get3A_155 {offsets = [9], sizes = [1], strides = [1]} : vector<16xi32> to vector<1xi32>
      %squeeze3A_704 = vector.extract %slice3A_703[0] : i32 from vector<1xi32>
      %and3A_705 = arith.constant 255 : i32
      %and3A_706 = arith.andi %squeeze3A_704, %and3A_705 : i32
      %multiple_of3A_707 = tpu.assume_multiple %and3A_706, 32 : i32
      %shift_right_arithmetic3A_708 = arith.constant 8 : i32
      %shift_right_arithmetic3A_709 = arith.shrsi %squeeze3A_704, %shift_right_arithmetic3A_708 : i32
      %and3A_710 = arith.constant 255 : i32
      %and3A_711 = arith.andi %shift_right_arithmetic3A_709, %and3A_710 : i32
      %multiple_of3A_712 = tpu.assume_multiple %and3A_711, 32 : i32
      %shift_right_arithmetic3A_713 = arith.constant 16 : i32
      %shift_right_arithmetic3A_714 = arith.shrsi %squeeze3A_704, %shift_right_arithmetic3A_713 : i32
      %multiple_of3A_715 = tpu.assume_multiple %shift_right_arithmetic3A_714, 32 : i32
      %get3A_716 = arith.index_cast %add3A_702 : i32 to index
      %get3A_717 = arith.index_cast %multiple_of3A_707 : i32 to index
      %get3A_718 = tpu.vector_load %arg11[%get3A_716, %get3A_717] {strides = array<i32>} : memref<128x128xf32, #tpu.memory_space<vmem>>, vector<1x16xf32>,
      %get3A_719 = vector.shape_cast %get3A_718 : vector<1x16xf32> to vector<16xf32>
      %get3A_720 = arith.index_cast %add3A_702 : i32 to index
      %get3A_721 = arith.index_cast %multiple_of3A_712 : i32 to index
      %get3A_722 = tpu.vector_load %arg12[%get3A_720, %get3A_721] {strides = array<i32>} : memref<128x128xf32, #tpu.memory_space<vmem>>, vector<1x16xf32>,
      %get3A_723 = vector.shape_cast %get3A_722 : vector<1x16xf32> to vector<16xf32>
      %mul3A_724 = arith.mulf %get3A_719, %get3A_723 : vector<16xf32>
      %get3A_725 = arith.index_cast %add3A_702 : i32 to index
      %get3A_726 = arith.index_cast %multiple_of3A_715 : i32 to index
      %get3A_727 = tpu.vector_load %arg13[%get3A_725, %get3A_726] {strides = array<i32>} : memref<128x128xf32, #tpu.memory_space<vmem>>, vector<1x16xf32>,
      %get3A_728 = vector.shape_cast %get3A_727 : vector<1x16xf32> to vector<16xf32>
      %mul3A_729 = arith.mulf %mul3A_724, %get3A_728 : vector<16xf32>
      %add3A_730 = arith.constant 16 : i32
      %add3A_731 = arith.addi %multiple_of3A_707, %add3A_730 : i32
      %get3A_732 = arith.index_cast %add3A_702 : i32 to index
      %get3A_733 = arith.index_cast %add3A_731 : i32 to index
      %get3A_734 = tpu.vector_load %arg11[%get3A_732, %get3A_733] {strides = array<i32>} : memref<128x128xf32, #tpu.memory_space<vmem>>, vector<1x16xf32>,
      %get3A_735 = vector.shape_cast %get3A_734 : vector<1x16xf32> to vector<16xf32>
      %add3A_736 = arith.constant 16 : i32
      %add3A_737 = arith.addi %multiple_of3A_712, %add3A_736 : i32
      %get3A_738 = arith.index_cast %add3A_702 : i32 to index
      %get3A_739 = arith.index_cast %add3A_737 : i32 to index
      %get3A_740 = tpu.vector_load %arg12[%get3A_738, %get3A_739] {strides = array<i32>} : memref<128x128xf32, #tpu.memory_space<vmem>>, vector<1x16xf32>,
      %get3A_741 = vector.shape_cast %get3A_740 : vector<1x16xf32> to vector<16xf32>
      %mul3A_742 = arith.mulf %get3A_735, %get3A_741 : vector<16xf32>
      %add3A_743 = arith.constant 16 : i32
      %add3A_744 = arith.addi %multiple_of3A_715, %add3A_743 : i32
      %get3A_745 = arith.index_cast %add3A_702 : i32 to index
      %get3A_746 = arith.index_cast %add3A_744 : i32 to index
      %get3A_747 = tpu.vector_load %arg13[%get3A_745, %get3A_746] {strides = array<i32>} : memref<128x128xf32, #tpu.memory_space<vmem>>, vector<1x16xf32>,
      %get3A_748 = vector.shape_cast %get3A_747 : vector<1x16xf32> to vector<16xf32>
      %mul3A_749 = arith.mulf %mul3A_742, %get3A_748 : vector<16xf32>
      %add3A_750 = arith.addf %mul3A_729, %mul3A_749 : vector<16xf32>
      %shift_right_arithmetic3A_751 = arith.constant 3 : i32
      %shift_right_arithmetic3A_752 = arith.shrsi %add3A_153, %shift_right_arithmetic3A_751 : i32
      %add3A_753 = arith.constant 1 : i32
      %add3A_754 = arith.addi %shift_right_arithmetic3A_752, %add3A_753 : i32
      %swap3A_755 = arith.index_cast %add3A_754 : i32 to index
      %swap3A_756 = arith.constant 16 : index
      %swap3A_757 = tpu.vector_load %arg17[%swap3A_755, %swap3A_756] {strides = array<i32>} : memref<64x128xf32, #tpu.memory_space<vmem>>, vector<1x16xf32>,
      %swap3A_758 = vector.shape_cast %swap3A_757 : vector<1x16xf32> to vector<16xf32>
      %swap3A_759 = vector.shape_cast %add3A_750 : vector<16xf32> to vector<1x16xf32>
      tpu.vector_store %arg17[%swap3A_755, %swap3A_756], %swap3A_759 {strides = array<i32>} : memref<64x128xf32, #tpu.memory_space<vmem>>, vector<1x16xf32>,
      %mul3A_760 = arith.constant 16 : i32
      %mul3A_761 = arith.muli %scan3A_149, %mul3A_760 : i32
      %add3A_762 = arith.constant 10 : i32
      %add3A_763 = arith.addi %mul3A_761, %add3A_762 : i32
      %slice3A_764 = vector.extract_strided_slice %get3A_155 {offsets = [10], sizes = [1], strides = [1]} : vector<16xi32> to vector<1xi32>
      %squeeze3A_765 = vector.extract %slice3A_764[0] : i32 from vector<1xi32>
      %and3A_766 = arith.constant 255 : i32
      %and3A_767 = arith.andi %squeeze3A_765, %and3A_766 : i32
      %multiple_of3A_768 = tpu.assume_multiple %and3A_767, 32 : i32
      %shift_right_arithmetic3A_769 = arith.constant 8 : i32
      %shift_right_arithmetic3A_770 = arith.shrsi %squeeze3A_765, %shift_right_arithmetic3A_769 : i32
      %and3A_771 = arith.constant 255 : i32
      %and3A_772 = arith.andi %shift_right_arithmetic3A_770, %and3A_771 : i32
      %multiple_of3A_773 = tpu.assume_multiple %and3A_772, 32 : i32
      %shift_right_arithmetic3A_774 = arith.constant 16 : i32
      %shift_right_arithmetic3A_775 = arith.shrsi %squeeze3A_765, %shift_right_arithmetic3A_774 : i32
      %multiple_of3A_776 = tpu.assume_multiple %shift_right_arithmetic3A_775, 32 : i32
      %get3A_777 = arith.index_cast %add3A_763 : i32 to index
      %get3A_778 = arith.index_cast %multiple_of3A_768 : i32 to index
      %get3A_779 = tpu.vector_load %arg11[%get3A_777, %get3A_778] {strides = array<i32>} : memref<128x128xf32, #tpu.memory_space<vmem>>, vector<1x16xf32>,
      %get3A_780 = vector.shape_cast %get3A_779 : vector<1x16xf32> to vector<16xf32>
      %get3A_781 = arith.index_cast %add3A_763 : i32 to index
      %get3A_782 = arith.index_cast %multiple_of3A_773 : i32 to index
      %get3A_783 = tpu.vector_load %arg12[%get3A_781, %get3A_782] {strides = array<i32>} : memref<128x128xf32, #tpu.memory_space<vmem>>, vector<1x16xf32>,
      %get3A_784 = vector.shape_cast %get3A_783 : vector<1x16xf32> to vector<16xf32>
      %mul3A_785 = arith.mulf %get3A_780, %get3A_784 : vector<16xf32>
      %get3A_786 = arith.index_cast %add3A_763 : i32 to index
      %get3A_787 = arith.index_cast %multiple_of3A_776 : i32 to index
      %get3A_788 = tpu.vector_load %arg13[%get3A_786, %get3A_787] {strides = array<i32>} : memref<128x128xf32, #tpu.memory_space<vmem>>, vector<1x16xf32>,
      %get3A_789 = vector.shape_cast %get3A_788 : vector<1x16xf32> to vector<16xf32>
      %mul3A_790 = arith.mulf %mul3A_785, %get3A_789 : vector<16xf32>
      %add3A_791 = arith.constant 16 : i32
      %add3A_792 = arith.addi %multiple_of3A_768, %add3A_791 : i32
      %get3A_793 = arith.index_cast %add3A_763 : i32 to index
      %get3A_794 = arith.index_cast %add3A_792 : i32 to index
      %get3A_795 = tpu.vector_load %arg11[%get3A_793, %get3A_794] {strides = array<i32>} : memref<128x128xf32, #tpu.memory_space<vmem>>, vector<1x16xf32>,
      %get3A_796 = vector.shape_cast %get3A_795 : vector<1x16xf32> to vector<16xf32>
      %add3A_797 = arith.constant 16 : i32
      %add3A_798 = arith.addi %multiple_of3A_773, %add3A_797 : i32
      %get3A_799 = arith.index_cast %add3A_763 : i32 to index
      %get3A_800 = arith.index_cast %add3A_798 : i32 to index
      %get3A_801 = tpu.vector_load %arg12[%get3A_799, %get3A_800] {strides = array<i32>} : memref<128x128xf32, #tpu.memory_space<vmem>>, vector<1x16xf32>,
      %get3A_802 = vector.shape_cast %get3A_801 : vector<1x16xf32> to vector<16xf32>
      %mul3A_803 = arith.mulf %get3A_796, %get3A_802 : vector<16xf32>
      %add3A_804 = arith.constant 16 : i32
      %add3A_805 = arith.addi %multiple_of3A_776, %add3A_804 : i32
      %get3A_806 = arith.index_cast %add3A_763 : i32 to index
      %get3A_807 = arith.index_cast %add3A_805 : i32 to index
      %get3A_808 = tpu.vector_load %arg13[%get3A_806, %get3A_807] {strides = array<i32>} : memref<128x128xf32, #tpu.memory_space<vmem>>, vector<1x16xf32>,
      %get3A_809 = vector.shape_cast %get3A_808 : vector<1x16xf32> to vector<16xf32>
      %mul3A_810 = arith.mulf %mul3A_803, %get3A_809 : vector<16xf32>
      %add3A_811 = arith.addf %mul3A_790, %mul3A_810 : vector<16xf32>
      %shift_right_arithmetic3A_812 = arith.constant 3 : i32
      %shift_right_arithmetic3A_813 = arith.shrsi %add3A_153, %shift_right_arithmetic3A_812 : i32
      %add3A_814 = arith.constant 1 : i32
      %add3A_815 = arith.addi %shift_right_arithmetic3A_813, %add3A_814 : i32
      %swap3A_816 = arith.index_cast %add3A_815 : i32 to index
      %swap3A_817 = arith.constant 32 : index
      %swap3A_818 = tpu.vector_load %arg17[%swap3A_816, %swap3A_817] {strides = array<i32>} : memref<64x128xf32, #tpu.memory_space<vmem>>, vector<1x16xf32>,
      %swap3A_819 = vector.shape_cast %swap3A_818 : vector<1x16xf32> to vector<16xf32>
      %swap3A_820 = vector.shape_cast %add3A_811 : vector<16xf32> to vector<1x16xf32>
      tpu.vector_store %arg17[%swap3A_816, %swap3A_817], %swap3A_820 {strides = array<i32>} : memref<64x128xf32, #tpu.memory_space<vmem>>, vector<1x16xf32>,
      %mul3A_821 = arith.constant 16 : i32
      %mul3A_822 = arith.muli %scan3A_149, %mul3A_821 : i32
      %add3A_823 = arith.constant 11 : i32
      %add3A_824 = arith.addi %mul3A_822, %add3A_823 : i32
      %slice3A_825 = vector.extract_strided_slice %get3A_155 {offsets = [11], sizes = [1], strides = [1]} : vector<16xi32> to vector<1xi32>
      %squeeze3A_826 = vector.extract %slice3A_825[0] : i32 from vector<1xi32>
      %and3A_827 = arith.constant 255 : i32
      %and3A_828 = arith.andi %squeeze3A_826, %and3A_827 : i32
      %multiple_of3A_829 = tpu.assume_multiple %and3A_828, 32 : i32
      %shift_right_arithmetic3A_830 = arith.constant 8 : i32
      %shift_right_arithmetic3A_831 = arith.shrsi %squeeze3A_826, %shift_right_arithmetic3A_830 : i32
      %and3A_832 = arith.constant 255 : i32
      %and3A_833 = arith.andi %shift_right_arithmetic3A_831, %and3A_832 : i32
      %multiple_of3A_834 = tpu.assume_multiple %and3A_833, 32 : i32
      %shift_right_arithmetic3A_835 = arith.constant 16 : i32
      %shift_right_arithmetic3A_836 = arith.shrsi %squeeze3A_826, %shift_right_arithmetic3A_835 : i32
      %multiple_of3A_837 = tpu.assume_multiple %shift_right_arithmetic3A_836, 32 : i32
      %get3A_838 = arith.index_cast %add3A_824 : i32 to index
      %get3A_839 = arith.index_cast %multiple_of3A_829 : i32 to index
      %get3A_840 = tpu.vector_load %arg11[%get3A_838, %get3A_839] {strides = array<i32>} : memref<128x128xf32, #tpu.memory_space<vmem>>, vector<1x16xf32>,
      %get3A_841 = vector.shape_cast %get3A_840 : vector<1x16xf32> to vector<16xf32>
      %get3A_842 = arith.index_cast %add3A_824 : i32 to index
      %get3A_843 = arith.index_cast %multiple_of3A_834 : i32 to index
      %get3A_844 = tpu.vector_load %arg12[%get3A_842, %get3A_843] {strides = array<i32>} : memref<128x128xf32, #tpu.memory_space<vmem>>, vector<1x16xf32>,
      %get3A_845 = vector.shape_cast %get3A_844 : vector<1x16xf32> to vector<16xf32>
      %mul3A_846 = arith.mulf %get3A_841, %get3A_845 : vector<16xf32>
      %get3A_847 = arith.index_cast %add3A_824 : i32 to index
      %get3A_848 = arith.index_cast %multiple_of3A_837 : i32 to index
      %get3A_849 = tpu.vector_load %arg13[%get3A_847, %get3A_848] {strides = array<i32>} : memref<128x128xf32, #tpu.memory_space<vmem>>, vector<1x16xf32>,
      %get3A_850 = vector.shape_cast %get3A_849 : vector<1x16xf32> to vector<16xf32>
      %mul3A_851 = arith.mulf %mul3A_846, %get3A_850 : vector<16xf32>
      %add3A_852 = arith.constant 16 : i32
      %add3A_853 = arith.addi %multiple_of3A_829, %add3A_852 : i32
      %get3A_854 = arith.index_cast %add3A_824 : i32 to index
      %get3A_855 = arith.index_cast %add3A_853 : i32 to index
      %get3A_856 = tpu.vector_load %arg11[%get3A_854, %get3A_855] {strides = array<i32>} : memref<128x128xf32, #tpu.memory_space<vmem>>, vector<1x16xf32>,
      %get3A_857 = vector.shape_cast %get3A_856 : vector<1x16xf32> to vector<16xf32>
      %add3A_858 = arith.constant 16 : i32
      %add3A_859 = arith.addi %multiple_of3A_834, %add3A_858 : i32
      %get3A_860 = arith.index_cast %add3A_824 : i32 to index
      %get3A_861 = arith.index_cast %add3A_859 : i32 to index
      %get3A_862 = tpu.vector_load %arg12[%get3A_860, %get3A_861] {strides = array<i32>} : memref<128x128xf32, #tpu.memory_space<vmem>>, vector<1x16xf32>,
      %get3A_863 = vector.shape_cast %get3A_862 : vector<1x16xf32> to vector<16xf32>
      %mul3A_864 = arith.mulf %get3A_857, %get3A_863 : vector<16xf32>
      %add3A_865 = arith.constant 16 : i32
      %add3A_866 = arith.addi %multiple_of3A_837, %add3A_865 : i32
      %get3A_867 = arith.index_cast %add3A_824 : i32 to index
      %get3A_868 = arith.index_cast %add3A_866 : i32 to index
      %get3A_869 = tpu.vector_load %arg13[%get3A_867, %get3A_868] {strides = array<i32>} : memref<128x128xf32, #tpu.memory_space<vmem>>, vector<1x16xf32>,
      %get3A_870 = vector.shape_cast %get3A_869 : vector<1x16xf32> to vector<16xf32>
      %mul3A_871 = arith.mulf %mul3A_864, %get3A_870 : vector<16xf32>
      %add3A_872 = arith.addf %mul3A_851, %mul3A_871 : vector<16xf32>
      %shift_right_arithmetic3A_873 = arith.constant 3 : i32
      %shift_right_arithmetic3A_874 = arith.shrsi %add3A_153, %shift_right_arithmetic3A_873 : i32
      %add3A_875 = arith.constant 1 : i32
      %add3A_876 = arith.addi %shift_right_arithmetic3A_874, %add3A_875 : i32
      %swap3A_877 = arith.index_cast %add3A_876 : i32 to index
      %swap3A_878 = arith.constant 48 : index
      %swap3A_879 = tpu.vector_load %arg17[%swap3A_877, %swap3A_878] {strides = array<i32>} : memref<64x128xf32, #tpu.memory_space<vmem>>, vector<1x16xf32>,
      %swap3A_880 = vector.shape_cast %swap3A_879 : vector<1x16xf32> to vector<16xf32>
      %swap3A_881 = vector.shape_cast %add3A_872 : vector<16xf32> to vector<1x16xf32>
      tpu.vector_store %arg17[%swap3A_877, %swap3A_878], %swap3A_881 {strides = array<i32>} : memref<64x128xf32, #tpu.memory_space<vmem>>, vector<1x16xf32>,
      %mul3A_882 = arith.constant 16 : i32
      %mul3A_883 = arith.muli %scan3A_149, %mul3A_882 : i32
      %add3A_884 = arith.constant 12 : i32
      %add3A_885 = arith.addi %mul3A_883, %add3A_884 : i32
      %slice3A_886 = vector.extract_strided_slice %get3A_155 {offsets = [12], sizes = [1], strides = [1]} : vector<16xi32> to vector<1xi32>
      %squeeze3A_887 = vector.extract %slice3A_886[0] : i32 from vector<1xi32>
      %and3A_888 = arith.constant 255 : i32
      %and3A_889 = arith.andi %squeeze3A_887, %and3A_888 : i32
      %multiple_of3A_890 = tpu.assume_multiple %and3A_889, 32 : i32
      %shift_right_arithmetic3A_891 = arith.constant 8 : i32
      %shift_right_arithmetic3A_892 = arith.shrsi %squeeze3A_887, %shift_right_arithmetic3A_891 : i32
      %and3A_893 = arith.constant 255 : i32
      %and3A_894 = arith.andi %shift_right_arithmetic3A_892, %and3A_893 : i32
      %multiple_of3A_895 = tpu.assume_multiple %and3A_894, 32 : i32
      %shift_right_arithmetic3A_896 = arith.constant 16 : i32
      %shift_right_arithmetic3A_897 = arith.shrsi %squeeze3A_887, %shift_right_arithmetic3A_896 : i32
      %multiple_of3A_898 = tpu.assume_multiple %shift_right_arithmetic3A_897, 32 : i32
      %get3A_899 = arith.index_cast %add3A_885 : i32 to index
      %get3A_900 = arith.index_cast %multiple_of3A_890 : i32 to index
      %get3A_901 = tpu.vector_load %arg11[%get3A_899, %get3A_900] {strides = array<i32>} : memref<128x128xf32, #tpu.memory_space<vmem>>, vector<1x16xf32>,
      %get3A_902 = vector.shape_cast %get3A_901 : vector<1x16xf32> to vector<16xf32>
      %get3A_903 = arith.index_cast %add3A_885 : i32 to index
      %get3A_904 = arith.index_cast %multiple_of3A_895 : i32 to index
      %get3A_905 = tpu.vector_load %arg12[%get3A_903, %get3A_904] {strides = array<i32>} : memref<128x128xf32, #tpu.memory_space<vmem>>, vector<1x16xf32>,
      %get3A_906 = vector.shape_cast %get3A_905 : vector<1x16xf32> to vector<16xf32>
      %mul3A_907 = arith.mulf %get3A_902, %get3A_906 : vector<16xf32>
      %get3A_908 = arith.index_cast %add3A_885 : i32 to index
      %get3A_909 = arith.index_cast %multiple_of3A_898 : i32 to index
      %get3A_910 = tpu.vector_load %arg13[%get3A_908, %get3A_909] {strides = array<i32>} : memref<128x128xf32, #tpu.memory_space<vmem>>, vector<1x16xf32>,
      %get3A_911 = vector.shape_cast %get3A_910 : vector<1x16xf32> to vector<16xf32>
      %mul3A_912 = arith.mulf %mul3A_907, %get3A_911 : vector<16xf32>
      %add3A_913 = arith.constant 16 : i32
      %add3A_914 = arith.addi %multiple_of3A_890, %add3A_913 : i32
      %get3A_915 = arith.index_cast %add3A_885 : i32 to index
      %get3A_916 = arith.index_cast %add3A_914 : i32 to index
      %get3A_917 = tpu.vector_load %arg11[%get3A_915, %get3A_916] {strides = array<i32>} : memref<128x128xf32, #tpu.memory_space<vmem>>, vector<1x16xf32>,
      %get3A_918 = vector.shape_cast %get3A_917 : vector<1x16xf32> to vector<16xf32>
      %add3A_919 = arith.constant 16 : i32
      %add3A_920 = arith.addi %multiple_of3A_895, %add3A_919 : i32
      %get3A_921 = arith.index_cast %add3A_885 : i32 to index
      %get3A_922 = arith.index_cast %add3A_920 : i32 to index
      %get3A_923 = tpu.vector_load %arg12[%get3A_921, %get3A_922] {strides = array<i32>} : memref<128x128xf32, #tpu.memory_space<vmem>>, vector<1x16xf32>,
      %get3A_924 = vector.shape_cast %get3A_923 : vector<1x16xf32> to vector<16xf32>
      %mul3A_925 = arith.mulf %get3A_918, %get3A_924 : vector<16xf32>
      %add3A_926 = arith.constant 16 : i32
      %add3A_927 = arith.addi %multiple_of3A_898, %add3A_926 : i32
      %get3A_928 = arith.index_cast %add3A_885 : i32 to index
      %get3A_929 = arith.index_cast %add3A_927 : i32 to index
      %get3A_930 = tpu.vector_load %arg13[%get3A_928, %get3A_929] {strides = array<i32>} : memref<128x128xf32, #tpu.memory_space<vmem>>, vector<1x16xf32>,
      %get3A_931 = vector.shape_cast %get3A_930 : vector<1x16xf32> to vector<16xf32>
      %mul3A_932 = arith.mulf %mul3A_925, %get3A_931 : vector<16xf32>
      %add3A_933 = arith.addf %mul3A_912, %mul3A_932 : vector<16xf32>
      %shift_right_arithmetic3A_934 = arith.constant 3 : i32
      %shift_right_arithmetic3A_935 = arith.shrsi %add3A_153, %shift_right_arithmetic3A_934 : i32
      %add3A_936 = arith.constant 1 : i32
      %add3A_937 = arith.addi %shift_right_arithmetic3A_935, %add3A_936 : i32
      %swap3A_938 = arith.index_cast %add3A_937 : i32 to index
      %swap3A_939 = arith.constant 64 : index
      %swap3A_940 = tpu.vector_load %arg17[%swap3A_938, %swap3A_939] {strides = array<i32>} : memref<64x128xf32, #tpu.memory_space<vmem>>, vector<1x16xf32>,
      %swap3A_941 = vector.shape_cast %swap3A_940 : vector<1x16xf32> to vector<16xf32>
      %swap3A_942 = vector.shape_cast %add3A_933 : vector<16xf32> to vector<1x16xf32>
      tpu.vector_store %arg17[%swap3A_938, %swap3A_939], %swap3A_942 {strides = array<i32>} : memref<64x128xf32, #tpu.memory_space<vmem>>, vector<1x16xf32>,
      %mul3A_943 = arith.constant 16 : i32
      %mul3A_944 = arith.muli %scan3A_149, %mul3A_943 : i32
      %add3A_945 = arith.constant 13 : i32
      %add3A_946 = arith.addi %mul3A_944, %add3A_945 : i32
      %slice3A_947 = vector.extract_strided_slice %get3A_155 {offsets = [13], sizes = [1], strides = [1]} : vector<16xi32> to vector<1xi32>
      %squeeze3A_948 = vector.extract %slice3A_947[0] : i32 from vector<1xi32>
      %and3A_949 = arith.constant 255 : i32
      %and3A_950 = arith.andi %squeeze3A_948, %and3A_949 : i32
      %multiple_of3A_951 = tpu.assume_multiple %and3A_950, 32 : i32
      %shift_right_arithmetic3A_952 = arith.constant 8 : i32
      %shift_right_arithmetic3A_953 = arith.shrsi %squeeze3A_948, %shift_right_arithmetic3A_952 : i32
      %and3A_954 = arith.constant 255 : i32
      %and3A_955 = arith.andi %shift_right_arithmetic3A_953, %and3A_954 : i32
      %multiple_of3A_956 = tpu.assume_multiple %and3A_955, 32 : i32
      %shift_right_arithmetic3A_957 = arith.constant 16 : i32
      %shift_right_arithmetic3A_958 = arith.shrsi %squeeze3A_948, %shift_right_arithmetic3A_957 : i32
      %multiple_of3A_959 = tpu.assume_multiple %shift_right_arithmetic3A_958, 32 : i32
      %get3A_960 = arith.index_cast %add3A_946 : i32 to index
      %get3A_961 = arith.index_cast %multiple_of3A_951 : i32 to index
      %get3A_962 = tpu.vector_load %arg11[%get3A_960, %get3A_961] {strides = array<i32>} : memref<128x128xf32, #tpu.memory_space<vmem>>, vector<1x16xf32>,
      %get3A_963 = vector.shape_cast %get3A_962 : vector<1x16xf32> to vector<16xf32>
      %get3A_964 = arith.index_cast %add3A_946 : i32 to index
      %get3A_965 = arith.index_cast %multiple_of3A_956 : i32 to index
      %get3A_966 = tpu.vector_load %arg12[%get3A_964, %get3A_965] {strides = array<i32>} : memref<128x128xf32, #tpu.memory_space<vmem>>, vector<1x16xf32>,
      %get3A_967 = vector.shape_cast %get3A_966 : vector<1x16xf32> to vector<16xf32>
      %mul3A_968 = arith.mulf %get3A_963, %get3A_967 : vector<16xf32>
      %get3A_969 = arith.index_cast %add3A_946 : i32 to index
      %get3A_970 = arith.index_cast %multiple_of3A_959 : i32 to index
      %get3A_971 = tpu.vector_load %arg13[%get3A_969, %get3A_970] {strides = array<i32>} : memref<128x128xf32, #tpu.memory_space<vmem>>, vector<1x16xf32>,
      %get3A_972 = vector.shape_cast %get3A_971 : vector<1x16xf32> to vector<16xf32>
      %mul3A_973 = arith.mulf %mul3A_968, %get3A_972 : vector<16xf32>
      %add3A_974 = arith.constant 16 : i32
      %add3A_975 = arith.addi %multiple_of3A_951, %add3A_974 : i32
      %get3A_976 = arith.index_cast %add3A_946 : i32 to index
      %get3A_977 = arith.index_cast %add3A_975 : i32 to index
      %get3A_978 = tpu.vector_load %arg11[%get3A_976, %get3A_977] {strides = array<i32>} : memref<128x128xf32, #tpu.memory_space<vmem>>, vector<1x16xf32>,
      %get3A_979 = vector.shape_cast %get3A_978 : vector<1x16xf32> to vector<16xf32>
      %add3A_980 = arith.constant 16 : i32
      %add3A_981 = arith.addi %multiple_of3A_956, %add3A_980 : i32
      %get3A_982 = arith.index_cast %add3A_946 : i32 to index
      %get3A_983 = arith.index_cast %add3A_981 : i32 to index
      %get3A_984 = tpu.vector_load %arg12[%get3A_982, %get3A_983] {strides = array<i32>} : memref<128x128xf32, #tpu.memory_space<vmem>>, vector<1x16xf32>,
      %get3A_985 = vector.shape_cast %get3A_984 : vector<1x16xf32> to vector<16xf32>
      %mul3A_986 = arith.mulf %get3A_979, %get3A_985 : vector<16xf32>
      %add3A_987 = arith.constant 16 : i32
      %add3A_988 = arith.addi %multiple_of3A_959, %add3A_987 : i32
      %get3A_989 = arith.index_cast %add3A_946 : i32 to index
      %get3A_990 = arith.index_cast %add3A_988 : i32 to index
      %get3A_991 = tpu.vector_load %arg13[%get3A_989, %get3A_990] {strides = array<i32>} : memref<128x128xf32, #tpu.memory_space<vmem>>, vector<1x16xf32>,
      %get3A_992 = vector.shape_cast %get3A_991 : vector<1x16xf32> to vector<16xf32>
      %mul3A_993 = arith.mulf %mul3A_986, %get3A_992 : vector<16xf32>
      %add3A_994 = arith.addf %mul3A_973, %mul3A_993 : vector<16xf32>
      %shift_right_arithmetic3A_995 = arith.constant 3 : i32
      %shift_right_arithmetic3A_996 = arith.shrsi %add3A_153, %shift_right_arithmetic3A_995 : i32
      %add3A_997 = arith.constant 1 : i32
      %add3A_998 = arith.addi %shift_right_arithmetic3A_996, %add3A_997 : i32
      %swap3A_999 = arith.index_cast %add3A_998 : i32 to index
      %swap3A_1000 = arith.constant 80 : index
      %swap3A_1001 = tpu.vector_load %arg17[%swap3A_999, %swap3A_1000] {strides = array<i32>} : memref<64x128xf32, #tpu.memory_space<vmem>>, vector<1x16xf32>,
      %swap3A_1002 = vector.shape_cast %swap3A_1001 : vector<1x16xf32> to vector<16xf32>
      %swap3A_1003 = vector.shape_cast %add3A_994 : vector<16xf32> to vector<1x16xf32>
      tpu.vector_store %arg17[%swap3A_999, %swap3A_1000], %swap3A_1003 {strides = array<i32>} : memref<64x128xf32, #tpu.memory_space<vmem>>, vector<1x16xf32>,
      %mul3A_1004 = arith.constant 16 : i32
      %mul3A_1005 = arith.muli %scan3A_149, %mul3A_1004 : i32
      %add3A_1006 = arith.constant 14 : i32
      %add3A_1007 = arith.addi %mul3A_1005, %add3A_1006 : i32
      %slice3A_1008 = vector.extract_strided_slice %get3A_155 {offsets = [14], sizes = [1], strides = [1]} : vector<16xi32> to vector<1xi32>
      %squeeze3A_1009 = vector.extract %slice3A_1008[0] : i32 from vector<1xi32>
      %and3A_1010 = arith.constant 255 : i32
      %and3A_1011 = arith.andi %squeeze3A_1009, %and3A_1010 : i32
      %multiple_of3A_1012 = tpu.assume_multiple %and3A_1011, 32 : i32
      %shift_right_arithmetic3A_1013 = arith.constant 8 : i32
      %shift_right_arithmetic3A_1014 = arith.shrsi %squeeze3A_1009, %shift_right_arithmetic3A_1013 : i32
      %and3A_1015 = arith.constant 255 : i32
      %and3A_1016 = arith.andi %shift_right_arithmetic3A_1014, %and3A_1015 : i32
      %multiple_of3A_1017 = tpu.assume_multiple %and3A_1016, 32 : i32
      %shift_right_arithmetic3A_1018 = arith.constant 16 : i32
      %shift_right_arithmetic3A_1019 = arith.shrsi %squeeze3A_1009, %shift_right_arithmetic3A_1018 : i32
      %multiple_of3A_1020 = tpu.assume_multiple %shift_right_arithmetic3A_1019, 32 : i32
      %get3A_1021 = arith.index_cast %add3A_1007 : i32 to index
      %get3A_1022 = arith.index_cast %multiple_of3A_1012 : i32 to index
      %get3A_1023 = tpu.vector_load %arg11[%get3A_1021, %get3A_1022] {strides = array<i32>} : memref<128x128xf32, #tpu.memory_space<vmem>>, vector<1x16xf32>,
      %get3A_1024 = vector.shape_cast %get3A_1023 : vector<1x16xf32> to vector<16xf32>
      %get3A_1025 = arith.index_cast %add3A_1007 : i32 to index
      %get3A_1026 = arith.index_cast %multiple_of3A_1017 : i32 to index
      %get3A_1027 = tpu.vector_load %arg12[%get3A_1025, %get3A_1026] {strides = array<i32>} : memref<128x128xf32, #tpu.memory_space<vmem>>, vector<1x16xf32>,
      %get3A_1028 = vector.shape_cast %get3A_1027 : vector<1x16xf32> to vector<16xf32>
      %mul3A_1029 = arith.mulf %get3A_1024, %get3A_1028 : vector<16xf32>
      %get3A_1030 = arith.index_cast %add3A_1007 : i32 to index
      %get3A_1031 = arith.index_cast %multiple_of3A_1020 : i32 to index
      %get3A_1032 = tpu.vector_load %arg13[%get3A_1030, %get3A_1031] {strides = array<i32>} : memref<128x128xf32, #tpu.memory_space<vmem>>, vector<1x16xf32>,
      %get3A_1033 = vector.shape_cast %get3A_1032 : vector<1x16xf32> to vector<16xf32>
      %mul3A_1034 = arith.mulf %mul3A_1029, %get3A_1033 : vector<16xf32>
      %add3A_1035 = arith.constant 16 : i32
      %add3A_1036 = arith.addi %multiple_of3A_1012, %add3A_1035 : i32
      %get3A_1037 = arith.index_cast %add3A_1007 : i32 to index
      %get3A_1038 = arith.index_cast %add3A_1036 : i32 to index
      %get3A_1039 = tpu.vector_load %arg11[%get3A_1037, %get3A_1038] {strides = array<i32>} : memref<128x128xf32, #tpu.memory_space<vmem>>, vector<1x16xf32>,
      %get3A_1040 = vector.shape_cast %get3A_1039 : vector<1x16xf32> to vector<16xf32>
      %add3A_1041 = arith.constant 16 : i32
      %add3A_1042 = arith.addi %multiple_of3A_1017, %add3A_1041 : i32
      %get3A_1043 = arith.index_cast %add3A_1007 : i32 to index
      %get3A_1044 = arith.index_cast %add3A_1042 : i32 to index
      %get3A_1045 = tpu.vector_load %arg12[%get3A_1043, %get3A_1044] {strides = array<i32>} : memref<128x128xf32, #tpu.memory_space<vmem>>, vector<1x16xf32>,
      %get3A_1046 = vector.shape_cast %get3A_1045 : vector<1x16xf32> to vector<16xf32>
      %mul3A_1047 = arith.mulf %get3A_1040, %get3A_1046 : vector<16xf32>
      %add3A_1048 = arith.constant 16 : i32
      %add3A_1049 = arith.addi %multiple_of3A_1020, %add3A_1048 : i32
      %get3A_1050 = arith.index_cast %add3A_1007 : i32 to index
      %get3A_1051 = arith.index_cast %add3A_1049 : i32 to index
      %get3A_1052 = tpu.vector_load %arg13[%get3A_1050, %get3A_1051] {strides = array<i32>} : memref<128x128xf32, #tpu.memory_space<vmem>>, vector<1x16xf32>,
      %get3A_1053 = vector.shape_cast %get3A_1052 : vector<1x16xf32> to vector<16xf32>
      %mul3A_1054 = arith.mulf %mul3A_1047, %get3A_1053 : vector<16xf32>
      %add3A_1055 = arith.addf %mul3A_1034, %mul3A_1054 : vector<16xf32>
      %shift_right_arithmetic3A_1056 = arith.constant 3 : i32
      %shift_right_arithmetic3A_1057 = arith.shrsi %add3A_153, %shift_right_arithmetic3A_1056 : i32
      %add3A_1058 = arith.constant 1 : i32
      %add3A_1059 = arith.addi %shift_right_arithmetic3A_1057, %add3A_1058 : i32
      %swap3A_1060 = arith.index_cast %add3A_1059 : i32 to index
      %swap3A_1061 = arith.constant 96 : index
      %swap3A_1062 = tpu.vector_load %arg17[%swap3A_1060, %swap3A_1061] {strides = array<i32>} : memref<64x128xf32, #tpu.memory_space<vmem>>, vector<1x16xf32>,
      %swap3A_1063 = vector.shape_cast %swap3A_1062 : vector<1x16xf32> to vector<16xf32>
      %swap3A_1064 = vector.shape_cast %add3A_1055 : vector<16xf32> to vector<1x16xf32>
      tpu.vector_store %arg17[%swap3A_1060, %swap3A_1061], %swap3A_1064 {strides = array<i32>} : memref<64x128xf32, #tpu.memory_space<vmem>>, vector<1x16xf32>,
      %mul3A_1065 = arith.constant 16 : i32
      %mul3A_1066 = arith.muli %scan3A_149, %mul3A_1065 : i32
      %add3A_1067 = arith.constant 15 : i32
      %add3A_1068 = arith.addi %mul3A_1066, %add3A_1067 : i32
      %slice3A_1069 = vector.extract_strided_slice %get3A_155 {offsets = [15], sizes = [1], strides = [1]} : vector<16xi32> to vector<1xi32>
      %squeeze3A_1070 = vector.extract %slice3A_1069[0] : i32 from vector<1xi32>
      %and3A_1071 = arith.constant 255 : i32
      %and3A_1072 = arith.andi %squeeze3A_1070, %and3A_1071 : i32
      %multiple_of3A_1073 = tpu.assume_multiple %and3A_1072, 32 : i32
      %shift_right_arithmetic3A_1074 = arith.constant 8 : i32
      %shift_right_arithmetic3A_1075 = arith.shrsi %squeeze3A_1070, %shift_right_arithmetic3A_1074 : i32
      %and3A_1076 = arith.constant 255 : i32
      %and3A_1077 = arith.andi %shift_right_arithmetic3A_1075, %and3A_1076 : i32
      %multiple_of3A_1078 = tpu.assume_multiple %and3A_1077, 32 : i32
      %shift_right_arithmetic3A_1079 = arith.constant 16 : i32
      %shift_right_arithmetic3A_1080 = arith.shrsi %squeeze3A_1070, %shift_right_arithmetic3A_1079 : i32
      %multiple_of3A_1081 = tpu.assume_multiple %shift_right_arithmetic3A_1080, 32 : i32
      %get3A_1082 = arith.index_cast %add3A_1068 : i32 to index
      %get3A_1083 = arith.index_cast %multiple_of3A_1073 : i32 to index
      %get3A_1084 = tpu.vector_load %arg11[%get3A_1082, %get3A_1083] {strides = array<i32>} : memref<128x128xf32, #tpu.memory_space<vmem>>, vector<1x16xf32>,
      %get3A_1085 = vector.shape_cast %get3A_1084 : vector<1x16xf32> to vector<16xf32>
      %get3A_1086 = arith.index_cast %add3A_1068 : i32 to index
      %get3A_1087 = arith.index_cast %multiple_of3A_1078 : i32 to index
      %get3A_1088 = tpu.vector_load %arg12[%get3A_1086, %get3A_1087] {strides = array<i32>} : memref<128x128xf32, #tpu.memory_space<vmem>>, vector<1x16xf32>,
      %get3A_1089 = vector.shape_cast %get3A_1088 : vector<1x16xf32> to vector<16xf32>
      %mul3A_1090 = arith.mulf %get3A_1085, %get3A_1089 : vector<16xf32>
      %get3A_1091 = arith.index_cast %add3A_1068 : i32 to index
      %get3A_1092 = arith.index_cast %multiple_of3A_1081 : i32 to index
      %get3A_1093 = tpu.vector_load %arg13[%get3A_1091, %get3A_1092] {strides = array<i32>} : memref<128x128xf32, #tpu.memory_space<vmem>>, vector<1x16xf32>,
      %get3A_1094 = vector.shape_cast %get3A_1093 : vector<1x16xf32> to vector<16xf32>
      %mul3A_1095 = arith.mulf %mul3A_1090, %get3A_1094 : vector<16xf32>
      %add3A_1096 = arith.constant 16 : i32
      %add3A_1097 = arith.addi %multiple_of3A_1073, %add3A_1096 : i32
      %get3A_1098 = arith.index_cast %add3A_1068 : i32 to index
      %get3A_1099 = arith.index_cast %add3A_1097 : i32 to index
      %get3A_1100 = tpu.vector_load %arg11[%get3A_1098, %get3A_1099] {strides = array<i32>} : memref<128x128xf32, #tpu.memory_space<vmem>>, vector<1x16xf32>,
      %get3A_1101 = vector.shape_cast %get3A_1100 : vector<1x16xf32> to vector<16xf32>
      %add3A_1102 = arith.constant 16 : i32
      %add3A_1103 = arith.addi %multiple_of3A_1078, %add3A_1102 : i32
      %get3A_1104 = arith.index_cast %add3A_1068 : i32 to index
      %get3A_1105 = arith.index_cast %add3A_1103 : i32 to index
      %get3A_1106 = tpu.vector_load %arg12[%get3A_1104, %get3A_1105] {strides = array<i32>} : memref<128x128xf32, #tpu.memory_space<vmem>>, vector<1x16xf32>,
      %get3A_1107 = vector.shape_cast %get3A_1106 : vector<1x16xf32> to vector<16xf32>
      %mul3A_1108 = arith.mulf %get3A_1101, %get3A_1107 : vector<16xf32>
      %add3A_1109 = arith.constant 16 : i32
      %add3A_1110 = arith.addi %multiple_of3A_1081, %add3A_1109 : i32
      %get3A_1111 = arith.index_cast %add3A_1068 : i32 to index
      %get3A_1112 = arith.index_cast %add3A_1110 : i32 to index
      %get3A_1113 = tpu.vector_load %arg13[%get3A_1111, %get3A_1112] {strides = array<i32>} : memref<128x128xf32, #tpu.memory_space<vmem>>, vector<1x16xf32>,
      %get3A_1114 = vector.shape_cast %get3A_1113 : vector<1x16xf32> to vector<16xf32>
      %mul3A_1115 = arith.mulf %mul3A_1108, %get3A_1114 : vector<16xf32>
      %add3A_1116 = arith.addf %mul3A_1095, %mul3A_1115 : vector<16xf32>
      %shift_right_arithmetic3A_1117 = arith.constant 3 : i32
      %shift_right_arithmetic3A_1118 = arith.shrsi %add3A_153, %shift_right_arithmetic3A_1117 : i32
      %add3A_1119 = arith.constant 1 : i32
      %add3A_1120 = arith.addi %shift_right_arithmetic3A_1118, %add3A_1119 : i32
      %swap3A_1121 = arith.index_cast %add3A_1120 : i32 to index
      %swap3A_1122 = arith.constant 112 : index
      %swap3A_1123 = tpu.vector_load %arg17[%swap3A_1121, %swap3A_1122] {strides = array<i32>} : memref<64x128xf32, #tpu.memory_space<vmem>>, vector<1x16xf32>,
      %swap3A_1124 = vector.shape_cast %swap3A_1123 : vector<1x16xf32> to vector<16xf32>
      %swap3A_1125 = vector.shape_cast %add3A_1116 : vector<16xf32> to vector<1x16xf32>
      tpu.vector_store %arg17[%swap3A_1121, %swap3A_1122], %swap3A_1125 {strides = array<i32>} : memref<64x128xf32, #tpu.memory_space<vmem>>, vector<1x16xf32>,
    }
    %scan3A_55 = arith.constant 8 : i32
    %dma_start3A_56 = arith.constant 256 : i32
    %dma_start3A_57 = tpu.memref_slice %arg7[%dma_start3A_56] : memref<512xi32, #tpu.memory_space<vmem>> -> memref<128xi32, #tpu.memory_space<vmem>>
    %dma_start3A_58 = arith.constant 0 : i32
    %dma_start3A_59 = arith.constant 0 : i32
    %dma_start3A_60 = tpu.memref_slice %arg3[%dma_start3A_58, %dma_start3A_59] : memref<25088x128xf32, #tpu.memory_space<hbm>> -> memref<25088x128xf32, #tpu.memory_space<hbm>>
    tpu.enqueue_indirect_dma source(%dma_start3A_60 : memref<25088x128xf32, #tpu.memory_space<hbm>>) target(%arg11 : memref<128x128xf32, #tpu.memory_space<vmem>>) offsets(%dma_start3A_57 : memref<128xi32, #tpu.memory_space<vmem>>) semaphore(%arg18 : memref<!tpu.dma_semaphore, #tpu.memory_space<semaphore_mem>>)
    %dma_start3A_61 = arith.constant 256 : i32
    %dma_start3A_62 = tpu.memref_slice %arg8[%dma_start3A_61] : memref<512xi32, #tpu.memory_space<vmem>> -> memref<128xi32, #tpu.memory_space<vmem>>
    %dma_start3A_63 = arith.constant 0 : i32
    %dma_start3A_64 = arith.constant 0 : i32
    %dma_start3A_65 = tpu.memref_slice %arg4[%dma_start3A_63, %dma_start3A_64] : memref<25088x128xf32, #tpu.memory_space<hbm>> -> memref<25088x128xf32, #tpu.memory_space<hbm>>
    tpu.enqueue_indirect_dma source(%dma_start3A_65 : memref<25088x128xf32, #tpu.memory_space<hbm>>) target(%arg12 : memref<128x128xf32, #tpu.memory_space<vmem>>) offsets(%dma_start3A_62 : memref<128xi32, #tpu.memory_space<vmem>>) semaphore(%arg18 : memref<!tpu.dma_semaphore, #tpu.memory_space<semaphore_mem>>)
    %dma_start3A_66 = arith.constant 256 : i32
    %dma_start3A_67 = tpu.memref_slice %arg9[%dma_start3A_66] : memref<512xi32, #tpu.memory_space<vmem>> -> memref<128xi32, #tpu.memory_space<vmem>>
    %dma_start3A_68 = arith.constant 0 : i32
    %dma_start3A_69 = arith.constant 0 : i32
    %dma_start3A_70 = tpu.memref_slice %arg5[%dma_start3A_68, %dma_start3A_69] : memref<25088x128xf32, #tpu.memory_space<hbm>> -> memref<25088x128xf32, #tpu.memory_space<hbm>>
    tpu.enqueue_indirect_dma source(%dma_start3A_70 : memref<25088x128xf32, #tpu.memory_space<hbm>>) target(%arg13 : memref<128x128xf32, #tpu.memory_space<vmem>>) offsets(%dma_start3A_67 : memref<128xi32, #tpu.memory_space<vmem>>) semaphore(%arg18 : memref<!tpu.dma_semaphore, #tpu.memory_space<semaphore_mem>>)
    %dma_wait3A_71 = arith.constant 128 : i32
    %dma_wait3A_72 = tpu.memref_slice %arg7[%dma_wait3A_71] : memref<512xi32, #tpu.memory_space<vmem>> -> memref<128xi32, #tpu.memory_space<vmem>>
    %dma_wait3A_73 = arith.constant 0 : i32
    %dma_wait3A_74 = arith.constant 0 : i32
    %dma_wait3A_75 = tpu.memref_slice %arg3[%dma_wait3A_73, %dma_wait3A_74] : memref<25088x128xf32, #tpu.memory_space<hbm>> -> memref<25088x128xf32, #tpu.memory_space<hbm>>
    tpu.wait_indirect_dma semaphore(%arg19 : memref<!tpu.dma_semaphore, #tpu.memory_space<semaphore_mem>>) src(%dma_wait3A_75 : memref<25088x128xf32, #tpu.memory_space<hbm>>) dst(%arg14 : memref<128x128xf32, #tpu.memory_space<vmem>>)
    %dma_wait3A_76 = arith.constant 128 : i32
    %dma_wait3A_77 = tpu.memref_slice %arg8[%dma_wait3A_76] : memref<512xi32, #tpu.memory_space<vmem>> -> memref<128xi32, #tpu.memory_space<vmem>>
    %dma_wait3A_78 = arith.constant 0 : i32
    %dma_wait3A_79 = arith.constant 0 : i32
    %dma_wait3A_80 = tpu.memref_slice %arg4[%dma_wait3A_78, %dma_wait3A_79] : memref<25088x128xf32, #tpu.memory_space<hbm>> -> memref<25088x128xf32, #tpu.memory_space<hbm>>
    tpu.wait_indirect_dma semaphore(%arg19 : memref<!tpu.dma_semaphore, #tpu.memory_space<semaphore_mem>>) src(%dma_wait3A_80 : memref<25088x128xf32, #tpu.memory_space<hbm>>) dst(%arg15 : memref<128x128xf32, #tpu.memory_space<vmem>>)
    %dma_wait3A_81 = arith.constant 128 : i32
    %dma_wait3A_82 = tpu.memref_slice %arg9[%dma_wait3A_81] : memref<512xi32, #tpu.memory_space<vmem>> -> memref<128xi32, #tpu.memory_space<vmem>>
    %dma_wait3A_83 = arith.constant 0 : i32
    %dma_wait3A_84 = arith.constant 0 : i32
    %dma_wait3A_85 = tpu.memref_slice %arg5[%dma_wait3A_83, %dma_wait3A_84] : memref<25088x128xf32, #tpu.memory_space<hbm>> -> memref<25088x128xf32, #tpu.memory_space<hbm>>
    tpu.wait_indirect_dma semaphore(%arg19 : memref<!tpu.dma_semaphore, #tpu.memory_space<semaphore_mem>>) src(%dma_wait3A_85 : memref<25088x128xf32, #tpu.memory_space<hbm>>) dst(%arg16 : memref<128x128xf32, #tpu.memory_space<vmem>>)
    %scan3A_86 = arith.constant 0 : i32
    %scan3A_87 = arith.constant 0 : i32
    %scan3A_88 = arith.constant 8 : i32
    %scan3A_89 = arith.addi %scan3A_87, %scan3A_88 : i32
    %scan3A_90 = arith.constant 1 : i32
    scf.for %scan3A_149 = %scan3A_87 to %scan3A_89 step %scan3A_90  : i32 {
      %mul3A_150 = arith.constant 16 : i32
      %mul3A_151 = arith.muli %scan3A_149, %mul3A_150 : i32
      %add3A_152 = arith.constant 128 : i32
      %add3A_153 = arith.addi %add3A_152, %mul3A_151 : i32
      %get3A = arith.index_cast %add3A_153 : i32 to index
      %get3A_154 = tpu.vector_load %arg10[%get3A] {strides = array<i32>} : memref<512xi32, #tpu.memory_space<vmem>>, vector<16xi32>,
      %get3A_155 = vector.shape_cast %get3A_154 : vector<16xi32> to vector<16xi32>
      %mul3A_156 = arith.constant 16 : i32
      %mul3A_157 = arith.muli %scan3A_149, %mul3A_156 : i32
      %add3A_158 = arith.constant 0 : i32
      %add3A_159 = arith.addi %mul3A_157, %add3A_158 : i32
      %slice3A = vector.extract_strided_slice %get3A_155 {offsets = [0], sizes = [1], strides = [1]} : vector<16xi32> to vector<1xi32>
      %squeeze3A = vector.extract %slice3A[0] : i32 from vector<1xi32>
      %and3A = arith.constant 255 : i32
      %and3A_160 = arith.andi %squeeze3A, %and3A : i32
      %multiple_of3A = tpu.assume_multiple %and3A_160, 32 : i32
      %shift_right_arithmetic3A = arith.constant 8 : i32
      %shift_right_arithmetic3A_161 = arith.shrsi %squeeze3A, %shift_right_arithmetic3A : i32
      %and3A_162 = arith.constant 255 : i32
      %and3A_163 = arith.andi %shift_right_arithmetic3A_161, %and3A_162 : i32
      %multiple_of3A_164 = tpu.assume_multiple %and3A_163, 32 : i32
      %shift_right_arithmetic3A_165 = arith.constant 16 : i32
      %shift_right_arithmetic3A_166 = arith.shrsi %squeeze3A, %shift_right_arithmetic3A_165 : i32
      %multiple_of3A_167 = tpu.assume_multiple %shift_right_arithmetic3A_166, 32 : i32
      %get3A_168 = arith.index_cast %add3A_159 : i32 to index
      %get3A_169 = arith.index_cast %multiple_of3A : i32 to index
      %get3A_170 = tpu.vector_load %arg14[%get3A_168, %get3A_169] {strides = array<i32>} : memref<128x128xf32, #tpu.memory_space<vmem>>, vector<1x16xf32>,
      %get3A_171 = vector.shape_cast %get3A_170 : vector<1x16xf32> to vector<16xf32>
      %get3A_172 = arith.index_cast %add3A_159 : i32 to index
      %get3A_173 = arith.index_cast %multiple_of3A_164 : i32 to index
      %get3A_174 = tpu.vector_load %arg15[%get3A_172, %get3A_173] {strides = array<i32>} : memref<128x128xf32, #tpu.memory_space<vmem>>, vector<1x16xf32>,
      %get3A_175 = vector.shape_cast %get3A_174 : vector<1x16xf32> to vector<16xf32>
      %mul3A_176 = arith.mulf %get3A_171, %get3A_175 : vector<16xf32>
      %get3A_177 = arith.index_cast %add3A_159 : i32 to index
      %get3A_178 = arith.index_cast %multiple_of3A_167 : i32 to index
      %get3A_179 = tpu.vector_load %arg16[%get3A_177, %get3A_178] {strides = array<i32>} : memref<128x128xf32, #tpu.memory_space<vmem>>, vector<1x16xf32>,
      %get3A_180 = vector.shape_cast %get3A_179 : vector<1x16xf32> to vector<16xf32>
      %mul3A_181 = arith.mulf %mul3A_176, %get3A_180 : vector<16xf32>
      %add3A_182 = arith.constant 16 : i32
      %add3A_183 = arith.addi %multiple_of3A, %add3A_182 : i32
      %get3A_184 = arith.index_cast %add3A_159 : i32 to index
      %get3A_185 = arith.index_cast %add3A_183 : i32 to index
      %get3A_186 = tpu.vector_load %arg14[%get3A_184, %get3A_185] {strides = array<i32>} : memref<128x128xf32, #tpu.memory_space<vmem>>, vector<1x16xf32>,
      %get3A_187 = vector.shape_cast %get3A_186 : vector<1x16xf32> to vector<16xf32>
      %add3A_188 = arith.constant 16 : i32
      %add3A_189 = arith.addi %multiple_of3A_164, %add3A_188 : i32
      %get3A_190 = arith.index_cast %add3A_159 : i32 to index
      %get3A_191 = arith.index_cast %add3A_189 : i32 to index
      %get3A_192 = tpu.vector_load %arg15[%get3A_190, %get3A_191] {strides = array<i32>} : memref<128x128xf32, #tpu.memory_space<vmem>>, vector<1x16xf32>,
      %get3A_193 = vector.shape_cast %get3A_192 : vector<1x16xf32> to vector<16xf32>
      %mul3A_194 = arith.mulf %get3A_187, %get3A_193 : vector<16xf32>
      %add3A_195 = arith.constant 16 : i32
      %add3A_196 = arith.addi %multiple_of3A_167, %add3A_195 : i32
      %get3A_197 = arith.index_cast %add3A_159 : i32 to index
      %get3A_198 = arith.index_cast %add3A_196 : i32 to index
      %get3A_199 = tpu.vector_load %arg16[%get3A_197, %get3A_198] {strides = array<i32>} : memref<128x128xf32, #tpu.memory_space<vmem>>, vector<1x16xf32>,
      %get3A_200 = vector.shape_cast %get3A_199 : vector<1x16xf32> to vector<16xf32>
      %mul3A_201 = arith.mulf %mul3A_194, %get3A_200 : vector<16xf32>
      %add3A_202 = arith.addf %mul3A_181, %mul3A_201 : vector<16xf32>
      %shift_right_arithmetic3A_203 = arith.constant 3 : i32
      %shift_right_arithmetic3A_204 = arith.shrsi %add3A_153, %shift_right_arithmetic3A_203 : i32
      %add3A_205 = arith.constant 0 : i32
      %add3A_206 = arith.addi %shift_right_arithmetic3A_204, %add3A_205 : i32
      %swap3A = arith.index_cast %add3A_206 : i32 to index
      %swap3A_207 = arith.constant 0 : index
      %swap3A_208 = tpu.vector_load %arg17[%swap3A, %swap3A_207] {strides = array<i32>} : memref<64x128xf32, #tpu.memory_space<vmem>>, vector<1x16xf32>,
      %swap3A_209 = vector.shape_cast %swap3A_208 : vector<1x16xf32> to vector<16xf32>
      %swap3A_210 = vector.shape_cast %add3A_202 : vector<16xf32> to vector<1x16xf32>
      tpu.vector_store %arg17[%swap3A, %swap3A_207], %swap3A_210 {strides = array<i32>} : memref<64x128xf32, #tpu.memory_space<vmem>>, vector<1x16xf32>,
      %mul3A_211 = arith.constant 16 : i32
      %mul3A_212 = arith.muli %scan3A_149, %mul3A_211 : i32
      %add3A_213 = arith.constant 1 : i32
      %add3A_214 = arith.addi %mul3A_212, %add3A_213 : i32
      %slice3A_215 = vector.extract_strided_slice %get3A_155 {offsets = [1], sizes = [1], strides = [1]} : vector<16xi32> to vector<1xi32>
      %squeeze3A_216 = vector.extract %slice3A_215[0] : i32 from vector<1xi32>
      %and3A_217 = arith.constant 255 : i32
      %and3A_218 = arith.andi %squeeze3A_216, %and3A_217 : i32
      %multiple_of3A_219 = tpu.assume_multiple %and3A_218, 32 : i32
      %shift_right_arithmetic3A_220 = arith.constant 8 : i32
      %shift_right_arithmetic3A_221 = arith.shrsi %squeeze3A_216, %shift_right_arithmetic3A_220 : i32
      %and3A_222 = arith.constant 255 : i32
      %and3A_223 = arith.andi %shift_right_arithmetic3A_221, %and3A_222 : i32
      %multiple_of3A_224 = tpu.assume_multiple %and3A_223, 32 : i32
      %shift_right_arithmetic3A_225 = arith.constant 16 : i32
      %shift_right_arithmetic3A_226 = arith.shrsi %squeeze3A_216, %shift_right_arithmetic3A_225 : i32
      %multiple_of3A_227 = tpu.assume_multiple %shift_right_arithmetic3A_226, 32 : i32
      %get3A_228 = arith.index_cast %add3A_214 : i32 to index
      %get3A_229 = arith.index_cast %multiple_of3A_219 : i32 to index
      %get3A_230 = tpu.vector_load %arg14[%get3A_228, %get3A_229] {strides = array<i32>} : memref<128x128xf32, #tpu.memory_space<vmem>>, vector<1x16xf32>,
      %get3A_231 = vector.shape_cast %get3A_230 : vector<1x16xf32> to vector<16xf32>
      %get3A_232 = arith.index_cast %add3A_214 : i32 to index
      %get3A_233 = arith.index_cast %multiple_of3A_224 : i32 to index
      %get3A_234 = tpu.vector_load %arg15[%get3A_232, %get3A_233] {strides = array<i32>} : memref<128x128xf32, #tpu.memory_space<vmem>>, vector<1x16xf32>,
      %get3A_235 = vector.shape_cast %get3A_234 : vector<1x16xf32> to vector<16xf32>
      %mul3A_236 = arith.mulf %get3A_231, %get3A_235 : vector<16xf32>
      %get3A_237 = arith.index_cast %add3A_214 : i32 to index
      %get3A_238 = arith.index_cast %multiple_of3A_227 : i32 to index
      %get3A_239 = tpu.vector_load %arg16[%get3A_237, %get3A_238] {strides = array<i32>} : memref<128x128xf32, #tpu.memory_space<vmem>>, vector<1x16xf32>,
      %get3A_240 = vector.shape_cast %get3A_239 : vector<1x16xf32> to vector<16xf32>
      %mul3A_241 = arith.mulf %mul3A_236, %get3A_240 : vector<16xf32>
      %add3A_242 = arith.constant 16 : i32
      %add3A_243 = arith.addi %multiple_of3A_219, %add3A_242 : i32
      %get3A_244 = arith.index_cast %add3A_214 : i32 to index
      %get3A_245 = arith.index_cast %add3A_243 : i32 to index
      %get3A_246 = tpu.vector_load %arg14[%get3A_244, %get3A_245] {strides = array<i32>} : memref<128x128xf32, #tpu.memory_space<vmem>>, vector<1x16xf32>,
      %get3A_247 = vector.shape_cast %get3A_246 : vector<1x16xf32> to vector<16xf32>
      %add3A_248 = arith.constant 16 : i32
      %add3A_249 = arith.addi %multiple_of3A_224, %add3A_248 : i32
      %get3A_250 = arith.index_cast %add3A_214 : i32 to index
      %get3A_251 = arith.index_cast %add3A_249 : i32 to index
      %get3A_252 = tpu.vector_load %arg15[%get3A_250, %get3A_251] {strides = array<i32>} : memref<128x128xf32, #tpu.memory_space<vmem>>, vector<1x16xf32>,
      %get3A_253 = vector.shape_cast %get3A_252 : vector<1x16xf32> to vector<16xf32>
      %mul3A_254 = arith.mulf %get3A_247, %get3A_253 : vector<16xf32>
      %add3A_255 = arith.constant 16 : i32
      %add3A_256 = arith.addi %multiple_of3A_227, %add3A_255 : i32
      %get3A_257 = arith.index_cast %add3A_214 : i32 to index
      %get3A_258 = arith.index_cast %add3A_256 : i32 to index
      %get3A_259 = tpu.vector_load %arg16[%get3A_257, %get3A_258] {strides = array<i32>} : memref<128x128xf32, #tpu.memory_space<vmem>>, vector<1x16xf32>,
      %get3A_260 = vector.shape_cast %get3A_259 : vector<1x16xf32> to vector<16xf32>
      %mul3A_261 = arith.mulf %mul3A_254, %get3A_260 : vector<16xf32>
      %add3A_262 = arith.addf %mul3A_241, %mul3A_261 : vector<16xf32>
      %shift_right_arithmetic3A_263 = arith.constant 3 : i32
      %shift_right_arithmetic3A_264 = arith.shrsi %add3A_153, %shift_right_arithmetic3A_263 : i32
      %add3A_265 = arith.constant 0 : i32
      %add3A_266 = arith.addi %shift_right_arithmetic3A_264, %add3A_265 : i32
      %swap3A_267 = arith.index_cast %add3A_266 : i32 to index
      %swap3A_268 = arith.constant 16 : index
      %swap3A_269 = tpu.vector_load %arg17[%swap3A_267, %swap3A_268] {strides = array<i32>} : memref<64x128xf32, #tpu.memory_space<vmem>>, vector<1x16xf32>,
      %swap3A_270 = vector.shape_cast %swap3A_269 : vector<1x16xf32> to vector<16xf32>
      %swap3A_271 = vector.shape_cast %add3A_262 : vector<16xf32> to vector<1x16xf32>
      tpu.vector_store %arg17[%swap3A_267, %swap3A_268], %swap3A_271 {strides = array<i32>} : memref<64x128xf32, #tpu.memory_space<vmem>>, vector<1x16xf32>,
      %mul3A_272 = arith.constant 16 : i32
      %mul3A_273 = arith.muli %scan3A_149, %mul3A_272 : i32
      %add3A_274 = arith.constant 2 : i32
      %add3A_275 = arith.addi %mul3A_273, %add3A_274 : i32
      %slice3A_276 = vector.extract_strided_slice %get3A_155 {offsets = [2], sizes = [1], strides = [1]} : vector<16xi32> to vector<1xi32>
      %squeeze3A_277 = vector.extract %slice3A_276[0] : i32 from vector<1xi32>
      %and3A_278 = arith.constant 255 : i32
      %and3A_279 = arith.andi %squeeze3A_277, %and3A_278 : i32
      %multiple_of3A_280 = tpu.assume_multiple %and3A_279, 32 : i32
      %shift_right_arithmetic3A_281 = arith.constant 8 : i32
      %shift_right_arithmetic3A_282 = arith.shrsi %squeeze3A_277, %shift_right_arithmetic3A_281 : i32
      %and3A_283 = arith.constant 255 : i32
      %and3A_284 = arith.andi %shift_right_arithmetic3A_282, %and3A_283 : i32
      %multiple_of3A_285 = tpu.assume_multiple %and3A_284, 32 : i32
      %shift_right_arithmetic3A_286 = arith.constant 16 : i32
      %shift_right_arithmetic3A_287 = arith.shrsi %squeeze3A_277, %shift_right_arithmetic3A_286 : i32
      %multiple_of3A_288 = tpu.assume_multiple %shift_right_arithmetic3A_287, 32 : i32
      %get3A_289 = arith.index_cast %add3A_275 : i32 to index
      %get3A_290 = arith.index_cast %multiple_of3A_280 : i32 to index
      %get3A_291 = tpu.vector_load %arg14[%get3A_289, %get3A_290] {strides = array<i32>} : memref<128x128xf32, #tpu.memory_space<vmem>>, vector<1x16xf32>,
      %get3A_292 = vector.shape_cast %get3A_291 : vector<1x16xf32> to vector<16xf32>
      %get3A_293 = arith.index_cast %add3A_275 : i32 to index
      %get3A_294 = arith.index_cast %multiple_of3A_285 : i32 to index
      %get3A_295 = tpu.vector_load %arg15[%get3A_293, %get3A_294] {strides = array<i32>} : memref<128x128xf32, #tpu.memory_space<vmem>>, vector<1x16xf32>,
      %get3A_296 = vector.shape_cast %get3A_295 : vector<1x16xf32> to vector<16xf32>
      %mul3A_297 = arith.mulf %get3A_292, %get3A_296 : vector<16xf32>
      %get3A_298 = arith.index_cast %add3A_275 : i32 to index
      %get3A_299 = arith.index_cast %multiple_of3A_288 : i32 to index
      %get3A_300 = tpu.vector_load %arg16[%get3A_298, %get3A_299] {strides = array<i32>} : memref<128x128xf32, #tpu.memory_space<vmem>>, vector<1x16xf32>,
      %get3A_301 = vector.shape_cast %get3A_300 : vector<1x16xf32> to vector<16xf32>
      %mul3A_302 = arith.mulf %mul3A_297, %get3A_301 : vector<16xf32>
      %add3A_303 = arith.constant 16 : i32
      %add3A_304 = arith.addi %multiple_of3A_280, %add3A_303 : i32
      %get3A_305 = arith.index_cast %add3A_275 : i32 to index
      %get3A_306 = arith.index_cast %add3A_304 : i32 to index
      %get3A_307 = tpu.vector_load %arg14[%get3A_305, %get3A_306] {strides = array<i32>} : memref<128x128xf32, #tpu.memory_space<vmem>>, vector<1x16xf32>,
      %get3A_308 = vector.shape_cast %get3A_307 : vector<1x16xf32> to vector<16xf32>
      %add3A_309 = arith.constant 16 : i32
      %add3A_310 = arith.addi %multiple_of3A_285, %add3A_309 : i32
      %get3A_311 = arith.index_cast %add3A_275 : i32 to index
      %get3A_312 = arith.index_cast %add3A_310 : i32 to index
      %get3A_313 = tpu.vector_load %arg15[%get3A_311, %get3A_312] {strides = array<i32>} : memref<128x128xf32, #tpu.memory_space<vmem>>, vector<1x16xf32>,
      %get3A_314 = vector.shape_cast %get3A_313 : vector<1x16xf32> to vector<16xf32>
      %mul3A_315 = arith.mulf %get3A_308, %get3A_314 : vector<16xf32>
      %add3A_316 = arith.constant 16 : i32
      %add3A_317 = arith.addi %multiple_of3A_288, %add3A_316 : i32
      %get3A_318 = arith.index_cast %add3A_275 : i32 to index
      %get3A_319 = arith.index_cast %add3A_317 : i32 to index
      %get3A_320 = tpu.vector_load %arg16[%get3A_318, %get3A_319] {strides = array<i32>} : memref<128x128xf32, #tpu.memory_space<vmem>>, vector<1x16xf32>,
      %get3A_321 = vector.shape_cast %get3A_320 : vector<1x16xf32> to vector<16xf32>
      %mul3A_322 = arith.mulf %mul3A_315, %get3A_321 : vector<16xf32>
      %add3A_323 = arith.addf %mul3A_302, %mul3A_322 : vector<16xf32>
      %shift_right_arithmetic3A_324 = arith.constant 3 : i32
      %shift_right_arithmetic3A_325 = arith.shrsi %add3A_153, %shift_right_arithmetic3A_324 : i32
      %add3A_326 = arith.constant 0 : i32
      %add3A_327 = arith.addi %shift_right_arithmetic3A_325, %add3A_326 : i32
      %swap3A_328 = arith.index_cast %add3A_327 : i32 to index
      %swap3A_329 = arith.constant 32 : index
      %swap3A_330 = tpu.vector_load %arg17[%swap3A_328, %swap3A_329] {strides = array<i32>} : memref<64x128xf32, #tpu.memory_space<vmem>>, vector<1x16xf32>,
      %swap3A_331 = vector.shape_cast %swap3A_330 : vector<1x16xf32> to vector<16xf32>
      %swap3A_332 = vector.shape_cast %add3A_323 : vector<16xf32> to vector<1x16xf32>
      tpu.vector_store %arg17[%swap3A_328, %swap3A_329], %swap3A_332 {strides = array<i32>} : memref<64x128xf32, #tpu.memory_space<vmem>>, vector<1x16xf32>,
      %mul3A_333 = arith.constant 16 : i32
      %mul3A_334 = arith.muli %scan3A_149, %mul3A_333 : i32
      %add3A_335 = arith.constant 3 : i32
      %add3A_336 = arith.addi %mul3A_334, %add3A_335 : i32
      %slice3A_337 = vector.extract_strided_slice %get3A_155 {offsets = [3], sizes = [1], strides = [1]} : vector<16xi32> to vector<1xi32>
      %squeeze3A_338 = vector.extract %slice3A_337[0] : i32 from vector<1xi32>
      %and3A_339 = arith.constant 255 : i32
      %and3A_340 = arith.andi %squeeze3A_338, %and3A_339 : i32
      %multiple_of3A_341 = tpu.assume_multiple %and3A_340, 32 : i32
      %shift_right_arithmetic3A_342 = arith.constant 8 : i32
      %shift_right_arithmetic3A_343 = arith.shrsi %squeeze3A_338, %shift_right_arithmetic3A_342 : i32
      %and3A_344 = arith.constant 255 : i32
      %and3A_345 = arith.andi %shift_right_arithmetic3A_343, %and3A_344 : i32
      %multiple_of3A_346 = tpu.assume_multiple %and3A_345, 32 : i32
      %shift_right_arithmetic3A_347 = arith.constant 16 : i32
      %shift_right_arithmetic3A_348 = arith.shrsi %squeeze3A_338, %shift_right_arithmetic3A_347 : i32
      %multiple_of3A_349 = tpu.assume_multiple %shift_right_arithmetic3A_348, 32 : i32
      %get3A_350 = arith.index_cast %add3A_336 : i32 to index
      %get3A_351 = arith.index_cast %multiple_of3A_341 : i32 to index
      %get3A_352 = tpu.vector_load %arg14[%get3A_350, %get3A_351] {strides = array<i32>} : memref<128x128xf32, #tpu.memory_space<vmem>>, vector<1x16xf32>,
      %get3A_353 = vector.shape_cast %get3A_352 : vector<1x16xf32> to vector<16xf32>
      %get3A_354 = arith.index_cast %add3A_336 : i32 to index
      %get3A_355 = arith.index_cast %multiple_of3A_346 : i32 to index
      %get3A_356 = tpu.vector_load %arg15[%get3A_354, %get3A_355] {strides = array<i32>} : memref<128x128xf32, #tpu.memory_space<vmem>>, vector<1x16xf32>,
      %get3A_357 = vector.shape_cast %get3A_356 : vector<1x16xf32> to vector<16xf32>
      %mul3A_358 = arith.mulf %get3A_353, %get3A_357 : vector<16xf32>
      %get3A_359 = arith.index_cast %add3A_336 : i32 to index
      %get3A_360 = arith.index_cast %multiple_of3A_349 : i32 to index
      %get3A_361 = tpu.vector_load %arg16[%get3A_359, %get3A_360] {strides = array<i32>} : memref<128x128xf32, #tpu.memory_space<vmem>>, vector<1x16xf32>,
      %get3A_362 = vector.shape_cast %get3A_361 : vector<1x16xf32> to vector<16xf32>
      %mul3A_363 = arith.mulf %mul3A_358, %get3A_362 : vector<16xf32>
      %add3A_364 = arith.constant 16 : i32
      %add3A_365 = arith.addi %multiple_of3A_341, %add3A_364 : i32
      %get3A_366 = arith.index_cast %add3A_336 : i32 to index
      %get3A_367 = arith.index_cast %add3A_365 : i32 to index
      %get3A_368 = tpu.vector_load %arg14[%get3A_366, %get3A_367] {strides = array<i32>} : memref<128x128xf32, #tpu.memory_space<vmem>>, vector<1x16xf32>,
      %get3A_369 = vector.shape_cast %get3A_368 : vector<1x16xf32> to vector<16xf32>
      %add3A_370 = arith.constant 16 : i32
      %add3A_371 = arith.addi %multiple_of3A_346, %add3A_370 : i32
      %get3A_372 = arith.index_cast %add3A_336 : i32 to index
      %get3A_373 = arith.index_cast %add3A_371 : i32 to index
      %get3A_374 = tpu.vector_load %arg15[%get3A_372, %get3A_373] {strides = array<i32>} : memref<128x128xf32, #tpu.memory_space<vmem>>, vector<1x16xf32>,
      %get3A_375 = vector.shape_cast %get3A_374 : vector<1x16xf32> to vector<16xf32>
      %mul3A_376 = arith.mulf %get3A_369, %get3A_375 : vector<16xf32>
      %add3A_377 = arith.constant 16 : i32
      %add3A_378 = arith.addi %multiple_of3A_349, %add3A_377 : i32
      %get3A_379 = arith.index_cast %add3A_336 : i32 to index
      %get3A_380 = arith.index_cast %add3A_378 : i32 to index
      %get3A_381 = tpu.vector_load %arg16[%get3A_379, %get3A_380] {strides = array<i32>} : memref<128x128xf32, #tpu.memory_space<vmem>>, vector<1x16xf32>,
      %get3A_382 = vector.shape_cast %get3A_381 : vector<1x16xf32> to vector<16xf32>
      %mul3A_383 = arith.mulf %mul3A_376, %get3A_382 : vector<16xf32>
      %add3A_384 = arith.addf %mul3A_363, %mul3A_383 : vector<16xf32>
      %shift_right_arithmetic3A_385 = arith.constant 3 : i32
      %shift_right_arithmetic3A_386 = arith.shrsi %add3A_153, %shift_right_arithmetic3A_385 : i32
      %add3A_387 = arith.constant 0 : i32
      %add3A_388 = arith.addi %shift_right_arithmetic3A_386, %add3A_387 : i32
      %swap3A_389 = arith.index_cast %add3A_388 : i32 to index
      %swap3A_390 = arith.constant 48 : index
      %swap3A_391 = tpu.vector_load %arg17[%swap3A_389, %swap3A_390] {strides = array<i32>} : memref<64x128xf32, #tpu.memory_space<vmem>>, vector<1x16xf32>,
      %swap3A_392 = vector.shape_cast %swap3A_391 : vector<1x16xf32> to vector<16xf32>
      %swap3A_393 = vector.shape_cast %add3A_384 : vector<16xf32> to vector<1x16xf32>
      tpu.vector_store %arg17[%swap3A_389, %swap3A_390], %swap3A_393 {strides = array<i32>} : memref<64x128xf32, #tpu.memory_space<vmem>>, vector<1x16xf32>,
      %mul3A_394 = arith.constant 16 : i32
      %mul3A_395 = arith.muli %scan3A_149, %mul3A_394 : i32
      %add3A_396 = arith.constant 4 : i32
      %add3A_397 = arith.addi %mul3A_395, %add3A_396 : i32
      %slice3A_398 = vector.extract_strided_slice %get3A_155 {offsets = [4], sizes = [1], strides = [1]} : vector<16xi32> to vector<1xi32>
      %squeeze3A_399 = vector.extract %slice3A_398[0] : i32 from vector<1xi32>
      %and3A_400 = arith.constant 255 : i32
      %and3A_401 = arith.andi %squeeze3A_399, %and3A_400 : i32
      %multiple_of3A_402 = tpu.assume_multiple %and3A_401, 32 : i32
      %shift_right_arithmetic3A_403 = arith.constant 8 : i32
      %shift_right_arithmetic3A_404 = arith.shrsi %squeeze3A_399, %shift_right_arithmetic3A_403 : i32
      %and3A_405 = arith.constant 255 : i32
      %and3A_406 = arith.andi %shift_right_arithmetic3A_404, %and3A_405 : i32
      %multiple_of3A_407 = tpu.assume_multiple %and3A_406, 32 : i32
      %shift_right_arithmetic3A_408 = arith.constant 16 : i32
      %shift_right_arithmetic3A_409 = arith.shrsi %squeeze3A_399, %shift_right_arithmetic3A_408 : i32
      %multiple_of3A_410 = tpu.assume_multiple %shift_right_arithmetic3A_409, 32 : i32
      %get3A_411 = arith.index_cast %add3A_397 : i32 to index
      %get3A_412 = arith.index_cast %multiple_of3A_402 : i32 to index
      %get3A_413 = tpu.vector_load %arg14[%get3A_411, %get3A_412] {strides = array<i32>} : memref<128x128xf32, #tpu.memory_space<vmem>>, vector<1x16xf32>,
      %get3A_414 = vector.shape_cast %get3A_413 : vector<1x16xf32> to vector<16xf32>
      %get3A_415 = arith.index_cast %add3A_397 : i32 to index
      %get3A_416 = arith.index_cast %multiple_of3A_407 : i32 to index
      %get3A_417 = tpu.vector_load %arg15[%get3A_415, %get3A_416] {strides = array<i32>} : memref<128x128xf32, #tpu.memory_space<vmem>>, vector<1x16xf32>,
      %get3A_418 = vector.shape_cast %get3A_417 : vector<1x16xf32> to vector<16xf32>
      %mul3A_419 = arith.mulf %get3A_414, %get3A_418 : vector<16xf32>
      %get3A_420 = arith.index_cast %add3A_397 : i32 to index
      %get3A_421 = arith.index_cast %multiple_of3A_410 : i32 to index
      %get3A_422 = tpu.vector_load %arg16[%get3A_420, %get3A_421] {strides = array<i32>} : memref<128x128xf32, #tpu.memory_space<vmem>>, vector<1x16xf32>,
      %get3A_423 = vector.shape_cast %get3A_422 : vector<1x16xf32> to vector<16xf32>
      %mul3A_424 = arith.mulf %mul3A_419, %get3A_423 : vector<16xf32>
      %add3A_425 = arith.constant 16 : i32
      %add3A_426 = arith.addi %multiple_of3A_402, %add3A_425 : i32
      %get3A_427 = arith.index_cast %add3A_397 : i32 to index
      %get3A_428 = arith.index_cast %add3A_426 : i32 to index
      %get3A_429 = tpu.vector_load %arg14[%get3A_427, %get3A_428] {strides = array<i32>} : memref<128x128xf32, #tpu.memory_space<vmem>>, vector<1x16xf32>,
      %get3A_430 = vector.shape_cast %get3A_429 : vector<1x16xf32> to vector<16xf32>
      %add3A_431 = arith.constant 16 : i32
      %add3A_432 = arith.addi %multiple_of3A_407, %add3A_431 : i32
      %get3A_433 = arith.index_cast %add3A_397 : i32 to index
      %get3A_434 = arith.index_cast %add3A_432 : i32 to index
      %get3A_435 = tpu.vector_load %arg15[%get3A_433, %get3A_434] {strides = array<i32>} : memref<128x128xf32, #tpu.memory_space<vmem>>, vector<1x16xf32>,
      %get3A_436 = vector.shape_cast %get3A_435 : vector<1x16xf32> to vector<16xf32>
      %mul3A_437 = arith.mulf %get3A_430, %get3A_436 : vector<16xf32>
      %add3A_438 = arith.constant 16 : i32
      %add3A_439 = arith.addi %multiple_of3A_410, %add3A_438 : i32
      %get3A_440 = arith.index_cast %add3A_397 : i32 to index
      %get3A_441 = arith.index_cast %add3A_439 : i32 to index
      %get3A_442 = tpu.vector_load %arg16[%get3A_440, %get3A_441] {strides = array<i32>} : memref<128x128xf32, #tpu.memory_space<vmem>>, vector<1x16xf32>,
      %get3A_443 = vector.shape_cast %get3A_442 : vector<1x16xf32> to vector<16xf32>
      %mul3A_444 = arith.mulf %mul3A_437, %get3A_443 : vector<16xf32>
      %add3A_445 = arith.addf %mul3A_424, %mul3A_444 : vector<16xf32>
      %shift_right_arithmetic3A_446 = arith.constant 3 : i32
      %shift_right_arithmetic3A_447 = arith.shrsi %add3A_153, %shift_right_arithmetic3A_446 : i32
      %add3A_448 = arith.constant 0 : i32
      %add3A_449 = arith.addi %shift_right_arithmetic3A_447, %add3A_448 : i32
      %swap3A_450 = arith.index_cast %add3A_449 : i32 to index
      %swap3A_451 = arith.constant 64 : index
      %swap3A_452 = tpu.vector_load %arg17[%swap3A_450, %swap3A_451] {strides = array<i32>} : memref<64x128xf32, #tpu.memory_space<vmem>>, vector<1x16xf32>,
      %swap3A_453 = vector.shape_cast %swap3A_452 : vector<1x16xf32> to vector<16xf32>
      %swap3A_454 = vector.shape_cast %add3A_445 : vector<16xf32> to vector<1x16xf32>
      tpu.vector_store %arg17[%swap3A_450, %swap3A_451], %swap3A_454 {strides = array<i32>} : memref<64x128xf32, #tpu.memory_space<vmem>>, vector<1x16xf32>,
      %mul3A_455 = arith.constant 16 : i32
      %mul3A_456 = arith.muli %scan3A_149, %mul3A_455 : i32
      %add3A_457 = arith.constant 5 : i32
      %add3A_458 = arith.addi %mul3A_456, %add3A_457 : i32
      %slice3A_459 = vector.extract_strided_slice %get3A_155 {offsets = [5], sizes = [1], strides = [1]} : vector<16xi32> to vector<1xi32>
      %squeeze3A_460 = vector.extract %slice3A_459[0] : i32 from vector<1xi32>
      %and3A_461 = arith.constant 255 : i32
      %and3A_462 = arith.andi %squeeze3A_460, %and3A_461 : i32
      %multiple_of3A_463 = tpu.assume_multiple %and3A_462, 32 : i32
      %shift_right_arithmetic3A_464 = arith.constant 8 : i32
      %shift_right_arithmetic3A_465 = arith.shrsi %squeeze3A_460, %shift_right_arithmetic3A_464 : i32
      %and3A_466 = arith.constant 255 : i32
      %and3A_467 = arith.andi %shift_right_arithmetic3A_465, %and3A_466 : i32
      %multiple_of3A_468 = tpu.assume_multiple %and3A_467, 32 : i32
      %shift_right_arithmetic3A_469 = arith.constant 16 : i32
      %shift_right_arithmetic3A_470 = arith.shrsi %squeeze3A_460, %shift_right_arithmetic3A_469 : i32
      %multiple_of3A_471 = tpu.assume_multiple %shift_right_arithmetic3A_470, 32 : i32
      %get3A_472 = arith.index_cast %add3A_458 : i32 to index
      %get3A_473 = arith.index_cast %multiple_of3A_463 : i32 to index
      %get3A_474 = tpu.vector_load %arg14[%get3A_472, %get3A_473] {strides = array<i32>} : memref<128x128xf32, #tpu.memory_space<vmem>>, vector<1x16xf32>,
      %get3A_475 = vector.shape_cast %get3A_474 : vector<1x16xf32> to vector<16xf32>
      %get3A_476 = arith.index_cast %add3A_458 : i32 to index
      %get3A_477 = arith.index_cast %multiple_of3A_468 : i32 to index
      %get3A_478 = tpu.vector_load %arg15[%get3A_476, %get3A_477] {strides = array<i32>} : memref<128x128xf32, #tpu.memory_space<vmem>>, vector<1x16xf32>,
      %get3A_479 = vector.shape_cast %get3A_478 : vector<1x16xf32> to vector<16xf32>
      %mul3A_480 = arith.mulf %get3A_475, %get3A_479 : vector<16xf32>
      %get3A_481 = arith.index_cast %add3A_458 : i32 to index
      %get3A_482 = arith.index_cast %multiple_of3A_471 : i32 to index
      %get3A_483 = tpu.vector_load %arg16[%get3A_481, %get3A_482] {strides = array<i32>} : memref<128x128xf32, #tpu.memory_space<vmem>>, vector<1x16xf32>,
      %get3A_484 = vector.shape_cast %get3A_483 : vector<1x16xf32> to vector<16xf32>
      %mul3A_485 = arith.mulf %mul3A_480, %get3A_484 : vector<16xf32>
      %add3A_486 = arith.constant 16 : i32
      %add3A_487 = arith.addi %multiple_of3A_463, %add3A_486 : i32
      %get3A_488 = arith.index_cast %add3A_458 : i32 to index
      %get3A_489 = arith.index_cast %add3A_487 : i32 to index
      %get3A_490 = tpu.vector_load %arg14[%get3A_488, %get3A_489] {strides = array<i32>} : memref<128x128xf32, #tpu.memory_space<vmem>>, vector<1x16xf32>,
      %get3A_491 = vector.shape_cast %get3A_490 : vector<1x16xf32> to vector<16xf32>
      %add3A_492 = arith.constant 16 : i32
      %add3A_493 = arith.addi %multiple_of3A_468, %add3A_492 : i32
      %get3A_494 = arith.index_cast %add3A_458 : i32 to index
      %get3A_495 = arith.index_cast %add3A_493 : i32 to index
      %get3A_496 = tpu.vector_load %arg15[%get3A_494, %get3A_495] {strides = array<i32>} : memref<128x128xf32, #tpu.memory_space<vmem>>, vector<1x16xf32>,
      %get3A_497 = vector.shape_cast %get3A_496 : vector<1x16xf32> to vector<16xf32>
      %mul3A_498 = arith.mulf %get3A_491, %get3A_497 : vector<16xf32>
      %add3A_499 = arith.constant 16 : i32
      %add3A_500 = arith.addi %multiple_of3A_471, %add3A_499 : i32
      %get3A_501 = arith.index_cast %add3A_458 : i32 to index
      %get3A_502 = arith.index_cast %add3A_500 : i32 to index
      %get3A_503 = tpu.vector_load %arg16[%get3A_501, %get3A_502] {strides = array<i32>} : memref<128x128xf32, #tpu.memory_space<vmem>>, vector<1x16xf32>,
      %get3A_504 = vector.shape_cast %get3A_503 : vector<1x16xf32> to vector<16xf32>
      %mul3A_505 = arith.mulf %mul3A_498, %get3A_504 : vector<16xf32>
      %add3A_506 = arith.addf %mul3A_485, %mul3A_505 : vector<16xf32>
      %shift_right_arithmetic3A_507 = arith.constant 3 : i32
      %shift_right_arithmetic3A_508 = arith.shrsi %add3A_153, %shift_right_arithmetic3A_507 : i32
      %add3A_509 = arith.constant 0 : i32
      %add3A_510 = arith.addi %shift_right_arithmetic3A_508, %add3A_509 : i32
      %swap3A_511 = arith.index_cast %add3A_510 : i32 to index
      %swap3A_512 = arith.constant 80 : index
      %swap3A_513 = tpu.vector_load %arg17[%swap3A_511, %swap3A_512] {strides = array<i32>} : memref<64x128xf32, #tpu.memory_space<vmem>>, vector<1x16xf32>,
      %swap3A_514 = vector.shape_cast %swap3A_513 : vector<1x16xf32> to vector<16xf32>
      %swap3A_515 = vector.shape_cast %add3A_506 : vector<16xf32> to vector<1x16xf32>
      tpu.vector_store %arg17[%swap3A_511, %swap3A_512], %swap3A_515 {strides = array<i32>} : memref<64x128xf32, #tpu.memory_space<vmem>>, vector<1x16xf32>,
      %mul3A_516 = arith.constant 16 : i32
      %mul3A_517 = arith.muli %scan3A_149, %mul3A_516 : i32
      %add3A_518 = arith.constant 6 : i32
      %add3A_519 = arith.addi %mul3A_517, %add3A_518 : i32
      %slice3A_520 = vector.extract_strided_slice %get3A_155 {offsets = [6], sizes = [1], strides = [1]} : vector<16xi32> to vector<1xi32>
      %squeeze3A_521 = vector.extract %slice3A_520[0] : i32 from vector<1xi32>
      %and3A_522 = arith.constant 255 : i32
      %and3A_523 = arith.andi %squeeze3A_521, %and3A_522 : i32
      %multiple_of3A_524 = tpu.assume_multiple %and3A_523, 32 : i32
      %shift_right_arithmetic3A_525 = arith.constant 8 : i32
      %shift_right_arithmetic3A_526 = arith.shrsi %squeeze3A_521, %shift_right_arithmetic3A_525 : i32
      %and3A_527 = arith.constant 255 : i32
      %and3A_528 = arith.andi %shift_right_arithmetic3A_526, %and3A_527 : i32
      %multiple_of3A_529 = tpu.assume_multiple %and3A_528, 32 : i32
      %shift_right_arithmetic3A_530 = arith.constant 16 : i32
      %shift_right_arithmetic3A_531 = arith.shrsi %squeeze3A_521, %shift_right_arithmetic3A_530 : i32
      %multiple_of3A_532 = tpu.assume_multiple %shift_right_arithmetic3A_531, 32 : i32
      %get3A_533 = arith.index_cast %add3A_519 : i32 to index
      %get3A_534 = arith.index_cast %multiple_of3A_524 : i32 to index
      %get3A_535 = tpu.vector_load %arg14[%get3A_533, %get3A_534] {strides = array<i32>} : memref<128x128xf32, #tpu.memory_space<vmem>>, vector<1x16xf32>,
      %get3A_536 = vector.shape_cast %get3A_535 : vector<1x16xf32> to vector<16xf32>
      %get3A_537 = arith.index_cast %add3A_519 : i32 to index
      %get3A_538 = arith.index_cast %multiple_of3A_529 : i32 to index
      %get3A_539 = tpu.vector_load %arg15[%get3A_537, %get3A_538] {strides = array<i32>} : memref<128x128xf32, #tpu.memory_space<vmem>>, vector<1x16xf32>,
      %get3A_540 = vector.shape_cast %get3A_539 : vector<1x16xf32> to vector<16xf32>
      %mul3A_541 = arith.mulf %get3A_536, %get3A_540 : vector<16xf32>
      %get3A_542 = arith.index_cast %add3A_519 : i32 to index
      %get3A_543 = arith.index_cast %multiple_of3A_532 : i32 to index
      %get3A_544 = tpu.vector_load %arg16[%get3A_542, %get3A_543] {strides = array<i32>} : memref<128x128xf32, #tpu.memory_space<vmem>>, vector<1x16xf32>,
      %get3A_545 = vector.shape_cast %get3A_544 : vector<1x16xf32> to vector<16xf32>
      %mul3A_546 = arith.mulf %mul3A_541, %get3A_545 : vector<16xf32>
      %add3A_547 = arith.constant 16 : i32
      %add3A_548 = arith.addi %multiple_of3A_524, %add3A_547 : i32
      %get3A_549 = arith.index_cast %add3A_519 : i32 to index
      %get3A_550 = arith.index_cast %add3A_548 : i32 to index
      %get3A_551 = tpu.vector_load %arg14[%get3A_549, %get3A_550] {strides = array<i32>} : memref<128x128xf32, #tpu.memory_space<vmem>>, vector<1x16xf32>,
      %get3A_552 = vector.shape_cast %get3A_551 : vector<1x16xf32> to vector<16xf32>
      %add3A_553 = arith.constant 16 : i32
      %add3A_554 = arith.addi %multiple_of3A_529, %add3A_553 : i32
      %get3A_555 = arith.index_cast %add3A_519 : i32 to index
      %get3A_556 = arith.index_cast %add3A_554 : i32 to index
      %get3A_557 = tpu.vector_load %arg15[%get3A_555, %get3A_556] {strides = array<i32>} : memref<128x128xf32, #tpu.memory_space<vmem>>, vector<1x16xf32>,
      %get3A_558 = vector.shape_cast %get3A_557 : vector<1x16xf32> to vector<16xf32>
      %mul3A_559 = arith.mulf %get3A_552, %get3A_558 : vector<16xf32>
      %add3A_560 = arith.constant 16 : i32
      %add3A_561 = arith.addi %multiple_of3A_532, %add3A_560 : i32
      %get3A_562 = arith.index_cast %add3A_519 : i32 to index
      %get3A_563 = arith.index_cast %add3A_561 : i32 to index
      %get3A_564 = tpu.vector_load %arg16[%get3A_562, %get3A_563] {strides = array<i32>} : memref<128x128xf32, #tpu.memory_space<vmem>>, vector<1x16xf32>,
      %get3A_565 = vector.shape_cast %get3A_564 : vector<1x16xf32> to vector<16xf32>
      %mul3A_566 = arith.mulf %mul3A_559, %get3A_565 : vector<16xf32>
      %add3A_567 = arith.addf %mul3A_546, %mul3A_566 : vector<16xf32>
      %shift_right_arithmetic3A_568 = arith.constant 3 : i32
      %shift_right_arithmetic3A_569 = arith.shrsi %add3A_153, %shift_right_arithmetic3A_568 : i32
      %add3A_570 = arith.constant 0 : i32
      %add3A_571 = arith.addi %shift_right_arithmetic3A_569, %add3A_570 : i32
      %swap3A_572 = arith.index_cast %add3A_571 : i32 to index
      %swap3A_573 = arith.constant 96 : index
      %swap3A_574 = tpu.vector_load %arg17[%swap3A_572, %swap3A_573] {strides = array<i32>} : memref<64x128xf32, #tpu.memory_space<vmem>>, vector<1x16xf32>,
      %swap3A_575 = vector.shape_cast %swap3A_574 : vector<1x16xf32> to vector<16xf32>
      %swap3A_576 = vector.shape_cast %add3A_567 : vector<16xf32> to vector<1x16xf32>
      tpu.vector_store %arg17[%swap3A_572, %swap3A_573], %swap3A_576 {strides = array<i32>} : memref<64x128xf32, #tpu.memory_space<vmem>>, vector<1x16xf32>,
      %mul3A_577 = arith.constant 16 : i32
      %mul3A_578 = arith.muli %scan3A_149, %mul3A_577 : i32
      %add3A_579 = arith.constant 7 : i32
      %add3A_580 = arith.addi %mul3A_578, %add3A_579 : i32
      %slice3A_581 = vector.extract_strided_slice %get3A_155 {offsets = [7], sizes = [1], strides = [1]} : vector<16xi32> to vector<1xi32>
      %squeeze3A_582 = vector.extract %slice3A_581[0] : i32 from vector<1xi32>
      %and3A_583 = arith.constant 255 : i32
      %and3A_584 = arith.andi %squeeze3A_582, %and3A_583 : i32
      %multiple_of3A_585 = tpu.assume_multiple %and3A_584, 32 : i32
      %shift_right_arithmetic3A_586 = arith.constant 8 : i32
      %shift_right_arithmetic3A_587 = arith.shrsi %squeeze3A_582, %shift_right_arithmetic3A_586 : i32
      %and3A_588 = arith.constant 255 : i32
      %and3A_589 = arith.andi %shift_right_arithmetic3A_587, %and3A_588 : i32
      %multiple_of3A_590 = tpu.assume_multiple %and3A_589, 32 : i32
      %shift_right_arithmetic3A_591 = arith.constant 16 : i32
      %shift_right_arithmetic3A_592 = arith.shrsi %squeeze3A_582, %shift_right_arithmetic3A_591 : i32
      %multiple_of3A_593 = tpu.assume_multiple %shift_right_arithmetic3A_592, 32 : i32
      %get3A_594 = arith.index_cast %add3A_580 : i32 to index
      %get3A_595 = arith.index_cast %multiple_of3A_585 : i32 to index
      %get3A_596 = tpu.vector_load %arg14[%get3A_594, %get3A_595] {strides = array<i32>} : memref<128x128xf32, #tpu.memory_space<vmem>>, vector<1x16xf32>,
      %get3A_597 = vector.shape_cast %get3A_596 : vector<1x16xf32> to vector<16xf32>
      %get3A_598 = arith.index_cast %add3A_580 : i32 to index
      %get3A_599 = arith.index_cast %multiple_of3A_590 : i32 to index
      %get3A_600 = tpu.vector_load %arg15[%get3A_598, %get3A_599] {strides = array<i32>} : memref<128x128xf32, #tpu.memory_space<vmem>>, vector<1x16xf32>,
      %get3A_601 = vector.shape_cast %get3A_600 : vector<1x16xf32> to vector<16xf32>
      %mul3A_602 = arith.mulf %get3A_597, %get3A_601 : vector<16xf32>
      %get3A_603 = arith.index_cast %add3A_580 : i32 to index
      %get3A_604 = arith.index_cast %multiple_of3A_593 : i32 to index
      %get3A_605 = tpu.vector_load %arg16[%get3A_603, %get3A_604] {strides = array<i32>} : memref<128x128xf32, #tpu.memory_space<vmem>>, vector<1x16xf32>,
      %get3A_606 = vector.shape_cast %get3A_605 : vector<1x16xf32> to vector<16xf32>
      %mul3A_607 = arith.mulf %mul3A_602, %get3A_606 : vector<16xf32>
      %add3A_608 = arith.constant 16 : i32
      %add3A_609 = arith.addi %multiple_of3A_585, %add3A_608 : i32
      %get3A_610 = arith.index_cast %add3A_580 : i32 to index
      %get3A_611 = arith.index_cast %add3A_609 : i32 to index
      %get3A_612 = tpu.vector_load %arg14[%get3A_610, %get3A_611] {strides = array<i32>} : memref<128x128xf32, #tpu.memory_space<vmem>>, vector<1x16xf32>,
      %get3A_613 = vector.shape_cast %get3A_612 : vector<1x16xf32> to vector<16xf32>
      %add3A_614 = arith.constant 16 : i32
      %add3A_615 = arith.addi %multiple_of3A_590, %add3A_614 : i32
      %get3A_616 = arith.index_cast %add3A_580 : i32 to index
      %get3A_617 = arith.index_cast %add3A_615 : i32 to index
      %get3A_618 = tpu.vector_load %arg15[%get3A_616, %get3A_617] {strides = array<i32>} : memref<128x128xf32, #tpu.memory_space<vmem>>, vector<1x16xf32>,
      %get3A_619 = vector.shape_cast %get3A_618 : vector<1x16xf32> to vector<16xf32>
      %mul3A_620 = arith.mulf %get3A_613, %get3A_619 : vector<16xf32>
      %add3A_621 = arith.constant 16 : i32
      %add3A_622 = arith.addi %multiple_of3A_593, %add3A_621 : i32
      %get3A_623 = arith.index_cast %add3A_580 : i32 to index
      %get3A_624 = arith.index_cast %add3A_622 : i32 to index
      %get3A_625 = tpu.vector_load %arg16[%get3A_623, %get3A_624] {strides = array<i32>} : memref<128x128xf32, #tpu.memory_space<vmem>>, vector<1x16xf32>,
      %get3A_626 = vector.shape_cast %get3A_625 : vector<1x16xf32> to vector<16xf32>
      %mul3A_627 = arith.mulf %mul3A_620, %get3A_626 : vector<16xf32>
      %add3A_628 = arith.addf %mul3A_607, %mul3A_627 : vector<16xf32>
      %shift_right_arithmetic3A_629 = arith.constant 3 : i32
      %shift_right_arithmetic3A_630 = arith.shrsi %add3A_153, %shift_right_arithmetic3A_629 : i32
      %add3A_631 = arith.constant 0 : i32
      %add3A_632 = arith.addi %shift_right_arithmetic3A_630, %add3A_631 : i32
      %swap3A_633 = arith.index_cast %add3A_632 : i32 to index
      %swap3A_634 = arith.constant 112 : index
      %swap3A_635 = tpu.vector_load %arg17[%swap3A_633, %swap3A_634] {strides = array<i32>} : memref<64x128xf32, #tpu.memory_space<vmem>>, vector<1x16xf32>,
      %swap3A_636 = vector.shape_cast %swap3A_635 : vector<1x16xf32> to vector<16xf32>
      %swap3A_637 = vector.shape_cast %add3A_628 : vector<16xf32> to vector<1x16xf32>
      tpu.vector_store %arg17[%swap3A_633, %swap3A_634], %swap3A_637 {strides = array<i32>} : memref<64x128xf32, #tpu.memory_space<vmem>>, vector<1x16xf32>,
      %mul3A_638 = arith.constant 16 : i32
      %mul3A_639 = arith.muli %scan3A_149, %mul3A_638 : i32
      %add3A_640 = arith.constant 8 : i32
      %add3A_641 = arith.addi %mul3A_639, %add3A_640 : i32
      %slice3A_642 = vector.extract_strided_slice %get3A_155 {offsets = [8], sizes = [1], strides = [1]} : vector<16xi32> to vector<1xi32>
      %squeeze3A_643 = vector.extract %slice3A_642[0] : i32 from vector<1xi32>
      %and3A_644 = arith.constant 255 : i32
      %and3A_645 = arith.andi %squeeze3A_643, %and3A_644 : i32
      %multiple_of3A_646 = tpu.assume_multiple %and3A_645, 32 : i32
      %shift_right_arithmetic3A_647 = arith.constant 8 : i32
      %shift_right_arithmetic3A_648 = arith.shrsi %squeeze3A_643, %shift_right_arithmetic3A_647 : i32
      %and3A_649 = arith.constant 255 : i32
      %and3A_650 = arith.andi %shift_right_arithmetic3A_648, %and3A_649 : i32
      %multiple_of3A_651 = tpu.assume_multiple %and3A_650, 32 : i32
      %shift_right_arithmetic3A_652 = arith.constant 16 : i32
      %shift_right_arithmetic3A_653 = arith.shrsi %squeeze3A_643, %shift_right_arithmetic3A_652 : i32
      %multiple_of3A_654 = tpu.assume_multiple %shift_right_arithmetic3A_653, 32 : i32
      %get3A_655 = arith.index_cast %add3A_641 : i32 to index
      %get3A_656 = arith.index_cast %multiple_of3A_646 : i32 to index
      %get3A_657 = tpu.vector_load %arg14[%get3A_655, %get3A_656] {strides = array<i32>} : memref<128x128xf32, #tpu.memory_space<vmem>>, vector<1x16xf32>,
      %get3A_658 = vector.shape_cast %get3A_657 : vector<1x16xf32> to vector<16xf32>
      %get3A_659 = arith.index_cast %add3A_641 : i32 to index
      %get3A_660 = arith.index_cast %multiple_of3A_651 : i32 to index
      %get3A_661 = tpu.vector_load %arg15[%get3A_659, %get3A_660] {strides = array<i32>} : memref<128x128xf32, #tpu.memory_space<vmem>>, vector<1x16xf32>,
      %get3A_662 = vector.shape_cast %get3A_661 : vector<1x16xf32> to vector<16xf32>
      %mul3A_663 = arith.mulf %get3A_658, %get3A_662 : vector<16xf32>
      %get3A_664 = arith.index_cast %add3A_641 : i32 to index
      %get3A_665 = arith.index_cast %multiple_of3A_654 : i32 to index
      %get3A_666 = tpu.vector_load %arg16[%get3A_664, %get3A_665] {strides = array<i32>} : memref<128x128xf32, #tpu.memory_space<vmem>>, vector<1x16xf32>,
      %get3A_667 = vector.shape_cast %get3A_666 : vector<1x16xf32> to vector<16xf32>
      %mul3A_668 = arith.mulf %mul3A_663, %get3A_667 : vector<16xf32>
      %add3A_669 = arith.constant 16 : i32
      %add3A_670 = arith.addi %multiple_of3A_646, %add3A_669 : i32
      %get3A_671 = arith.index_cast %add3A_641 : i32 to index
      %get3A_672 = arith.index_cast %add3A_670 : i32 to index
      %get3A_673 = tpu.vector_load %arg14[%get3A_671, %get3A_672] {strides = array<i32>} : memref<128x128xf32, #tpu.memory_space<vmem>>, vector<1x16xf32>,
      %get3A_674 = vector.shape_cast %get3A_673 : vector<1x16xf32> to vector<16xf32>
      %add3A_675 = arith.constant 16 : i32
      %add3A_676 = arith.addi %multiple_of3A_651, %add3A_675 : i32
      %get3A_677 = arith.index_cast %add3A_641 : i32 to index
      %get3A_678 = arith.index_cast %add3A_676 : i32 to index
      %get3A_679 = tpu.vector_load %arg15[%get3A_677, %get3A_678] {strides = array<i32>} : memref<128x128xf32, #tpu.memory_space<vmem>>, vector<1x16xf32>,
      %get3A_680 = vector.shape_cast %get3A_679 : vector<1x16xf32> to vector<16xf32>
      %mul3A_681 = arith.mulf %get3A_674, %get3A_680 : vector<16xf32>
      %add3A_682 = arith.constant 16 : i32
      %add3A_683 = arith.addi %multiple_of3A_654, %add3A_682 : i32
      %get3A_684 = arith.index_cast %add3A_641 : i32 to index
      %get3A_685 = arith.index_cast %add3A_683 : i32 to index
      %get3A_686 = tpu.vector_load %arg16[%get3A_684, %get3A_685] {strides = array<i32>} : memref<128x128xf32, #tpu.memory_space<vmem>>, vector<1x16xf32>,
      %get3A_687 = vector.shape_cast %get3A_686 : vector<1x16xf32> to vector<16xf32>
      %mul3A_688 = arith.mulf %mul3A_681, %get3A_687 : vector<16xf32>
      %add3A_689 = arith.addf %mul3A_668, %mul3A_688 : vector<16xf32>
      %shift_right_arithmetic3A_690 = arith.constant 3 : i32
      %shift_right_arithmetic3A_691 = arith.shrsi %add3A_153, %shift_right_arithmetic3A_690 : i32
      %add3A_692 = arith.constant 1 : i32
      %add3A_693 = arith.addi %shift_right_arithmetic3A_691, %add3A_692 : i32
      %swap3A_694 = arith.index_cast %add3A_693 : i32 to index
      %swap3A_695 = arith.constant 0 : index
      %swap3A_696 = tpu.vector_load %arg17[%swap3A_694, %swap3A_695] {strides = array<i32>} : memref<64x128xf32, #tpu.memory_space<vmem>>, vector<1x16xf32>,
      %swap3A_697 = vector.shape_cast %swap3A_696 : vector<1x16xf32> to vector<16xf32>
      %swap3A_698 = vector.shape_cast %add3A_689 : vector<16xf32> to vector<1x16xf32>
      tpu.vector_store %arg17[%swap3A_694, %swap3A_695], %swap3A_698 {strides = array<i32>} : memref<64x128xf32, #tpu.memory_space<vmem>>, vector<1x16xf32>,
      %mul3A_699 = arith.constant 16 : i32
      %mul3A_700 = arith.muli %scan3A_149, %mul3A_699 : i32
      %add3A_701 = arith.constant 9 : i32
      %add3A_702 = arith.addi %mul3A_700, %add3A_701 : i32
      %slice3A_703 = vector.extract_strided_slice %get3A_155 {offsets = [9], sizes = [1], strides = [1]} : vector<16xi32> to vector<1xi32>
      %squeeze3A_704 = vector.extract %slice3A_703[0] : i32 from vector<1xi32>
      %and3A_705 = arith.constant 255 : i32
      %and3A_706 = arith.andi %squeeze3A_704, %and3A_705 : i32
      %multiple_of3A_707 = tpu.assume_multiple %and3A_706, 32 : i32
      %shift_right_arithmetic3A_708 = arith.constant 8 : i32
      %shift_right_arithmetic3A_709 = arith.shrsi %squeeze3A_704, %shift_right_arithmetic3A_708 : i32
      %and3A_710 = arith.constant 255 : i32
      %and3A_711 = arith.andi %shift_right_arithmetic3A_709, %and3A_710 : i32
      %multiple_of3A_712 = tpu.assume_multiple %and3A_711, 32 : i32
      %shift_right_arithmetic3A_713 = arith.constant 16 : i32
      %shift_right_arithmetic3A_714 = arith.shrsi %squeeze3A_704, %shift_right_arithmetic3A_713 : i32
      %multiple_of3A_715 = tpu.assume_multiple %shift_right_arithmetic3A_714, 32 : i32
      %get3A_716 = arith.index_cast %add3A_702 : i32 to index
      %get3A_717 = arith.index_cast %multiple_of3A_707 : i32 to index
      %get3A_718 = tpu.vector_load %arg14[%get3A_716, %get3A_717] {strides = array<i32>} : memref<128x128xf32, #tpu.memory_space<vmem>>, vector<1x16xf32>,
      %get3A_719 = vector.shape_cast %get3A_718 : vector<1x16xf32> to vector<16xf32>
      %get3A_720 = arith.index_cast %add3A_702 : i32 to index
      %get3A_721 = arith.index_cast %multiple_of3A_712 : i32 to index
      %get3A_722 = tpu.vector_load %arg15[%get3A_720, %get3A_721] {strides = array<i32>} : memref<128x128xf32, #tpu.memory_space<vmem>>, vector<1x16xf32>,
      %get3A_723 = vector.shape_cast %get3A_722 : vector<1x16xf32> to vector<16xf32>
      %mul3A_724 = arith.mulf %get3A_719, %get3A_723 : vector<16xf32>
      %get3A_725 = arith.index_cast %add3A_702 : i32 to index
      %get3A_726 = arith.index_cast %multiple_of3A_715 : i32 to index
      %get3A_727 = tpu.vector_load %arg16[%get3A_725, %get3A_726] {strides = array<i32>} : memref<128x128xf32, #tpu.memory_space<vmem>>, vector<1x16xf32>,
      %get3A_728 = vector.shape_cast %get3A_727 : vector<1x16xf32> to vector<16xf32>
      %mul3A_729 = arith.mulf %mul3A_724, %get3A_728 : vector<16xf32>
      %add3A_730 = arith.constant 16 : i32
      %add3A_731 = arith.addi %multiple_of3A_707, %add3A_730 : i32
      %get3A_732 = arith.index_cast %add3A_702 : i32 to index
      %get3A_733 = arith.index_cast %add3A_731 : i32 to index
      %get3A_734 = tpu.vector_load %arg14[%get3A_732, %get3A_733] {strides = array<i32>} : memref<128x128xf32, #tpu.memory_space<vmem>>, vector<1x16xf32>,
      %get3A_735 = vector.shape_cast %get3A_734 : vector<1x16xf32> to vector<16xf32>
      %add3A_736 = arith.constant 16 : i32
      %add3A_737 = arith.addi %multiple_of3A_712, %add3A_736 : i32
      %get3A_738 = arith.index_cast %add3A_702 : i32 to index
      %get3A_739 = arith.index_cast %add3A_737 : i32 to index
      %get3A_740 = tpu.vector_load %arg15[%get3A_738, %get3A_739] {strides = array<i32>} : memref<128x128xf32, #tpu.memory_space<vmem>>, vector<1x16xf32>,
      %get3A_741 = vector.shape_cast %get3A_740 : vector<1x16xf32> to vector<16xf32>
      %mul3A_742 = arith.mulf %get3A_735, %get3A_741 : vector<16xf32>
      %add3A_743 = arith.constant 16 : i32
      %add3A_744 = arith.addi %multiple_of3A_715, %add3A_743 : i32
      %get3A_745 = arith.index_cast %add3A_702 : i32 to index
      %get3A_746 = arith.index_cast %add3A_744 : i32 to index
      %get3A_747 = tpu.vector_load %arg16[%get3A_745, %get3A_746] {strides = array<i32>} : memref<128x128xf32, #tpu.memory_space<vmem>>, vector<1x16xf32>,
      %get3A_748 = vector.shape_cast %get3A_747 : vector<1x16xf32> to vector<16xf32>
      %mul3A_749 = arith.mulf %mul3A_742, %get3A_748 : vector<16xf32>
      %add3A_750 = arith.addf %mul3A_729, %mul3A_749 : vector<16xf32>
      %shift_right_arithmetic3A_751 = arith.constant 3 : i32
      %shift_right_arithmetic3A_752 = arith.shrsi %add3A_153, %shift_right_arithmetic3A_751 : i32
      %add3A_753 = arith.constant 1 : i32
      %add3A_754 = arith.addi %shift_right_arithmetic3A_752, %add3A_753 : i32
      %swap3A_755 = arith.index_cast %add3A_754 : i32 to index
      %swap3A_756 = arith.constant 16 : index
      %swap3A_757 = tpu.vector_load %arg17[%swap3A_755, %swap3A_756] {strides = array<i32>} : memref<64x128xf32, #tpu.memory_space<vmem>>, vector<1x16xf32>,
      %swap3A_758 = vector.shape_cast %swap3A_757 : vector<1x16xf32> to vector<16xf32>
      %swap3A_759 = vector.shape_cast %add3A_750 : vector<16xf32> to vector<1x16xf32>
      tpu.vector_store %arg17[%swap3A_755, %swap3A_756], %swap3A_759 {strides = array<i32>} : memref<64x128xf32, #tpu.memory_space<vmem>>, vector<1x16xf32>,
      %mul3A_760 = arith.constant 16 : i32
      %mul3A_761 = arith.muli %scan3A_149, %mul3A_760 : i32
      %add3A_762 = arith.constant 10 : i32
      %add3A_763 = arith.addi %mul3A_761, %add3A_762 : i32
      %slice3A_764 = vector.extract_strided_slice %get3A_155 {offsets = [10], sizes = [1], strides = [1]} : vector<16xi32> to vector<1xi32>
      %squeeze3A_765 = vector.extract %slice3A_764[0] : i32 from vector<1xi32>
      %and3A_766 = arith.constant 255 : i32
      %and3A_767 = arith.andi %squeeze3A_765, %and3A_766 : i32
      %multiple_of3A_768 = tpu.assume_multiple %and3A_767, 32 : i32
      %shift_right_arithmetic3A_769 = arith.constant 8 : i32
      %shift_right_arithmetic3A_770 = arith.shrsi %squeeze3A_765, %shift_right_arithmetic3A_769 : i32
      %and3A_771 = arith.constant 255 : i32
      %and3A_772 = arith.andi %shift_right_arithmetic3A_770, %and3A_771 : i32
      %multiple_of3A_773 = tpu.assume_multiple %and3A_772, 32 : i32
      %shift_right_arithmetic3A_774 = arith.constant 16 : i32
      %shift_right_arithmetic3A_775 = arith.shrsi %squeeze3A_765, %shift_right_arithmetic3A_774 : i32
      %multiple_of3A_776 = tpu.assume_multiple %shift_right_arithmetic3A_775, 32 : i32
      %get3A_777 = arith.index_cast %add3A_763 : i32 to index
      %get3A_778 = arith.index_cast %multiple_of3A_768 : i32 to index
      %get3A_779 = tpu.vector_load %arg14[%get3A_777, %get3A_778] {strides = array<i32>} : memref<128x128xf32, #tpu.memory_space<vmem>>, vector<1x16xf32>,
      %get3A_780 = vector.shape_cast %get3A_779 : vector<1x16xf32> to vector<16xf32>
      %get3A_781 = arith.index_cast %add3A_763 : i32 to index
      %get3A_782 = arith.index_cast %multiple_of3A_773 : i32 to index
      %get3A_783 = tpu.vector_load %arg15[%get3A_781, %get3A_782] {strides = array<i32>} : memref<128x128xf32, #tpu.memory_space<vmem>>, vector<1x16xf32>,
      %get3A_784 = vector.shape_cast %get3A_783 : vector<1x16xf32> to vector<16xf32>
      %mul3A_785 = arith.mulf %get3A_780, %get3A_784 : vector<16xf32>
      %get3A_786 = arith.index_cast %add3A_763 : i32 to index
      %get3A_787 = arith.index_cast %multiple_of3A_776 : i32 to index
      %get3A_788 = tpu.vector_load %arg16[%get3A_786, %get3A_787] {strides = array<i32>} : memref<128x128xf32, #tpu.memory_space<vmem>>, vector<1x16xf32>,
      %get3A_789 = vector.shape_cast %get3A_788 : vector<1x16xf32> to vector<16xf32>
      %mul3A_790 = arith.mulf %mul3A_785, %get3A_789 : vector<16xf32>
      %add3A_791 = arith.constant 16 : i32
      %add3A_792 = arith.addi %multiple_of3A_768, %add3A_791 : i32
      %get3A_793 = arith.index_cast %add3A_763 : i32 to index
      %get3A_794 = arith.index_cast %add3A_792 : i32 to index
      %get3A_795 = tpu.vector_load %arg14[%get3A_793, %get3A_794] {strides = array<i32>} : memref<128x128xf32, #tpu.memory_space<vmem>>, vector<1x16xf32>,
      %get3A_796 = vector.shape_cast %get3A_795 : vector<1x16xf32> to vector<16xf32>
      %add3A_797 = arith.constant 16 : i32
      %add3A_798 = arith.addi %multiple_of3A_773, %add3A_797 : i32
      %get3A_799 = arith.index_cast %add3A_763 : i32 to index
      %get3A_800 = arith.index_cast %add3A_798 : i32 to index
      %get3A_801 = tpu.vector_load %arg15[%get3A_799, %get3A_800] {strides = array<i32>} : memref<128x128xf32, #tpu.memory_space<vmem>>, vector<1x16xf32>,
      %get3A_802 = vector.shape_cast %get3A_801 : vector<1x16xf32> to vector<16xf32>
      %mul3A_803 = arith.mulf %get3A_796, %get3A_802 : vector<16xf32>
      %add3A_804 = arith.constant 16 : i32
      %add3A_805 = arith.addi %multiple_of3A_776, %add3A_804 : i32
      %get3A_806 = arith.index_cast %add3A_763 : i32 to index
      %get3A_807 = arith.index_cast %add3A_805 : i32 to index
      %get3A_808 = tpu.vector_load %arg16[%get3A_806, %get3A_807] {strides = array<i32>} : memref<128x128xf32, #tpu.memory_space<vmem>>, vector<1x16xf32>,
      %get3A_809 = vector.shape_cast %get3A_808 : vector<1x16xf32> to vector<16xf32>
      %mul3A_810 = arith.mulf %mul3A_803, %get3A_809 : vector<16xf32>
      %add3A_811 = arith.addf %mul3A_790, %mul3A_810 : vector<16xf32>
      %shift_right_arithmetic3A_812 = arith.constant 3 : i32
      %shift_right_arithmetic3A_813 = arith.shrsi %add3A_153, %shift_right_arithmetic3A_812 : i32
      %add3A_814 = arith.constant 1 : i32
      %add3A_815 = arith.addi %shift_right_arithmetic3A_813, %add3A_814 : i32
      %swap3A_816 = arith.index_cast %add3A_815 : i32 to index
      %swap3A_817 = arith.constant 32 : index
      %swap3A_818 = tpu.vector_load %arg17[%swap3A_816, %swap3A_817] {strides = array<i32>} : memref<64x128xf32, #tpu.memory_space<vmem>>, vector<1x16xf32>,
      %swap3A_819 = vector.shape_cast %swap3A_818 : vector<1x16xf32> to vector<16xf32>
      %swap3A_820 = vector.shape_cast %add3A_811 : vector<16xf32> to vector<1x16xf32>
      tpu.vector_store %arg17[%swap3A_816, %swap3A_817], %swap3A_820 {strides = array<i32>} : memref<64x128xf32, #tpu.memory_space<vmem>>, vector<1x16xf32>,
      %mul3A_821 = arith.constant 16 : i32
      %mul3A_822 = arith.muli %scan3A_149, %mul3A_821 : i32
      %add3A_823 = arith.constant 11 : i32
      %add3A_824 = arith.addi %mul3A_822, %add3A_823 : i32
      %slice3A_825 = vector.extract_strided_slice %get3A_155 {offsets = [11], sizes = [1], strides = [1]} : vector<16xi32> to vector<1xi32>
      %squeeze3A_826 = vector.extract %slice3A_825[0] : i32 from vector<1xi32>
      %and3A_827 = arith.constant 255 : i32
      %and3A_828 = arith.andi %squeeze3A_826, %and3A_827 : i32
      %multiple_of3A_829 = tpu.assume_multiple %and3A_828, 32 : i32
      %shift_right_arithmetic3A_830 = arith.constant 8 : i32
      %shift_right_arithmetic3A_831 = arith.shrsi %squeeze3A_826, %shift_right_arithmetic3A_830 : i32
      %and3A_832 = arith.constant 255 : i32
      %and3A_833 = arith.andi %shift_right_arithmetic3A_831, %and3A_832 : i32
      %multiple_of3A_834 = tpu.assume_multiple %and3A_833, 32 : i32
      %shift_right_arithmetic3A_835 = arith.constant 16 : i32
      %shift_right_arithmetic3A_836 = arith.shrsi %squeeze3A_826, %shift_right_arithmetic3A_835 : i32
      %multiple_of3A_837 = tpu.assume_multiple %shift_right_arithmetic3A_836, 32 : i32
      %get3A_838 = arith.index_cast %add3A_824 : i32 to index
      %get3A_839 = arith.index_cast %multiple_of3A_829 : i32 to index
      %get3A_840 = tpu.vector_load %arg14[%get3A_838, %get3A_839] {strides = array<i32>} : memref<128x128xf32, #tpu.memory_space<vmem>>, vector<1x16xf32>,
      %get3A_841 = vector.shape_cast %get3A_840 : vector<1x16xf32> to vector<16xf32>
      %get3A_842 = arith.index_cast %add3A_824 : i32 to index
      %get3A_843 = arith.index_cast %multiple_of3A_834 : i32 to index
      %get3A_844 = tpu.vector_load %arg15[%get3A_842, %get3A_843] {strides = array<i32>} : memref<128x128xf32, #tpu.memory_space<vmem>>, vector<1x16xf32>,
      %get3A_845 = vector.shape_cast %get3A_844 : vector<1x16xf32> to vector<16xf32>
      %mul3A_846 = arith.mulf %get3A_841, %get3A_845 : vector<16xf32>
      %get3A_847 = arith.index_cast %add3A_824 : i32 to index
      %get3A_848 = arith.index_cast %multiple_of3A_837 : i32 to index
      %get3A_849 = tpu.vector_load %arg16[%get3A_847, %get3A_848] {strides = array<i32>} : memref<128x128xf32, #tpu.memory_space<vmem>>, vector<1x16xf32>,
      %get3A_850 = vector.shape_cast %get3A_849 : vector<1x16xf32> to vector<16xf32>
      %mul3A_851 = arith.mulf %mul3A_846, %get3A_850 : vector<16xf32>
      %add3A_852 = arith.constant 16 : i32
      %add3A_853 = arith.addi %multiple_of3A_829, %add3A_852 : i32
      %get3A_854 = arith.index_cast %add3A_824 : i32 to index
      %get3A_855 = arith.index_cast %add3A_853 : i32 to index
      %get3A_856 = tpu.vector_load %arg14[%get3A_854, %get3A_855] {strides = array<i32>} : memref<128x128xf32, #tpu.memory_space<vmem>>, vector<1x16xf32>,
      %get3A_857 = vector.shape_cast %get3A_856 : vector<1x16xf32> to vector<16xf32>
      %add3A_858 = arith.constant 16 : i32
      %add3A_859 = arith.addi %multiple_of3A_834, %add3A_858 : i32
      %get3A_860 = arith.index_cast %add3A_824 : i32 to index
      %get3A_861 = arith.index_cast %add3A_859 : i32 to index
      %get3A_862 = tpu.vector_load %arg15[%get3A_860, %get3A_861] {strides = array<i32>} : memref<128x128xf32, #tpu.memory_space<vmem>>, vector<1x16xf32>,
      %get3A_863 = vector.shape_cast %get3A_862 : vector<1x16xf32> to vector<16xf32>
      %mul3A_864 = arith.mulf %get3A_857, %get3A_863 : vector<16xf32>
      %add3A_865 = arith.constant 16 : i32
      %add3A_866 = arith.addi %multiple_of3A_837, %add3A_865 : i32
      %get3A_867 = arith.index_cast %add3A_824 : i32 to index
      %get3A_868 = arith.index_cast %add3A_866 : i32 to index
      %get3A_869 = tpu.vector_load %arg16[%get3A_867, %get3A_868] {strides = array<i32>} : memref<128x128xf32, #tpu.memory_space<vmem>>, vector<1x16xf32>,
      %get3A_870 = vector.shape_cast %get3A_869 : vector<1x16xf32> to vector<16xf32>
      %mul3A_871 = arith.mulf %mul3A_864, %get3A_870 : vector<16xf32>
      %add3A_872 = arith.addf %mul3A_851, %mul3A_871 : vector<16xf32>
      %shift_right_arithmetic3A_873 = arith.constant 3 : i32
      %shift_right_arithmetic3A_874 = arith.shrsi %add3A_153, %shift_right_arithmetic3A_873 : i32
      %add3A_875 = arith.constant 1 : i32
      %add3A_876 = arith.addi %shift_right_arithmetic3A_874, %add3A_875 : i32
      %swap3A_877 = arith.index_cast %add3A_876 : i32 to index
      %swap3A_878 = arith.constant 48 : index
      %swap3A_879 = tpu.vector_load %arg17[%swap3A_877, %swap3A_878] {strides = array<i32>} : memref<64x128xf32, #tpu.memory_space<vmem>>, vector<1x16xf32>,
      %swap3A_880 = vector.shape_cast %swap3A_879 : vector<1x16xf32> to vector<16xf32>
      %swap3A_881 = vector.shape_cast %add3A_872 : vector<16xf32> to vector<1x16xf32>
      tpu.vector_store %arg17[%swap3A_877, %swap3A_878], %swap3A_881 {strides = array<i32>} : memref<64x128xf32, #tpu.memory_space<vmem>>, vector<1x16xf32>,
      %mul3A_882 = arith.constant 16 : i32
      %mul3A_883 = arith.muli %scan3A_149, %mul3A_882 : i32
      %add3A_884 = arith.constant 12 : i32
      %add3A_885 = arith.addi %mul3A_883, %add3A_884 : i32
      %slice3A_886 = vector.extract_strided_slice %get3A_155 {offsets = [12], sizes = [1], strides = [1]} : vector<16xi32> to vector<1xi32>
      %squeeze3A_887 = vector.extract %slice3A_886[0] : i32 from vector<1xi32>
      %and3A_888 = arith.constant 255 : i32
      %and3A_889 = arith.andi %squeeze3A_887, %and3A_888 : i32
      %multiple_of3A_890 = tpu.assume_multiple %and3A_889, 32 : i32
      %shift_right_arithmetic3A_891 = arith.constant 8 : i32
      %shift_right_arithmetic3A_892 = arith.shrsi %squeeze3A_887, %shift_right_arithmetic3A_891 : i32
      %and3A_893 = arith.constant 255 : i32
      %and3A_894 = arith.andi %shift_right_arithmetic3A_892, %and3A_893 : i32
      %multiple_of3A_895 = tpu.assume_multiple %and3A_894, 32 : i32
      %shift_right_arithmetic3A_896 = arith.constant 16 : i32
      %shift_right_arithmetic3A_897 = arith.shrsi %squeeze3A_887, %shift_right_arithmetic3A_896 : i32
      %multiple_of3A_898 = tpu.assume_multiple %shift_right_arithmetic3A_897, 32 : i32
      %get3A_899 = arith.index_cast %add3A_885 : i32 to index
      %get3A_900 = arith.index_cast %multiple_of3A_890 : i32 to index
      %get3A_901 = tpu.vector_load %arg14[%get3A_899, %get3A_900] {strides = array<i32>} : memref<128x128xf32, #tpu.memory_space<vmem>>, vector<1x16xf32>,
      %get3A_902 = vector.shape_cast %get3A_901 : vector<1x16xf32> to vector<16xf32>
      %get3A_903 = arith.index_cast %add3A_885 : i32 to index
      %get3A_904 = arith.index_cast %multiple_of3A_895 : i32 to index
      %get3A_905 = tpu.vector_load %arg15[%get3A_903, %get3A_904] {strides = array<i32>} : memref<128x128xf32, #tpu.memory_space<vmem>>, vector<1x16xf32>,
      %get3A_906 = vector.shape_cast %get3A_905 : vector<1x16xf32> to vector<16xf32>
      %mul3A_907 = arith.mulf %get3A_902, %get3A_906 : vector<16xf32>
      %get3A_908 = arith.index_cast %add3A_885 : i32 to index
      %get3A_909 = arith.index_cast %multiple_of3A_898 : i32 to index
      %get3A_910 = tpu.vector_load %arg16[%get3A_908, %get3A_909] {strides = array<i32>} : memref<128x128xf32, #tpu.memory_space<vmem>>, vector<1x16xf32>,
      %get3A_911 = vector.shape_cast %get3A_910 : vector<1x16xf32> to vector<16xf32>
      %mul3A_912 = arith.mulf %mul3A_907, %get3A_911 : vector<16xf32>
      %add3A_913 = arith.constant 16 : i32
      %add3A_914 = arith.addi %multiple_of3A_890, %add3A_913 : i32
      %get3A_915 = arith.index_cast %add3A_885 : i32 to index
      %get3A_916 = arith.index_cast %add3A_914 : i32 to index
      %get3A_917 = tpu.vector_load %arg14[%get3A_915, %get3A_916] {strides = array<i32>} : memref<128x128xf32, #tpu.memory_space<vmem>>, vector<1x16xf32>,
      %get3A_918 = vector.shape_cast %get3A_917 : vector<1x16xf32> to vector<16xf32>
      %add3A_919 = arith.constant 16 : i32
      %add3A_920 = arith.addi %multiple_of3A_895, %add3A_919 : i32
      %get3A_921 = arith.index_cast %add3A_885 : i32 to index
      %get3A_922 = arith.index_cast %add3A_920 : i32 to index
      %get3A_923 = tpu.vector_load %arg15[%get3A_921, %get3A_922] {strides = array<i32>} : memref<128x128xf32, #tpu.memory_space<vmem>>, vector<1x16xf32>,
      %get3A_924 = vector.shape_cast %get3A_923 : vector<1x16xf32> to vector<16xf32>
      %mul3A_925 = arith.mulf %get3A_918, %get3A_924 : vector<16xf32>
      %add3A_926 = arith.constant 16 : i32
      %add3A_927 = arith.addi %multiple_of3A_898, %add3A_926 : i32
      %get3A_928 = arith.index_cast %add3A_885 : i32 to index
      %get3A_929 = arith.index_cast %add3A_927 : i32 to index
      %get3A_930 = tpu.vector_load %arg16[%get3A_928, %get3A_929] {strides = array<i32>} : memref<128x128xf32, #tpu.memory_space<vmem>>, vector<1x16xf32>,
      %get3A_931 = vector.shape_cast %get3A_930 : vector<1x16xf32> to vector<16xf32>
      %mul3A_932 = arith.mulf %mul3A_925, %get3A_931 : vector<16xf32>
      %add3A_933 = arith.addf %mul3A_912, %mul3A_932 : vector<16xf32>
      %shift_right_arithmetic3A_934 = arith.constant 3 : i32
      %shift_right_arithmetic3A_935 = arith.shrsi %add3A_153, %shift_right_arithmetic3A_934 : i32
      %add3A_936 = arith.constant 1 : i32
      %add3A_937 = arith.addi %shift_right_arithmetic3A_935, %add3A_936 : i32
      %swap3A_938 = arith.index_cast %add3A_937 : i32 to index
      %swap3A_939 = arith.constant 64 : index
      %swap3A_940 = tpu.vector_load %arg17[%swap3A_938, %swap3A_939] {strides = array<i32>} : memref<64x128xf32, #tpu.memory_space<vmem>>, vector<1x16xf32>,
      %swap3A_941 = vector.shape_cast %swap3A_940 : vector<1x16xf32> to vector<16xf32>
      %swap3A_942 = vector.shape_cast %add3A_933 : vector<16xf32> to vector<1x16xf32>
      tpu.vector_store %arg17[%swap3A_938, %swap3A_939], %swap3A_942 {strides = array<i32>} : memref<64x128xf32, #tpu.memory_space<vmem>>, vector<1x16xf32>,
      %mul3A_943 = arith.constant 16 : i32
      %mul3A_944 = arith.muli %scan3A_149, %mul3A_943 : i32
      %add3A_945 = arith.constant 13 : i32
      %add3A_946 = arith.addi %mul3A_944, %add3A_945 : i32
      %slice3A_947 = vector.extract_strided_slice %get3A_155 {offsets = [13], sizes = [1], strides = [1]} : vector<16xi32> to vector<1xi32>
      %squeeze3A_948 = vector.extract %slice3A_947[0] : i32 from vector<1xi32>
      %and3A_949 = arith.constant 255 : i32
      %and3A_950 = arith.andi %squeeze3A_948, %and3A_949 : i32
      %multiple_of3A_951 = tpu.assume_multiple %and3A_950, 32 : i32
      %shift_right_arithmetic3A_952 = arith.constant 8 : i32
      %shift_right_arithmetic3A_953 = arith.shrsi %squeeze3A_948, %shift_right_arithmetic3A_952 : i32
      %and3A_954 = arith.constant 255 : i32
      %and3A_955 = arith.andi %shift_right_arithmetic3A_953, %and3A_954 : i32
      %multiple_of3A_956 = tpu.assume_multiple %and3A_955, 32 : i32
      %shift_right_arithmetic3A_957 = arith.constant 16 : i32
      %shift_right_arithmetic3A_958 = arith.shrsi %squeeze3A_948, %shift_right_arithmetic3A_957 : i32
      %multiple_of3A_959 = tpu.assume_multiple %shift_right_arithmetic3A_958, 32 : i32
      %get3A_960 = arith.index_cast %add3A_946 : i32 to index
      %get3A_961 = arith.index_cast %multiple_of3A_951 : i32 to index
      %get3A_962 = tpu.vector_load %arg14[%get3A_960, %get3A_961] {strides = array<i32>} : memref<128x128xf32, #tpu.memory_space<vmem>>, vector<1x16xf32>,
      %get3A_963 = vector.shape_cast %get3A_962 : vector<1x16xf32> to vector<16xf32>
      %get3A_964 = arith.index_cast %add3A_946 : i32 to index
      %get3A_965 = arith.index_cast %multiple_of3A_956 : i32 to index
      %get3A_966 = tpu.vector_load %arg15[%get3A_964, %get3A_965] {strides = array<i32>} : memref<128x128xf32, #tpu.memory_space<vmem>>, vector<1x16xf32>,
      %get3A_967 = vector.shape_cast %get3A_966 : vector<1x16xf32> to vector<16xf32>
      %mul3A_968 = arith.mulf %get3A_963, %get3A_967 : vector<16xf32>
      %get3A_969 = arith.index_cast %add3A_946 : i32 to index
      %get3A_970 = arith.index_cast %multiple_of3A_959 : i32 to index
      %get3A_971 = tpu.vector_load %arg16[%get3A_969, %get3A_970] {strides = array<i32>} : memref<128x128xf32, #tpu.memory_space<vmem>>, vector<1x16xf32>,
      %get3A_972 = vector.shape_cast %get3A_971 : vector<1x16xf32> to vector<16xf32>
      %mul3A_973 = arith.mulf %mul3A_968, %get3A_972 : vector<16xf32>
      %add3A_974 = arith.constant 16 : i32
      %add3A_975 = arith.addi %multiple_of3A_951, %add3A_974 : i32
      %get3A_976 = arith.index_cast %add3A_946 : i32 to index
      %get3A_977 = arith.index_cast %add3A_975 : i32 to index
      %get3A_978 = tpu.vector_load %arg14[%get3A_976, %get3A_977] {strides = array<i32>} : memref<128x128xf32, #tpu.memory_space<vmem>>, vector<1x16xf32>,
      %get3A_979 = vector.shape_cast %get3A_978 : vector<1x16xf32> to vector<16xf32>
      %add3A_980 = arith.constant 16 : i32
      %add3A_981 = arith.addi %multiple_of3A_956, %add3A_980 : i32
      %get3A_982 = arith.index_cast %add3A_946 : i32 to index
      %get3A_983 = arith.index_cast %add3A_981 : i32 to index
      %get3A_984 = tpu.vector_load %arg15[%get3A_982, %get3A_983] {strides = array<i32>} : memref<128x128xf32, #tpu.memory_space<vmem>>, vector<1x16xf32>,
      %get3A_985 = vector.shape_cast %get3A_984 : vector<1x16xf32> to vector<16xf32>
      %mul3A_986 = arith.mulf %get3A_979, %get3A_985 : vector<16xf32>
      %add3A_987 = arith.constant 16 : i32
      %add3A_988 = arith.addi %multiple_of3A_959, %add3A_987 : i32
      %get3A_989 = arith.index_cast %add3A_946 : i32 to index
      %get3A_990 = arith.index_cast %add3A_988 : i32 to index
      %get3A_991 = tpu.vector_load %arg16[%get3A_989, %get3A_990] {strides = array<i32>} : memref<128x128xf32, #tpu.memory_space<vmem>>, vector<1x16xf32>,
      %get3A_992 = vector.shape_cast %get3A_991 : vector<1x16xf32> to vector<16xf32>
      %mul3A_993 = arith.mulf %mul3A_986, %get3A_992 : vector<16xf32>
      %add3A_994 = arith.addf %mul3A_973, %mul3A_993 : vector<16xf32>
      %shift_right_arithmetic3A_995 = arith.constant 3 : i32
      %shift_right_arithmetic3A_996 = arith.shrsi %add3A_153, %shift_right_arithmetic3A_995 : i32
      %add3A_997 = arith.constant 1 : i32
      %add3A_998 = arith.addi %shift_right_arithmetic3A_996, %add3A_997 : i32
      %swap3A_999 = arith.index_cast %add3A_998 : i32 to index
      %swap3A_1000 = arith.constant 80 : index
      %swap3A_1001 = tpu.vector_load %arg17[%swap3A_999, %swap3A_1000] {strides = array<i32>} : memref<64x128xf32, #tpu.memory_space<vmem>>, vector<1x16xf32>,
      %swap3A_1002 = vector.shape_cast %swap3A_1001 : vector<1x16xf32> to vector<16xf32>
      %swap3A_1003 = vector.shape_cast %add3A_994 : vector<16xf32> to vector<1x16xf32>
      tpu.vector_store %arg17[%swap3A_999, %swap3A_1000], %swap3A_1003 {strides = array<i32>} : memref<64x128xf32, #tpu.memory_space<vmem>>, vector<1x16xf32>,
      %mul3A_1004 = arith.constant 16 : i32
      %mul3A_1005 = arith.muli %scan3A_149, %mul3A_1004 : i32
      %add3A_1006 = arith.constant 14 : i32
      %add3A_1007 = arith.addi %mul3A_1005, %add3A_1006 : i32
      %slice3A_1008 = vector.extract_strided_slice %get3A_155 {offsets = [14], sizes = [1], strides = [1]} : vector<16xi32> to vector<1xi32>
      %squeeze3A_1009 = vector.extract %slice3A_1008[0] : i32 from vector<1xi32>
      %and3A_1010 = arith.constant 255 : i32
      %and3A_1011 = arith.andi %squeeze3A_1009, %and3A_1010 : i32
      %multiple_of3A_1012 = tpu.assume_multiple %and3A_1011, 32 : i32
      %shift_right_arithmetic3A_1013 = arith.constant 8 : i32
      %shift_right_arithmetic3A_1014 = arith.shrsi %squeeze3A_1009, %shift_right_arithmetic3A_1013 : i32
      %and3A_1015 = arith.constant 255 : i32
      %and3A_1016 = arith.andi %shift_right_arithmetic3A_1014, %and3A_1015 : i32
      %multiple_of3A_1017 = tpu.assume_multiple %and3A_1016, 32 : i32
      %shift_right_arithmetic3A_1018 = arith.constant 16 : i32
      %shift_right_arithmetic3A_1019 = arith.shrsi %squeeze3A_1009, %shift_right_arithmetic3A_1018 : i32
      %multiple_of3A_1020 = tpu.assume_multiple %shift_right_arithmetic3A_1019, 32 : i32
      %get3A_1021 = arith.index_cast %add3A_1007 : i32 to index
      %get3A_1022 = arith.index_cast %multiple_of3A_1012 : i32 to index
      %get3A_1023 = tpu.vector_load %arg14[%get3A_1021, %get3A_1022] {strides = array<i32>} : memref<128x128xf32, #tpu.memory_space<vmem>>, vector<1x16xf32>,
      %get3A_1024 = vector.shape_cast %get3A_1023 : vector<1x16xf32> to vector<16xf32>
      %get3A_1025 = arith.index_cast %add3A_1007 : i32 to index
      %get3A_1026 = arith.index_cast %multiple_of3A_1017 : i32 to index
      %get3A_1027 = tpu.vector_load %arg15[%get3A_1025, %get3A_1026] {strides = array<i32>} : memref<128x128xf32, #tpu.memory_space<vmem>>, vector<1x16xf32>,
      %get3A_1028 = vector.shape_cast %get3A_1027 : vector<1x16xf32> to vector<16xf32>
      %mul3A_1029 = arith.mulf %get3A_1024, %get3A_1028 : vector<16xf32>
      %get3A_1030 = arith.index_cast %add3A_1007 : i32 to index
      %get3A_1031 = arith.index_cast %multiple_of3A_1020 : i32 to index
      %get3A_1032 = tpu.vector_load %arg16[%get3A_1030, %get3A_1031] {strides = array<i32>} : memref<128x128xf32, #tpu.memory_space<vmem>>, vector<1x16xf32>,
      %get3A_1033 = vector.shape_cast %get3A_1032 : vector<1x16xf32> to vector<16xf32>
      %mul3A_1034 = arith.mulf %mul3A_1029, %get3A_1033 : vector<16xf32>
      %add3A_1035 = arith.constant 16 : i32
      %add3A_1036 = arith.addi %multiple_of3A_1012, %add3A_1035 : i32
      %get3A_1037 = arith.index_cast %add3A_1007 : i32 to index
      %get3A_1038 = arith.index_cast %add3A_1036 : i32 to index
      %get3A_1039 = tpu.vector_load %arg14[%get3A_1037, %get3A_1038] {strides = array<i32>} : memref<128x128xf32, #tpu.memory_space<vmem>>, vector<1x16xf32>,
      %get3A_1040 = vector.shape_cast %get3A_1039 : vector<1x16xf32> to vector<16xf32>
      %add3A_1041 = arith.constant 16 : i32
      %add3A_1042 = arith.addi %multiple_of3A_1017, %add3A_1041 : i32
      %get3A_1043 = arith.index_cast %add3A_1007 : i32 to index
      %get3A_1044 = arith.index_cast %add3A_1042 : i32 to index
      %get3A_1045 = tpu.vector_load %arg15[%get3A_1043, %get3A_1044] {strides = array<i32>} : memref<128x128xf32, #tpu.memory_space<vmem>>, vector<1x16xf32>,
      %get3A_1046 = vector.shape_cast %get3A_1045 : vector<1x16xf32> to vector<16xf32>
      %mul3A_1047 = arith.mulf %get3A_1040, %get3A_1046 : vector<16xf32>
      %add3A_1048 = arith.constant 16 : i32
      %add3A_1049 = arith.addi %multiple_of3A_1020, %add3A_1048 : i32
      %get3A_1050 = arith.index_cast %add3A_1007 : i32 to index
      %get3A_1051 = arith.index_cast %add3A_1049 : i32 to index
      %get3A_1052 = tpu.vector_load %arg16[%get3A_1050, %get3A_1051] {strides = array<i32>} : memref<128x128xf32, #tpu.memory_space<vmem>>, vector<1x16xf32>,
      %get3A_1053 = vector.shape_cast %get3A_1052 : vector<1x16xf32> to vector<16xf32>
      %mul3A_1054 = arith.mulf %mul3A_1047, %get3A_1053 : vector<16xf32>
      %add3A_1055 = arith.addf %mul3A_1034, %mul3A_1054 : vector<16xf32>
      %shift_right_arithmetic3A_1056 = arith.constant 3 : i32
      %shift_right_arithmetic3A_1057 = arith.shrsi %add3A_153, %shift_right_arithmetic3A_1056 : i32
      %add3A_1058 = arith.constant 1 : i32
      %add3A_1059 = arith.addi %shift_right_arithmetic3A_1057, %add3A_1058 : i32
      %swap3A_1060 = arith.index_cast %add3A_1059 : i32 to index
      %swap3A_1061 = arith.constant 96 : index
      %swap3A_1062 = tpu.vector_load %arg17[%swap3A_1060, %swap3A_1061] {strides = array<i32>} : memref<64x128xf32, #tpu.memory_space<vmem>>, vector<1x16xf32>,
      %swap3A_1063 = vector.shape_cast %swap3A_1062 : vector<1x16xf32> to vector<16xf32>
      %swap3A_1064 = vector.shape_cast %add3A_1055 : vector<16xf32> to vector<1x16xf32>
      tpu.vector_store %arg17[%swap3A_1060, %swap3A_1061], %swap3A_1064 {strides = array<i32>} : memref<64x128xf32, #tpu.memory_space<vmem>>, vector<1x16xf32>,
      %mul3A_1065 = arith.constant 16 : i32
      %mul3A_1066 = arith.muli %scan3A_149, %mul3A_1065 : i32
      %add3A_1067 = arith.constant 15 : i32
      %add3A_1068 = arith.addi %mul3A_1066, %add3A_1067 : i32
      %slice3A_1069 = vector.extract_strided_slice %get3A_155 {offsets = [15], sizes = [1], strides = [1]} : vector<16xi32> to vector<1xi32>
      %squeeze3A_1070 = vector.extract %slice3A_1069[0] : i32 from vector<1xi32>
      %and3A_1071 = arith.constant 255 : i32
      %and3A_1072 = arith.andi %squeeze3A_1070, %and3A_1071 : i32
      %multiple_of3A_1073 = tpu.assume_multiple %and3A_1072, 32 : i32
      %shift_right_arithmetic3A_1074 = arith.constant 8 : i32
      %shift_right_arithmetic3A_1075 = arith.shrsi %squeeze3A_1070, %shift_right_arithmetic3A_1074 : i32
      %and3A_1076 = arith.constant 255 : i32
      %and3A_1077 = arith.andi %shift_right_arithmetic3A_1075, %and3A_1076 : i32
      %multiple_of3A_1078 = tpu.assume_multiple %and3A_1077, 32 : i32
      %shift_right_arithmetic3A_1079 = arith.constant 16 : i32
      %shift_right_arithmetic3A_1080 = arith.shrsi %squeeze3A_1070, %shift_right_arithmetic3A_1079 : i32
      %multiple_of3A_1081 = tpu.assume_multiple %shift_right_arithmetic3A_1080, 32 : i32
      %get3A_1082 = arith.index_cast %add3A_1068 : i32 to index
      %get3A_1083 = arith.index_cast %multiple_of3A_1073 : i32 to index
      %get3A_1084 = tpu.vector_load %arg14[%get3A_1082, %get3A_1083] {strides = array<i32>} : memref<128x128xf32, #tpu.memory_space<vmem>>, vector<1x16xf32>,
      %get3A_1085 = vector.shape_cast %get3A_1084 : vector<1x16xf32> to vector<16xf32>
      %get3A_1086 = arith.index_cast %add3A_1068 : i32 to index
      %get3A_1087 = arith.index_cast %multiple_of3A_1078 : i32 to index
      %get3A_1088 = tpu.vector_load %arg15[%get3A_1086, %get3A_1087] {strides = array<i32>} : memref<128x128xf32, #tpu.memory_space<vmem>>, vector<1x16xf32>,
      %get3A_1089 = vector.shape_cast %get3A_1088 : vector<1x16xf32> to vector<16xf32>
      %mul3A_1090 = arith.mulf %get3A_1085, %get3A_1089 : vector<16xf32>
      %get3A_1091 = arith.index_cast %add3A_1068 : i32 to index
      %get3A_1092 = arith.index_cast %multiple_of3A_1081 : i32 to index
      %get3A_1093 = tpu.vector_load %arg16[%get3A_1091, %get3A_1092] {strides = array<i32>} : memref<128x128xf32, #tpu.memory_space<vmem>>, vector<1x16xf32>,
      %get3A_1094 = vector.shape_cast %get3A_1093 : vector<1x16xf32> to vector<16xf32>
      %mul3A_1095 = arith.mulf %mul3A_1090, %get3A_1094 : vector<16xf32>
      %add3A_1096 = arith.constant 16 : i32
      %add3A_1097 = arith.addi %multiple_of3A_1073, %add3A_1096 : i32
      %get3A_1098 = arith.index_cast %add3A_1068 : i32 to index
      %get3A_1099 = arith.index_cast %add3A_1097 : i32 to index
      %get3A_1100 = tpu.vector_load %arg14[%get3A_1098, %get3A_1099] {strides = array<i32>} : memref<128x128xf32, #tpu.memory_space<vmem>>, vector<1x16xf32>,
      %get3A_1101 = vector.shape_cast %get3A_1100 : vector<1x16xf32> to vector<16xf32>
      %add3A_1102 = arith.constant 16 : i32
      %add3A_1103 = arith.addi %multiple_of3A_1078, %add3A_1102 : i32
      %get3A_1104 = arith.index_cast %add3A_1068 : i32 to index
      %get3A_1105 = arith.index_cast %add3A_1103 : i32 to index
      %get3A_1106 = tpu.vector_load %arg15[%get3A_1104, %get3A_1105] {strides = array<i32>} : memref<128x128xf32, #tpu.memory_space<vmem>>, vector<1x16xf32>,
      %get3A_1107 = vector.shape_cast %get3A_1106 : vector<1x16xf32> to vector<16xf32>
      %mul3A_1108 = arith.mulf %get3A_1101, %get3A_1107 : vector<16xf32>
      %add3A_1109 = arith.constant 16 : i32
      %add3A_1110 = arith.addi %multiple_of3A_1081, %add3A_1109 : i32
      %get3A_1111 = arith.index_cast %add3A_1068 : i32 to index
      %get3A_1112 = arith.index_cast %add3A_1110 : i32 to index
      %get3A_1113 = tpu.vector_load %arg16[%get3A_1111, %get3A_1112] {strides = array<i32>} : memref<128x128xf32, #tpu.memory_space<vmem>>, vector<1x16xf32>,
      %get3A_1114 = vector.shape_cast %get3A_1113 : vector<1x16xf32> to vector<16xf32>
      %mul3A_1115 = arith.mulf %mul3A_1108, %get3A_1114 : vector<16xf32>
      %add3A_1116 = arith.addf %mul3A_1095, %mul3A_1115 : vector<16xf32>
      %shift_right_arithmetic3A_1117 = arith.constant 3 : i32
      %shift_right_arithmetic3A_1118 = arith.shrsi %add3A_153, %shift_right_arithmetic3A_1117 : i32
      %add3A_1119 = arith.constant 1 : i32
      %add3A_1120 = arith.addi %shift_right_arithmetic3A_1118, %add3A_1119 : i32
      %swap3A_1121 = arith.index_cast %add3A_1120 : i32 to index
      %swap3A_1122 = arith.constant 112 : index
      %swap3A_1123 = tpu.vector_load %arg17[%swap3A_1121, %swap3A_1122] {strides = array<i32>} : memref<64x128xf32, #tpu.memory_space<vmem>>, vector<1x16xf32>,
      %swap3A_1124 = vector.shape_cast %swap3A_1123 : vector<1x16xf32> to vector<16xf32>
      %swap3A_1125 = vector.shape_cast %add3A_1116 : vector<16xf32> to vector<1x16xf32>
      tpu.vector_store %arg17[%swap3A_1121, %swap3A_1122], %swap3A_1125 {strides = array<i32>} : memref<64x128xf32, #tpu.memory_space<vmem>>, vector<1x16xf32>,
    }
    %scan3A_91 = arith.constant 8 : i32
    %dma_start3A_92 = arith.constant 384 : i32
    %dma_start3A_93 = tpu.memref_slice %arg7[%dma_start3A_92] : memref<512xi32, #tpu.memory_space<vmem>> -> memref<128xi32, #tpu.memory_space<vmem>>
    %dma_start3A_94 = arith.constant 0 : i32
    %dma_start3A_95 = arith.constant 0 : i32
    %dma_start3A_96 = tpu.memref_slice %arg3[%dma_start3A_94, %dma_start3A_95] : memref<25088x128xf32, #tpu.memory_space<hbm>> -> memref<25088x128xf32, #tpu.memory_space<hbm>>
    tpu.enqueue_indirect_dma source(%dma_start3A_96 : memref<25088x128xf32, #tpu.memory_space<hbm>>) target(%arg14 : memref<128x128xf32, #tpu.memory_space<vmem>>) offsets(%dma_start3A_93 : memref<128xi32, #tpu.memory_space<vmem>>) semaphore(%arg19 : memref<!tpu.dma_semaphore, #tpu.memory_space<semaphore_mem>>)
    %dma_start3A_97 = arith.constant 384 : i32
    %dma_start3A_98 = tpu.memref_slice %arg8[%dma_start3A_97] : memref<512xi32, #tpu.memory_space<vmem>> -> memref<128xi32, #tpu.memory_space<vmem>>
    %dma_start3A_99 = arith.constant 0 : i32
    %dma_start3A_100 = arith.constant 0 : i32
    %dma_start3A_101 = tpu.memref_slice %arg4[%dma_start3A_99, %dma_start3A_100] : memref<25088x128xf32, #tpu.memory_space<hbm>> -> memref<25088x128xf32, #tpu.memory_space<hbm>>
    tpu.enqueue_indirect_dma source(%dma_start3A_101 : memref<25088x128xf32, #tpu.memory_space<hbm>>) target(%arg15 : memref<128x128xf32, #tpu.memory_space<vmem>>) offsets(%dma_start3A_98 : memref<128xi32, #tpu.memory_space<vmem>>) semaphore(%arg19 : memref<!tpu.dma_semaphore, #tpu.memory_space<semaphore_mem>>)
    %dma_start3A_102 = arith.constant 384 : i32
    %dma_start3A_103 = tpu.memref_slice %arg9[%dma_start3A_102] : memref<512xi32, #tpu.memory_space<vmem>> -> memref<128xi32, #tpu.memory_space<vmem>>
    %dma_start3A_104 = arith.constant 0 : i32
    %dma_start3A_105 = arith.constant 0 : i32
    %dma_start3A_106 = tpu.memref_slice %arg5[%dma_start3A_104, %dma_start3A_105] : memref<25088x128xf32, #tpu.memory_space<hbm>> -> memref<25088x128xf32, #tpu.memory_space<hbm>>
    tpu.enqueue_indirect_dma source(%dma_start3A_106 : memref<25088x128xf32, #tpu.memory_space<hbm>>) target(%arg16 : memref<128x128xf32, #tpu.memory_space<vmem>>) offsets(%dma_start3A_103 : memref<128xi32, #tpu.memory_space<vmem>>) semaphore(%arg19 : memref<!tpu.dma_semaphore, #tpu.memory_space<semaphore_mem>>)
    %dma_wait3A_107 = arith.constant 256 : i32
    %dma_wait3A_108 = tpu.memref_slice %arg7[%dma_wait3A_107] : memref<512xi32, #tpu.memory_space<vmem>> -> memref<128xi32, #tpu.memory_space<vmem>>
    %dma_wait3A_109 = arith.constant 0 : i32
    %dma_wait3A_110 = arith.constant 0 : i32
    %dma_wait3A_111 = tpu.memref_slice %arg3[%dma_wait3A_109, %dma_wait3A_110] : memref<25088x128xf32, #tpu.memory_space<hbm>> -> memref<25088x128xf32, #tpu.memory_space<hbm>>
    tpu.wait_indirect_dma semaphore(%arg18 : memref<!tpu.dma_semaphore, #tpu.memory_space<semaphore_mem>>) src(%dma_wait3A_111 : memref<25088x128xf32, #tpu.memory_space<hbm>>) dst(%arg11 : memref<128x128xf32, #tpu.memory_space<vmem>>)
    %dma_wait3A_112 = arith.constant 256 : i32
    %dma_wait3A_113 = tpu.memref_slice %arg8[%dma_wait3A_112] : memref<512xi32, #tpu.memory_space<vmem>> -> memref<128xi32, #tpu.memory_space<vmem>>
    %dma_wait3A_114 = arith.constant 0 : i32
    %dma_wait3A_115 = arith.constant 0 : i32
    %dma_wait3A_116 = tpu.memref_slice %arg4[%dma_wait3A_114, %dma_wait3A_115] : memref<25088x128xf32, #tpu.memory_space<hbm>> -> memref<25088x128xf32, #tpu.memory_space<hbm>>
    tpu.wait_indirect_dma semaphore(%arg18 : memref<!tpu.dma_semaphore, #tpu.memory_space<semaphore_mem>>) src(%dma_wait3A_116 : memref<25088x128xf32, #tpu.memory_space<hbm>>) dst(%arg12 : memref<128x128xf32, #tpu.memory_space<vmem>>)
    %dma_wait3A_117 = arith.constant 256 : i32
    %dma_wait3A_118 = tpu.memref_slice %arg9[%dma_wait3A_117] : memref<512xi32, #tpu.memory_space<vmem>> -> memref<128xi32, #tpu.memory_space<vmem>>
    %dma_wait3A_119 = arith.constant 0 : i32
    %dma_wait3A_120 = arith.constant 0 : i32
    %dma_wait3A_121 = tpu.memref_slice %arg5[%dma_wait3A_119, %dma_wait3A_120] : memref<25088x128xf32, #tpu.memory_space<hbm>> -> memref<25088x128xf32, #tpu.memory_space<hbm>>
    tpu.wait_indirect_dma semaphore(%arg18 : memref<!tpu.dma_semaphore, #tpu.memory_space<semaphore_mem>>) src(%dma_wait3A_121 : memref<25088x128xf32, #tpu.memory_space<hbm>>) dst(%arg13 : memref<128x128xf32, #tpu.memory_space<vmem>>)
    %scan3A_122 = arith.constant 0 : i32
    %scan3A_123 = arith.constant 0 : i32
    %scan3A_124 = arith.constant 8 : i32
    %scan3A_125 = arith.addi %scan3A_123, %scan3A_124 : i32
    %scan3A_126 = arith.constant 1 : i32
    scf.for %scan3A_149 = %scan3A_123 to %scan3A_125 step %scan3A_126  : i32 {
      %mul3A_150 = arith.constant 16 : i32
      %mul3A_151 = arith.muli %scan3A_149, %mul3A_150 : i32
      %add3A_152 = arith.constant 256 : i32
      %add3A_153 = arith.addi %add3A_152, %mul3A_151 : i32
      %get3A = arith.index_cast %add3A_153 : i32 to index
      %get3A_154 = tpu.vector_load %arg10[%get3A] {strides = array<i32>} : memref<512xi32, #tpu.memory_space<vmem>>, vector<16xi32>,
      %get3A_155 = vector.shape_cast %get3A_154 : vector<16xi32> to vector<16xi32>
      %mul3A_156 = arith.constant 16 : i32
      %mul3A_157 = arith.muli %scan3A_149, %mul3A_156 : i32
      %add3A_158 = arith.constant 0 : i32
      %add3A_159 = arith.addi %mul3A_157, %add3A_158 : i32
      %slice3A = vector.extract_strided_slice %get3A_155 {offsets = [0], sizes = [1], strides = [1]} : vector<16xi32> to vector<1xi32>
      %squeeze3A = vector.extract %slice3A[0] : i32 from vector<1xi32>
      %and3A = arith.constant 255 : i32
      %and3A_160 = arith.andi %squeeze3A, %and3A : i32
      %multiple_of3A = tpu.assume_multiple %and3A_160, 32 : i32
      %shift_right_arithmetic3A = arith.constant 8 : i32
      %shift_right_arithmetic3A_161 = arith.shrsi %squeeze3A, %shift_right_arithmetic3A : i32
      %and3A_162 = arith.constant 255 : i32
      %and3A_163 = arith.andi %shift_right_arithmetic3A_161, %and3A_162 : i32
      %multiple_of3A_164 = tpu.assume_multiple %and3A_163, 32 : i32
      %shift_right_arithmetic3A_165 = arith.constant 16 : i32
      %shift_right_arithmetic3A_166 = arith.shrsi %squeeze3A, %shift_right_arithmetic3A_165 : i32
      %multiple_of3A_167 = tpu.assume_multiple %shift_right_arithmetic3A_166, 32 : i32
      %get3A_168 = arith.index_cast %add3A_159 : i32 to index
      %get3A_169 = arith.index_cast %multiple_of3A : i32 to index
      %get3A_170 = tpu.vector_load %arg11[%get3A_168, %get3A_169] {strides = array<i32>} : memref<128x128xf32, #tpu.memory_space<vmem>>, vector<1x16xf32>,
      %get3A_171 = vector.shape_cast %get3A_170 : vector<1x16xf32> to vector<16xf32>
      %get3A_172 = arith.index_cast %add3A_159 : i32 to index
      %get3A_173 = arith.index_cast %multiple_of3A_164 : i32 to index
      %get3A_174 = tpu.vector_load %arg12[%get3A_172, %get3A_173] {strides = array<i32>} : memref<128x128xf32, #tpu.memory_space<vmem>>, vector<1x16xf32>,
      %get3A_175 = vector.shape_cast %get3A_174 : vector<1x16xf32> to vector<16xf32>
      %mul3A_176 = arith.mulf %get3A_171, %get3A_175 : vector<16xf32>
      %get3A_177 = arith.index_cast %add3A_159 : i32 to index
      %get3A_178 = arith.index_cast %multiple_of3A_167 : i32 to index
      %get3A_179 = tpu.vector_load %arg13[%get3A_177, %get3A_178] {strides = array<i32>} : memref<128x128xf32, #tpu.memory_space<vmem>>, vector<1x16xf32>,
      %get3A_180 = vector.shape_cast %get3A_179 : vector<1x16xf32> to vector<16xf32>
      %mul3A_181 = arith.mulf %mul3A_176, %get3A_180 : vector<16xf32>
      %add3A_182 = arith.constant 16 : i32
      %add3A_183 = arith.addi %multiple_of3A, %add3A_182 : i32
      %get3A_184 = arith.index_cast %add3A_159 : i32 to index
      %get3A_185 = arith.index_cast %add3A_183 : i32 to index
      %get3A_186 = tpu.vector_load %arg11[%get3A_184, %get3A_185] {strides = array<i32>} : memref<128x128xf32, #tpu.memory_space<vmem>>, vector<1x16xf32>,
      %get3A_187 = vector.shape_cast %get3A_186 : vector<1x16xf32> to vector<16xf32>
      %add3A_188 = arith.constant 16 : i32
      %add3A_189 = arith.addi %multiple_of3A_164, %add3A_188 : i32
      %get3A_190 = arith.index_cast %add3A_159 : i32 to index
      %get3A_191 = arith.index_cast %add3A_189 : i32 to index
      %get3A_192 = tpu.vector_load %arg12[%get3A_190, %get3A_191] {strides = array<i32>} : memref<128x128xf32, #tpu.memory_space<vmem>>, vector<1x16xf32>,
      %get3A_193 = vector.shape_cast %get3A_192 : vector<1x16xf32> to vector<16xf32>
      %mul3A_194 = arith.mulf %get3A_187, %get3A_193 : vector<16xf32>
      %add3A_195 = arith.constant 16 : i32
      %add3A_196 = arith.addi %multiple_of3A_167, %add3A_195 : i32
      %get3A_197 = arith.index_cast %add3A_159 : i32 to index
      %get3A_198 = arith.index_cast %add3A_196 : i32 to index
      %get3A_199 = tpu.vector_load %arg13[%get3A_197, %get3A_198] {strides = array<i32>} : memref<128x128xf32, #tpu.memory_space<vmem>>, vector<1x16xf32>,
      %get3A_200 = vector.shape_cast %get3A_199 : vector<1x16xf32> to vector<16xf32>
      %mul3A_201 = arith.mulf %mul3A_194, %get3A_200 : vector<16xf32>
      %add3A_202 = arith.addf %mul3A_181, %mul3A_201 : vector<16xf32>
      %shift_right_arithmetic3A_203 = arith.constant 3 : i32
      %shift_right_arithmetic3A_204 = arith.shrsi %add3A_153, %shift_right_arithmetic3A_203 : i32
      %add3A_205 = arith.constant 0 : i32
      %add3A_206 = arith.addi %shift_right_arithmetic3A_204, %add3A_205 : i32
      %swap3A = arith.index_cast %add3A_206 : i32 to index
      %swap3A_207 = arith.constant 0 : index
      %swap3A_208 = tpu.vector_load %arg17[%swap3A, %swap3A_207] {strides = array<i32>} : memref<64x128xf32, #tpu.memory_space<vmem>>, vector<1x16xf32>,
      %swap3A_209 = vector.shape_cast %swap3A_208 : vector<1x16xf32> to vector<16xf32>
      %swap3A_210 = vector.shape_cast %add3A_202 : vector<16xf32> to vector<1x16xf32>
      tpu.vector_store %arg17[%swap3A, %swap3A_207], %swap3A_210 {strides = array<i32>} : memref<64x128xf32, #tpu.memory_space<vmem>>, vector<1x16xf32>,
      %mul3A_211 = arith.constant 16 : i32
      %mul3A_212 = arith.muli %scan3A_149, %mul3A_211 : i32
      %add3A_213 = arith.constant 1 : i32
      %add3A_214 = arith.addi %mul3A_212, %add3A_213 : i32
      %slice3A_215 = vector.extract_strided_slice %get3A_155 {offsets = [1], sizes = [1], strides = [1]} : vector<16xi32> to vector<1xi32>
      %squeeze3A_216 = vector.extract %slice3A_215[0] : i32 from vector<1xi32>
      %and3A_217 = arith.constant 255 : i32
      %and3A_218 = arith.andi %squeeze3A_216, %and3A_217 : i32
      %multiple_of3A_219 = tpu.assume_multiple %and3A_218, 32 : i32
      %shift_right_arithmetic3A_220 = arith.constant 8 : i32
      %shift_right_arithmetic3A_221 = arith.shrsi %squeeze3A_216, %shift_right_arithmetic3A_220 : i32
      %and3A_222 = arith.constant 255 : i32
      %and3A_223 = arith.andi %shift_right_arithmetic3A_221, %and3A_222 : i32
      %multiple_of3A_224 = tpu.assume_multiple %and3A_223, 32 : i32
      %shift_right_arithmetic3A_225 = arith.constant 16 : i32
      %shift_right_arithmetic3A_226 = arith.shrsi %squeeze3A_216, %shift_right_arithmetic3A_225 : i32
      %multiple_of3A_227 = tpu.assume_multiple %shift_right_arithmetic3A_226, 32 : i32
      %get3A_228 = arith.index_cast %add3A_214 : i32 to index
      %get3A_229 = arith.index_cast %multiple_of3A_219 : i32 to index
      %get3A_230 = tpu.vector_load %arg11[%get3A_228, %get3A_229] {strides = array<i32>} : memref<128x128xf32, #tpu.memory_space<vmem>>, vector<1x16xf32>,
      %get3A_231 = vector.shape_cast %get3A_230 : vector<1x16xf32> to vector<16xf32>
      %get3A_232 = arith.index_cast %add3A_214 : i32 to index
      %get3A_233 = arith.index_cast %multiple_of3A_224 : i32 to index
      %get3A_234 = tpu.vector_load %arg12[%get3A_232, %get3A_233] {strides = array<i32>} : memref<128x128xf32, #tpu.memory_space<vmem>>, vector<1x16xf32>,
      %get3A_235 = vector.shape_cast %get3A_234 : vector<1x16xf32> to vector<16xf32>
      %mul3A_236 = arith.mulf %get3A_231, %get3A_235 : vector<16xf32>
      %get3A_237 = arith.index_cast %add3A_214 : i32 to index
      %get3A_238 = arith.index_cast %multiple_of3A_227 : i32 to index
      %get3A_239 = tpu.vector_load %arg13[%get3A_237, %get3A_238] {strides = array<i32>} : memref<128x128xf32, #tpu.memory_space<vmem>>, vector<1x16xf32>,
      %get3A_240 = vector.shape_cast %get3A_239 : vector<1x16xf32> to vector<16xf32>
      %mul3A_241 = arith.mulf %mul3A_236, %get3A_240 : vector<16xf32>
      %add3A_242 = arith.constant 16 : i32
      %add3A_243 = arith.addi %multiple_of3A_219, %add3A_242 : i32
      %get3A_244 = arith.index_cast %add3A_214 : i32 to index
      %get3A_245 = arith.index_cast %add3A_243 : i32 to index
      %get3A_246 = tpu.vector_load %arg11[%get3A_244, %get3A_245] {strides = array<i32>} : memref<128x128xf32, #tpu.memory_space<vmem>>, vector<1x16xf32>,
      %get3A_247 = vector.shape_cast %get3A_246 : vector<1x16xf32> to vector<16xf32>
      %add3A_248 = arith.constant 16 : i32
      %add3A_249 = arith.addi %multiple_of3A_224, %add3A_248 : i32
      %get3A_250 = arith.index_cast %add3A_214 : i32 to index
      %get3A_251 = arith.index_cast %add3A_249 : i32 to index
      %get3A_252 = tpu.vector_load %arg12[%get3A_250, %get3A_251] {strides = array<i32>} : memref<128x128xf32, #tpu.memory_space<vmem>>, vector<1x16xf32>,
      %get3A_253 = vector.shape_cast %get3A_252 : vector<1x16xf32> to vector<16xf32>
      %mul3A_254 = arith.mulf %get3A_247, %get3A_253 : vector<16xf32>
      %add3A_255 = arith.constant 16 : i32
      %add3A_256 = arith.addi %multiple_of3A_227, %add3A_255 : i32
      %get3A_257 = arith.index_cast %add3A_214 : i32 to index
      %get3A_258 = arith.index_cast %add3A_256 : i32 to index
      %get3A_259 = tpu.vector_load %arg13[%get3A_257, %get3A_258] {strides = array<i32>} : memref<128x128xf32, #tpu.memory_space<vmem>>, vector<1x16xf32>,
      %get3A_260 = vector.shape_cast %get3A_259 : vector<1x16xf32> to vector<16xf32>
      %mul3A_261 = arith.mulf %mul3A_254, %get3A_260 : vector<16xf32>
      %add3A_262 = arith.addf %mul3A_241, %mul3A_261 : vector<16xf32>
      %shift_right_arithmetic3A_263 = arith.constant 3 : i32
      %shift_right_arithmetic3A_264 = arith.shrsi %add3A_153, %shift_right_arithmetic3A_263 : i32
      %add3A_265 = arith.constant 0 : i32
      %add3A_266 = arith.addi %shift_right_arithmetic3A_264, %add3A_265 : i32
      %swap3A_267 = arith.index_cast %add3A_266 : i32 to index
      %swap3A_268 = arith.constant 16 : index
      %swap3A_269 = tpu.vector_load %arg17[%swap3A_267, %swap3A_268] {strides = array<i32>} : memref<64x128xf32, #tpu.memory_space<vmem>>, vector<1x16xf32>,
      %swap3A_270 = vector.shape_cast %swap3A_269 : vector<1x16xf32> to vector<16xf32>
      %swap3A_271 = vector.shape_cast %add3A_262 : vector<16xf32> to vector<1x16xf32>
      tpu.vector_store %arg17[%swap3A_267, %swap3A_268], %swap3A_271 {strides = array<i32>} : memref<64x128xf32, #tpu.memory_space<vmem>>, vector<1x16xf32>,
      %mul3A_272 = arith.constant 16 : i32
      %mul3A_273 = arith.muli %scan3A_149, %mul3A_272 : i32
      %add3A_274 = arith.constant 2 : i32
      %add3A_275 = arith.addi %mul3A_273, %add3A_274 : i32
      %slice3A_276 = vector.extract_strided_slice %get3A_155 {offsets = [2], sizes = [1], strides = [1]} : vector<16xi32> to vector<1xi32>
      %squeeze3A_277 = vector.extract %slice3A_276[0] : i32 from vector<1xi32>
      %and3A_278 = arith.constant 255 : i32
      %and3A_279 = arith.andi %squeeze3A_277, %and3A_278 : i32
      %multiple_of3A_280 = tpu.assume_multiple %and3A_279, 32 : i32
      %shift_right_arithmetic3A_281 = arith.constant 8 : i32
      %shift_right_arithmetic3A_282 = arith.shrsi %squeeze3A_277, %shift_right_arithmetic3A_281 : i32
      %and3A_283 = arith.constant 255 : i32
      %and3A_284 = arith.andi %shift_right_arithmetic3A_282, %and3A_283 : i32
      %multiple_of3A_285 = tpu.assume_multiple %and3A_284, 32 : i32
      %shift_right_arithmetic3A_286 = arith.constant 16 : i32
      %shift_right_arithmetic3A_287 = arith.shrsi %squeeze3A_277, %shift_right_arithmetic3A_286 : i32
      %multiple_of3A_288 = tpu.assume_multiple %shift_right_arithmetic3A_287, 32 : i32
      %get3A_289 = arith.index_cast %add3A_275 : i32 to index
      %get3A_290 = arith.index_cast %multiple_of3A_280 : i32 to index
      %get3A_291 = tpu.vector_load %arg11[%get3A_289, %get3A_290] {strides = array<i32>} : memref<128x128xf32, #tpu.memory_space<vmem>>, vector<1x16xf32>,
      %get3A_292 = vector.shape_cast %get3A_291 : vector<1x16xf32> to vector<16xf32>
      %get3A_293 = arith.index_cast %add3A_275 : i32 to index
      %get3A_294 = arith.index_cast %multiple_of3A_285 : i32 to index
      %get3A_295 = tpu.vector_load %arg12[%get3A_293, %get3A_294] {strides = array<i32>} : memref<128x128xf32, #tpu.memory_space<vmem>>, vector<1x16xf32>,
      %get3A_296 = vector.shape_cast %get3A_295 : vector<1x16xf32> to vector<16xf32>
      %mul3A_297 = arith.mulf %get3A_292, %get3A_296 : vector<16xf32>
      %get3A_298 = arith.index_cast %add3A_275 : i32 to index
      %get3A_299 = arith.index_cast %multiple_of3A_288 : i32 to index
      %get3A_300 = tpu.vector_load %arg13[%get3A_298, %get3A_299] {strides = array<i32>} : memref<128x128xf32, #tpu.memory_space<vmem>>, vector<1x16xf32>,
      %get3A_301 = vector.shape_cast %get3A_300 : vector<1x16xf32> to vector<16xf32>
      %mul3A_302 = arith.mulf %mul3A_297, %get3A_301 : vector<16xf32>
      %add3A_303 = arith.constant 16 : i32
      %add3A_304 = arith.addi %multiple_of3A_280, %add3A_303 : i32
      %get3A_305 = arith.index_cast %add3A_275 : i32 to index
      %get3A_306 = arith.index_cast %add3A_304 : i32 to index
      %get3A_307 = tpu.vector_load %arg11[%get3A_305, %get3A_306] {strides = array<i32>} : memref<128x128xf32, #tpu.memory_space<vmem>>, vector<1x16xf32>,
      %get3A_308 = vector.shape_cast %get3A_307 : vector<1x16xf32> to vector<16xf32>
      %add3A_309 = arith.constant 16 : i32
      %add3A_310 = arith.addi %multiple_of3A_285, %add3A_309 : i32
      %get3A_311 = arith.index_cast %add3A_275 : i32 to index
      %get3A_312 = arith.index_cast %add3A_310 : i32 to index
      %get3A_313 = tpu.vector_load %arg12[%get3A_311, %get3A_312] {strides = array<i32>} : memref<128x128xf32, #tpu.memory_space<vmem>>, vector<1x16xf32>,
      %get3A_314 = vector.shape_cast %get3A_313 : vector<1x16xf32> to vector<16xf32>
      %mul3A_315 = arith.mulf %get3A_308, %get3A_314 : vector<16xf32>
      %add3A_316 = arith.constant 16 : i32
      %add3A_317 = arith.addi %multiple_of3A_288, %add3A_316 : i32
      %get3A_318 = arith.index_cast %add3A_275 : i32 to index
      %get3A_319 = arith.index_cast %add3A_317 : i32 to index
      %get3A_320 = tpu.vector_load %arg13[%get3A_318, %get3A_319] {strides = array<i32>} : memref<128x128xf32, #tpu.memory_space<vmem>>, vector<1x16xf32>,
      %get3A_321 = vector.shape_cast %get3A_320 : vector<1x16xf32> to vector<16xf32>
      %mul3A_322 = arith.mulf %mul3A_315, %get3A_321 : vector<16xf32>
      %add3A_323 = arith.addf %mul3A_302, %mul3A_322 : vector<16xf32>
      %shift_right_arithmetic3A_324 = arith.constant 3 : i32
      %shift_right_arithmetic3A_325 = arith.shrsi %add3A_153, %shift_right_arithmetic3A_324 : i32
      %add3A_326 = arith.constant 0 : i32
      %add3A_327 = arith.addi %shift_right_arithmetic3A_325, %add3A_326 : i32
      %swap3A_328 = arith.index_cast %add3A_327 : i32 to index
      %swap3A_329 = arith.constant 32 : index
      %swap3A_330 = tpu.vector_load %arg17[%swap3A_328, %swap3A_329] {strides = array<i32>} : memref<64x128xf32, #tpu.memory_space<vmem>>, vector<1x16xf32>,
      %swap3A_331 = vector.shape_cast %swap3A_330 : vector<1x16xf32> to vector<16xf32>
      %swap3A_332 = vector.shape_cast %add3A_323 : vector<16xf32> to vector<1x16xf32>
      tpu.vector_store %arg17[%swap3A_328, %swap3A_329], %swap3A_332 {strides = array<i32>} : memref<64x128xf32, #tpu.memory_space<vmem>>, vector<1x16xf32>,
      %mul3A_333 = arith.constant 16 : i32
      %mul3A_334 = arith.muli %scan3A_149, %mul3A_333 : i32
      %add3A_335 = arith.constant 3 : i32
      %add3A_336 = arith.addi %mul3A_334, %add3A_335 : i32
      %slice3A_337 = vector.extract_strided_slice %get3A_155 {offsets = [3], sizes = [1], strides = [1]} : vector<16xi32> to vector<1xi32>
      %squeeze3A_338 = vector.extract %slice3A_337[0] : i32 from vector<1xi32>
      %and3A_339 = arith.constant 255 : i32
      %and3A_340 = arith.andi %squeeze3A_338, %and3A_339 : i32
      %multiple_of3A_341 = tpu.assume_multiple %and3A_340, 32 : i32
      %shift_right_arithmetic3A_342 = arith.constant 8 : i32
      %shift_right_arithmetic3A_343 = arith.shrsi %squeeze3A_338, %shift_right_arithmetic3A_342 : i32
      %and3A_344 = arith.constant 255 : i32
      %and3A_345 = arith.andi %shift_right_arithmetic3A_343, %and3A_344 : i32
      %multiple_of3A_346 = tpu.assume_multiple %and3A_345, 32 : i32
      %shift_right_arithmetic3A_347 = arith.constant 16 : i32
      %shift_right_arithmetic3A_348 = arith.shrsi %squeeze3A_338, %shift_right_arithmetic3A_347 : i32
      %multiple_of3A_349 = tpu.assume_multiple %shift_right_arithmetic3A_348, 32 : i32
      %get3A_350 = arith.index_cast %add3A_336 : i32 to index
      %get3A_351 = arith.index_cast %multiple_of3A_341 : i32 to index
      %get3A_352 = tpu.vector_load %arg11[%get3A_350, %get3A_351] {strides = array<i32>} : memref<128x128xf32, #tpu.memory_space<vmem>>, vector<1x16xf32>,
      %get3A_353 = vector.shape_cast %get3A_352 : vector<1x16xf32> to vector<16xf32>
      %get3A_354 = arith.index_cast %add3A_336 : i32 to index
      %get3A_355 = arith.index_cast %multiple_of3A_346 : i32 to index
      %get3A_356 = tpu.vector_load %arg12[%get3A_354, %get3A_355] {strides = array<i32>} : memref<128x128xf32, #tpu.memory_space<vmem>>, vector<1x16xf32>,
      %get3A_357 = vector.shape_cast %get3A_356 : vector<1x16xf32> to vector<16xf32>
      %mul3A_358 = arith.mulf %get3A_353, %get3A_357 : vector<16xf32>
      %get3A_359 = arith.index_cast %add3A_336 : i32 to index
      %get3A_360 = arith.index_cast %multiple_of3A_349 : i32 to index
      %get3A_361 = tpu.vector_load %arg13[%get3A_359, %get3A_360] {strides = array<i32>} : memref<128x128xf32, #tpu.memory_space<vmem>>, vector<1x16xf32>,
      %get3A_362 = vector.shape_cast %get3A_361 : vector<1x16xf32> to vector<16xf32>
      %mul3A_363 = arith.mulf %mul3A_358, %get3A_362 : vector<16xf32>
      %add3A_364 = arith.constant 16 : i32
      %add3A_365 = arith.addi %multiple_of3A_341, %add3A_364 : i32
      %get3A_366 = arith.index_cast %add3A_336 : i32 to index
      %get3A_367 = arith.index_cast %add3A_365 : i32 to index
      %get3A_368 = tpu.vector_load %arg11[%get3A_366, %get3A_367] {strides = array<i32>} : memref<128x128xf32, #tpu.memory_space<vmem>>, vector<1x16xf32>,
      %get3A_369 = vector.shape_cast %get3A_368 : vector<1x16xf32> to vector<16xf32>
      %add3A_370 = arith.constant 16 : i32
      %add3A_371 = arith.addi %multiple_of3A_346, %add3A_370 : i32
      %get3A_372 = arith.index_cast %add3A_336 : i32 to index
      %get3A_373 = arith.index_cast %add3A_371 : i32 to index
      %get3A_374 = tpu.vector_load %arg12[%get3A_372, %get3A_373] {strides = array<i32>} : memref<128x128xf32, #tpu.memory_space<vmem>>, vector<1x16xf32>,
      %get3A_375 = vector.shape_cast %get3A_374 : vector<1x16xf32> to vector<16xf32>
      %mul3A_376 = arith.mulf %get3A_369, %get3A_375 : vector<16xf32>
      %add3A_377 = arith.constant 16 : i32
      %add3A_378 = arith.addi %multiple_of3A_349, %add3A_377 : i32
      %get3A_379 = arith.index_cast %add3A_336 : i32 to index
      %get3A_380 = arith.index_cast %add3A_378 : i32 to index
      %get3A_381 = tpu.vector_load %arg13[%get3A_379, %get3A_380] {strides = array<i32>} : memref<128x128xf32, #tpu.memory_space<vmem>>, vector<1x16xf32>,
      %get3A_382 = vector.shape_cast %get3A_381 : vector<1x16xf32> to vector<16xf32>
      %mul3A_383 = arith.mulf %mul3A_376, %get3A_382 : vector<16xf32>
      %add3A_384 = arith.addf %mul3A_363, %mul3A_383 : vector<16xf32>
      %shift_right_arithmetic3A_385 = arith.constant 3 : i32
      %shift_right_arithmetic3A_386 = arith.shrsi %add3A_153, %shift_right_arithmetic3A_385 : i32
      %add3A_387 = arith.constant 0 : i32
      %add3A_388 = arith.addi %shift_right_arithmetic3A_386, %add3A_387 : i32
      %swap3A_389 = arith.index_cast %add3A_388 : i32 to index
      %swap3A_390 = arith.constant 48 : index
      %swap3A_391 = tpu.vector_load %arg17[%swap3A_389, %swap3A_390] {strides = array<i32>} : memref<64x128xf32, #tpu.memory_space<vmem>>, vector<1x16xf32>,
      %swap3A_392 = vector.shape_cast %swap3A_391 : vector<1x16xf32> to vector<16xf32>
      %swap3A_393 = vector.shape_cast %add3A_384 : vector<16xf32> to vector<1x16xf32>
      tpu.vector_store %arg17[%swap3A_389, %swap3A_390], %swap3A_393 {strides = array<i32>} : memref<64x128xf32, #tpu.memory_space<vmem>>, vector<1x16xf32>,
      %mul3A_394 = arith.constant 16 : i32
      %mul3A_395 = arith.muli %scan3A_149, %mul3A_394 : i32
      %add3A_396 = arith.constant 4 : i32
      %add3A_397 = arith.addi %mul3A_395, %add3A_396 : i32
      %slice3A_398 = vector.extract_strided_slice %get3A_155 {offsets = [4], sizes = [1], strides = [1]} : vector<16xi32> to vector<1xi32>
      %squeeze3A_399 = vector.extract %slice3A_398[0] : i32 from vector<1xi32>
      %and3A_400 = arith.constant 255 : i32
      %and3A_401 = arith.andi %squeeze3A_399, %and3A_400 : i32
      %multiple_of3A_402 = tpu.assume_multiple %and3A_401, 32 : i32
      %shift_right_arithmetic3A_403 = arith.constant 8 : i32
      %shift_right_arithmetic3A_404 = arith.shrsi %squeeze3A_399, %shift_right_arithmetic3A_403 : i32
      %and3A_405 = arith.constant 255 : i32
      %and3A_406 = arith.andi %shift_right_arithmetic3A_404, %and3A_405 : i32
      %multiple_of3A_407 = tpu.assume_multiple %and3A_406, 32 : i32
      %shift_right_arithmetic3A_408 = arith.constant 16 : i32
      %shift_right_arithmetic3A_409 = arith.shrsi %squeeze3A_399, %shift_right_arithmetic3A_408 : i32
      %multiple_of3A_410 = tpu.assume_multiple %shift_right_arithmetic3A_409, 32 : i32
      %get3A_411 = arith.index_cast %add3A_397 : i32 to index
      %get3A_412 = arith.index_cast %multiple_of3A_402 : i32 to index
      %get3A_413 = tpu.vector_load %arg11[%get3A_411, %get3A_412] {strides = array<i32>} : memref<128x128xf32, #tpu.memory_space<vmem>>, vector<1x16xf32>,
      %get3A_414 = vector.shape_cast %get3A_413 : vector<1x16xf32> to vector<16xf32>
      %get3A_415 = arith.index_cast %add3A_397 : i32 to index
      %get3A_416 = arith.index_cast %multiple_of3A_407 : i32 to index
      %get3A_417 = tpu.vector_load %arg12[%get3A_415, %get3A_416] {strides = array<i32>} : memref<128x128xf32, #tpu.memory_space<vmem>>, vector<1x16xf32>,
      %get3A_418 = vector.shape_cast %get3A_417 : vector<1x16xf32> to vector<16xf32>
      %mul3A_419 = arith.mulf %get3A_414, %get3A_418 : vector<16xf32>
      %get3A_420 = arith.index_cast %add3A_397 : i32 to index
      %get3A_421 = arith.index_cast %multiple_of3A_410 : i32 to index
      %get3A_422 = tpu.vector_load %arg13[%get3A_420, %get3A_421] {strides = array<i32>} : memref<128x128xf32, #tpu.memory_space<vmem>>, vector<1x16xf32>,
      %get3A_423 = vector.shape_cast %get3A_422 : vector<1x16xf32> to vector<16xf32>
      %mul3A_424 = arith.mulf %mul3A_419, %get3A_423 : vector<16xf32>
      %add3A_425 = arith.constant 16 : i32
      %add3A_426 = arith.addi %multiple_of3A_402, %add3A_425 : i32
      %get3A_427 = arith.index_cast %add3A_397 : i32 to index
      %get3A_428 = arith.index_cast %add3A_426 : i32 to index
      %get3A_429 = tpu.vector_load %arg11[%get3A_427, %get3A_428] {strides = array<i32>} : memref<128x128xf32, #tpu.memory_space<vmem>>, vector<1x16xf32>,
      %get3A_430 = vector.shape_cast %get3A_429 : vector<1x16xf32> to vector<16xf32>
      %add3A_431 = arith.constant 16 : i32
      %add3A_432 = arith.addi %multiple_of3A_407, %add3A_431 : i32
      %get3A_433 = arith.index_cast %add3A_397 : i32 to index
      %get3A_434 = arith.index_cast %add3A_432 : i32 to index
      %get3A_435 = tpu.vector_load %arg12[%get3A_433, %get3A_434] {strides = array<i32>} : memref<128x128xf32, #tpu.memory_space<vmem>>, vector<1x16xf32>,
      %get3A_436 = vector.shape_cast %get3A_435 : vector<1x16xf32> to vector<16xf32>
      %mul3A_437 = arith.mulf %get3A_430, %get3A_436 : vector<16xf32>
      %add3A_438 = arith.constant 16 : i32
      %add3A_439 = arith.addi %multiple_of3A_410, %add3A_438 : i32
      %get3A_440 = arith.index_cast %add3A_397 : i32 to index
      %get3A_441 = arith.index_cast %add3A_439 : i32 to index
      %get3A_442 = tpu.vector_load %arg13[%get3A_440, %get3A_441] {strides = array<i32>} : memref<128x128xf32, #tpu.memory_space<vmem>>, vector<1x16xf32>,
      %get3A_443 = vector.shape_cast %get3A_442 : vector<1x16xf32> to vector<16xf32>
      %mul3A_444 = arith.mulf %mul3A_437, %get3A_443 : vector<16xf32>
      %add3A_445 = arith.addf %mul3A_424, %mul3A_444 : vector<16xf32>
      %shift_right_arithmetic3A_446 = arith.constant 3 : i32
      %shift_right_arithmetic3A_447 = arith.shrsi %add3A_153, %shift_right_arithmetic3A_446 : i32
      %add3A_448 = arith.constant 0 : i32
      %add3A_449 = arith.addi %shift_right_arithmetic3A_447, %add3A_448 : i32
      %swap3A_450 = arith.index_cast %add3A_449 : i32 to index
      %swap3A_451 = arith.constant 64 : index
      %swap3A_452 = tpu.vector_load %arg17[%swap3A_450, %swap3A_451] {strides = array<i32>} : memref<64x128xf32, #tpu.memory_space<vmem>>, vector<1x16xf32>,
      %swap3A_453 = vector.shape_cast %swap3A_452 : vector<1x16xf32> to vector<16xf32>
      %swap3A_454 = vector.shape_cast %add3A_445 : vector<16xf32> to vector<1x16xf32>
      tpu.vector_store %arg17[%swap3A_450, %swap3A_451], %swap3A_454 {strides = array<i32>} : memref<64x128xf32, #tpu.memory_space<vmem>>, vector<1x16xf32>,
      %mul3A_455 = arith.constant 16 : i32
      %mul3A_456 = arith.muli %scan3A_149, %mul3A_455 : i32
      %add3A_457 = arith.constant 5 : i32
      %add3A_458 = arith.addi %mul3A_456, %add3A_457 : i32
      %slice3A_459 = vector.extract_strided_slice %get3A_155 {offsets = [5], sizes = [1], strides = [1]} : vector<16xi32> to vector<1xi32>
      %squeeze3A_460 = vector.extract %slice3A_459[0] : i32 from vector<1xi32>
      %and3A_461 = arith.constant 255 : i32
      %and3A_462 = arith.andi %squeeze3A_460, %and3A_461 : i32
      %multiple_of3A_463 = tpu.assume_multiple %and3A_462, 32 : i32
      %shift_right_arithmetic3A_464 = arith.constant 8 : i32
      %shift_right_arithmetic3A_465 = arith.shrsi %squeeze3A_460, %shift_right_arithmetic3A_464 : i32
      %and3A_466 = arith.constant 255 : i32
      %and3A_467 = arith.andi %shift_right_arithmetic3A_465, %and3A_466 : i32
      %multiple_of3A_468 = tpu.assume_multiple %and3A_467, 32 : i32
      %shift_right_arithmetic3A_469 = arith.constant 16 : i32
      %shift_right_arithmetic3A_470 = arith.shrsi %squeeze3A_460, %shift_right_arithmetic3A_469 : i32
      %multiple_of3A_471 = tpu.assume_multiple %shift_right_arithmetic3A_470, 32 : i32
      %get3A_472 = arith.index_cast %add3A_458 : i32 to index
      %get3A_473 = arith.index_cast %multiple_of3A_463 : i32 to index
      %get3A_474 = tpu.vector_load %arg11[%get3A_472, %get3A_473] {strides = array<i32>} : memref<128x128xf32, #tpu.memory_space<vmem>>, vector<1x16xf32>,
      %get3A_475 = vector.shape_cast %get3A_474 : vector<1x16xf32> to vector<16xf32>
      %get3A_476 = arith.index_cast %add3A_458 : i32 to index
      %get3A_477 = arith.index_cast %multiple_of3A_468 : i32 to index
      %get3A_478 = tpu.vector_load %arg12[%get3A_476, %get3A_477] {strides = array<i32>} : memref<128x128xf32, #tpu.memory_space<vmem>>, vector<1x16xf32>,
      %get3A_479 = vector.shape_cast %get3A_478 : vector<1x16xf32> to vector<16xf32>
      %mul3A_480 = arith.mulf %get3A_475, %get3A_479 : vector<16xf32>
      %get3A_481 = arith.index_cast %add3A_458 : i32 to index
      %get3A_482 = arith.index_cast %multiple_of3A_471 : i32 to index
      %get3A_483 = tpu.vector_load %arg13[%get3A_481, %get3A_482] {strides = array<i32>} : memref<128x128xf32, #tpu.memory_space<vmem>>, vector<1x16xf32>,
      %get3A_484 = vector.shape_cast %get3A_483 : vector<1x16xf32> to vector<16xf32>
      %mul3A_485 = arith.mulf %mul3A_480, %get3A_484 : vector<16xf32>
      %add3A_486 = arith.constant 16 : i32
      %add3A_487 = arith.addi %multiple_of3A_463, %add3A_486 : i32
      %get3A_488 = arith.index_cast %add3A_458 : i32 to index
      %get3A_489 = arith.index_cast %add3A_487 : i32 to index
      %get3A_490 = tpu.vector_load %arg11[%get3A_488, %get3A_489] {strides = array<i32>} : memref<128x128xf32, #tpu.memory_space<vmem>>, vector<1x16xf32>,
      %get3A_491 = vector.shape_cast %get3A_490 : vector<1x16xf32> to vector<16xf32>
      %add3A_492 = arith.constant 16 : i32
      %add3A_493 = arith.addi %multiple_of3A_468, %add3A_492 : i32
      %get3A_494 = arith.index_cast %add3A_458 : i32 to index
      %get3A_495 = arith.index_cast %add3A_493 : i32 to index
      %get3A_496 = tpu.vector_load %arg12[%get3A_494, %get3A_495] {strides = array<i32>} : memref<128x128xf32, #tpu.memory_space<vmem>>, vector<1x16xf32>,
      %get3A_497 = vector.shape_cast %get3A_496 : vector<1x16xf32> to vector<16xf32>
      %mul3A_498 = arith.mulf %get3A_491, %get3A_497 : vector<16xf32>
      %add3A_499 = arith.constant 16 : i32
      %add3A_500 = arith.addi %multiple_of3A_471, %add3A_499 : i32
      %get3A_501 = arith.index_cast %add3A_458 : i32 to index
      %get3A_502 = arith.index_cast %add3A_500 : i32 to index
      %get3A_503 = tpu.vector_load %arg13[%get3A_501, %get3A_502] {strides = array<i32>} : memref<128x128xf32, #tpu.memory_space<vmem>>, vector<1x16xf32>,
      %get3A_504 = vector.shape_cast %get3A_503 : vector<1x16xf32> to vector<16xf32>
      %mul3A_505 = arith.mulf %mul3A_498, %get3A_504 : vector<16xf32>
      %add3A_506 = arith.addf %mul3A_485, %mul3A_505 : vector<16xf32>
      %shift_right_arithmetic3A_507 = arith.constant 3 : i32
      %shift_right_arithmetic3A_508 = arith.shrsi %add3A_153, %shift_right_arithmetic3A_507 : i32
      %add3A_509 = arith.constant 0 : i32
      %add3A_510 = arith.addi %shift_right_arithmetic3A_508, %add3A_509 : i32
      %swap3A_511 = arith.index_cast %add3A_510 : i32 to index
      %swap3A_512 = arith.constant 80 : index
      %swap3A_513 = tpu.vector_load %arg17[%swap3A_511, %swap3A_512] {strides = array<i32>} : memref<64x128xf32, #tpu.memory_space<vmem>>, vector<1x16xf32>,
      %swap3A_514 = vector.shape_cast %swap3A_513 : vector<1x16xf32> to vector<16xf32>
      %swap3A_515 = vector.shape_cast %add3A_506 : vector<16xf32> to vector<1x16xf32>
      tpu.vector_store %arg17[%swap3A_511, %swap3A_512], %swap3A_515 {strides = array<i32>} : memref<64x128xf32, #tpu.memory_space<vmem>>, vector<1x16xf32>,
      %mul3A_516 = arith.constant 16 : i32
      %mul3A_517 = arith.muli %scan3A_149, %mul3A_516 : i32
      %add3A_518 = arith.constant 6 : i32
      %add3A_519 = arith.addi %mul3A_517, %add3A_518 : i32
      %slice3A_520 = vector.extract_strided_slice %get3A_155 {offsets = [6], sizes = [1], strides = [1]} : vector<16xi32> to vector<1xi32>
      %squeeze3A_521 = vector.extract %slice3A_520[0] : i32 from vector<1xi32>
      %and3A_522 = arith.constant 255 : i32
      %and3A_523 = arith.andi %squeeze3A_521, %and3A_522 : i32
      %multiple_of3A_524 = tpu.assume_multiple %and3A_523, 32 : i32
      %shift_right_arithmetic3A_525 = arith.constant 8 : i32
      %shift_right_arithmetic3A_526 = arith.shrsi %squeeze3A_521, %shift_right_arithmetic3A_525 : i32
      %and3A_527 = arith.constant 255 : i32
      %and3A_528 = arith.andi %shift_right_arithmetic3A_526, %and3A_527 : i32
      %multiple_of3A_529 = tpu.assume_multiple %and3A_528, 32 : i32
      %shift_right_arithmetic3A_530 = arith.constant 16 : i32
      %shift_right_arithmetic3A_531 = arith.shrsi %squeeze3A_521, %shift_right_arithmetic3A_530 : i32
      %multiple_of3A_532 = tpu.assume_multiple %shift_right_arithmetic3A_531, 32 : i32
      %get3A_533 = arith.index_cast %add3A_519 : i32 to index
      %get3A_534 = arith.index_cast %multiple_of3A_524 : i32 to index
      %get3A_535 = tpu.vector_load %arg11[%get3A_533, %get3A_534] {strides = array<i32>} : memref<128x128xf32, #tpu.memory_space<vmem>>, vector<1x16xf32>,
      %get3A_536 = vector.shape_cast %get3A_535 : vector<1x16xf32> to vector<16xf32>
      %get3A_537 = arith.index_cast %add3A_519 : i32 to index
      %get3A_538 = arith.index_cast %multiple_of3A_529 : i32 to index
      %get3A_539 = tpu.vector_load %arg12[%get3A_537, %get3A_538] {strides = array<i32>} : memref<128x128xf32, #tpu.memory_space<vmem>>, vector<1x16xf32>,
      %get3A_540 = vector.shape_cast %get3A_539 : vector<1x16xf32> to vector<16xf32>
      %mul3A_541 = arith.mulf %get3A_536, %get3A_540 : vector<16xf32>
      %get3A_542 = arith.index_cast %add3A_519 : i32 to index
      %get3A_543 = arith.index_cast %multiple_of3A_532 : i32 to index
      %get3A_544 = tpu.vector_load %arg13[%get3A_542, %get3A_543] {strides = array<i32>} : memref<128x128xf32, #tpu.memory_space<vmem>>, vector<1x16xf32>,
      %get3A_545 = vector.shape_cast %get3A_544 : vector<1x16xf32> to vector<16xf32>
      %mul3A_546 = arith.mulf %mul3A_541, %get3A_545 : vector<16xf32>
      %add3A_547 = arith.constant 16 : i32
      %add3A_548 = arith.addi %multiple_of3A_524, %add3A_547 : i32
      %get3A_549 = arith.index_cast %add3A_519 : i32 to index
      %get3A_550 = arith.index_cast %add3A_548 : i32 to index
      %get3A_551 = tpu.vector_load %arg11[%get3A_549, %get3A_550] {strides = array<i32>} : memref<128x128xf32, #tpu.memory_space<vmem>>, vector<1x16xf32>,
      %get3A_552 = vector.shape_cast %get3A_551 : vector<1x16xf32> to vector<16xf32>
      %add3A_553 = arith.constant 16 : i32
      %add3A_554 = arith.addi %multiple_of3A_529, %add3A_553 : i32
      %get3A_555 = arith.index_cast %add3A_519 : i32 to index
      %get3A_556 = arith.index_cast %add3A_554 : i32 to index
      %get3A_557 = tpu.vector_load %arg12[%get3A_555, %get3A_556] {strides = array<i32>} : memref<128x128xf32, #tpu.memory_space<vmem>>, vector<1x16xf32>,
      %get3A_558 = vector.shape_cast %get3A_557 : vector<1x16xf32> to vector<16xf32>
      %mul3A_559 = arith.mulf %get3A_552, %get3A_558 : vector<16xf32>
      %add3A_560 = arith.constant 16 : i32
      %add3A_561 = arith.addi %multiple_of3A_532, %add3A_560 : i32
      %get3A_562 = arith.index_cast %add3A_519 : i32 to index
      %get3A_563 = arith.index_cast %add3A_561 : i32 to index
      %get3A_564 = tpu.vector_load %arg13[%get3A_562, %get3A_563] {strides = array<i32>} : memref<128x128xf32, #tpu.memory_space<vmem>>, vector<1x16xf32>,
      %get3A_565 = vector.shape_cast %get3A_564 : vector<1x16xf32> to vector<16xf32>
      %mul3A_566 = arith.mulf %mul3A_559, %get3A_565 : vector<16xf32>
      %add3A_567 = arith.addf %mul3A_546, %mul3A_566 : vector<16xf32>
      %shift_right_arithmetic3A_568 = arith.constant 3 : i32
      %shift_right_arithmetic3A_569 = arith.shrsi %add3A_153, %shift_right_arithmetic3A_568 : i32
      %add3A_570 = arith.constant 0 : i32
      %add3A_571 = arith.addi %shift_right_arithmetic3A_569, %add3A_570 : i32
      %swap3A_572 = arith.index_cast %add3A_571 : i32 to index
      %swap3A_573 = arith.constant 96 : index
      %swap3A_574 = tpu.vector_load %arg17[%swap3A_572, %swap3A_573] {strides = array<i32>} : memref<64x128xf32, #tpu.memory_space<vmem>>, vector<1x16xf32>,
      %swap3A_575 = vector.shape_cast %swap3A_574 : vector<1x16xf32> to vector<16xf32>
      %swap3A_576 = vector.shape_cast %add3A_567 : vector<16xf32> to vector<1x16xf32>
      tpu.vector_store %arg17[%swap3A_572, %swap3A_573], %swap3A_576 {strides = array<i32>} : memref<64x128xf32, #tpu.memory_space<vmem>>, vector<1x16xf32>,
      %mul3A_577 = arith.constant 16 : i32
      %mul3A_578 = arith.muli %scan3A_149, %mul3A_577 : i32
      %add3A_579 = arith.constant 7 : i32
      %add3A_580 = arith.addi %mul3A_578, %add3A_579 : i32
      %slice3A_581 = vector.extract_strided_slice %get3A_155 {offsets = [7], sizes = [1], strides = [1]} : vector<16xi32> to vector<1xi32>
      %squeeze3A_582 = vector.extract %slice3A_581[0] : i32 from vector<1xi32>
      %and3A_583 = arith.constant 255 : i32
      %and3A_584 = arith.andi %squeeze3A_582, %and3A_583 : i32
      %multiple_of3A_585 = tpu.assume_multiple %and3A_584, 32 : i32
      %shift_right_arithmetic3A_586 = arith.constant 8 : i32
      %shift_right_arithmetic3A_587 = arith.shrsi %squeeze3A_582, %shift_right_arithmetic3A_586 : i32
      %and3A_588 = arith.constant 255 : i32
      %and3A_589 = arith.andi %shift_right_arithmetic3A_587, %and3A_588 : i32
      %multiple_of3A_590 = tpu.assume_multiple %and3A_589, 32 : i32
      %shift_right_arithmetic3A_591 = arith.constant 16 : i32
      %shift_right_arithmetic3A_592 = arith.shrsi %squeeze3A_582, %shift_right_arithmetic3A_591 : i32
      %multiple_of3A_593 = tpu.assume_multiple %shift_right_arithmetic3A_592, 32 : i32
      %get3A_594 = arith.index_cast %add3A_580 : i32 to index
      %get3A_595 = arith.index_cast %multiple_of3A_585 : i32 to index
      %get3A_596 = tpu.vector_load %arg11[%get3A_594, %get3A_595] {strides = array<i32>} : memref<128x128xf32, #tpu.memory_space<vmem>>, vector<1x16xf32>,
      %get3A_597 = vector.shape_cast %get3A_596 : vector<1x16xf32> to vector<16xf32>
      %get3A_598 = arith.index_cast %add3A_580 : i32 to index
      %get3A_599 = arith.index_cast %multiple_of3A_590 : i32 to index
      %get3A_600 = tpu.vector_load %arg12[%get3A_598, %get3A_599] {strides = array<i32>} : memref<128x128xf32, #tpu.memory_space<vmem>>, vector<1x16xf32>,
      %get3A_601 = vector.shape_cast %get3A_600 : vector<1x16xf32> to vector<16xf32>
      %mul3A_602 = arith.mulf %get3A_597, %get3A_601 : vector<16xf32>
      %get3A_603 = arith.index_cast %add3A_580 : i32 to index
      %get3A_604 = arith.index_cast %multiple_of3A_593 : i32 to index
      %get3A_605 = tpu.vector_load %arg13[%get3A_603, %get3A_604] {strides = array<i32>} : memref<128x128xf32, #tpu.memory_space<vmem>>, vector<1x16xf32>,
      %get3A_606 = vector.shape_cast %get3A_605 : vector<1x16xf32> to vector<16xf32>
      %mul3A_607 = arith.mulf %mul3A_602, %get3A_606 : vector<16xf32>
      %add3A_608 = arith.constant 16 : i32
      %add3A_609 = arith.addi %multiple_of3A_585, %add3A_608 : i32
      %get3A_610 = arith.index_cast %add3A_580 : i32 to index
      %get3A_611 = arith.index_cast %add3A_609 : i32 to index
      %get3A_612 = tpu.vector_load %arg11[%get3A_610, %get3A_611] {strides = array<i32>} : memref<128x128xf32, #tpu.memory_space<vmem>>, vector<1x16xf32>,
      %get3A_613 = vector.shape_cast %get3A_612 : vector<1x16xf32> to vector<16xf32>
      %add3A_614 = arith.constant 16 : i32
      %add3A_615 = arith.addi %multiple_of3A_590, %add3A_614 : i32
      %get3A_616 = arith.index_cast %add3A_580 : i32 to index
      %get3A_617 = arith.index_cast %add3A_615 : i32 to index
      %get3A_618 = tpu.vector_load %arg12[%get3A_616, %get3A_617] {strides = array<i32>} : memref<128x128xf32, #tpu.memory_space<vmem>>, vector<1x16xf32>,
      %get3A_619 = vector.shape_cast %get3A_618 : vector<1x16xf32> to vector<16xf32>
      %mul3A_620 = arith.mulf %get3A_613, %get3A_619 : vector<16xf32>
      %add3A_621 = arith.constant 16 : i32
      %add3A_622 = arith.addi %multiple_of3A_593, %add3A_621 : i32
      %get3A_623 = arith.index_cast %add3A_580 : i32 to index
      %get3A_624 = arith.index_cast %add3A_622 : i32 to index
      %get3A_625 = tpu.vector_load %arg13[%get3A_623, %get3A_624] {strides = array<i32>} : memref<128x128xf32, #tpu.memory_space<vmem>>, vector<1x16xf32>,
      %get3A_626 = vector.shape_cast %get3A_625 : vector<1x16xf32> to vector<16xf32>
      %mul3A_627 = arith.mulf %mul3A_620, %get3A_626 : vector<16xf32>
      %add3A_628 = arith.addf %mul3A_607, %mul3A_627 : vector<16xf32>
      %shift_right_arithmetic3A_629 = arith.constant 3 : i32
      %shift_right_arithmetic3A_630 = arith.shrsi %add3A_153, %shift_right_arithmetic3A_629 : i32
      %add3A_631 = arith.constant 0 : i32
      %add3A_632 = arith.addi %shift_right_arithmetic3A_630, %add3A_631 : i32
      %swap3A_633 = arith.index_cast %add3A_632 : i32 to index
      %swap3A_634 = arith.constant 112 : index
      %swap3A_635 = tpu.vector_load %arg17[%swap3A_633, %swap3A_634] {strides = array<i32>} : memref<64x128xf32, #tpu.memory_space<vmem>>, vector<1x16xf32>,
      %swap3A_636 = vector.shape_cast %swap3A_635 : vector<1x16xf32> to vector<16xf32>
      %swap3A_637 = vector.shape_cast %add3A_628 : vector<16xf32> to vector<1x16xf32>
      tpu.vector_store %arg17[%swap3A_633, %swap3A_634], %swap3A_637 {strides = array<i32>} : memref<64x128xf32, #tpu.memory_space<vmem>>, vector<1x16xf32>,
      %mul3A_638 = arith.constant 16 : i32
      %mul3A_639 = arith.muli %scan3A_149, %mul3A_638 : i32
      %add3A_640 = arith.constant 8 : i32
      %add3A_641 = arith.addi %mul3A_639, %add3A_640 : i32
      %slice3A_642 = vector.extract_strided_slice %get3A_155 {offsets = [8], sizes = [1], strides = [1]} : vector<16xi32> to vector<1xi32>
      %squeeze3A_643 = vector.extract %slice3A_642[0] : i32 from vector<1xi32>
      %and3A_644 = arith.constant 255 : i32
      %and3A_645 = arith.andi %squeeze3A_643, %and3A_644 : i32
      %multiple_of3A_646 = tpu.assume_multiple %and3A_645, 32 : i32
      %shift_right_arithmetic3A_647 = arith.constant 8 : i32
      %shift_right_arithmetic3A_648 = arith.shrsi %squeeze3A_643, %shift_right_arithmetic3A_647 : i32
      %and3A_649 = arith.constant 255 : i32
      %and3A_650 = arith.andi %shift_right_arithmetic3A_648, %and3A_649 : i32
      %multiple_of3A_651 = tpu.assume_multiple %and3A_650, 32 : i32
      %shift_right_arithmetic3A_652 = arith.constant 16 : i32
      %shift_right_arithmetic3A_653 = arith.shrsi %squeeze3A_643, %shift_right_arithmetic3A_652 : i32
      %multiple_of3A_654 = tpu.assume_multiple %shift_right_arithmetic3A_653, 32 : i32
      %get3A_655 = arith.index_cast %add3A_641 : i32 to index
      %get3A_656 = arith.index_cast %multiple_of3A_646 : i32 to index
      %get3A_657 = tpu.vector_load %arg11[%get3A_655, %get3A_656] {strides = array<i32>} : memref<128x128xf32, #tpu.memory_space<vmem>>, vector<1x16xf32>,
      %get3A_658 = vector.shape_cast %get3A_657 : vector<1x16xf32> to vector<16xf32>
      %get3A_659 = arith.index_cast %add3A_641 : i32 to index
      %get3A_660 = arith.index_cast %multiple_of3A_651 : i32 to index
      %get3A_661 = tpu.vector_load %arg12[%get3A_659, %get3A_660] {strides = array<i32>} : memref<128x128xf32, #tpu.memory_space<vmem>>, vector<1x16xf32>,
      %get3A_662 = vector.shape_cast %get3A_661 : vector<1x16xf32> to vector<16xf32>
      %mul3A_663 = arith.mulf %get3A_658, %get3A_662 : vector<16xf32>
      %get3A_664 = arith.index_cast %add3A_641 : i32 to index
      %get3A_665 = arith.index_cast %multiple_of3A_654 : i32 to index
      %get3A_666 = tpu.vector_load %arg13[%get3A_664, %get3A_665] {strides = array<i32>} : memref<128x128xf32, #tpu.memory_space<vmem>>, vector<1x16xf32>,
      %get3A_667 = vector.shape_cast %get3A_666 : vector<1x16xf32> to vector<16xf32>
      %mul3A_668 = arith.mulf %mul3A_663, %get3A_667 : vector<16xf32>
      %add3A_669 = arith.constant 16 : i32
      %add3A_670 = arith.addi %multiple_of3A_646, %add3A_669 : i32
      %get3A_671 = arith.index_cast %add3A_641 : i32 to index
      %get3A_672 = arith.index_cast %add3A_670 : i32 to index
      %get3A_673 = tpu.vector_load %arg11[%get3A_671, %get3A_672] {strides = array<i32>} : memref<128x128xf32, #tpu.memory_space<vmem>>, vector<1x16xf32>,
      %get3A_674 = vector.shape_cast %get3A_673 : vector<1x16xf32> to vector<16xf32>
      %add3A_675 = arith.constant 16 : i32
      %add3A_676 = arith.addi %multiple_of3A_651, %add3A_675 : i32
      %get3A_677 = arith.index_cast %add3A_641 : i32 to index
      %get3A_678 = arith.index_cast %add3A_676 : i32 to index
      %get3A_679 = tpu.vector_load %arg12[%get3A_677, %get3A_678] {strides = array<i32>} : memref<128x128xf32, #tpu.memory_space<vmem>>, vector<1x16xf32>,
      %get3A_680 = vector.shape_cast %get3A_679 : vector<1x16xf32> to vector<16xf32>
      %mul3A_681 = arith.mulf %get3A_674, %get3A_680 : vector<16xf32>
      %add3A_682 = arith.constant 16 : i32
      %add3A_683 = arith.addi %multiple_of3A_654, %add3A_682 : i32
      %get3A_684 = arith.index_cast %add3A_641 : i32 to index
      %get3A_685 = arith.index_cast %add3A_683 : i32 to index
      %get3A_686 = tpu.vector_load %arg13[%get3A_684, %get3A_685] {strides = array<i32>} : memref<128x128xf32, #tpu.memory_space<vmem>>, vector<1x16xf32>,
      %get3A_687 = vector.shape_cast %get3A_686 : vector<1x16xf32> to vector<16xf32>
      %mul3A_688 = arith.mulf %mul3A_681, %get3A_687 : vector<16xf32>
      %add3A_689 = arith.addf %mul3A_668, %mul3A_688 : vector<16xf32>
      %shift_right_arithmetic3A_690 = arith.constant 3 : i32
      %shift_right_arithmetic3A_691 = arith.shrsi %add3A_153, %shift_right_arithmetic3A_690 : i32
      %add3A_692 = arith.constant 1 : i32
      %add3A_693 = arith.addi %shift_right_arithmetic3A_691, %add3A_692 : i32
      %swap3A_694 = arith.index_cast %add3A_693 : i32 to index
      %swap3A_695 = arith.constant 0 : index
      %swap3A_696 = tpu.vector_load %arg17[%swap3A_694, %swap3A_695] {strides = array<i32>} : memref<64x128xf32, #tpu.memory_space<vmem>>, vector<1x16xf32>,
      %swap3A_697 = vector.shape_cast %swap3A_696 : vector<1x16xf32> to vector<16xf32>
      %swap3A_698 = vector.shape_cast %add3A_689 : vector<16xf32> to vector<1x16xf32>
      tpu.vector_store %arg17[%swap3A_694, %swap3A_695], %swap3A_698 {strides = array<i32>} : memref<64x128xf32, #tpu.memory_space<vmem>>, vector<1x16xf32>,
      %mul3A_699 = arith.constant 16 : i32
      %mul3A_700 = arith.muli %scan3A_149, %mul3A_699 : i32
      %add3A_701 = arith.constant 9 : i32
      %add3A_702 = arith.addi %mul3A_700, %add3A_701 : i32
      %slice3A_703 = vector.extract_strided_slice %get3A_155 {offsets = [9], sizes = [1], strides = [1]} : vector<16xi32> to vector<1xi32>
      %squeeze3A_704 = vector.extract %slice3A_703[0] : i32 from vector<1xi32>
      %and3A_705 = arith.constant 255 : i32
      %and3A_706 = arith.andi %squeeze3A_704, %and3A_705 : i32
      %multiple_of3A_707 = tpu.assume_multiple %and3A_706, 32 : i32
      %shift_right_arithmetic3A_708 = arith.constant 8 : i32
      %shift_right_arithmetic3A_709 = arith.shrsi %squeeze3A_704, %shift_right_arithmetic3A_708 : i32
      %and3A_710 = arith.constant 255 : i32
      %and3A_711 = arith.andi %shift_right_arithmetic3A_709, %and3A_710 : i32
      %multiple_of3A_712 = tpu.assume_multiple %and3A_711, 32 : i32
      %shift_right_arithmetic3A_713 = arith.constant 16 : i32
      %shift_right_arithmetic3A_714 = arith.shrsi %squeeze3A_704, %shift_right_arithmetic3A_713 : i32
      %multiple_of3A_715 = tpu.assume_multiple %shift_right_arithmetic3A_714, 32 : i32
      %get3A_716 = arith.index_cast %add3A_702 : i32 to index
      %get3A_717 = arith.index_cast %multiple_of3A_707 : i32 to index
      %get3A_718 = tpu.vector_load %arg11[%get3A_716, %get3A_717] {strides = array<i32>} : memref<128x128xf32, #tpu.memory_space<vmem>>, vector<1x16xf32>,
      %get3A_719 = vector.shape_cast %get3A_718 : vector<1x16xf32> to vector<16xf32>
      %get3A_720 = arith.index_cast %add3A_702 : i32 to index
      %get3A_721 = arith.index_cast %multiple_of3A_712 : i32 to index
      %get3A_722 = tpu.vector_load %arg12[%get3A_720, %get3A_721] {strides = array<i32>} : memref<128x128xf32, #tpu.memory_space<vmem>>, vector<1x16xf32>,
      %get3A_723 = vector.shape_cast %get3A_722 : vector<1x16xf32> to vector<16xf32>
      %mul3A_724 = arith.mulf %get3A_719, %get3A_723 : vector<16xf32>
      %get3A_725 = arith.index_cast %add3A_702 : i32 to index
      %get3A_726 = arith.index_cast %multiple_of3A_715 : i32 to index
      %get3A_727 = tpu.vector_load %arg13[%get3A_725, %get3A_726] {strides = array<i32>} : memref<128x128xf32, #tpu.memory_space<vmem>>, vector<1x16xf32>,
      %get3A_728 = vector.shape_cast %get3A_727 : vector<1x16xf32> to vector<16xf32>
      %mul3A_729 = arith.mulf %mul3A_724, %get3A_728 : vector<16xf32>
      %add3A_730 = arith.constant 16 : i32
      %add3A_731 = arith.addi %multiple_of3A_707, %add3A_730 : i32
      %get3A_732 = arith.index_cast %add3A_702 : i32 to index
      %get3A_733 = arith.index_cast %add3A_731 : i32 to index
      %get3A_734 = tpu.vector_load %arg11[%get3A_732, %get3A_733] {strides = array<i32>} : memref<128x128xf32, #tpu.memory_space<vmem>>, vector<1x16xf32>,
      %get3A_735 = vector.shape_cast %get3A_734 : vector<1x16xf32> to vector<16xf32>
      %add3A_736 = arith.constant 16 : i32
      %add3A_737 = arith.addi %multiple_of3A_712, %add3A_736 : i32
      %get3A_738 = arith.index_cast %add3A_702 : i32 to index
      %get3A_739 = arith.index_cast %add3A_737 : i32 to index
      %get3A_740 = tpu.vector_load %arg12[%get3A_738, %get3A_739] {strides = array<i32>} : memref<128x128xf32, #tpu.memory_space<vmem>>, vector<1x16xf32>,
      %get3A_741 = vector.shape_cast %get3A_740 : vector<1x16xf32> to vector<16xf32>
      %mul3A_742 = arith.mulf %get3A_735, %get3A_741 : vector<16xf32>
      %add3A_743 = arith.constant 16 : i32
      %add3A_744 = arith.addi %multiple_of3A_715, %add3A_743 : i32
      %get3A_745 = arith.index_cast %add3A_702 : i32 to index
      %get3A_746 = arith.index_cast %add3A_744 : i32 to index
      %get3A_747 = tpu.vector_load %arg13[%get3A_745, %get3A_746] {strides = array<i32>} : memref<128x128xf32, #tpu.memory_space<vmem>>, vector<1x16xf32>,
      %get3A_748 = vector.shape_cast %get3A_747 : vector<1x16xf32> to vector<16xf32>
      %mul3A_749 = arith.mulf %mul3A_742, %get3A_748 : vector<16xf32>
      %add3A_750 = arith.addf %mul3A_729, %mul3A_749 : vector<16xf32>
      %shift_right_arithmetic3A_751 = arith.constant 3 : i32
      %shift_right_arithmetic3A_752 = arith.shrsi %add3A_153, %shift_right_arithmetic3A_751 : i32
      %add3A_753 = arith.constant 1 : i32
      %add3A_754 = arith.addi %shift_right_arithmetic3A_752, %add3A_753 : i32
      %swap3A_755 = arith.index_cast %add3A_754 : i32 to index
      %swap3A_756 = arith.constant 16 : index
      %swap3A_757 = tpu.vector_load %arg17[%swap3A_755, %swap3A_756] {strides = array<i32>} : memref<64x128xf32, #tpu.memory_space<vmem>>, vector<1x16xf32>,
      %swap3A_758 = vector.shape_cast %swap3A_757 : vector<1x16xf32> to vector<16xf32>
      %swap3A_759 = vector.shape_cast %add3A_750 : vector<16xf32> to vector<1x16xf32>
      tpu.vector_store %arg17[%swap3A_755, %swap3A_756], %swap3A_759 {strides = array<i32>} : memref<64x128xf32, #tpu.memory_space<vmem>>, vector<1x16xf32>,
      %mul3A_760 = arith.constant 16 : i32
      %mul3A_761 = arith.muli %scan3A_149, %mul3A_760 : i32
      %add3A_762 = arith.constant 10 : i32
      %add3A_763 = arith.addi %mul3A_761, %add3A_762 : i32
      %slice3A_764 = vector.extract_strided_slice %get3A_155 {offsets = [10], sizes = [1], strides = [1]} : vector<16xi32> to vector<1xi32>
      %squeeze3A_765 = vector.extract %slice3A_764[0] : i32 from vector<1xi32>
      %and3A_766 = arith.constant 255 : i32
      %and3A_767 = arith.andi %squeeze3A_765, %and3A_766 : i32
      %multiple_of3A_768 = tpu.assume_multiple %and3A_767, 32 : i32
      %shift_right_arithmetic3A_769 = arith.constant 8 : i32
      %shift_right_arithmetic3A_770 = arith.shrsi %squeeze3A_765, %shift_right_arithmetic3A_769 : i32
      %and3A_771 = arith.constant 255 : i32
      %and3A_772 = arith.andi %shift_right_arithmetic3A_770, %and3A_771 : i32
      %multiple_of3A_773 = tpu.assume_multiple %and3A_772, 32 : i32
      %shift_right_arithmetic3A_774 = arith.constant 16 : i32
      %shift_right_arithmetic3A_775 = arith.shrsi %squeeze3A_765, %shift_right_arithmetic3A_774 : i32
      %multiple_of3A_776 = tpu.assume_multiple %shift_right_arithmetic3A_775, 32 : i32
      %get3A_777 = arith.index_cast %add3A_763 : i32 to index
      %get3A_778 = arith.index_cast %multiple_of3A_768 : i32 to index
      %get3A_779 = tpu.vector_load %arg11[%get3A_777, %get3A_778] {strides = array<i32>} : memref<128x128xf32, #tpu.memory_space<vmem>>, vector<1x16xf32>,
      %get3A_780 = vector.shape_cast %get3A_779 : vector<1x16xf32> to vector<16xf32>
      %get3A_781 = arith.index_cast %add3A_763 : i32 to index
      %get3A_782 = arith.index_cast %multiple_of3A_773 : i32 to index
      %get3A_783 = tpu.vector_load %arg12[%get3A_781, %get3A_782] {strides = array<i32>} : memref<128x128xf32, #tpu.memory_space<vmem>>, vector<1x16xf32>,
      %get3A_784 = vector.shape_cast %get3A_783 : vector<1x16xf32> to vector<16xf32>
      %mul3A_785 = arith.mulf %get3A_780, %get3A_784 : vector<16xf32>
      %get3A_786 = arith.index_cast %add3A_763 : i32 to index
      %get3A_787 = arith.index_cast %multiple_of3A_776 : i32 to index
      %get3A_788 = tpu.vector_load %arg13[%get3A_786, %get3A_787] {strides = array<i32>} : memref<128x128xf32, #tpu.memory_space<vmem>>, vector<1x16xf32>,
      %get3A_789 = vector.shape_cast %get3A_788 : vector<1x16xf32> to vector<16xf32>
      %mul3A_790 = arith.mulf %mul3A_785, %get3A_789 : vector<16xf32>
      %add3A_791 = arith.constant 16 : i32
      %add3A_792 = arith.addi %multiple_of3A_768, %add3A_791 : i32
      %get3A_793 = arith.index_cast %add3A_763 : i32 to index
      %get3A_794 = arith.index_cast %add3A_792 : i32 to index
      %get3A_795 = tpu.vector_load %arg11[%get3A_793, %get3A_794] {strides = array<i32>} : memref<128x128xf32, #tpu.memory_space<vmem>>, vector<1x16xf32>,
      %get3A_796 = vector.shape_cast %get3A_795 : vector<1x16xf32> to vector<16xf32>
      %add3A_797 = arith.constant 16 : i32
      %add3A_798 = arith.addi %multiple_of3A_773, %add3A_797 : i32
      %get3A_799 = arith.index_cast %add3A_763 : i32 to index
      %get3A_800 = arith.index_cast %add3A_798 : i32 to index
      %get3A_801 = tpu.vector_load %arg12[%get3A_799, %get3A_800] {strides = array<i32>} : memref<128x128xf32, #tpu.memory_space<vmem>>, vector<1x16xf32>,
      %get3A_802 = vector.shape_cast %get3A_801 : vector<1x16xf32> to vector<16xf32>
      %mul3A_803 = arith.mulf %get3A_796, %get3A_802 : vector<16xf32>
      %add3A_804 = arith.constant 16 : i32
      %add3A_805 = arith.addi %multiple_of3A_776, %add3A_804 : i32
      %get3A_806 = arith.index_cast %add3A_763 : i32 to index
      %get3A_807 = arith.index_cast %add3A_805 : i32 to index
      %get3A_808 = tpu.vector_load %arg13[%get3A_806, %get3A_807] {strides = array<i32>} : memref<128x128xf32, #tpu.memory_space<vmem>>, vector<1x16xf32>,
      %get3A_809 = vector.shape_cast %get3A_808 : vector<1x16xf32> to vector<16xf32>
      %mul3A_810 = arith.mulf %mul3A_803, %get3A_809 : vector<16xf32>
      %add3A_811 = arith.addf %mul3A_790, %mul3A_810 : vector<16xf32>
      %shift_right_arithmetic3A_812 = arith.constant 3 : i32
      %shift_right_arithmetic3A_813 = arith.shrsi %add3A_153, %shift_right_arithmetic3A_812 : i32
      %add3A_814 = arith.constant 1 : i32
      %add3A_815 = arith.addi %shift_right_arithmetic3A_813, %add3A_814 : i32
      %swap3A_816 = arith.index_cast %add3A_815 : i32 to index
      %swap3A_817 = arith.constant 32 : index
      %swap3A_818 = tpu.vector_load %arg17[%swap3A_816, %swap3A_817] {strides = array<i32>} : memref<64x128xf32, #tpu.memory_space<vmem>>, vector<1x16xf32>,
      %swap3A_819 = vector.shape_cast %swap3A_818 : vector<1x16xf32> to vector<16xf32>
      %swap3A_820 = vector.shape_cast %add3A_811 : vector<16xf32> to vector<1x16xf32>
      tpu.vector_store %arg17[%swap3A_816, %swap3A_817], %swap3A_820 {strides = array<i32>} : memref<64x128xf32, #tpu.memory_space<vmem>>, vector<1x16xf32>,
      %mul3A_821 = arith.constant 16 : i32
      %mul3A_822 = arith.muli %scan3A_149, %mul3A_821 : i32
      %add3A_823 = arith.constant 11 : i32
      %add3A_824 = arith.addi %mul3A_822, %add3A_823 : i32
      %slice3A_825 = vector.extract_strided_slice %get3A_155 {offsets = [11], sizes = [1], strides = [1]} : vector<16xi32> to vector<1xi32>
      %squeeze3A_826 = vector.extract %slice3A_825[0] : i32 from vector<1xi32>
      %and3A_827 = arith.constant 255 : i32
      %and3A_828 = arith.andi %squeeze3A_826, %and3A_827 : i32
      %multiple_of3A_829 = tpu.assume_multiple %and3A_828, 32 : i32
      %shift_right_arithmetic3A_830 = arith.constant 8 : i32
      %shift_right_arithmetic3A_831 = arith.shrsi %squeeze3A_826, %shift_right_arithmetic3A_830 : i32
      %and3A_832 = arith.constant 255 : i32
      %and3A_833 = arith.andi %shift_right_arithmetic3A_831, %and3A_832 : i32
      %multiple_of3A_834 = tpu.assume_multiple %and3A_833, 32 : i32
      %shift_right_arithmetic3A_835 = arith.constant 16 : i32
      %shift_right_arithmetic3A_836 = arith.shrsi %squeeze3A_826, %shift_right_arithmetic3A_835 : i32
      %multiple_of3A_837 = tpu.assume_multiple %shift_right_arithmetic3A_836, 32 : i32
      %get3A_838 = arith.index_cast %add3A_824 : i32 to index
      %get3A_839 = arith.index_cast %multiple_of3A_829 : i32 to index
      %get3A_840 = tpu.vector_load %arg11[%get3A_838, %get3A_839] {strides = array<i32>} : memref<128x128xf32, #tpu.memory_space<vmem>>, vector<1x16xf32>,
      %get3A_841 = vector.shape_cast %get3A_840 : vector<1x16xf32> to vector<16xf32>
      %get3A_842 = arith.index_cast %add3A_824 : i32 to index
      %get3A_843 = arith.index_cast %multiple_of3A_834 : i32 to index
      %get3A_844 = tpu.vector_load %arg12[%get3A_842, %get3A_843] {strides = array<i32>} : memref<128x128xf32, #tpu.memory_space<vmem>>, vector<1x16xf32>,
      %get3A_845 = vector.shape_cast %get3A_844 : vector<1x16xf32> to vector<16xf32>
      %mul3A_846 = arith.mulf %get3A_841, %get3A_845 : vector<16xf32>
      %get3A_847 = arith.index_cast %add3A_824 : i32 to index
      %get3A_848 = arith.index_cast %multiple_of3A_837 : i32 to index
      %get3A_849 = tpu.vector_load %arg13[%get3A_847, %get3A_848] {strides = array<i32>} : memref<128x128xf32, #tpu.memory_space<vmem>>, vector<1x16xf32>,
      %get3A_850 = vector.shape_cast %get3A_849 : vector<1x16xf32> to vector<16xf32>
      %mul3A_851 = arith.mulf %mul3A_846, %get3A_850 : vector<16xf32>
      %add3A_852 = arith.constant 16 : i32
      %add3A_853 = arith.addi %multiple_of3A_829, %add3A_852 : i32
      %get3A_854 = arith.index_cast %add3A_824 : i32 to index
      %get3A_855 = arith.index_cast %add3A_853 : i32 to index
      %get3A_856 = tpu.vector_load %arg11[%get3A_854, %get3A_855] {strides = array<i32>} : memref<128x128xf32, #tpu.memory_space<vmem>>, vector<1x16xf32>,
      %get3A_857 = vector.shape_cast %get3A_856 : vector<1x16xf32> to vector<16xf32>
      %add3A_858 = arith.constant 16 : i32
      %add3A_859 = arith.addi %multiple_of3A_834, %add3A_858 : i32
      %get3A_860 = arith.index_cast %add3A_824 : i32 to index
      %get3A_861 = arith.index_cast %add3A_859 : i32 to index
      %get3A_862 = tpu.vector_load %arg12[%get3A_860, %get3A_861] {strides = array<i32>} : memref<128x128xf32, #tpu.memory_space<vmem>>, vector<1x16xf32>,
      %get3A_863 = vector.shape_cast %get3A_862 : vector<1x16xf32> to vector<16xf32>
      %mul3A_864 = arith.mulf %get3A_857, %get3A_863 : vector<16xf32>
      %add3A_865 = arith.constant 16 : i32
      %add3A_866 = arith.addi %multiple_of3A_837, %add3A_865 : i32
      %get3A_867 = arith.index_cast %add3A_824 : i32 to index
      %get3A_868 = arith.index_cast %add3A_866 : i32 to index
      %get3A_869 = tpu.vector_load %arg13[%get3A_867, %get3A_868] {strides = array<i32>} : memref<128x128xf32, #tpu.memory_space<vmem>>, vector<1x16xf32>,
      %get3A_870 = vector.shape_cast %get3A_869 : vector<1x16xf32> to vector<16xf32>
      %mul3A_871 = arith.mulf %mul3A_864, %get3A_870 : vector<16xf32>
      %add3A_872 = arith.addf %mul3A_851, %mul3A_871 : vector<16xf32>
      %shift_right_arithmetic3A_873 = arith.constant 3 : i32
      %shift_right_arithmetic3A_874 = arith.shrsi %add3A_153, %shift_right_arithmetic3A_873 : i32
      %add3A_875 = arith.constant 1 : i32
      %add3A_876 = arith.addi %shift_right_arithmetic3A_874, %add3A_875 : i32
      %swap3A_877 = arith.index_cast %add3A_876 : i32 to index
      %swap3A_878 = arith.constant 48 : index
      %swap3A_879 = tpu.vector_load %arg17[%swap3A_877, %swap3A_878] {strides = array<i32>} : memref<64x128xf32, #tpu.memory_space<vmem>>, vector<1x16xf32>,
      %swap3A_880 = vector.shape_cast %swap3A_879 : vector<1x16xf32> to vector<16xf32>
      %swap3A_881 = vector.shape_cast %add3A_872 : vector<16xf32> to vector<1x16xf32>
      tpu.vector_store %arg17[%swap3A_877, %swap3A_878], %swap3A_881 {strides = array<i32>} : memref<64x128xf32, #tpu.memory_space<vmem>>, vector<1x16xf32>,
      %mul3A_882 = arith.constant 16 : i32
      %mul3A_883 = arith.muli %scan3A_149, %mul3A_882 : i32
      %add3A_884 = arith.constant 12 : i32
      %add3A_885 = arith.addi %mul3A_883, %add3A_884 : i32
      %slice3A_886 = vector.extract_strided_slice %get3A_155 {offsets = [12], sizes = [1], strides = [1]} : vector<16xi32> to vector<1xi32>
      %squeeze3A_887 = vector.extract %slice3A_886[0] : i32 from vector<1xi32>
      %and3A_888 = arith.constant 255 : i32
      %and3A_889 = arith.andi %squeeze3A_887, %and3A_888 : i32
      %multiple_of3A_890 = tpu.assume_multiple %and3A_889, 32 : i32
      %shift_right_arithmetic3A_891 = arith.constant 8 : i32
      %shift_right_arithmetic3A_892 = arith.shrsi %squeeze3A_887, %shift_right_arithmetic3A_891 : i32
      %and3A_893 = arith.constant 255 : i32
      %and3A_894 = arith.andi %shift_right_arithmetic3A_892, %and3A_893 : i32
      %multiple_of3A_895 = tpu.assume_multiple %and3A_894, 32 : i32
      %shift_right_arithmetic3A_896 = arith.constant 16 : i32
      %shift_right_arithmetic3A_897 = arith.shrsi %squeeze3A_887, %shift_right_arithmetic3A_896 : i32
      %multiple_of3A_898 = tpu.assume_multiple %shift_right_arithmetic3A_897, 32 : i32
      %get3A_899 = arith.index_cast %add3A_885 : i32 to index
      %get3A_900 = arith.index_cast %multiple_of3A_890 : i32 to index
      %get3A_901 = tpu.vector_load %arg11[%get3A_899, %get3A_900] {strides = array<i32>} : memref<128x128xf32, #tpu.memory_space<vmem>>, vector<1x16xf32>,
      %get3A_902 = vector.shape_cast %get3A_901 : vector<1x16xf32> to vector<16xf32>
      %get3A_903 = arith.index_cast %add3A_885 : i32 to index
      %get3A_904 = arith.index_cast %multiple_of3A_895 : i32 to index
      %get3A_905 = tpu.vector_load %arg12[%get3A_903, %get3A_904] {strides = array<i32>} : memref<128x128xf32, #tpu.memory_space<vmem>>, vector<1x16xf32>,
      %get3A_906 = vector.shape_cast %get3A_905 : vector<1x16xf32> to vector<16xf32>
      %mul3A_907 = arith.mulf %get3A_902, %get3A_906 : vector<16xf32>
      %get3A_908 = arith.index_cast %add3A_885 : i32 to index
      %get3A_909 = arith.index_cast %multiple_of3A_898 : i32 to index
      %get3A_910 = tpu.vector_load %arg13[%get3A_908, %get3A_909] {strides = array<i32>} : memref<128x128xf32, #tpu.memory_space<vmem>>, vector<1x16xf32>,
      %get3A_911 = vector.shape_cast %get3A_910 : vector<1x16xf32> to vector<16xf32>
      %mul3A_912 = arith.mulf %mul3A_907, %get3A_911 : vector<16xf32>
      %add3A_913 = arith.constant 16 : i32
      %add3A_914 = arith.addi %multiple_of3A_890, %add3A_913 : i32
      %get3A_915 = arith.index_cast %add3A_885 : i32 to index
      %get3A_916 = arith.index_cast %add3A_914 : i32 to index
      %get3A_917 = tpu.vector_load %arg11[%get3A_915, %get3A_916] {strides = array<i32>} : memref<128x128xf32, #tpu.memory_space<vmem>>, vector<1x16xf32>,
      %get3A_918 = vector.shape_cast %get3A_917 : vector<1x16xf32> to vector<16xf32>
      %add3A_919 = arith.constant 16 : i32
      %add3A_920 = arith.addi %multiple_of3A_895, %add3A_919 : i32
      %get3A_921 = arith.index_cast %add3A_885 : i32 to index
      %get3A_922 = arith.index_cast %add3A_920 : i32 to index
      %get3A_923 = tpu.vector_load %arg12[%get3A_921, %get3A_922] {strides = array<i32>} : memref<128x128xf32, #tpu.memory_space<vmem>>, vector<1x16xf32>,
      %get3A_924 = vector.shape_cast %get3A_923 : vector<1x16xf32> to vector<16xf32>
      %mul3A_925 = arith.mulf %get3A_918, %get3A_924 : vector<16xf32>
      %add3A_926 = arith.constant 16 : i32
      %add3A_927 = arith.addi %multiple_of3A_898, %add3A_926 : i32
      %get3A_928 = arith.index_cast %add3A_885 : i32 to index
      %get3A_929 = arith.index_cast %add3A_927 : i32 to index
      %get3A_930 = tpu.vector_load %arg13[%get3A_928, %get3A_929] {strides = array<i32>} : memref<128x128xf32, #tpu.memory_space<vmem>>, vector<1x16xf32>,
      %get3A_931 = vector.shape_cast %get3A_930 : vector<1x16xf32> to vector<16xf32>
      %mul3A_932 = arith.mulf %mul3A_925, %get3A_931 : vector<16xf32>
      %add3A_933 = arith.addf %mul3A_912, %mul3A_932 : vector<16xf32>
      %shift_right_arithmetic3A_934 = arith.constant 3 : i32
      %shift_right_arithmetic3A_935 = arith.shrsi %add3A_153, %shift_right_arithmetic3A_934 : i32
      %add3A_936 = arith.constant 1 : i32
      %add3A_937 = arith.addi %shift_right_arithmetic3A_935, %add3A_936 : i32
      %swap3A_938 = arith.index_cast %add3A_937 : i32 to index
      %swap3A_939 = arith.constant 64 : index
      %swap3A_940 = tpu.vector_load %arg17[%swap3A_938, %swap3A_939] {strides = array<i32>} : memref<64x128xf32, #tpu.memory_space<vmem>>, vector<1x16xf32>,
      %swap3A_941 = vector.shape_cast %swap3A_940 : vector<1x16xf32> to vector<16xf32>
      %swap3A_942 = vector.shape_cast %add3A_933 : vector<16xf32> to vector<1x16xf32>
      tpu.vector_store %arg17[%swap3A_938, %swap3A_939], %swap3A_942 {strides = array<i32>} : memref<64x128xf32, #tpu.memory_space<vmem>>, vector<1x16xf32>,
      %mul3A_943 = arith.constant 16 : i32
      %mul3A_944 = arith.muli %scan3A_149, %mul3A_943 : i32
      %add3A_945 = arith.constant 13 : i32
      %add3A_946 = arith.addi %mul3A_944, %add3A_945 : i32
      %slice3A_947 = vector.extract_strided_slice %get3A_155 {offsets = [13], sizes = [1], strides = [1]} : vector<16xi32> to vector<1xi32>
      %squeeze3A_948 = vector.extract %slice3A_947[0] : i32 from vector<1xi32>
      %and3A_949 = arith.constant 255 : i32
      %and3A_950 = arith.andi %squeeze3A_948, %and3A_949 : i32
      %multiple_of3A_951 = tpu.assume_multiple %and3A_950, 32 : i32
      %shift_right_arithmetic3A_952 = arith.constant 8 : i32
      %shift_right_arithmetic3A_953 = arith.shrsi %squeeze3A_948, %shift_right_arithmetic3A_952 : i32
      %and3A_954 = arith.constant 255 : i32
      %and3A_955 = arith.andi %shift_right_arithmetic3A_953, %and3A_954 : i32
      %multiple_of3A_956 = tpu.assume_multiple %and3A_955, 32 : i32
      %shift_right_arithmetic3A_957 = arith.constant 16 : i32
      %shift_right_arithmetic3A_958 = arith.shrsi %squeeze3A_948, %shift_right_arithmetic3A_957 : i32
      %multiple_of3A_959 = tpu.assume_multiple %shift_right_arithmetic3A_958, 32 : i32
      %get3A_960 = arith.index_cast %add3A_946 : i32 to index
      %get3A_961 = arith.index_cast %multiple_of3A_951 : i32 to index
      %get3A_962 = tpu.vector_load %arg11[%get3A_960, %get3A_961] {strides = array<i32>} : memref<128x128xf32, #tpu.memory_space<vmem>>, vector<1x16xf32>,
      %get3A_963 = vector.shape_cast %get3A_962 : vector<1x16xf32> to vector<16xf32>
      %get3A_964 = arith.index_cast %add3A_946 : i32 to index
      %get3A_965 = arith.index_cast %multiple_of3A_956 : i32 to index
      %get3A_966 = tpu.vector_load %arg12[%get3A_964, %get3A_965] {strides = array<i32>} : memref<128x128xf32, #tpu.memory_space<vmem>>, vector<1x16xf32>,
      %get3A_967 = vector.shape_cast %get3A_966 : vector<1x16xf32> to vector<16xf32>
      %mul3A_968 = arith.mulf %get3A_963, %get3A_967 : vector<16xf32>
      %get3A_969 = arith.index_cast %add3A_946 : i32 to index
      %get3A_970 = arith.index_cast %multiple_of3A_959 : i32 to index
      %get3A_971 = tpu.vector_load %arg13[%get3A_969, %get3A_970] {strides = array<i32>} : memref<128x128xf32, #tpu.memory_space<vmem>>, vector<1x16xf32>,
      %get3A_972 = vector.shape_cast %get3A_971 : vector<1x16xf32> to vector<16xf32>
      %mul3A_973 = arith.mulf %mul3A_968, %get3A_972 : vector<16xf32>
      %add3A_974 = arith.constant 16 : i32
      %add3A_975 = arith.addi %multiple_of3A_951, %add3A_974 : i32
      %get3A_976 = arith.index_cast %add3A_946 : i32 to index
      %get3A_977 = arith.index_cast %add3A_975 : i32 to index
      %get3A_978 = tpu.vector_load %arg11[%get3A_976, %get3A_977] {strides = array<i32>} : memref<128x128xf32, #tpu.memory_space<vmem>>, vector<1x16xf32>,
      %get3A_979 = vector.shape_cast %get3A_978 : vector<1x16xf32> to vector<16xf32>
      %add3A_980 = arith.constant 16 : i32
      %add3A_981 = arith.addi %multiple_of3A_956, %add3A_980 : i32
      %get3A_982 = arith.index_cast %add3A_946 : i32 to index
      %get3A_983 = arith.index_cast %add3A_981 : i32 to index
      %get3A_984 = tpu.vector_load %arg12[%get3A_982, %get3A_983] {strides = array<i32>} : memref<128x128xf32, #tpu.memory_space<vmem>>, vector<1x16xf32>,
      %get3A_985 = vector.shape_cast %get3A_984 : vector<1x16xf32> to vector<16xf32>
      %mul3A_986 = arith.mulf %get3A_979, %get3A_985 : vector<16xf32>
      %add3A_987 = arith.constant 16 : i32
      %add3A_988 = arith.addi %multiple_of3A_959, %add3A_987 : i32
      %get3A_989 = arith.index_cast %add3A_946 : i32 to index
      %get3A_990 = arith.index_cast %add3A_988 : i32 to index
      %get3A_991 = tpu.vector_load %arg13[%get3A_989, %get3A_990] {strides = array<i32>} : memref<128x128xf32, #tpu.memory_space<vmem>>, vector<1x16xf32>,
      %get3A_992 = vector.shape_cast %get3A_991 : vector<1x16xf32> to vector<16xf32>
      %mul3A_993 = arith.mulf %mul3A_986, %get3A_992 : vector<16xf32>
      %add3A_994 = arith.addf %mul3A_973, %mul3A_993 : vector<16xf32>
      %shift_right_arithmetic3A_995 = arith.constant 3 : i32
      %shift_right_arithmetic3A_996 = arith.shrsi %add3A_153, %shift_right_arithmetic3A_995 : i32
      %add3A_997 = arith.constant 1 : i32
      %add3A_998 = arith.addi %shift_right_arithmetic3A_996, %add3A_997 : i32
      %swap3A_999 = arith.index_cast %add3A_998 : i32 to index
      %swap3A_1000 = arith.constant 80 : index
      %swap3A_1001 = tpu.vector_load %arg17[%swap3A_999, %swap3A_1000] {strides = array<i32>} : memref<64x128xf32, #tpu.memory_space<vmem>>, vector<1x16xf32>,
      %swap3A_1002 = vector.shape_cast %swap3A_1001 : vector<1x16xf32> to vector<16xf32>
      %swap3A_1003 = vector.shape_cast %add3A_994 : vector<16xf32> to vector<1x16xf32>
      tpu.vector_store %arg17[%swap3A_999, %swap3A_1000], %swap3A_1003 {strides = array<i32>} : memref<64x128xf32, #tpu.memory_space<vmem>>, vector<1x16xf32>,
      %mul3A_1004 = arith.constant 16 : i32
      %mul3A_1005 = arith.muli %scan3A_149, %mul3A_1004 : i32
      %add3A_1006 = arith.constant 14 : i32
      %add3A_1007 = arith.addi %mul3A_1005, %add3A_1006 : i32
      %slice3A_1008 = vector.extract_strided_slice %get3A_155 {offsets = [14], sizes = [1], strides = [1]} : vector<16xi32> to vector<1xi32>
      %squeeze3A_1009 = vector.extract %slice3A_1008[0] : i32 from vector<1xi32>
      %and3A_1010 = arith.constant 255 : i32
      %and3A_1011 = arith.andi %squeeze3A_1009, %and3A_1010 : i32
      %multiple_of3A_1012 = tpu.assume_multiple %and3A_1011, 32 : i32
      %shift_right_arithmetic3A_1013 = arith.constant 8 : i32
      %shift_right_arithmetic3A_1014 = arith.shrsi %squeeze3A_1009, %shift_right_arithmetic3A_1013 : i32
      %and3A_1015 = arith.constant 255 : i32
      %and3A_1016 = arith.andi %shift_right_arithmetic3A_1014, %and3A_1015 : i32
      %multiple_of3A_1017 = tpu.assume_multiple %and3A_1016, 32 : i32
      %shift_right_arithmetic3A_1018 = arith.constant 16 : i32
      %shift_right_arithmetic3A_1019 = arith.shrsi %squeeze3A_1009, %shift_right_arithmetic3A_1018 : i32
      %multiple_of3A_1020 = tpu.assume_multiple %shift_right_arithmetic3A_1019, 32 : i32
      %get3A_1021 = arith.index_cast %add3A_1007 : i32 to index
      %get3A_1022 = arith.index_cast %multiple_of3A_1012 : i32 to index
      %get3A_1023 = tpu.vector_load %arg11[%get3A_1021, %get3A_1022] {strides = array<i32>} : memref<128x128xf32, #tpu.memory_space<vmem>>, vector<1x16xf32>,
      %get3A_1024 = vector.shape_cast %get3A_1023 : vector<1x16xf32> to vector<16xf32>
      %get3A_1025 = arith.index_cast %add3A_1007 : i32 to index
      %get3A_1026 = arith.index_cast %multiple_of3A_1017 : i32 to index
      %get3A_1027 = tpu.vector_load %arg12[%get3A_1025, %get3A_1026] {strides = array<i32>} : memref<128x128xf32, #tpu.memory_space<vmem>>, vector<1x16xf32>,
      %get3A_1028 = vector.shape_cast %get3A_1027 : vector<1x16xf32> to vector<16xf32>
      %mul3A_1029 = arith.mulf %get3A_1024, %get3A_1028 : vector<16xf32>
      %get3A_1030 = arith.index_cast %add3A_1007 : i32 to index
      %get3A_1031 = arith.index_cast %multiple_of3A_1020 : i32 to index
      %get3A_1032 = tpu.vector_load %arg13[%get3A_1030, %get3A_1031] {strides = array<i32>} : memref<128x128xf32, #tpu.memory_space<vmem>>, vector<1x16xf32>,
      %get3A_1033 = vector.shape_cast %get3A_1032 : vector<1x16xf32> to vector<16xf32>
      %mul3A_1034 = arith.mulf %mul3A_1029, %get3A_1033 : vector<16xf32>
      %add3A_1035 = arith.constant 16 : i32
      %add3A_1036 = arith.addi %multiple_of3A_1012, %add3A_1035 : i32
      %get3A_1037 = arith.index_cast %add3A_1007 : i32 to index
      %get3A_1038 = arith.index_cast %add3A_1036 : i32 to index
      %get3A_1039 = tpu.vector_load %arg11[%get3A_1037, %get3A_1038] {strides = array<i32>} : memref<128x128xf32, #tpu.memory_space<vmem>>, vector<1x16xf32>,
      %get3A_1040 = vector.shape_cast %get3A_1039 : vector<1x16xf32> to vector<16xf32>
      %add3A_1041 = arith.constant 16 : i32
      %add3A_1042 = arith.addi %multiple_of3A_1017, %add3A_1041 : i32
      %get3A_1043 = arith.index_cast %add3A_1007 : i32 to index
      %get3A_1044 = arith.index_cast %add3A_1042 : i32 to index
      %get3A_1045 = tpu.vector_load %arg12[%get3A_1043, %get3A_1044] {strides = array<i32>} : memref<128x128xf32, #tpu.memory_space<vmem>>, vector<1x16xf32>,
      %get3A_1046 = vector.shape_cast %get3A_1045 : vector<1x16xf32> to vector<16xf32>
      %mul3A_1047 = arith.mulf %get3A_1040, %get3A_1046 : vector<16xf32>
      %add3A_1048 = arith.constant 16 : i32
      %add3A_1049 = arith.addi %multiple_of3A_1020, %add3A_1048 : i32
      %get3A_1050 = arith.index_cast %add3A_1007 : i32 to index
      %get3A_1051 = arith.index_cast %add3A_1049 : i32 to index
      %get3A_1052 = tpu.vector_load %arg13[%get3A_1050, %get3A_1051] {strides = array<i32>} : memref<128x128xf32, #tpu.memory_space<vmem>>, vector<1x16xf32>,
      %get3A_1053 = vector.shape_cast %get3A_1052 : vector<1x16xf32> to vector<16xf32>
      %mul3A_1054 = arith.mulf %mul3A_1047, %get3A_1053 : vector<16xf32>
      %add3A_1055 = arith.addf %mul3A_1034, %mul3A_1054 : vector<16xf32>
      %shift_right_arithmetic3A_1056 = arith.constant 3 : i32
      %shift_right_arithmetic3A_1057 = arith.shrsi %add3A_153, %shift_right_arithmetic3A_1056 : i32
      %add3A_1058 = arith.constant 1 : i32
      %add3A_1059 = arith.addi %shift_right_arithmetic3A_1057, %add3A_1058 : i32
      %swap3A_1060 = arith.index_cast %add3A_1059 : i32 to index
      %swap3A_1061 = arith.constant 96 : index
      %swap3A_1062 = tpu.vector_load %arg17[%swap3A_1060, %swap3A_1061] {strides = array<i32>} : memref<64x128xf32, #tpu.memory_space<vmem>>, vector<1x16xf32>,
      %swap3A_1063 = vector.shape_cast %swap3A_1062 : vector<1x16xf32> to vector<16xf32>
      %swap3A_1064 = vector.shape_cast %add3A_1055 : vector<16xf32> to vector<1x16xf32>
      tpu.vector_store %arg17[%swap3A_1060, %swap3A_1061], %swap3A_1064 {strides = array<i32>} : memref<64x128xf32, #tpu.memory_space<vmem>>, vector<1x16xf32>,
      %mul3A_1065 = arith.constant 16 : i32
      %mul3A_1066 = arith.muli %scan3A_149, %mul3A_1065 : i32
      %add3A_1067 = arith.constant 15 : i32
      %add3A_1068 = arith.addi %mul3A_1066, %add3A_1067 : i32
      %slice3A_1069 = vector.extract_strided_slice %get3A_155 {offsets = [15], sizes = [1], strides = [1]} : vector<16xi32> to vector<1xi32>
      %squeeze3A_1070 = vector.extract %slice3A_1069[0] : i32 from vector<1xi32>
      %and3A_1071 = arith.constant 255 : i32
      %and3A_1072 = arith.andi %squeeze3A_1070, %and3A_1071 : i32
      %multiple_of3A_1073 = tpu.assume_multiple %and3A_1072, 32 : i32
      %shift_right_arithmetic3A_1074 = arith.constant 8 : i32
      %shift_right_arithmetic3A_1075 = arith.shrsi %squeeze3A_1070, %shift_right_arithmetic3A_1074 : i32
      %and3A_1076 = arith.constant 255 : i32
      %and3A_1077 = arith.andi %shift_right_arithmetic3A_1075, %and3A_1076 : i32
      %multiple_of3A_1078 = tpu.assume_multiple %and3A_1077, 32 : i32
      %shift_right_arithmetic3A_1079 = arith.constant 16 : i32
      %shift_right_arithmetic3A_1080 = arith.shrsi %squeeze3A_1070, %shift_right_arithmetic3A_1079 : i32
      %multiple_of3A_1081 = tpu.assume_multiple %shift_right_arithmetic3A_1080, 32 : i32
      %get3A_1082 = arith.index_cast %add3A_1068 : i32 to index
      %get3A_1083 = arith.index_cast %multiple_of3A_1073 : i32 to index
      %get3A_1084 = tpu.vector_load %arg11[%get3A_1082, %get3A_1083] {strides = array<i32>} : memref<128x128xf32, #tpu.memory_space<vmem>>, vector<1x16xf32>,
      %get3A_1085 = vector.shape_cast %get3A_1084 : vector<1x16xf32> to vector<16xf32>
      %get3A_1086 = arith.index_cast %add3A_1068 : i32 to index
      %get3A_1087 = arith.index_cast %multiple_of3A_1078 : i32 to index
      %get3A_1088 = tpu.vector_load %arg12[%get3A_1086, %get3A_1087] {strides = array<i32>} : memref<128x128xf32, #tpu.memory_space<vmem>>, vector<1x16xf32>,
      %get3A_1089 = vector.shape_cast %get3A_1088 : vector<1x16xf32> to vector<16xf32>
      %mul3A_1090 = arith.mulf %get3A_1085, %get3A_1089 : vector<16xf32>
      %get3A_1091 = arith.index_cast %add3A_1068 : i32 to index
      %get3A_1092 = arith.index_cast %multiple_of3A_1081 : i32 to index
      %get3A_1093 = tpu.vector_load %arg13[%get3A_1091, %get3A_1092] {strides = array<i32>} : memref<128x128xf32, #tpu.memory_space<vmem>>, vector<1x16xf32>,
      %get3A_1094 = vector.shape_cast %get3A_1093 : vector<1x16xf32> to vector<16xf32>
      %mul3A_1095 = arith.mulf %mul3A_1090, %get3A_1094 : vector<16xf32>
      %add3A_1096 = arith.constant 16 : i32
      %add3A_1097 = arith.addi %multiple_of3A_1073, %add3A_1096 : i32
      %get3A_1098 = arith.index_cast %add3A_1068 : i32 to index
      %get3A_1099 = arith.index_cast %add3A_1097 : i32 to index
      %get3A_1100 = tpu.vector_load %arg11[%get3A_1098, %get3A_1099] {strides = array<i32>} : memref<128x128xf32, #tpu.memory_space<vmem>>, vector<1x16xf32>,
      %get3A_1101 = vector.shape_cast %get3A_1100 : vector<1x16xf32> to vector<16xf32>
      %add3A_1102 = arith.constant 16 : i32
      %add3A_1103 = arith.addi %multiple_of3A_1078, %add3A_1102 : i32
      %get3A_1104 = arith.index_cast %add3A_1068 : i32 to index
      %get3A_1105 = arith.index_cast %add3A_1103 : i32 to index
      %get3A_1106 = tpu.vector_load %arg12[%get3A_1104, %get3A_1105] {strides = array<i32>} : memref<128x128xf32, #tpu.memory_space<vmem>>, vector<1x16xf32>,
      %get3A_1107 = vector.shape_cast %get3A_1106 : vector<1x16xf32> to vector<16xf32>
      %mul3A_1108 = arith.mulf %get3A_1101, %get3A_1107 : vector<16xf32>
      %add3A_1109 = arith.constant 16 : i32
      %add3A_1110 = arith.addi %multiple_of3A_1081, %add3A_1109 : i32
      %get3A_1111 = arith.index_cast %add3A_1068 : i32 to index
      %get3A_1112 = arith.index_cast %add3A_1110 : i32 to index
      %get3A_1113 = tpu.vector_load %arg13[%get3A_1111, %get3A_1112] {strides = array<i32>} : memref<128x128xf32, #tpu.memory_space<vmem>>, vector<1x16xf32>,
      %get3A_1114 = vector.shape_cast %get3A_1113 : vector<1x16xf32> to vector<16xf32>
      %mul3A_1115 = arith.mulf %mul3A_1108, %get3A_1114 : vector<16xf32>
      %add3A_1116 = arith.addf %mul3A_1095, %mul3A_1115 : vector<16xf32>
      %shift_right_arithmetic3A_1117 = arith.constant 3 : i32
      %shift_right_arithmetic3A_1118 = arith.shrsi %add3A_153, %shift_right_arithmetic3A_1117 : i32
      %add3A_1119 = arith.constant 1 : i32
      %add3A_1120 = arith.addi %shift_right_arithmetic3A_1118, %add3A_1119 : i32
      %swap3A_1121 = arith.index_cast %add3A_1120 : i32 to index
      %swap3A_1122 = arith.constant 112 : index
      %swap3A_1123 = tpu.vector_load %arg17[%swap3A_1121, %swap3A_1122] {strides = array<i32>} : memref<64x128xf32, #tpu.memory_space<vmem>>, vector<1x16xf32>,
      %swap3A_1124 = vector.shape_cast %swap3A_1123 : vector<1x16xf32> to vector<16xf32>
      %swap3A_1125 = vector.shape_cast %add3A_1116 : vector<16xf32> to vector<1x16xf32>
      tpu.vector_store %arg17[%swap3A_1121, %swap3A_1122], %swap3A_1125 {strides = array<i32>} : memref<64x128xf32, #tpu.memory_space<vmem>>, vector<1x16xf32>,
    }
    %scan3A_127 = arith.constant 8 : i32
    %dma_wait3A_128 = arith.constant 384 : i32
    %dma_wait3A_129 = tpu.memref_slice %arg7[%dma_wait3A_128] : memref<512xi32, #tpu.memory_space<vmem>> -> memref<128xi32, #tpu.memory_space<vmem>>
    %dma_wait3A_130 = arith.constant 0 : i32
    %dma_wait3A_131 = arith.constant 0 : i32
    %dma_wait3A_132 = tpu.memref_slice %arg3[%dma_wait3A_130, %dma_wait3A_131] : memref<25088x128xf32, #tpu.memory_space<hbm>> -> memref<25088x128xf32, #tpu.memory_space<hbm>>
    tpu.wait_indirect_dma semaphore(%arg19 : memref<!tpu.dma_semaphore, #tpu.memory_space<semaphore_mem>>) src(%dma_wait3A_132 : memref<25088x128xf32, #tpu.memory_space<hbm>>) dst(%arg14 : memref<128x128xf32, #tpu.memory_space<vmem>>)
    %dma_wait3A_133 = arith.constant 384 : i32
    %dma_wait3A_134 = tpu.memref_slice %arg8[%dma_wait3A_133] : memref<512xi32, #tpu.memory_space<vmem>> -> memref<128xi32, #tpu.memory_space<vmem>>
    %dma_wait3A_135 = arith.constant 0 : i32
    %dma_wait3A_136 = arith.constant 0 : i32
    %dma_wait3A_137 = tpu.memref_slice %arg4[%dma_wait3A_135, %dma_wait3A_136] : memref<25088x128xf32, #tpu.memory_space<hbm>> -> memref<25088x128xf32, #tpu.memory_space<hbm>>
    tpu.wait_indirect_dma semaphore(%arg19 : memref<!tpu.dma_semaphore, #tpu.memory_space<semaphore_mem>>) src(%dma_wait3A_137 : memref<25088x128xf32, #tpu.memory_space<hbm>>) dst(%arg15 : memref<128x128xf32, #tpu.memory_space<vmem>>)
    %dma_wait3A_138 = arith.constant 384 : i32
    %dma_wait3A_139 = tpu.memref_slice %arg9[%dma_wait3A_138] : memref<512xi32, #tpu.memory_space<vmem>> -> memref<128xi32, #tpu.memory_space<vmem>>
    %dma_wait3A_140 = arith.constant 0 : i32
    %dma_wait3A_141 = arith.constant 0 : i32
    %dma_wait3A_142 = tpu.memref_slice %arg5[%dma_wait3A_140, %dma_wait3A_141] : memref<25088x128xf32, #tpu.memory_space<hbm>> -> memref<25088x128xf32, #tpu.memory_space<hbm>>
    tpu.wait_indirect_dma semaphore(%arg19 : memref<!tpu.dma_semaphore, #tpu.memory_space<semaphore_mem>>) src(%dma_wait3A_142 : memref<25088x128xf32, #tpu.memory_space<hbm>>) dst(%arg16 : memref<128x128xf32, #tpu.memory_space<vmem>>)
    %scan3A_143 = arith.constant 0 : i32
    %scan3A_144 = arith.constant 0 : i32
    %scan3A_145 = arith.constant 8 : i32
    %scan3A_146 = arith.addi %scan3A_144, %scan3A_145 : i32
    %scan3A_147 = arith.constant 1 : i32
    scf.for %scan3A_149 = %scan3A_144 to %scan3A_146 step %scan3A_147  : i32 {
      %mul3A_150 = arith.constant 16 : i32
      %mul3A_151 = arith.muli %scan3A_149, %mul3A_150 : i32
      %add3A_152 = arith.constant 384 : i32
      %add3A_153 = arith.addi %add3A_152, %mul3A_151 : i32
      %get3A = arith.index_cast %add3A_153 : i32 to index
      %get3A_154 = tpu.vector_load %arg10[%get3A] {strides = array<i32>} : memref<512xi32, #tpu.memory_space<vmem>>, vector<16xi32>,
      %get3A_155 = vector.shape_cast %get3A_154 : vector<16xi32> to vector<16xi32>
      %mul3A_156 = arith.constant 16 : i32
      %mul3A_157 = arith.muli %scan3A_149, %mul3A_156 : i32
      %add3A_158 = arith.constant 0 : i32
      %add3A_159 = arith.addi %mul3A_157, %add3A_158 : i32
      %slice3A = vector.extract_strided_slice %get3A_155 {offsets = [0], sizes = [1], strides = [1]} : vector<16xi32> to vector<1xi32>
      %squeeze3A = vector.extract %slice3A[0] : i32 from vector<1xi32>
      %and3A = arith.constant 255 : i32
      %and3A_160 = arith.andi %squeeze3A, %and3A : i32
      %multiple_of3A = tpu.assume_multiple %and3A_160, 32 : i32
      %shift_right_arithmetic3A = arith.constant 8 : i32
      %shift_right_arithmetic3A_161 = arith.shrsi %squeeze3A, %shift_right_arithmetic3A : i32
      %and3A_162 = arith.constant 255 : i32
      %and3A_163 = arith.andi %shift_right_arithmetic3A_161, %and3A_162 : i32
      %multiple_of3A_164 = tpu.assume_multiple %and3A_163, 32 : i32
      %shift_right_arithmetic3A_165 = arith.constant 16 : i32
      %shift_right_arithmetic3A_166 = arith.shrsi %squeeze3A, %shift_right_arithmetic3A_165 : i32
      %multiple_of3A_167 = tpu.assume_multiple %shift_right_arithmetic3A_166, 32 : i32
      %get3A_168 = arith.index_cast %add3A_159 : i32 to index
      %get3A_169 = arith.index_cast %multiple_of3A : i32 to index
      %get3A_170 = tpu.vector_load %arg14[%get3A_168, %get3A_169] {strides = array<i32>} : memref<128x128xf32, #tpu.memory_space<vmem>>, vector<1x16xf32>,
      %get3A_171 = vector.shape_cast %get3A_170 : vector<1x16xf32> to vector<16xf32>
      %get3A_172 = arith.index_cast %add3A_159 : i32 to index
      %get3A_173 = arith.index_cast %multiple_of3A_164 : i32 to index
      %get3A_174 = tpu.vector_load %arg15[%get3A_172, %get3A_173] {strides = array<i32>} : memref<128x128xf32, #tpu.memory_space<vmem>>, vector<1x16xf32>,
      %get3A_175 = vector.shape_cast %get3A_174 : vector<1x16xf32> to vector<16xf32>
      %mul3A_176 = arith.mulf %get3A_171, %get3A_175 : vector<16xf32>
      %get3A_177 = arith.index_cast %add3A_159 : i32 to index
      %get3A_178 = arith.index_cast %multiple_of3A_167 : i32 to index
      %get3A_179 = tpu.vector_load %arg16[%get3A_177, %get3A_178] {strides = array<i32>} : memref<128x128xf32, #tpu.memory_space<vmem>>, vector<1x16xf32>,
      %get3A_180 = vector.shape_cast %get3A_179 : vector<1x16xf32> to vector<16xf32>
      %mul3A_181 = arith.mulf %mul3A_176, %get3A_180 : vector<16xf32>
      %add3A_182 = arith.constant 16 : i32
      %add3A_183 = arith.addi %multiple_of3A, %add3A_182 : i32
      %get3A_184 = arith.index_cast %add3A_159 : i32 to index
      %get3A_185 = arith.index_cast %add3A_183 : i32 to index
      %get3A_186 = tpu.vector_load %arg14[%get3A_184, %get3A_185] {strides = array<i32>} : memref<128x128xf32, #tpu.memory_space<vmem>>, vector<1x16xf32>,
      %get3A_187 = vector.shape_cast %get3A_186 : vector<1x16xf32> to vector<16xf32>
      %add3A_188 = arith.constant 16 : i32
      %add3A_189 = arith.addi %multiple_of3A_164, %add3A_188 : i32
      %get3A_190 = arith.index_cast %add3A_159 : i32 to index
      %get3A_191 = arith.index_cast %add3A_189 : i32 to index
      %get3A_192 = tpu.vector_load %arg15[%get3A_190, %get3A_191] {strides = array<i32>} : memref<128x128xf32, #tpu.memory_space<vmem>>, vector<1x16xf32>,
      %get3A_193 = vector.shape_cast %get3A_192 : vector<1x16xf32> to vector<16xf32>
      %mul3A_194 = arith.mulf %get3A_187, %get3A_193 : vector<16xf32>
      %add3A_195 = arith.constant 16 : i32
      %add3A_196 = arith.addi %multiple_of3A_167, %add3A_195 : i32
      %get3A_197 = arith.index_cast %add3A_159 : i32 to index
      %get3A_198 = arith.index_cast %add3A_196 : i32 to index
      %get3A_199 = tpu.vector_load %arg16[%get3A_197, %get3A_198] {strides = array<i32>} : memref<128x128xf32, #tpu.memory_space<vmem>>, vector<1x16xf32>,
      %get3A_200 = vector.shape_cast %get3A_199 : vector<1x16xf32> to vector<16xf32>
      %mul3A_201 = arith.mulf %mul3A_194, %get3A_200 : vector<16xf32>
      %add3A_202 = arith.addf %mul3A_181, %mul3A_201 : vector<16xf32>
      %shift_right_arithmetic3A_203 = arith.constant 3 : i32
      %shift_right_arithmetic3A_204 = arith.shrsi %add3A_153, %shift_right_arithmetic3A_203 : i32
      %add3A_205 = arith.constant 0 : i32
      %add3A_206 = arith.addi %shift_right_arithmetic3A_204, %add3A_205 : i32
      %swap3A = arith.index_cast %add3A_206 : i32 to index
      %swap3A_207 = arith.constant 0 : index
      %swap3A_208 = tpu.vector_load %arg17[%swap3A, %swap3A_207] {strides = array<i32>} : memref<64x128xf32, #tpu.memory_space<vmem>>, vector<1x16xf32>,
      %swap3A_209 = vector.shape_cast %swap3A_208 : vector<1x16xf32> to vector<16xf32>
      %swap3A_210 = vector.shape_cast %add3A_202 : vector<16xf32> to vector<1x16xf32>
      tpu.vector_store %arg17[%swap3A, %swap3A_207], %swap3A_210 {strides = array<i32>} : memref<64x128xf32, #tpu.memory_space<vmem>>, vector<1x16xf32>,
      %mul3A_211 = arith.constant 16 : i32
      %mul3A_212 = arith.muli %scan3A_149, %mul3A_211 : i32
      %add3A_213 = arith.constant 1 : i32
      %add3A_214 = arith.addi %mul3A_212, %add3A_213 : i32
      %slice3A_215 = vector.extract_strided_slice %get3A_155 {offsets = [1], sizes = [1], strides = [1]} : vector<16xi32> to vector<1xi32>
      %squeeze3A_216 = vector.extract %slice3A_215[0] : i32 from vector<1xi32>
      %and3A_217 = arith.constant 255 : i32
      %and3A_218 = arith.andi %squeeze3A_216, %and3A_217 : i32
      %multiple_of3A_219 = tpu.assume_multiple %and3A_218, 32 : i32
      %shift_right_arithmetic3A_220 = arith.constant 8 : i32
      %shift_right_arithmetic3A_221 = arith.shrsi %squeeze3A_216, %shift_right_arithmetic3A_220 : i32
      %and3A_222 = arith.constant 255 : i32
      %and3A_223 = arith.andi %shift_right_arithmetic3A_221, %and3A_222 : i32
      %multiple_of3A_224 = tpu.assume_multiple %and3A_223, 32 : i32
      %shift_right_arithmetic3A_225 = arith.constant 16 : i32
      %shift_right_arithmetic3A_226 = arith.shrsi %squeeze3A_216, %shift_right_arithmetic3A_225 : i32
      %multiple_of3A_227 = tpu.assume_multiple %shift_right_arithmetic3A_226, 32 : i32
      %get3A_228 = arith.index_cast %add3A_214 : i32 to index
      %get3A_229 = arith.index_cast %multiple_of3A_219 : i32 to index
      %get3A_230 = tpu.vector_load %arg14[%get3A_228, %get3A_229] {strides = array<i32>} : memref<128x128xf32, #tpu.memory_space<vmem>>, vector<1x16xf32>,
      %get3A_231 = vector.shape_cast %get3A_230 : vector<1x16xf32> to vector<16xf32>
      %get3A_232 = arith.index_cast %add3A_214 : i32 to index
      %get3A_233 = arith.index_cast %multiple_of3A_224 : i32 to index
      %get3A_234 = tpu.vector_load %arg15[%get3A_232, %get3A_233] {strides = array<i32>} : memref<128x128xf32, #tpu.memory_space<vmem>>, vector<1x16xf32>,
      %get3A_235 = vector.shape_cast %get3A_234 : vector<1x16xf32> to vector<16xf32>
      %mul3A_236 = arith.mulf %get3A_231, %get3A_235 : vector<16xf32>
      %get3A_237 = arith.index_cast %add3A_214 : i32 to index
      %get3A_238 = arith.index_cast %multiple_of3A_227 : i32 to index
      %get3A_239 = tpu.vector_load %arg16[%get3A_237, %get3A_238] {strides = array<i32>} : memref<128x128xf32, #tpu.memory_space<vmem>>, vector<1x16xf32>,
      %get3A_240 = vector.shape_cast %get3A_239 : vector<1x16xf32> to vector<16xf32>
      %mul3A_241 = arith.mulf %mul3A_236, %get3A_240 : vector<16xf32>
      %add3A_242 = arith.constant 16 : i32
      %add3A_243 = arith.addi %multiple_of3A_219, %add3A_242 : i32
      %get3A_244 = arith.index_cast %add3A_214 : i32 to index
      %get3A_245 = arith.index_cast %add3A_243 : i32 to index
      %get3A_246 = tpu.vector_load %arg14[%get3A_244, %get3A_245] {strides = array<i32>} : memref<128x128xf32, #tpu.memory_space<vmem>>, vector<1x16xf32>,
      %get3A_247 = vector.shape_cast %get3A_246 : vector<1x16xf32> to vector<16xf32>
      %add3A_248 = arith.constant 16 : i32
      %add3A_249 = arith.addi %multiple_of3A_224, %add3A_248 : i32
      %get3A_250 = arith.index_cast %add3A_214 : i32 to index
      %get3A_251 = arith.index_cast %add3A_249 : i32 to index
      %get3A_252 = tpu.vector_load %arg15[%get3A_250, %get3A_251] {strides = array<i32>} : memref<128x128xf32, #tpu.memory_space<vmem>>, vector<1x16xf32>,
      %get3A_253 = vector.shape_cast %get3A_252 : vector<1x16xf32> to vector<16xf32>
      %mul3A_254 = arith.mulf %get3A_247, %get3A_253 : vector<16xf32>
      %add3A_255 = arith.constant 16 : i32
      %add3A_256 = arith.addi %multiple_of3A_227, %add3A_255 : i32
      %get3A_257 = arith.index_cast %add3A_214 : i32 to index
      %get3A_258 = arith.index_cast %add3A_256 : i32 to index
      %get3A_259 = tpu.vector_load %arg16[%get3A_257, %get3A_258] {strides = array<i32>} : memref<128x128xf32, #tpu.memory_space<vmem>>, vector<1x16xf32>,
      %get3A_260 = vector.shape_cast %get3A_259 : vector<1x16xf32> to vector<16xf32>
      %mul3A_261 = arith.mulf %mul3A_254, %get3A_260 : vector<16xf32>
      %add3A_262 = arith.addf %mul3A_241, %mul3A_261 : vector<16xf32>
      %shift_right_arithmetic3A_263 = arith.constant 3 : i32
      %shift_right_arithmetic3A_264 = arith.shrsi %add3A_153, %shift_right_arithmetic3A_263 : i32
      %add3A_265 = arith.constant 0 : i32
      %add3A_266 = arith.addi %shift_right_arithmetic3A_264, %add3A_265 : i32
      %swap3A_267 = arith.index_cast %add3A_266 : i32 to index
      %swap3A_268 = arith.constant 16 : index
      %swap3A_269 = tpu.vector_load %arg17[%swap3A_267, %swap3A_268] {strides = array<i32>} : memref<64x128xf32, #tpu.memory_space<vmem>>, vector<1x16xf32>,
      %swap3A_270 = vector.shape_cast %swap3A_269 : vector<1x16xf32> to vector<16xf32>
      %swap3A_271 = vector.shape_cast %add3A_262 : vector<16xf32> to vector<1x16xf32>
      tpu.vector_store %arg17[%swap3A_267, %swap3A_268], %swap3A_271 {strides = array<i32>} : memref<64x128xf32, #tpu.memory_space<vmem>>, vector<1x16xf32>,
      %mul3A_272 = arith.constant 16 : i32
      %mul3A_273 = arith.muli %scan3A_149, %mul3A_272 : i32
      %add3A_274 = arith.constant 2 : i32
      %add3A_275 = arith.addi %mul3A_273, %add3A_274 : i32
      %slice3A_276 = vector.extract_strided_slice %get3A_155 {offsets = [2], sizes = [1], strides = [1]} : vector<16xi32> to vector<1xi32>
      %squeeze3A_277 = vector.extract %slice3A_276[0] : i32 from vector<1xi32>
      %and3A_278 = arith.constant 255 : i32
      %and3A_279 = arith.andi %squeeze3A_277, %and3A_278 : i32
      %multiple_of3A_280 = tpu.assume_multiple %and3A_279, 32 : i32
      %shift_right_arithmetic3A_281 = arith.constant 8 : i32
      %shift_right_arithmetic3A_282 = arith.shrsi %squeeze3A_277, %shift_right_arithmetic3A_281 : i32
      %and3A_283 = arith.constant 255 : i32
      %and3A_284 = arith.andi %shift_right_arithmetic3A_282, %and3A_283 : i32
      %multiple_of3A_285 = tpu.assume_multiple %and3A_284, 32 : i32
      %shift_right_arithmetic3A_286 = arith.constant 16 : i32
      %shift_right_arithmetic3A_287 = arith.shrsi %squeeze3A_277, %shift_right_arithmetic3A_286 : i32
      %multiple_of3A_288 = tpu.assume_multiple %shift_right_arithmetic3A_287, 32 : i32
      %get3A_289 = arith.index_cast %add3A_275 : i32 to index
      %get3A_290 = arith.index_cast %multiple_of3A_280 : i32 to index
      %get3A_291 = tpu.vector_load %arg14[%get3A_289, %get3A_290] {strides = array<i32>} : memref<128x128xf32, #tpu.memory_space<vmem>>, vector<1x16xf32>,
      %get3A_292 = vector.shape_cast %get3A_291 : vector<1x16xf32> to vector<16xf32>
      %get3A_293 = arith.index_cast %add3A_275 : i32 to index
      %get3A_294 = arith.index_cast %multiple_of3A_285 : i32 to index
      %get3A_295 = tpu.vector_load %arg15[%get3A_293, %get3A_294] {strides = array<i32>} : memref<128x128xf32, #tpu.memory_space<vmem>>, vector<1x16xf32>,
      %get3A_296 = vector.shape_cast %get3A_295 : vector<1x16xf32> to vector<16xf32>
      %mul3A_297 = arith.mulf %get3A_292, %get3A_296 : vector<16xf32>
      %get3A_298 = arith.index_cast %add3A_275 : i32 to index
      %get3A_299 = arith.index_cast %multiple_of3A_288 : i32 to index
      %get3A_300 = tpu.vector_load %arg16[%get3A_298, %get3A_299] {strides = array<i32>} : memref<128x128xf32, #tpu.memory_space<vmem>>, vector<1x16xf32>,
      %get3A_301 = vector.shape_cast %get3A_300 : vector<1x16xf32> to vector<16xf32>
      %mul3A_302 = arith.mulf %mul3A_297, %get3A_301 : vector<16xf32>
      %add3A_303 = arith.constant 16 : i32
      %add3A_304 = arith.addi %multiple_of3A_280, %add3A_303 : i32
      %get3A_305 = arith.index_cast %add3A_275 : i32 to index
      %get3A_306 = arith.index_cast %add3A_304 : i32 to index
      %get3A_307 = tpu.vector_load %arg14[%get3A_305, %get3A_306] {strides = array<i32>} : memref<128x128xf32, #tpu.memory_space<vmem>>, vector<1x16xf32>,
      %get3A_308 = vector.shape_cast %get3A_307 : vector<1x16xf32> to vector<16xf32>
      %add3A_309 = arith.constant 16 : i32
      %add3A_310 = arith.addi %multiple_of3A_285, %add3A_309 : i32
      %get3A_311 = arith.index_cast %add3A_275 : i32 to index
      %get3A_312 = arith.index_cast %add3A_310 : i32 to index
      %get3A_313 = tpu.vector_load %arg15[%get3A_311, %get3A_312] {strides = array<i32>} : memref<128x128xf32, #tpu.memory_space<vmem>>, vector<1x16xf32>,
      %get3A_314 = vector.shape_cast %get3A_313 : vector<1x16xf32> to vector<16xf32>
      %mul3A_315 = arith.mulf %get3A_308, %get3A_314 : vector<16xf32>
      %add3A_316 = arith.constant 16 : i32
      %add3A_317 = arith.addi %multiple_of3A_288, %add3A_316 : i32
      %get3A_318 = arith.index_cast %add3A_275 : i32 to index
      %get3A_319 = arith.index_cast %add3A_317 : i32 to index
      %get3A_320 = tpu.vector_load %arg16[%get3A_318, %get3A_319] {strides = array<i32>} : memref<128x128xf32, #tpu.memory_space<vmem>>, vector<1x16xf32>,
      %get3A_321 = vector.shape_cast %get3A_320 : vector<1x16xf32> to vector<16xf32>
      %mul3A_322 = arith.mulf %mul3A_315, %get3A_321 : vector<16xf32>
      %add3A_323 = arith.addf %mul3A_302, %mul3A_322 : vector<16xf32>
      %shift_right_arithmetic3A_324 = arith.constant 3 : i32
      %shift_right_arithmetic3A_325 = arith.shrsi %add3A_153, %shift_right_arithmetic3A_324 : i32
      %add3A_326 = arith.constant 0 : i32
      %add3A_327 = arith.addi %shift_right_arithmetic3A_325, %add3A_326 : i32
      %swap3A_328 = arith.index_cast %add3A_327 : i32 to index
      %swap3A_329 = arith.constant 32 : index
      %swap3A_330 = tpu.vector_load %arg17[%swap3A_328, %swap3A_329] {strides = array<i32>} : memref<64x128xf32, #tpu.memory_space<vmem>>, vector<1x16xf32>,
      %swap3A_331 = vector.shape_cast %swap3A_330 : vector<1x16xf32> to vector<16xf32>
      %swap3A_332 = vector.shape_cast %add3A_323 : vector<16xf32> to vector<1x16xf32>
      tpu.vector_store %arg17[%swap3A_328, %swap3A_329], %swap3A_332 {strides = array<i32>} : memref<64x128xf32, #tpu.memory_space<vmem>>, vector<1x16xf32>,
      %mul3A_333 = arith.constant 16 : i32
      %mul3A_334 = arith.muli %scan3A_149, %mul3A_333 : i32
      %add3A_335 = arith.constant 3 : i32
      %add3A_336 = arith.addi %mul3A_334, %add3A_335 : i32
      %slice3A_337 = vector.extract_strided_slice %get3A_155 {offsets = [3], sizes = [1], strides = [1]} : vector<16xi32> to vector<1xi32>
      %squeeze3A_338 = vector.extract %slice3A_337[0] : i32 from vector<1xi32>
      %and3A_339 = arith.constant 255 : i32
      %and3A_340 = arith.andi %squeeze3A_338, %and3A_339 : i32
      %multiple_of3A_341 = tpu.assume_multiple %and3A_340, 32 : i32
      %shift_right_arithmetic3A_342 = arith.constant 8 : i32
      %shift_right_arithmetic3A_343 = arith.shrsi %squeeze3A_338, %shift_right_arithmetic3A_342 : i32
      %and3A_344 = arith.constant 255 : i32
      %and3A_345 = arith.andi %shift_right_arithmetic3A_343, %and3A_344 : i32
      %multiple_of3A_346 = tpu.assume_multiple %and3A_345, 32 : i32
      %shift_right_arithmetic3A_347 = arith.constant 16 : i32
      %shift_right_arithmetic3A_348 = arith.shrsi %squeeze3A_338, %shift_right_arithmetic3A_347 : i32
      %multiple_of3A_349 = tpu.assume_multiple %shift_right_arithmetic3A_348, 32 : i32
      %get3A_350 = arith.index_cast %add3A_336 : i32 to index
      %get3A_351 = arith.index_cast %multiple_of3A_341 : i32 to index
      %get3A_352 = tpu.vector_load %arg14[%get3A_350, %get3A_351] {strides = array<i32>} : memref<128x128xf32, #tpu.memory_space<vmem>>, vector<1x16xf32>,
      %get3A_353 = vector.shape_cast %get3A_352 : vector<1x16xf32> to vector<16xf32>
      %get3A_354 = arith.index_cast %add3A_336 : i32 to index
      %get3A_355 = arith.index_cast %multiple_of3A_346 : i32 to index
      %get3A_356 = tpu.vector_load %arg15[%get3A_354, %get3A_355] {strides = array<i32>} : memref<128x128xf32, #tpu.memory_space<vmem>>, vector<1x16xf32>,
      %get3A_357 = vector.shape_cast %get3A_356 : vector<1x16xf32> to vector<16xf32>
      %mul3A_358 = arith.mulf %get3A_353, %get3A_357 : vector<16xf32>
      %get3A_359 = arith.index_cast %add3A_336 : i32 to index
      %get3A_360 = arith.index_cast %multiple_of3A_349 : i32 to index
      %get3A_361 = tpu.vector_load %arg16[%get3A_359, %get3A_360] {strides = array<i32>} : memref<128x128xf32, #tpu.memory_space<vmem>>, vector<1x16xf32>,
      %get3A_362 = vector.shape_cast %get3A_361 : vector<1x16xf32> to vector<16xf32>
      %mul3A_363 = arith.mulf %mul3A_358, %get3A_362 : vector<16xf32>
      %add3A_364 = arith.constant 16 : i32
      %add3A_365 = arith.addi %multiple_of3A_341, %add3A_364 : i32
      %get3A_366 = arith.index_cast %add3A_336 : i32 to index
      %get3A_367 = arith.index_cast %add3A_365 : i32 to index
      %get3A_368 = tpu.vector_load %arg14[%get3A_366, %get3A_367] {strides = array<i32>} : memref<128x128xf32, #tpu.memory_space<vmem>>, vector<1x16xf32>,
      %get3A_369 = vector.shape_cast %get3A_368 : vector<1x16xf32> to vector<16xf32>
      %add3A_370 = arith.constant 16 : i32
      %add3A_371 = arith.addi %multiple_of3A_346, %add3A_370 : i32
      %get3A_372 = arith.index_cast %add3A_336 : i32 to index
      %get3A_373 = arith.index_cast %add3A_371 : i32 to index
      %get3A_374 = tpu.vector_load %arg15[%get3A_372, %get3A_373] {strides = array<i32>} : memref<128x128xf32, #tpu.memory_space<vmem>>, vector<1x16xf32>,
      %get3A_375 = vector.shape_cast %get3A_374 : vector<1x16xf32> to vector<16xf32>
      %mul3A_376 = arith.mulf %get3A_369, %get3A_375 : vector<16xf32>
      %add3A_377 = arith.constant 16 : i32
      %add3A_378 = arith.addi %multiple_of3A_349, %add3A_377 : i32
      %get3A_379 = arith.index_cast %add3A_336 : i32 to index
      %get3A_380 = arith.index_cast %add3A_378 : i32 to index
      %get3A_381 = tpu.vector_load %arg16[%get3A_379, %get3A_380] {strides = array<i32>} : memref<128x128xf32, #tpu.memory_space<vmem>>, vector<1x16xf32>,
      %get3A_382 = vector.shape_cast %get3A_381 : vector<1x16xf32> to vector<16xf32>
      %mul3A_383 = arith.mulf %mul3A_376, %get3A_382 : vector<16xf32>
      %add3A_384 = arith.addf %mul3A_363, %mul3A_383 : vector<16xf32>
      %shift_right_arithmetic3A_385 = arith.constant 3 : i32
      %shift_right_arithmetic3A_386 = arith.shrsi %add3A_153, %shift_right_arithmetic3A_385 : i32
      %add3A_387 = arith.constant 0 : i32
      %add3A_388 = arith.addi %shift_right_arithmetic3A_386, %add3A_387 : i32
      %swap3A_389 = arith.index_cast %add3A_388 : i32 to index
      %swap3A_390 = arith.constant 48 : index
      %swap3A_391 = tpu.vector_load %arg17[%swap3A_389, %swap3A_390] {strides = array<i32>} : memref<64x128xf32, #tpu.memory_space<vmem>>, vector<1x16xf32>,
      %swap3A_392 = vector.shape_cast %swap3A_391 : vector<1x16xf32> to vector<16xf32>
      %swap3A_393 = vector.shape_cast %add3A_384 : vector<16xf32> to vector<1x16xf32>
      tpu.vector_store %arg17[%swap3A_389, %swap3A_390], %swap3A_393 {strides = array<i32>} : memref<64x128xf32, #tpu.memory_space<vmem>>, vector<1x16xf32>,
      %mul3A_394 = arith.constant 16 : i32
      %mul3A_395 = arith.muli %scan3A_149, %mul3A_394 : i32
      %add3A_396 = arith.constant 4 : i32
      %add3A_397 = arith.addi %mul3A_395, %add3A_396 : i32
      %slice3A_398 = vector.extract_strided_slice %get3A_155 {offsets = [4], sizes = [1], strides = [1]} : vector<16xi32> to vector<1xi32>
      %squeeze3A_399 = vector.extract %slice3A_398[0] : i32 from vector<1xi32>
      %and3A_400 = arith.constant 255 : i32
      %and3A_401 = arith.andi %squeeze3A_399, %and3A_400 : i32
      %multiple_of3A_402 = tpu.assume_multiple %and3A_401, 32 : i32
      %shift_right_arithmetic3A_403 = arith.constant 8 : i32
      %shift_right_arithmetic3A_404 = arith.shrsi %squeeze3A_399, %shift_right_arithmetic3A_403 : i32
      %and3A_405 = arith.constant 255 : i32
      %and3A_406 = arith.andi %shift_right_arithmetic3A_404, %and3A_405 : i32
      %multiple_of3A_407 = tpu.assume_multiple %and3A_406, 32 : i32
      %shift_right_arithmetic3A_408 = arith.constant 16 : i32
      %shift_right_arithmetic3A_409 = arith.shrsi %squeeze3A_399, %shift_right_arithmetic3A_408 : i32
      %multiple_of3A_410 = tpu.assume_multiple %shift_right_arithmetic3A_409, 32 : i32
      %get3A_411 = arith.index_cast %add3A_397 : i32 to index
      %get3A_412 = arith.index_cast %multiple_of3A_402 : i32 to index
      %get3A_413 = tpu.vector_load %arg14[%get3A_411, %get3A_412] {strides = array<i32>} : memref<128x128xf32, #tpu.memory_space<vmem>>, vector<1x16xf32>,
      %get3A_414 = vector.shape_cast %get3A_413 : vector<1x16xf32> to vector<16xf32>
      %get3A_415 = arith.index_cast %add3A_397 : i32 to index
      %get3A_416 = arith.index_cast %multiple_of3A_407 : i32 to index
      %get3A_417 = tpu.vector_load %arg15[%get3A_415, %get3A_416] {strides = array<i32>} : memref<128x128xf32, #tpu.memory_space<vmem>>, vector<1x16xf32>,
      %get3A_418 = vector.shape_cast %get3A_417 : vector<1x16xf32> to vector<16xf32>
      %mul3A_419 = arith.mulf %get3A_414, %get3A_418 : vector<16xf32>
      %get3A_420 = arith.index_cast %add3A_397 : i32 to index
      %get3A_421 = arith.index_cast %multiple_of3A_410 : i32 to index
      %get3A_422 = tpu.vector_load %arg16[%get3A_420, %get3A_421] {strides = array<i32>} : memref<128x128xf32, #tpu.memory_space<vmem>>, vector<1x16xf32>,
      %get3A_423 = vector.shape_cast %get3A_422 : vector<1x16xf32> to vector<16xf32>
      %mul3A_424 = arith.mulf %mul3A_419, %get3A_423 : vector<16xf32>
      %add3A_425 = arith.constant 16 : i32
      %add3A_426 = arith.addi %multiple_of3A_402, %add3A_425 : i32
      %get3A_427 = arith.index_cast %add3A_397 : i32 to index
      %get3A_428 = arith.index_cast %add3A_426 : i32 to index
      %get3A_429 = tpu.vector_load %arg14[%get3A_427, %get3A_428] {strides = array<i32>} : memref<128x128xf32, #tpu.memory_space<vmem>>, vector<1x16xf32>,
      %get3A_430 = vector.shape_cast %get3A_429 : vector<1x16xf32> to vector<16xf32>
      %add3A_431 = arith.constant 16 : i32
      %add3A_432 = arith.addi %multiple_of3A_407, %add3A_431 : i32
      %get3A_433 = arith.index_cast %add3A_397 : i32 to index
      %get3A_434 = arith.index_cast %add3A_432 : i32 to index
      %get3A_435 = tpu.vector_load %arg15[%get3A_433, %get3A_434] {strides = array<i32>} : memref<128x128xf32, #tpu.memory_space<vmem>>, vector<1x16xf32>,
      %get3A_436 = vector.shape_cast %get3A_435 : vector<1x16xf32> to vector<16xf32>
      %mul3A_437 = arith.mulf %get3A_430, %get3A_436 : vector<16xf32>
      %add3A_438 = arith.constant 16 : i32
      %add3A_439 = arith.addi %multiple_of3A_410, %add3A_438 : i32
      %get3A_440 = arith.index_cast %add3A_397 : i32 to index
      %get3A_441 = arith.index_cast %add3A_439 : i32 to index
      %get3A_442 = tpu.vector_load %arg16[%get3A_440, %get3A_441] {strides = array<i32>} : memref<128x128xf32, #tpu.memory_space<vmem>>, vector<1x16xf32>,
      %get3A_443 = vector.shape_cast %get3A_442 : vector<1x16xf32> to vector<16xf32>
      %mul3A_444 = arith.mulf %mul3A_437, %get3A_443 : vector<16xf32>
      %add3A_445 = arith.addf %mul3A_424, %mul3A_444 : vector<16xf32>
      %shift_right_arithmetic3A_446 = arith.constant 3 : i32
      %shift_right_arithmetic3A_447 = arith.shrsi %add3A_153, %shift_right_arithmetic3A_446 : i32
      %add3A_448 = arith.constant 0 : i32
      %add3A_449 = arith.addi %shift_right_arithmetic3A_447, %add3A_448 : i32
      %swap3A_450 = arith.index_cast %add3A_449 : i32 to index
      %swap3A_451 = arith.constant 64 : index
      %swap3A_452 = tpu.vector_load %arg17[%swap3A_450, %swap3A_451] {strides = array<i32>} : memref<64x128xf32, #tpu.memory_space<vmem>>, vector<1x16xf32>,
      %swap3A_453 = vector.shape_cast %swap3A_452 : vector<1x16xf32> to vector<16xf32>
      %swap3A_454 = vector.shape_cast %add3A_445 : vector<16xf32> to vector<1x16xf32>
      tpu.vector_store %arg17[%swap3A_450, %swap3A_451], %swap3A_454 {strides = array<i32>} : memref<64x128xf32, #tpu.memory_space<vmem>>, vector<1x16xf32>,
      %mul3A_455 = arith.constant 16 : i32
      %mul3A_456 = arith.muli %scan3A_149, %mul3A_455 : i32
      %add3A_457 = arith.constant 5 : i32
      %add3A_458 = arith.addi %mul3A_456, %add3A_457 : i32
      %slice3A_459 = vector.extract_strided_slice %get3A_155 {offsets = [5], sizes = [1], strides = [1]} : vector<16xi32> to vector<1xi32>
      %squeeze3A_460 = vector.extract %slice3A_459[0] : i32 from vector<1xi32>
      %and3A_461 = arith.constant 255 : i32
      %and3A_462 = arith.andi %squeeze3A_460, %and3A_461 : i32
      %multiple_of3A_463 = tpu.assume_multiple %and3A_462, 32 : i32
      %shift_right_arithmetic3A_464 = arith.constant 8 : i32
      %shift_right_arithmetic3A_465 = arith.shrsi %squeeze3A_460, %shift_right_arithmetic3A_464 : i32
      %and3A_466 = arith.constant 255 : i32
      %and3A_467 = arith.andi %shift_right_arithmetic3A_465, %and3A_466 : i32
      %multiple_of3A_468 = tpu.assume_multiple %and3A_467, 32 : i32
      %shift_right_arithmetic3A_469 = arith.constant 16 : i32
      %shift_right_arithmetic3A_470 = arith.shrsi %squeeze3A_460, %shift_right_arithmetic3A_469 : i32
      %multiple_of3A_471 = tpu.assume_multiple %shift_right_arithmetic3A_470, 32 : i32
      %get3A_472 = arith.index_cast %add3A_458 : i32 to index
      %get3A_473 = arith.index_cast %multiple_of3A_463 : i32 to index
      %get3A_474 = tpu.vector_load %arg14[%get3A_472, %get3A_473] {strides = array<i32>} : memref<128x128xf32, #tpu.memory_space<vmem>>, vector<1x16xf32>,
      %get3A_475 = vector.shape_cast %get3A_474 : vector<1x16xf32> to vector<16xf32>
      %get3A_476 = arith.index_cast %add3A_458 : i32 to index
      %get3A_477 = arith.index_cast %multiple_of3A_468 : i32 to index
      %get3A_478 = tpu.vector_load %arg15[%get3A_476, %get3A_477] {strides = array<i32>} : memref<128x128xf32, #tpu.memory_space<vmem>>, vector<1x16xf32>,
      %get3A_479 = vector.shape_cast %get3A_478 : vector<1x16xf32> to vector<16xf32>
      %mul3A_480 = arith.mulf %get3A_475, %get3A_479 : vector<16xf32>
      %get3A_481 = arith.index_cast %add3A_458 : i32 to index
      %get3A_482 = arith.index_cast %multiple_of3A_471 : i32 to index
      %get3A_483 = tpu.vector_load %arg16[%get3A_481, %get3A_482] {strides = array<i32>} : memref<128x128xf32, #tpu.memory_space<vmem>>, vector<1x16xf32>,
      %get3A_484 = vector.shape_cast %get3A_483 : vector<1x16xf32> to vector<16xf32>
      %mul3A_485 = arith.mulf %mul3A_480, %get3A_484 : vector<16xf32>
      %add3A_486 = arith.constant 16 : i32
      %add3A_487 = arith.addi %multiple_of3A_463, %add3A_486 : i32
      %get3A_488 = arith.index_cast %add3A_458 : i32 to index
      %get3A_489 = arith.index_cast %add3A_487 : i32 to index
      %get3A_490 = tpu.vector_load %arg14[%get3A_488, %get3A_489] {strides = array<i32>} : memref<128x128xf32, #tpu.memory_space<vmem>>, vector<1x16xf32>,
      %get3A_491 = vector.shape_cast %get3A_490 : vector<1x16xf32> to vector<16xf32>
      %add3A_492 = arith.constant 16 : i32
      %add3A_493 = arith.addi %multiple_of3A_468, %add3A_492 : i32
      %get3A_494 = arith.index_cast %add3A_458 : i32 to index
      %get3A_495 = arith.index_cast %add3A_493 : i32 to index
      %get3A_496 = tpu.vector_load %arg15[%get3A_494, %get3A_495] {strides = array<i32>} : memref<128x128xf32, #tpu.memory_space<vmem>>, vector<1x16xf32>,
      %get3A_497 = vector.shape_cast %get3A_496 : vector<1x16xf32> to vector<16xf32>
      %mul3A_498 = arith.mulf %get3A_491, %get3A_497 : vector<16xf32>
      %add3A_499 = arith.constant 16 : i32
      %add3A_500 = arith.addi %multiple_of3A_471, %add3A_499 : i32
      %get3A_501 = arith.index_cast %add3A_458 : i32 to index
      %get3A_502 = arith.index_cast %add3A_500 : i32 to index
      %get3A_503 = tpu.vector_load %arg16[%get3A_501, %get3A_502] {strides = array<i32>} : memref<128x128xf32, #tpu.memory_space<vmem>>, vector<1x16xf32>,
      %get3A_504 = vector.shape_cast %get3A_503 : vector<1x16xf32> to vector<16xf32>
      %mul3A_505 = arith.mulf %mul3A_498, %get3A_504 : vector<16xf32>
      %add3A_506 = arith.addf %mul3A_485, %mul3A_505 : vector<16xf32>
      %shift_right_arithmetic3A_507 = arith.constant 3 : i32
      %shift_right_arithmetic3A_508 = arith.shrsi %add3A_153, %shift_right_arithmetic3A_507 : i32
      %add3A_509 = arith.constant 0 : i32
      %add3A_510 = arith.addi %shift_right_arithmetic3A_508, %add3A_509 : i32
      %swap3A_511 = arith.index_cast %add3A_510 : i32 to index
      %swap3A_512 = arith.constant 80 : index
      %swap3A_513 = tpu.vector_load %arg17[%swap3A_511, %swap3A_512] {strides = array<i32>} : memref<64x128xf32, #tpu.memory_space<vmem>>, vector<1x16xf32>,
      %swap3A_514 = vector.shape_cast %swap3A_513 : vector<1x16xf32> to vector<16xf32>
      %swap3A_515 = vector.shape_cast %add3A_506 : vector<16xf32> to vector<1x16xf32>
      tpu.vector_store %arg17[%swap3A_511, %swap3A_512], %swap3A_515 {strides = array<i32>} : memref<64x128xf32, #tpu.memory_space<vmem>>, vector<1x16xf32>,
      %mul3A_516 = arith.constant 16 : i32
      %mul3A_517 = arith.muli %scan3A_149, %mul3A_516 : i32
      %add3A_518 = arith.constant 6 : i32
      %add3A_519 = arith.addi %mul3A_517, %add3A_518 : i32
      %slice3A_520 = vector.extract_strided_slice %get3A_155 {offsets = [6], sizes = [1], strides = [1]} : vector<16xi32> to vector<1xi32>
      %squeeze3A_521 = vector.extract %slice3A_520[0] : i32 from vector<1xi32>
      %and3A_522 = arith.constant 255 : i32
      %and3A_523 = arith.andi %squeeze3A_521, %and3A_522 : i32
      %multiple_of3A_524 = tpu.assume_multiple %and3A_523, 32 : i32
      %shift_right_arithmetic3A_525 = arith.constant 8 : i32
      %shift_right_arithmetic3A_526 = arith.shrsi %squeeze3A_521, %shift_right_arithmetic3A_525 : i32
      %and3A_527 = arith.constant 255 : i32
      %and3A_528 = arith.andi %shift_right_arithmetic3A_526, %and3A_527 : i32
      %multiple_of3A_529 = tpu.assume_multiple %and3A_528, 32 : i32
      %shift_right_arithmetic3A_530 = arith.constant 16 : i32
      %shift_right_arithmetic3A_531 = arith.shrsi %squeeze3A_521, %shift_right_arithmetic3A_530 : i32
      %multiple_of3A_532 = tpu.assume_multiple %shift_right_arithmetic3A_531, 32 : i32
      %get3A_533 = arith.index_cast %add3A_519 : i32 to index
      %get3A_534 = arith.index_cast %multiple_of3A_524 : i32 to index
      %get3A_535 = tpu.vector_load %arg14[%get3A_533, %get3A_534] {strides = array<i32>} : memref<128x128xf32, #tpu.memory_space<vmem>>, vector<1x16xf32>,
      %get3A_536 = vector.shape_cast %get3A_535 : vector<1x16xf32> to vector<16xf32>
      %get3A_537 = arith.index_cast %add3A_519 : i32 to index
      %get3A_538 = arith.index_cast %multiple_of3A_529 : i32 to index
      %get3A_539 = tpu.vector_load %arg15[%get3A_537, %get3A_538] {strides = array<i32>} : memref<128x128xf32, #tpu.memory_space<vmem>>, vector<1x16xf32>,
      %get3A_540 = vector.shape_cast %get3A_539 : vector<1x16xf32> to vector<16xf32>
      %mul3A_541 = arith.mulf %get3A_536, %get3A_540 : vector<16xf32>
      %get3A_542 = arith.index_cast %add3A_519 : i32 to index
      %get3A_543 = arith.index_cast %multiple_of3A_532 : i32 to index
      %get3A_544 = tpu.vector_load %arg16[%get3A_542, %get3A_543] {strides = array<i32>} : memref<128x128xf32, #tpu.memory_space<vmem>>, vector<1x16xf32>,
      %get3A_545 = vector.shape_cast %get3A_544 : vector<1x16xf32> to vector<16xf32>
      %mul3A_546 = arith.mulf %mul3A_541, %get3A_545 : vector<16xf32>
      %add3A_547 = arith.constant 16 : i32
      %add3A_548 = arith.addi %multiple_of3A_524, %add3A_547 : i32
      %get3A_549 = arith.index_cast %add3A_519 : i32 to index
      %get3A_550 = arith.index_cast %add3A_548 : i32 to index
      %get3A_551 = tpu.vector_load %arg14[%get3A_549, %get3A_550] {strides = array<i32>} : memref<128x128xf32, #tpu.memory_space<vmem>>, vector<1x16xf32>,
      %get3A_552 = vector.shape_cast %get3A_551 : vector<1x16xf32> to vector<16xf32>
      %add3A_553 = arith.constant 16 : i32
      %add3A_554 = arith.addi %multiple_of3A_529, %add3A_553 : i32
      %get3A_555 = arith.index_cast %add3A_519 : i32 to index
      %get3A_556 = arith.index_cast %add3A_554 : i32 to index
      %get3A_557 = tpu.vector_load %arg15[%get3A_555, %get3A_556] {strides = array<i32>} : memref<128x128xf32, #tpu.memory_space<vmem>>, vector<1x16xf32>,
      %get3A_558 = vector.shape_cast %get3A_557 : vector<1x16xf32> to vector<16xf32>
      %mul3A_559 = arith.mulf %get3A_552, %get3A_558 : vector<16xf32>
      %add3A_560 = arith.constant 16 : i32
      %add3A_561 = arith.addi %multiple_of3A_532, %add3A_560 : i32
      %get3A_562 = arith.index_cast %add3A_519 : i32 to index
      %get3A_563 = arith.index_cast %add3A_561 : i32 to index
      %get3A_564 = tpu.vector_load %arg16[%get3A_562, %get3A_563] {strides = array<i32>} : memref<128x128xf32, #tpu.memory_space<vmem>>, vector<1x16xf32>,
      %get3A_565 = vector.shape_cast %get3A_564 : vector<1x16xf32> to vector<16xf32>
      %mul3A_566 = arith.mulf %mul3A_559, %get3A_565 : vector<16xf32>
      %add3A_567 = arith.addf %mul3A_546, %mul3A_566 : vector<16xf32>
      %shift_right_arithmetic3A_568 = arith.constant 3 : i32
      %shift_right_arithmetic3A_569 = arith.shrsi %add3A_153, %shift_right_arithmetic3A_568 : i32
      %add3A_570 = arith.constant 0 : i32
      %add3A_571 = arith.addi %shift_right_arithmetic3A_569, %add3A_570 : i32
      %swap3A_572 = arith.index_cast %add3A_571 : i32 to index
      %swap3A_573 = arith.constant 96 : index
      %swap3A_574 = tpu.vector_load %arg17[%swap3A_572, %swap3A_573] {strides = array<i32>} : memref<64x128xf32, #tpu.memory_space<vmem>>, vector<1x16xf32>,
      %swap3A_575 = vector.shape_cast %swap3A_574 : vector<1x16xf32> to vector<16xf32>
      %swap3A_576 = vector.shape_cast %add3A_567 : vector<16xf32> to vector<1x16xf32>
      tpu.vector_store %arg17[%swap3A_572, %swap3A_573], %swap3A_576 {strides = array<i32>} : memref<64x128xf32, #tpu.memory_space<vmem>>, vector<1x16xf32>,
      %mul3A_577 = arith.constant 16 : i32
      %mul3A_578 = arith.muli %scan3A_149, %mul3A_577 : i32
      %add3A_579 = arith.constant 7 : i32
      %add3A_580 = arith.addi %mul3A_578, %add3A_579 : i32
      %slice3A_581 = vector.extract_strided_slice %get3A_155 {offsets = [7], sizes = [1], strides = [1]} : vector<16xi32> to vector<1xi32>
      %squeeze3A_582 = vector.extract %slice3A_581[0] : i32 from vector<1xi32>
      %and3A_583 = arith.constant 255 : i32
      %and3A_584 = arith.andi %squeeze3A_582, %and3A_583 : i32
      %multiple_of3A_585 = tpu.assume_multiple %and3A_584, 32 : i32
      %shift_right_arithmetic3A_586 = arith.constant 8 : i32
      %shift_right_arithmetic3A_587 = arith.shrsi %squeeze3A_582, %shift_right_arithmetic3A_586 : i32
      %and3A_588 = arith.constant 255 : i32
      %and3A_589 = arith.andi %shift_right_arithmetic3A_587, %and3A_588 : i32
      %multiple_of3A_590 = tpu.assume_multiple %and3A_589, 32 : i32
      %shift_right_arithmetic3A_591 = arith.constant 16 : i32
      %shift_right_arithmetic3A_592 = arith.shrsi %squeeze3A_582, %shift_right_arithmetic3A_591 : i32
      %multiple_of3A_593 = tpu.assume_multiple %shift_right_arithmetic3A_592, 32 : i32
      %get3A_594 = arith.index_cast %add3A_580 : i32 to index
      %get3A_595 = arith.index_cast %multiple_of3A_585 : i32 to index
      %get3A_596 = tpu.vector_load %arg14[%get3A_594, %get3A_595] {strides = array<i32>} : memref<128x128xf32, #tpu.memory_space<vmem>>, vector<1x16xf32>,
      %get3A_597 = vector.shape_cast %get3A_596 : vector<1x16xf32> to vector<16xf32>
      %get3A_598 = arith.index_cast %add3A_580 : i32 to index
      %get3A_599 = arith.index_cast %multiple_of3A_590 : i32 to index
      %get3A_600 = tpu.vector_load %arg15[%get3A_598, %get3A_599] {strides = array<i32>} : memref<128x128xf32, #tpu.memory_space<vmem>>, vector<1x16xf32>,
      %get3A_601 = vector.shape_cast %get3A_600 : vector<1x16xf32> to vector<16xf32>
      %mul3A_602 = arith.mulf %get3A_597, %get3A_601 : vector<16xf32>
      %get3A_603 = arith.index_cast %add3A_580 : i32 to index
      %get3A_604 = arith.index_cast %multiple_of3A_593 : i32 to index
      %get3A_605 = tpu.vector_load %arg16[%get3A_603, %get3A_604] {strides = array<i32>} : memref<128x128xf32, #tpu.memory_space<vmem>>, vector<1x16xf32>,
      %get3A_606 = vector.shape_cast %get3A_605 : vector<1x16xf32> to vector<16xf32>
      %mul3A_607 = arith.mulf %mul3A_602, %get3A_606 : vector<16xf32>
      %add3A_608 = arith.constant 16 : i32
      %add3A_609 = arith.addi %multiple_of3A_585, %add3A_608 : i32
      %get3A_610 = arith.index_cast %add3A_580 : i32 to index
      %get3A_611 = arith.index_cast %add3A_609 : i32 to index
      %get3A_612 = tpu.vector_load %arg14[%get3A_610, %get3A_611] {strides = array<i32>} : memref<128x128xf32, #tpu.memory_space<vmem>>, vector<1x16xf32>,
      %get3A_613 = vector.shape_cast %get3A_612 : vector<1x16xf32> to vector<16xf32>
      %add3A_614 = arith.constant 16 : i32
      %add3A_615 = arith.addi %multiple_of3A_590, %add3A_614 : i32
      %get3A_616 = arith.index_cast %add3A_580 : i32 to index
      %get3A_617 = arith.index_cast %add3A_615 : i32 to index
      %get3A_618 = tpu.vector_load %arg15[%get3A_616, %get3A_617] {strides = array<i32>} : memref<128x128xf32, #tpu.memory_space<vmem>>, vector<1x16xf32>,
      %get3A_619 = vector.shape_cast %get3A_618 : vector<1x16xf32> to vector<16xf32>
      %mul3A_620 = arith.mulf %get3A_613, %get3A_619 : vector<16xf32>
      %add3A_621 = arith.constant 16 : i32
      %add3A_622 = arith.addi %multiple_of3A_593, %add3A_621 : i32
      %get3A_623 = arith.index_cast %add3A_580 : i32 to index
      %get3A_624 = arith.index_cast %add3A_622 : i32 to index
      %get3A_625 = tpu.vector_load %arg16[%get3A_623, %get3A_624] {strides = array<i32>} : memref<128x128xf32, #tpu.memory_space<vmem>>, vector<1x16xf32>,
      %get3A_626 = vector.shape_cast %get3A_625 : vector<1x16xf32> to vector<16xf32>
      %mul3A_627 = arith.mulf %mul3A_620, %get3A_626 : vector<16xf32>
      %add3A_628 = arith.addf %mul3A_607, %mul3A_627 : vector<16xf32>
      %shift_right_arithmetic3A_629 = arith.constant 3 : i32
      %shift_right_arithmetic3A_630 = arith.shrsi %add3A_153, %shift_right_arithmetic3A_629 : i32
      %add3A_631 = arith.constant 0 : i32
      %add3A_632 = arith.addi %shift_right_arithmetic3A_630, %add3A_631 : i32
      %swap3A_633 = arith.index_cast %add3A_632 : i32 to index
      %swap3A_634 = arith.constant 112 : index
      %swap3A_635 = tpu.vector_load %arg17[%swap3A_633, %swap3A_634] {strides = array<i32>} : memref<64x128xf32, #tpu.memory_space<vmem>>, vector<1x16xf32>,
      %swap3A_636 = vector.shape_cast %swap3A_635 : vector<1x16xf32> to vector<16xf32>
      %swap3A_637 = vector.shape_cast %add3A_628 : vector<16xf32> to vector<1x16xf32>
      tpu.vector_store %arg17[%swap3A_633, %swap3A_634], %swap3A_637 {strides = array<i32>} : memref<64x128xf32, #tpu.memory_space<vmem>>, vector<1x16xf32>,
      %mul3A_638 = arith.constant 16 : i32
      %mul3A_639 = arith.muli %scan3A_149, %mul3A_638 : i32
      %add3A_640 = arith.constant 8 : i32
      %add3A_641 = arith.addi %mul3A_639, %add3A_640 : i32
      %slice3A_642 = vector.extract_strided_slice %get3A_155 {offsets = [8], sizes = [1], strides = [1]} : vector<16xi32> to vector<1xi32>
      %squeeze3A_643 = vector.extract %slice3A_642[0] : i32 from vector<1xi32>
      %and3A_644 = arith.constant 255 : i32
      %and3A_645 = arith.andi %squeeze3A_643, %and3A_644 : i32
      %multiple_of3A_646 = tpu.assume_multiple %and3A_645, 32 : i32
      %shift_right_arithmetic3A_647 = arith.constant 8 : i32
      %shift_right_arithmetic3A_648 = arith.shrsi %squeeze3A_643, %shift_right_arithmetic3A_647 : i32
      %and3A_649 = arith.constant 255 : i32
      %and3A_650 = arith.andi %shift_right_arithmetic3A_648, %and3A_649 : i32
      %multiple_of3A_651 = tpu.assume_multiple %and3A_650, 32 : i32
      %shift_right_arithmetic3A_652 = arith.constant 16 : i32
      %shift_right_arithmetic3A_653 = arith.shrsi %squeeze3A_643, %shift_right_arithmetic3A_652 : i32
      %multiple_of3A_654 = tpu.assume_multiple %shift_right_arithmetic3A_653, 32 : i32
      %get3A_655 = arith.index_cast %add3A_641 : i32 to index
      %get3A_656 = arith.index_cast %multiple_of3A_646 : i32 to index
      %get3A_657 = tpu.vector_load %arg14[%get3A_655, %get3A_656] {strides = array<i32>} : memref<128x128xf32, #tpu.memory_space<vmem>>, vector<1x16xf32>,
      %get3A_658 = vector.shape_cast %get3A_657 : vector<1x16xf32> to vector<16xf32>
      %get3A_659 = arith.index_cast %add3A_641 : i32 to index
      %get3A_660 = arith.index_cast %multiple_of3A_651 : i32 to index
      %get3A_661 = tpu.vector_load %arg15[%get3A_659, %get3A_660] {strides = array<i32>} : memref<128x128xf32, #tpu.memory_space<vmem>>, vector<1x16xf32>,
      %get3A_662 = vector.shape_cast %get3A_661 : vector<1x16xf32> to vector<16xf32>
      %mul3A_663 = arith.mulf %get3A_658, %get3A_662 : vector<16xf32>
      %get3A_664 = arith.index_cast %add3A_641 : i32 to index
      %get3A_665 = arith.index_cast %multiple_of3A_654 : i32 to index
      %get3A_666 = tpu.vector_load %arg16[%get3A_664, %get3A_665] {strides = array<i32>} : memref<128x128xf32, #tpu.memory_space<vmem>>, vector<1x16xf32>,
      %get3A_667 = vector.shape_cast %get3A_666 : vector<1x16xf32> to vector<16xf32>
      %mul3A_668 = arith.mulf %mul3A_663, %get3A_667 : vector<16xf32>
      %add3A_669 = arith.constant 16 : i32
      %add3A_670 = arith.addi %multiple_of3A_646, %add3A_669 : i32
      %get3A_671 = arith.index_cast %add3A_641 : i32 to index
      %get3A_672 = arith.index_cast %add3A_670 : i32 to index
      %get3A_673 = tpu.vector_load %arg14[%get3A_671, %get3A_672] {strides = array<i32>} : memref<128x128xf32, #tpu.memory_space<vmem>>, vector<1x16xf32>,
      %get3A_674 = vector.shape_cast %get3A_673 : vector<1x16xf32> to vector<16xf32>
      %add3A_675 = arith.constant 16 : i32
      %add3A_676 = arith.addi %multiple_of3A_651, %add3A_675 : i32
      %get3A_677 = arith.index_cast %add3A_641 : i32 to index
      %get3A_678 = arith.index_cast %add3A_676 : i32 to index
      %get3A_679 = tpu.vector_load %arg15[%get3A_677, %get3A_678] {strides = array<i32>} : memref<128x128xf32, #tpu.memory_space<vmem>>, vector<1x16xf32>,
      %get3A_680 = vector.shape_cast %get3A_679 : vector<1x16xf32> to vector<16xf32>
      %mul3A_681 = arith.mulf %get3A_674, %get3A_680 : vector<16xf32>
      %add3A_682 = arith.constant 16 : i32
      %add3A_683 = arith.addi %multiple_of3A_654, %add3A_682 : i32
      %get3A_684 = arith.index_cast %add3A_641 : i32 to index
      %get3A_685 = arith.index_cast %add3A_683 : i32 to index
      %get3A_686 = tpu.vector_load %arg16[%get3A_684, %get3A_685] {strides = array<i32>} : memref<128x128xf32, #tpu.memory_space<vmem>>, vector<1x16xf32>,
      %get3A_687 = vector.shape_cast %get3A_686 : vector<1x16xf32> to vector<16xf32>
      %mul3A_688 = arith.mulf %mul3A_681, %get3A_687 : vector<16xf32>
      %add3A_689 = arith.addf %mul3A_668, %mul3A_688 : vector<16xf32>
      %shift_right_arithmetic3A_690 = arith.constant 3 : i32
      %shift_right_arithmetic3A_691 = arith.shrsi %add3A_153, %shift_right_arithmetic3A_690 : i32
      %add3A_692 = arith.constant 1 : i32
      %add3A_693 = arith.addi %shift_right_arithmetic3A_691, %add3A_692 : i32
      %swap3A_694 = arith.index_cast %add3A_693 : i32 to index
      %swap3A_695 = arith.constant 0 : index
      %swap3A_696 = tpu.vector_load %arg17[%swap3A_694, %swap3A_695] {strides = array<i32>} : memref<64x128xf32, #tpu.memory_space<vmem>>, vector<1x16xf32>,
      %swap3A_697 = vector.shape_cast %swap3A_696 : vector<1x16xf32> to vector<16xf32>
      %swap3A_698 = vector.shape_cast %add3A_689 : vector<16xf32> to vector<1x16xf32>
      tpu.vector_store %arg17[%swap3A_694, %swap3A_695], %swap3A_698 {strides = array<i32>} : memref<64x128xf32, #tpu.memory_space<vmem>>, vector<1x16xf32>,
      %mul3A_699 = arith.constant 16 : i32
      %mul3A_700 = arith.muli %scan3A_149, %mul3A_699 : i32
      %add3A_701 = arith.constant 9 : i32
      %add3A_702 = arith.addi %mul3A_700, %add3A_701 : i32
      %slice3A_703 = vector.extract_strided_slice %get3A_155 {offsets = [9], sizes = [1], strides = [1]} : vector<16xi32> to vector<1xi32>
      %squeeze3A_704 = vector.extract %slice3A_703[0] : i32 from vector<1xi32>
      %and3A_705 = arith.constant 255 : i32
      %and3A_706 = arith.andi %squeeze3A_704, %and3A_705 : i32
      %multiple_of3A_707 = tpu.assume_multiple %and3A_706, 32 : i32
      %shift_right_arithmetic3A_708 = arith.constant 8 : i32
      %shift_right_arithmetic3A_709 = arith.shrsi %squeeze3A_704, %shift_right_arithmetic3A_708 : i32
      %and3A_710 = arith.constant 255 : i32
      %and3A_711 = arith.andi %shift_right_arithmetic3A_709, %and3A_710 : i32
      %multiple_of3A_712 = tpu.assume_multiple %and3A_711, 32 : i32
      %shift_right_arithmetic3A_713 = arith.constant 16 : i32
      %shift_right_arithmetic3A_714 = arith.shrsi %squeeze3A_704, %shift_right_arithmetic3A_713 : i32
      %multiple_of3A_715 = tpu.assume_multiple %shift_right_arithmetic3A_714, 32 : i32
      %get3A_716 = arith.index_cast %add3A_702 : i32 to index
      %get3A_717 = arith.index_cast %multiple_of3A_707 : i32 to index
      %get3A_718 = tpu.vector_load %arg14[%get3A_716, %get3A_717] {strides = array<i32>} : memref<128x128xf32, #tpu.memory_space<vmem>>, vector<1x16xf32>,
      %get3A_719 = vector.shape_cast %get3A_718 : vector<1x16xf32> to vector<16xf32>
      %get3A_720 = arith.index_cast %add3A_702 : i32 to index
      %get3A_721 = arith.index_cast %multiple_of3A_712 : i32 to index
      %get3A_722 = tpu.vector_load %arg15[%get3A_720, %get3A_721] {strides = array<i32>} : memref<128x128xf32, #tpu.memory_space<vmem>>, vector<1x16xf32>,
      %get3A_723 = vector.shape_cast %get3A_722 : vector<1x16xf32> to vector<16xf32>
      %mul3A_724 = arith.mulf %get3A_719, %get3A_723 : vector<16xf32>
      %get3A_725 = arith.index_cast %add3A_702 : i32 to index
      %get3A_726 = arith.index_cast %multiple_of3A_715 : i32 to index
      %get3A_727 = tpu.vector_load %arg16[%get3A_725, %get3A_726] {strides = array<i32>} : memref<128x128xf32, #tpu.memory_space<vmem>>, vector<1x16xf32>,
      %get3A_728 = vector.shape_cast %get3A_727 : vector<1x16xf32> to vector<16xf32>
      %mul3A_729 = arith.mulf %mul3A_724, %get3A_728 : vector<16xf32>
      %add3A_730 = arith.constant 16 : i32
      %add3A_731 = arith.addi %multiple_of3A_707, %add3A_730 : i32
      %get3A_732 = arith.index_cast %add3A_702 : i32 to index
      %get3A_733 = arith.index_cast %add3A_731 : i32 to index
      %get3A_734 = tpu.vector_load %arg14[%get3A_732, %get3A_733] {strides = array<i32>} : memref<128x128xf32, #tpu.memory_space<vmem>>, vector<1x16xf32>,
      %get3A_735 = vector.shape_cast %get3A_734 : vector<1x16xf32> to vector<16xf32>
      %add3A_736 = arith.constant 16 : i32
      %add3A_737 = arith.addi %multiple_of3A_712, %add3A_736 : i32
      %get3A_738 = arith.index_cast %add3A_702 : i32 to index
      %get3A_739 = arith.index_cast %add3A_737 : i32 to index
      %get3A_740 = tpu.vector_load %arg15[%get3A_738, %get3A_739] {strides = array<i32>} : memref<128x128xf32, #tpu.memory_space<vmem>>, vector<1x16xf32>,
      %get3A_741 = vector.shape_cast %get3A_740 : vector<1x16xf32> to vector<16xf32>
      %mul3A_742 = arith.mulf %get3A_735, %get3A_741 : vector<16xf32>
      %add3A_743 = arith.constant 16 : i32
      %add3A_744 = arith.addi %multiple_of3A_715, %add3A_743 : i32
      %get3A_745 = arith.index_cast %add3A_702 : i32 to index
      %get3A_746 = arith.index_cast %add3A_744 : i32 to index
      %get3A_747 = tpu.vector_load %arg16[%get3A_745, %get3A_746] {strides = array<i32>} : memref<128x128xf32, #tpu.memory_space<vmem>>, vector<1x16xf32>,
      %get3A_748 = vector.shape_cast %get3A_747 : vector<1x16xf32> to vector<16xf32>
      %mul3A_749 = arith.mulf %mul3A_742, %get3A_748 : vector<16xf32>
      %add3A_750 = arith.addf %mul3A_729, %mul3A_749 : vector<16xf32>
      %shift_right_arithmetic3A_751 = arith.constant 3 : i32
      %shift_right_arithmetic3A_752 = arith.shrsi %add3A_153, %shift_right_arithmetic3A_751 : i32
      %add3A_753 = arith.constant 1 : i32
      %add3A_754 = arith.addi %shift_right_arithmetic3A_752, %add3A_753 : i32
      %swap3A_755 = arith.index_cast %add3A_754 : i32 to index
      %swap3A_756 = arith.constant 16 : index
      %swap3A_757 = tpu.vector_load %arg17[%swap3A_755, %swap3A_756] {strides = array<i32>} : memref<64x128xf32, #tpu.memory_space<vmem>>, vector<1x16xf32>,
      %swap3A_758 = vector.shape_cast %swap3A_757 : vector<1x16xf32> to vector<16xf32>
      %swap3A_759 = vector.shape_cast %add3A_750 : vector<16xf32> to vector<1x16xf32>
      tpu.vector_store %arg17[%swap3A_755, %swap3A_756], %swap3A_759 {strides = array<i32>} : memref<64x128xf32, #tpu.memory_space<vmem>>, vector<1x16xf32>,
      %mul3A_760 = arith.constant 16 : i32
      %mul3A_761 = arith.muli %scan3A_149, %mul3A_760 : i32
      %add3A_762 = arith.constant 10 : i32
      %add3A_763 = arith.addi %mul3A_761, %add3A_762 : i32
      %slice3A_764 = vector.extract_strided_slice %get3A_155 {offsets = [10], sizes = [1], strides = [1]} : vector<16xi32> to vector<1xi32>
      %squeeze3A_765 = vector.extract %slice3A_764[0] : i32 from vector<1xi32>
      %and3A_766 = arith.constant 255 : i32
      %and3A_767 = arith.andi %squeeze3A_765, %and3A_766 : i32
      %multiple_of3A_768 = tpu.assume_multiple %and3A_767, 32 : i32
      %shift_right_arithmetic3A_769 = arith.constant 8 : i32
      %shift_right_arithmetic3A_770 = arith.shrsi %squeeze3A_765, %shift_right_arithmetic3A_769 : i32
      %and3A_771 = arith.constant 255 : i32
      %and3A_772 = arith.andi %shift_right_arithmetic3A_770, %and3A_771 : i32
      %multiple_of3A_773 = tpu.assume_multiple %and3A_772, 32 : i32
      %shift_right_arithmetic3A_774 = arith.constant 16 : i32
      %shift_right_arithmetic3A_775 = arith.shrsi %squeeze3A_765, %shift_right_arithmetic3A_774 : i32
      %multiple_of3A_776 = tpu.assume_multiple %shift_right_arithmetic3A_775, 32 : i32
      %get3A_777 = arith.index_cast %add3A_763 : i32 to index
      %get3A_778 = arith.index_cast %multiple_of3A_768 : i32 to index
      %get3A_779 = tpu.vector_load %arg14[%get3A_777, %get3A_778] {strides = array<i32>} : memref<128x128xf32, #tpu.memory_space<vmem>>, vector<1x16xf32>,
      %get3A_780 = vector.shape_cast %get3A_779 : vector<1x16xf32> to vector<16xf32>
      %get3A_781 = arith.index_cast %add3A_763 : i32 to index
      %get3A_782 = arith.index_cast %multiple_of3A_773 : i32 to index
      %get3A_783 = tpu.vector_load %arg15[%get3A_781, %get3A_782] {strides = array<i32>} : memref<128x128xf32, #tpu.memory_space<vmem>>, vector<1x16xf32>,
      %get3A_784 = vector.shape_cast %get3A_783 : vector<1x16xf32> to vector<16xf32>
      %mul3A_785 = arith.mulf %get3A_780, %get3A_784 : vector<16xf32>
      %get3A_786 = arith.index_cast %add3A_763 : i32 to index
      %get3A_787 = arith.index_cast %multiple_of3A_776 : i32 to index
      %get3A_788 = tpu.vector_load %arg16[%get3A_786, %get3A_787] {strides = array<i32>} : memref<128x128xf32, #tpu.memory_space<vmem>>, vector<1x16xf32>,
      %get3A_789 = vector.shape_cast %get3A_788 : vector<1x16xf32> to vector<16xf32>
      %mul3A_790 = arith.mulf %mul3A_785, %get3A_789 : vector<16xf32>
      %add3A_791 = arith.constant 16 : i32
      %add3A_792 = arith.addi %multiple_of3A_768, %add3A_791 : i32
      %get3A_793 = arith.index_cast %add3A_763 : i32 to index
      %get3A_794 = arith.index_cast %add3A_792 : i32 to index
      %get3A_795 = tpu.vector_load %arg14[%get3A_793, %get3A_794] {strides = array<i32>} : memref<128x128xf32, #tpu.memory_space<vmem>>, vector<1x16xf32>,
      %get3A_796 = vector.shape_cast %get3A_795 : vector<1x16xf32> to vector<16xf32>
      %add3A_797 = arith.constant 16 : i32
      %add3A_798 = arith.addi %multiple_of3A_773, %add3A_797 : i32
      %get3A_799 = arith.index_cast %add3A_763 : i32 to index
      %get3A_800 = arith.index_cast %add3A_798 : i32 to index
      %get3A_801 = tpu.vector_load %arg15[%get3A_799, %get3A_800] {strides = array<i32>} : memref<128x128xf32, #tpu.memory_space<vmem>>, vector<1x16xf32>,
      %get3A_802 = vector.shape_cast %get3A_801 : vector<1x16xf32> to vector<16xf32>
      %mul3A_803 = arith.mulf %get3A_796, %get3A_802 : vector<16xf32>
      %add3A_804 = arith.constant 16 : i32
      %add3A_805 = arith.addi %multiple_of3A_776, %add3A_804 : i32
      %get3A_806 = arith.index_cast %add3A_763 : i32 to index
      %get3A_807 = arith.index_cast %add3A_805 : i32 to index
      %get3A_808 = tpu.vector_load %arg16[%get3A_806, %get3A_807] {strides = array<i32>} : memref<128x128xf32, #tpu.memory_space<vmem>>, vector<1x16xf32>,
      %get3A_809 = vector.shape_cast %get3A_808 : vector<1x16xf32> to vector<16xf32>
      %mul3A_810 = arith.mulf %mul3A_803, %get3A_809 : vector<16xf32>
      %add3A_811 = arith.addf %mul3A_790, %mul3A_810 : vector<16xf32>
      %shift_right_arithmetic3A_812 = arith.constant 3 : i32
      %shift_right_arithmetic3A_813 = arith.shrsi %add3A_153, %shift_right_arithmetic3A_812 : i32
      %add3A_814 = arith.constant 1 : i32
      %add3A_815 = arith.addi %shift_right_arithmetic3A_813, %add3A_814 : i32
      %swap3A_816 = arith.index_cast %add3A_815 : i32 to index
      %swap3A_817 = arith.constant 32 : index
      %swap3A_818 = tpu.vector_load %arg17[%swap3A_816, %swap3A_817] {strides = array<i32>} : memref<64x128xf32, #tpu.memory_space<vmem>>, vector<1x16xf32>,
      %swap3A_819 = vector.shape_cast %swap3A_818 : vector<1x16xf32> to vector<16xf32>
      %swap3A_820 = vector.shape_cast %add3A_811 : vector<16xf32> to vector<1x16xf32>
      tpu.vector_store %arg17[%swap3A_816, %swap3A_817], %swap3A_820 {strides = array<i32>} : memref<64x128xf32, #tpu.memory_space<vmem>>, vector<1x16xf32>,
      %mul3A_821 = arith.constant 16 : i32
      %mul3A_822 = arith.muli %scan3A_149, %mul3A_821 : i32
      %add3A_823 = arith.constant 11 : i32
      %add3A_824 = arith.addi %mul3A_822, %add3A_823 : i32
      %slice3A_825 = vector.extract_strided_slice %get3A_155 {offsets = [11], sizes = [1], strides = [1]} : vector<16xi32> to vector<1xi32>
      %squeeze3A_826 = vector.extract %slice3A_825[0] : i32 from vector<1xi32>
      %and3A_827 = arith.constant 255 : i32
      %and3A_828 = arith.andi %squeeze3A_826, %and3A_827 : i32
      %multiple_of3A_829 = tpu.assume_multiple %and3A_828, 32 : i32
      %shift_right_arithmetic3A_830 = arith.constant 8 : i32
      %shift_right_arithmetic3A_831 = arith.shrsi %squeeze3A_826, %shift_right_arithmetic3A_830 : i32
      %and3A_832 = arith.constant 255 : i32
      %and3A_833 = arith.andi %shift_right_arithmetic3A_831, %and3A_832 : i32
      %multiple_of3A_834 = tpu.assume_multiple %and3A_833, 32 : i32
      %shift_right_arithmetic3A_835 = arith.constant 16 : i32
      %shift_right_arithmetic3A_836 = arith.shrsi %squeeze3A_826, %shift_right_arithmetic3A_835 : i32
      %multiple_of3A_837 = tpu.assume_multiple %shift_right_arithmetic3A_836, 32 : i32
      %get3A_838 = arith.index_cast %add3A_824 : i32 to index
      %get3A_839 = arith.index_cast %multiple_of3A_829 : i32 to index
      %get3A_840 = tpu.vector_load %arg14[%get3A_838, %get3A_839] {strides = array<i32>} : memref<128x128xf32, #tpu.memory_space<vmem>>, vector<1x16xf32>,
      %get3A_841 = vector.shape_cast %get3A_840 : vector<1x16xf32> to vector<16xf32>
      %get3A_842 = arith.index_cast %add3A_824 : i32 to index
      %get3A_843 = arith.index_cast %multiple_of3A_834 : i32 to index
      %get3A_844 = tpu.vector_load %arg15[%get3A_842, %get3A_843] {strides = array<i32>} : memref<128x128xf32, #tpu.memory_space<vmem>>, vector<1x16xf32>,
      %get3A_845 = vector.shape_cast %get3A_844 : vector<1x16xf32> to vector<16xf32>
      %mul3A_846 = arith.mulf %get3A_841, %get3A_845 : vector<16xf32>
      %get3A_847 = arith.index_cast %add3A_824 : i32 to index
      %get3A_848 = arith.index_cast %multiple_of3A_837 : i32 to index
      %get3A_849 = tpu.vector_load %arg16[%get3A_847, %get3A_848] {strides = array<i32>} : memref<128x128xf32, #tpu.memory_space<vmem>>, vector<1x16xf32>,
      %get3A_850 = vector.shape_cast %get3A_849 : vector<1x16xf32> to vector<16xf32>
      %mul3A_851 = arith.mulf %mul3A_846, %get3A_850 : vector<16xf32>
      %add3A_852 = arith.constant 16 : i32
      %add3A_853 = arith.addi %multiple_of3A_829, %add3A_852 : i32
      %get3A_854 = arith.index_cast %add3A_824 : i32 to index
      %get3A_855 = arith.index_cast %add3A_853 : i32 to index
      %get3A_856 = tpu.vector_load %arg14[%get3A_854, %get3A_855] {strides = array<i32>} : memref<128x128xf32, #tpu.memory_space<vmem>>, vector<1x16xf32>,
      %get3A_857 = vector.shape_cast %get3A_856 : vector<1x16xf32> to vector<16xf32>
      %add3A_858 = arith.constant 16 : i32
      %add3A_859 = arith.addi %multiple_of3A_834, %add3A_858 : i32
      %get3A_860 = arith.index_cast %add3A_824 : i32 to index
      %get3A_861 = arith.index_cast %add3A_859 : i32 to index
      %get3A_862 = tpu.vector_load %arg15[%get3A_860, %get3A_861] {strides = array<i32>} : memref<128x128xf32, #tpu.memory_space<vmem>>, vector<1x16xf32>,
      %get3A_863 = vector.shape_cast %get3A_862 : vector<1x16xf32> to vector<16xf32>
      %mul3A_864 = arith.mulf %get3A_857, %get3A_863 : vector<16xf32>
      %add3A_865 = arith.constant 16 : i32
      %add3A_866 = arith.addi %multiple_of3A_837, %add3A_865 : i32
      %get3A_867 = arith.index_cast %add3A_824 : i32 to index
      %get3A_868 = arith.index_cast %add3A_866 : i32 to index
      %get3A_869 = tpu.vector_load %arg16[%get3A_867, %get3A_868] {strides = array<i32>} : memref<128x128xf32, #tpu.memory_space<vmem>>, vector<1x16xf32>,
      %get3A_870 = vector.shape_cast %get3A_869 : vector<1x16xf32> to vector<16xf32>
      %mul3A_871 = arith.mulf %mul3A_864, %get3A_870 : vector<16xf32>
      %add3A_872 = arith.addf %mul3A_851, %mul3A_871 : vector<16xf32>
      %shift_right_arithmetic3A_873 = arith.constant 3 : i32
      %shift_right_arithmetic3A_874 = arith.shrsi %add3A_153, %shift_right_arithmetic3A_873 : i32
      %add3A_875 = arith.constant 1 : i32
      %add3A_876 = arith.addi %shift_right_arithmetic3A_874, %add3A_875 : i32
      %swap3A_877 = arith.index_cast %add3A_876 : i32 to index
      %swap3A_878 = arith.constant 48 : index
      %swap3A_879 = tpu.vector_load %arg17[%swap3A_877, %swap3A_878] {strides = array<i32>} : memref<64x128xf32, #tpu.memory_space<vmem>>, vector<1x16xf32>,
      %swap3A_880 = vector.shape_cast %swap3A_879 : vector<1x16xf32> to vector<16xf32>
      %swap3A_881 = vector.shape_cast %add3A_872 : vector<16xf32> to vector<1x16xf32>
      tpu.vector_store %arg17[%swap3A_877, %swap3A_878], %swap3A_881 {strides = array<i32>} : memref<64x128xf32, #tpu.memory_space<vmem>>, vector<1x16xf32>,
      %mul3A_882 = arith.constant 16 : i32
      %mul3A_883 = arith.muli %scan3A_149, %mul3A_882 : i32
      %add3A_884 = arith.constant 12 : i32
      %add3A_885 = arith.addi %mul3A_883, %add3A_884 : i32
      %slice3A_886 = vector.extract_strided_slice %get3A_155 {offsets = [12], sizes = [1], strides = [1]} : vector<16xi32> to vector<1xi32>
      %squeeze3A_887 = vector.extract %slice3A_886[0] : i32 from vector<1xi32>
      %and3A_888 = arith.constant 255 : i32
      %and3A_889 = arith.andi %squeeze3A_887, %and3A_888 : i32
      %multiple_of3A_890 = tpu.assume_multiple %and3A_889, 32 : i32
      %shift_right_arithmetic3A_891 = arith.constant 8 : i32
      %shift_right_arithmetic3A_892 = arith.shrsi %squeeze3A_887, %shift_right_arithmetic3A_891 : i32
      %and3A_893 = arith.constant 255 : i32
      %and3A_894 = arith.andi %shift_right_arithmetic3A_892, %and3A_893 : i32
      %multiple_of3A_895 = tpu.assume_multiple %and3A_894, 32 : i32
      %shift_right_arithmetic3A_896 = arith.constant 16 : i32
      %shift_right_arithmetic3A_897 = arith.shrsi %squeeze3A_887, %shift_right_arithmetic3A_896 : i32
      %multiple_of3A_898 = tpu.assume_multiple %shift_right_arithmetic3A_897, 32 : i32
      %get3A_899 = arith.index_cast %add3A_885 : i32 to index
      %get3A_900 = arith.index_cast %multiple_of3A_890 : i32 to index
      %get3A_901 = tpu.vector_load %arg14[%get3A_899, %get3A_900] {strides = array<i32>} : memref<128x128xf32, #tpu.memory_space<vmem>>, vector<1x16xf32>,
      %get3A_902 = vector.shape_cast %get3A_901 : vector<1x16xf32> to vector<16xf32>
      %get3A_903 = arith.index_cast %add3A_885 : i32 to index
      %get3A_904 = arith.index_cast %multiple_of3A_895 : i32 to index
      %get3A_905 = tpu.vector_load %arg15[%get3A_903, %get3A_904] {strides = array<i32>} : memref<128x128xf32, #tpu.memory_space<vmem>>, vector<1x16xf32>,
      %get3A_906 = vector.shape_cast %get3A_905 : vector<1x16xf32> to vector<16xf32>
      %mul3A_907 = arith.mulf %get3A_902, %get3A_906 : vector<16xf32>
      %get3A_908 = arith.index_cast %add3A_885 : i32 to index
      %get3A_909 = arith.index_cast %multiple_of3A_898 : i32 to index
      %get3A_910 = tpu.vector_load %arg16[%get3A_908, %get3A_909] {strides = array<i32>} : memref<128x128xf32, #tpu.memory_space<vmem>>, vector<1x16xf32>,
      %get3A_911 = vector.shape_cast %get3A_910 : vector<1x16xf32> to vector<16xf32>
      %mul3A_912 = arith.mulf %mul3A_907, %get3A_911 : vector<16xf32>
      %add3A_913 = arith.constant 16 : i32
      %add3A_914 = arith.addi %multiple_of3A_890, %add3A_913 : i32
      %get3A_915 = arith.index_cast %add3A_885 : i32 to index
      %get3A_916 = arith.index_cast %add3A_914 : i32 to index
      %get3A_917 = tpu.vector_load %arg14[%get3A_915, %get3A_916] {strides = array<i32>} : memref<128x128xf32, #tpu.memory_space<vmem>>, vector<1x16xf32>,
      %get3A_918 = vector.shape_cast %get3A_917 : vector<1x16xf32> to vector<16xf32>
      %add3A_919 = arith.constant 16 : i32
      %add3A_920 = arith.addi %multiple_of3A_895, %add3A_919 : i32
      %get3A_921 = arith.index_cast %add3A_885 : i32 to index
      %get3A_922 = arith.index_cast %add3A_920 : i32 to index
      %get3A_923 = tpu.vector_load %arg15[%get3A_921, %get3A_922] {strides = array<i32>} : memref<128x128xf32, #tpu.memory_space<vmem>>, vector<1x16xf32>,
      %get3A_924 = vector.shape_cast %get3A_923 : vector<1x16xf32> to vector<16xf32>
      %mul3A_925 = arith.mulf %get3A_918, %get3A_924 : vector<16xf32>
      %add3A_926 = arith.constant 16 : i32
      %add3A_927 = arith.addi %multiple_of3A_898, %add3A_926 : i32
      %get3A_928 = arith.index_cast %add3A_885 : i32 to index
      %get3A_929 = arith.index_cast %add3A_927 : i32 to index
      %get3A_930 = tpu.vector_load %arg16[%get3A_928, %get3A_929] {strides = array<i32>} : memref<128x128xf32, #tpu.memory_space<vmem>>, vector<1x16xf32>,
      %get3A_931 = vector.shape_cast %get3A_930 : vector<1x16xf32> to vector<16xf32>
      %mul3A_932 = arith.mulf %mul3A_925, %get3A_931 : vector<16xf32>
      %add3A_933 = arith.addf %mul3A_912, %mul3A_932 : vector<16xf32>
      %shift_right_arithmetic3A_934 = arith.constant 3 : i32
      %shift_right_arithmetic3A_935 = arith.shrsi %add3A_153, %shift_right_arithmetic3A_934 : i32
      %add3A_936 = arith.constant 1 : i32
      %add3A_937 = arith.addi %shift_right_arithmetic3A_935, %add3A_936 : i32
      %swap3A_938 = arith.index_cast %add3A_937 : i32 to index
      %swap3A_939 = arith.constant 64 : index
      %swap3A_940 = tpu.vector_load %arg17[%swap3A_938, %swap3A_939] {strides = array<i32>} : memref<64x128xf32, #tpu.memory_space<vmem>>, vector<1x16xf32>,
      %swap3A_941 = vector.shape_cast %swap3A_940 : vector<1x16xf32> to vector<16xf32>
      %swap3A_942 = vector.shape_cast %add3A_933 : vector<16xf32> to vector<1x16xf32>
      tpu.vector_store %arg17[%swap3A_938, %swap3A_939], %swap3A_942 {strides = array<i32>} : memref<64x128xf32, #tpu.memory_space<vmem>>, vector<1x16xf32>,
      %mul3A_943 = arith.constant 16 : i32
      %mul3A_944 = arith.muli %scan3A_149, %mul3A_943 : i32
      %add3A_945 = arith.constant 13 : i32
      %add3A_946 = arith.addi %mul3A_944, %add3A_945 : i32
      %slice3A_947 = vector.extract_strided_slice %get3A_155 {offsets = [13], sizes = [1], strides = [1]} : vector<16xi32> to vector<1xi32>
      %squeeze3A_948 = vector.extract %slice3A_947[0] : i32 from vector<1xi32>
      %and3A_949 = arith.constant 255 : i32
      %and3A_950 = arith.andi %squeeze3A_948, %and3A_949 : i32
      %multiple_of3A_951 = tpu.assume_multiple %and3A_950, 32 : i32
      %shift_right_arithmetic3A_952 = arith.constant 8 : i32
      %shift_right_arithmetic3A_953 = arith.shrsi %squeeze3A_948, %shift_right_arithmetic3A_952 : i32
      %and3A_954 = arith.constant 255 : i32
      %and3A_955 = arith.andi %shift_right_arithmetic3A_953, %and3A_954 : i32
      %multiple_of3A_956 = tpu.assume_multiple %and3A_955, 32 : i32
      %shift_right_arithmetic3A_957 = arith.constant 16 : i32
      %shift_right_arithmetic3A_958 = arith.shrsi %squeeze3A_948, %shift_right_arithmetic3A_957 : i32
      %multiple_of3A_959 = tpu.assume_multiple %shift_right_arithmetic3A_958, 32 : i32
      %get3A_960 = arith.index_cast %add3A_946 : i32 to index
      %get3A_961 = arith.index_cast %multiple_of3A_951 : i32 to index
      %get3A_962 = tpu.vector_load %arg14[%get3A_960, %get3A_961] {strides = array<i32>} : memref<128x128xf32, #tpu.memory_space<vmem>>, vector<1x16xf32>,
      %get3A_963 = vector.shape_cast %get3A_962 : vector<1x16xf32> to vector<16xf32>
      %get3A_964 = arith.index_cast %add3A_946 : i32 to index
      %get3A_965 = arith.index_cast %multiple_of3A_956 : i32 to index
      %get3A_966 = tpu.vector_load %arg15[%get3A_964, %get3A_965] {strides = array<i32>} : memref<128x128xf32, #tpu.memory_space<vmem>>, vector<1x16xf32>,
      %get3A_967 = vector.shape_cast %get3A_966 : vector<1x16xf32> to vector<16xf32>
      %mul3A_968 = arith.mulf %get3A_963, %get3A_967 : vector<16xf32>
      %get3A_969 = arith.index_cast %add3A_946 : i32 to index
      %get3A_970 = arith.index_cast %multiple_of3A_959 : i32 to index
      %get3A_971 = tpu.vector_load %arg16[%get3A_969, %get3A_970] {strides = array<i32>} : memref<128x128xf32, #tpu.memory_space<vmem>>, vector<1x16xf32>,
      %get3A_972 = vector.shape_cast %get3A_971 : vector<1x16xf32> to vector<16xf32>
      %mul3A_973 = arith.mulf %mul3A_968, %get3A_972 : vector<16xf32>
      %add3A_974 = arith.constant 16 : i32
      %add3A_975 = arith.addi %multiple_of3A_951, %add3A_974 : i32
      %get3A_976 = arith.index_cast %add3A_946 : i32 to index
      %get3A_977 = arith.index_cast %add3A_975 : i32 to index
      %get3A_978 = tpu.vector_load %arg14[%get3A_976, %get3A_977] {strides = array<i32>} : memref<128x128xf32, #tpu.memory_space<vmem>>, vector<1x16xf32>,
      %get3A_979 = vector.shape_cast %get3A_978 : vector<1x16xf32> to vector<16xf32>
      %add3A_980 = arith.constant 16 : i32
      %add3A_981 = arith.addi %multiple_of3A_956, %add3A_980 : i32
      %get3A_982 = arith.index_cast %add3A_946 : i32 to index
      %get3A_983 = arith.index_cast %add3A_981 : i32 to index
      %get3A_984 = tpu.vector_load %arg15[%get3A_982, %get3A_983] {strides = array<i32>} : memref<128x128xf32, #tpu.memory_space<vmem>>, vector<1x16xf32>,
      %get3A_985 = vector.shape_cast %get3A_984 : vector<1x16xf32> to vector<16xf32>
      %mul3A_986 = arith.mulf %get3A_979, %get3A_985 : vector<16xf32>
      %add3A_987 = arith.constant 16 : i32
      %add3A_988 = arith.addi %multiple_of3A_959, %add3A_987 : i32
      %get3A_989 = arith.index_cast %add3A_946 : i32 to index
      %get3A_990 = arith.index_cast %add3A_988 : i32 to index
      %get3A_991 = tpu.vector_load %arg16[%get3A_989, %get3A_990] {strides = array<i32>} : memref<128x128xf32, #tpu.memory_space<vmem>>, vector<1x16xf32>,
      %get3A_992 = vector.shape_cast %get3A_991 : vector<1x16xf32> to vector<16xf32>
      %mul3A_993 = arith.mulf %mul3A_986, %get3A_992 : vector<16xf32>
      %add3A_994 = arith.addf %mul3A_973, %mul3A_993 : vector<16xf32>
      %shift_right_arithmetic3A_995 = arith.constant 3 : i32
      %shift_right_arithmetic3A_996 = arith.shrsi %add3A_153, %shift_right_arithmetic3A_995 : i32
      %add3A_997 = arith.constant 1 : i32
      %add3A_998 = arith.addi %shift_right_arithmetic3A_996, %add3A_997 : i32
      %swap3A_999 = arith.index_cast %add3A_998 : i32 to index
      %swap3A_1000 = arith.constant 80 : index
      %swap3A_1001 = tpu.vector_load %arg17[%swap3A_999, %swap3A_1000] {strides = array<i32>} : memref<64x128xf32, #tpu.memory_space<vmem>>, vector<1x16xf32>,
      %swap3A_1002 = vector.shape_cast %swap3A_1001 : vector<1x16xf32> to vector<16xf32>
      %swap3A_1003 = vector.shape_cast %add3A_994 : vector<16xf32> to vector<1x16xf32>
      tpu.vector_store %arg17[%swap3A_999, %swap3A_1000], %swap3A_1003 {strides = array<i32>} : memref<64x128xf32, #tpu.memory_space<vmem>>, vector<1x16xf32>,
      %mul3A_1004 = arith.constant 16 : i32
      %mul3A_1005 = arith.muli %scan3A_149, %mul3A_1004 : i32
      %add3A_1006 = arith.constant 14 : i32
      %add3A_1007 = arith.addi %mul3A_1005, %add3A_1006 : i32
      %slice3A_1008 = vector.extract_strided_slice %get3A_155 {offsets = [14], sizes = [1], strides = [1]} : vector<16xi32> to vector<1xi32>
      %squeeze3A_1009 = vector.extract %slice3A_1008[0] : i32 from vector<1xi32>
      %and3A_1010 = arith.constant 255 : i32
      %and3A_1011 = arith.andi %squeeze3A_1009, %and3A_1010 : i32
      %multiple_of3A_1012 = tpu.assume_multiple %and3A_1011, 32 : i32
      %shift_right_arithmetic3A_1013 = arith.constant 8 : i32
      %shift_right_arithmetic3A_1014 = arith.shrsi %squeeze3A_1009, %shift_right_arithmetic3A_1013 : i32
      %and3A_1015 = arith.constant 255 : i32
      %and3A_1016 = arith.andi %shift_right_arithmetic3A_1014, %and3A_1015 : i32
      %multiple_of3A_1017 = tpu.assume_multiple %and3A_1016, 32 : i32
      %shift_right_arithmetic3A_1018 = arith.constant 16 : i32
      %shift_right_arithmetic3A_1019 = arith.shrsi %squeeze3A_1009, %shift_right_arithmetic3A_1018 : i32
      %multiple_of3A_1020 = tpu.assume_multiple %shift_right_arithmetic3A_1019, 32 : i32
      %get3A_1021 = arith.index_cast %add3A_1007 : i32 to index
      %get3A_1022 = arith.index_cast %multiple_of3A_1012 : i32 to index
      %get3A_1023 = tpu.vector_load %arg14[%get3A_1021, %get3A_1022] {strides = array<i32>} : memref<128x128xf32, #tpu.memory_space<vmem>>, vector<1x16xf32>,
      %get3A_1024 = vector.shape_cast %get3A_1023 : vector<1x16xf32> to vector<16xf32>
      %get3A_1025 = arith.index_cast %add3A_1007 : i32 to index
      %get3A_1026 = arith.index_cast %multiple_of3A_1017 : i32 to index
      %get3A_1027 = tpu.vector_load %arg15[%get3A_1025, %get3A_1026] {strides = array<i32>} : memref<128x128xf32, #tpu.memory_space<vmem>>, vector<1x16xf32>,
      %get3A_1028 = vector.shape_cast %get3A_1027 : vector<1x16xf32> to vector<16xf32>
      %mul3A_1029 = arith.mulf %get3A_1024, %get3A_1028 : vector<16xf32>
      %get3A_1030 = arith.index_cast %add3A_1007 : i32 to index
      %get3A_1031 = arith.index_cast %multiple_of3A_1020 : i32 to index
      %get3A_1032 = tpu.vector_load %arg16[%get3A_1030, %get3A_1031] {strides = array<i32>} : memref<128x128xf32, #tpu.memory_space<vmem>>, vector<1x16xf32>,
      %get3A_1033 = vector.shape_cast %get3A_1032 : vector<1x16xf32> to vector<16xf32>
      %mul3A_1034 = arith.mulf %mul3A_1029, %get3A_1033 : vector<16xf32>
      %add3A_1035 = arith.constant 16 : i32
      %add3A_1036 = arith.addi %multiple_of3A_1012, %add3A_1035 : i32
      %get3A_1037 = arith.index_cast %add3A_1007 : i32 to index
      %get3A_1038 = arith.index_cast %add3A_1036 : i32 to index
      %get3A_1039 = tpu.vector_load %arg14[%get3A_1037, %get3A_1038] {strides = array<i32>} : memref<128x128xf32, #tpu.memory_space<vmem>>, vector<1x16xf32>,
      %get3A_1040 = vector.shape_cast %get3A_1039 : vector<1x16xf32> to vector<16xf32>
      %add3A_1041 = arith.constant 16 : i32
      %add3A_1042 = arith.addi %multiple_of3A_1017, %add3A_1041 : i32
      %get3A_1043 = arith.index_cast %add3A_1007 : i32 to index
      %get3A_1044 = arith.index_cast %add3A_1042 : i32 to index
      %get3A_1045 = tpu.vector_load %arg15[%get3A_1043, %get3A_1044] {strides = array<i32>} : memref<128x128xf32, #tpu.memory_space<vmem>>, vector<1x16xf32>,
      %get3A_1046 = vector.shape_cast %get3A_1045 : vector<1x16xf32> to vector<16xf32>
      %mul3A_1047 = arith.mulf %get3A_1040, %get3A_1046 : vector<16xf32>
      %add3A_1048 = arith.constant 16 : i32
      %add3A_1049 = arith.addi %multiple_of3A_1020, %add3A_1048 : i32
      %get3A_1050 = arith.index_cast %add3A_1007 : i32 to index
      %get3A_1051 = arith.index_cast %add3A_1049 : i32 to index
      %get3A_1052 = tpu.vector_load %arg16[%get3A_1050, %get3A_1051] {strides = array<i32>} : memref<128x128xf32, #tpu.memory_space<vmem>>, vector<1x16xf32>,
      %get3A_1053 = vector.shape_cast %get3A_1052 : vector<1x16xf32> to vector<16xf32>
      %mul3A_1054 = arith.mulf %mul3A_1047, %get3A_1053 : vector<16xf32>
      %add3A_1055 = arith.addf %mul3A_1034, %mul3A_1054 : vector<16xf32>
      %shift_right_arithmetic3A_1056 = arith.constant 3 : i32
      %shift_right_arithmetic3A_1057 = arith.shrsi %add3A_153, %shift_right_arithmetic3A_1056 : i32
      %add3A_1058 = arith.constant 1 : i32
      %add3A_1059 = arith.addi %shift_right_arithmetic3A_1057, %add3A_1058 : i32
      %swap3A_1060 = arith.index_cast %add3A_1059 : i32 to index
      %swap3A_1061 = arith.constant 96 : index
      %swap3A_1062 = tpu.vector_load %arg17[%swap3A_1060, %swap3A_1061] {strides = array<i32>} : memref<64x128xf32, #tpu.memory_space<vmem>>, vector<1x16xf32>,
      %swap3A_1063 = vector.shape_cast %swap3A_1062 : vector<1x16xf32> to vector<16xf32>
      %swap3A_1064 = vector.shape_cast %add3A_1055 : vector<16xf32> to vector<1x16xf32>
      tpu.vector_store %arg17[%swap3A_1060, %swap3A_1061], %swap3A_1064 {strides = array<i32>} : memref<64x128xf32, #tpu.memory_space<vmem>>, vector<1x16xf32>,
      %mul3A_1065 = arith.constant 16 : i32
      %mul3A_1066 = arith.muli %scan3A_149, %mul3A_1065 : i32
      %add3A_1067 = arith.constant 15 : i32
      %add3A_1068 = arith.addi %mul3A_1066, %add3A_1067 : i32
      %slice3A_1069 = vector.extract_strided_slice %get3A_155 {offsets = [15], sizes = [1], strides = [1]} : vector<16xi32> to vector<1xi32>
      %squeeze3A_1070 = vector.extract %slice3A_1069[0] : i32 from vector<1xi32>
      %and3A_1071 = arith.constant 255 : i32
      %and3A_1072 = arith.andi %squeeze3A_1070, %and3A_1071 : i32
      %multiple_of3A_1073 = tpu.assume_multiple %and3A_1072, 32 : i32
      %shift_right_arithmetic3A_1074 = arith.constant 8 : i32
      %shift_right_arithmetic3A_1075 = arith.shrsi %squeeze3A_1070, %shift_right_arithmetic3A_1074 : i32
      %and3A_1076 = arith.constant 255 : i32
      %and3A_1077 = arith.andi %shift_right_arithmetic3A_1075, %and3A_1076 : i32
      %multiple_of3A_1078 = tpu.assume_multiple %and3A_1077, 32 : i32
      %shift_right_arithmetic3A_1079 = arith.constant 16 : i32
      %shift_right_arithmetic3A_1080 = arith.shrsi %squeeze3A_1070, %shift_right_arithmetic3A_1079 : i32
      %multiple_of3A_1081 = tpu.assume_multiple %shift_right_arithmetic3A_1080, 32 : i32
      %get3A_1082 = arith.index_cast %add3A_1068 : i32 to index
      %get3A_1083 = arith.index_cast %multiple_of3A_1073 : i32 to index
      %get3A_1084 = tpu.vector_load %arg14[%get3A_1082, %get3A_1083] {strides = array<i32>} : memref<128x128xf32, #tpu.memory_space<vmem>>, vector<1x16xf32>,
      %get3A_1085 = vector.shape_cast %get3A_1084 : vector<1x16xf32> to vector<16xf32>
      %get3A_1086 = arith.index_cast %add3A_1068 : i32 to index
      %get3A_1087 = arith.index_cast %multiple_of3A_1078 : i32 to index
      %get3A_1088 = tpu.vector_load %arg15[%get3A_1086, %get3A_1087] {strides = array<i32>} : memref<128x128xf32, #tpu.memory_space<vmem>>, vector<1x16xf32>,
      %get3A_1089 = vector.shape_cast %get3A_1088 : vector<1x16xf32> to vector<16xf32>
      %mul3A_1090 = arith.mulf %get3A_1085, %get3A_1089 : vector<16xf32>
      %get3A_1091 = arith.index_cast %add3A_1068 : i32 to index
      %get3A_1092 = arith.index_cast %multiple_of3A_1081 : i32 to index
      %get3A_1093 = tpu.vector_load %arg16[%get3A_1091, %get3A_1092] {strides = array<i32>} : memref<128x128xf32, #tpu.memory_space<vmem>>, vector<1x16xf32>,
      %get3A_1094 = vector.shape_cast %get3A_1093 : vector<1x16xf32> to vector<16xf32>
      %mul3A_1095 = arith.mulf %mul3A_1090, %get3A_1094 : vector<16xf32>
      %add3A_1096 = arith.constant 16 : i32
      %add3A_1097 = arith.addi %multiple_of3A_1073, %add3A_1096 : i32
      %get3A_1098 = arith.index_cast %add3A_1068 : i32 to index
      %get3A_1099 = arith.index_cast %add3A_1097 : i32 to index
      %get3A_1100 = tpu.vector_load %arg14[%get3A_1098, %get3A_1099] {strides = array<i32>} : memref<128x128xf32, #tpu.memory_space<vmem>>, vector<1x16xf32>,
      %get3A_1101 = vector.shape_cast %get3A_1100 : vector<1x16xf32> to vector<16xf32>
      %add3A_1102 = arith.constant 16 : i32
      %add3A_1103 = arith.addi %multiple_of3A_1078, %add3A_1102 : i32
      %get3A_1104 = arith.index_cast %add3A_1068 : i32 to index
      %get3A_1105 = arith.index_cast %add3A_1103 : i32 to index
      %get3A_1106 = tpu.vector_load %arg15[%get3A_1104, %get3A_1105] {strides = array<i32>} : memref<128x128xf32, #tpu.memory_space<vmem>>, vector<1x16xf32>,
      %get3A_1107 = vector.shape_cast %get3A_1106 : vector<1x16xf32> to vector<16xf32>
      %mul3A_1108 = arith.mulf %get3A_1101, %get3A_1107 : vector<16xf32>
      %add3A_1109 = arith.constant 16 : i32
      %add3A_1110 = arith.addi %multiple_of3A_1081, %add3A_1109 : i32
      %get3A_1111 = arith.index_cast %add3A_1068 : i32 to index
      %get3A_1112 = arith.index_cast %add3A_1110 : i32 to index
      %get3A_1113 = tpu.vector_load %arg16[%get3A_1111, %get3A_1112] {strides = array<i32>} : memref<128x128xf32, #tpu.memory_space<vmem>>, vector<1x16xf32>,
      %get3A_1114 = vector.shape_cast %get3A_1113 : vector<1x16xf32> to vector<16xf32>
      %mul3A_1115 = arith.mulf %mul3A_1108, %get3A_1114 : vector<16xf32>
      %add3A_1116 = arith.addf %mul3A_1095, %mul3A_1115 : vector<16xf32>
      %shift_right_arithmetic3A_1117 = arith.constant 3 : i32
      %shift_right_arithmetic3A_1118 = arith.shrsi %add3A_153, %shift_right_arithmetic3A_1117 : i32
      %add3A_1119 = arith.constant 1 : i32
      %add3A_1120 = arith.addi %shift_right_arithmetic3A_1118, %add3A_1119 : i32
      %swap3A_1121 = arith.index_cast %add3A_1120 : i32 to index
      %swap3A_1122 = arith.constant 112 : index
      %swap3A_1123 = tpu.vector_load %arg17[%swap3A_1121, %swap3A_1122] {strides = array<i32>} : memref<64x128xf32, #tpu.memory_space<vmem>>, vector<1x16xf32>,
      %swap3A_1124 = vector.shape_cast %swap3A_1123 : vector<1x16xf32> to vector<16xf32>
      %swap3A_1125 = vector.shape_cast %add3A_1116 : vector<16xf32> to vector<1x16xf32>
      tpu.vector_store %arg17[%swap3A_1121, %swap3A_1122], %swap3A_1125 {strides = array<i32>} : memref<64x128xf32, #tpu.memory_space<vmem>>, vector<1x16xf32>,
    }
    %scan3A_148 = arith.constant 8 : i32
    "tpu.region"() ({
      %run_scoped3A_149 = tpu.sem_alloc : memref<!tpu.dma_semaphore, #tpu.memory_space<semaphore_mem>>
      %dma_start3A_150 = arith.constant 0 : i32
      %dma_start3A_151 = tpu.memref_slice %arg6[%mul3A_4, %dma_start3A_150] : memref<2048x128xf32, #tpu.memory_space<hbm>> -> memref<64x128xf32, #tpu.memory_space<hbm>>
      %dma_start3A_152 = arith.constant 0 : i32
      %dma_start3A_153 = tpu.memref_slice %arg6[%mul3A_4, %dma_start3A_152] : memref<2048x128xf32, #tpu.memory_space<hbm>> -> memref<64x128xf32, #tpu.memory_space<hbm>>
      tpu.enqueue_dma source(%arg17 : memref<64x128xf32, #tpu.memory_space<vmem>>) target(%dma_start3A_153 : memref<64x128xf32, #tpu.memory_space<hbm>>) target_semaphore(%run_scoped3A_149 : memref<!tpu.dma_semaphore, #tpu.memory_space<semaphore_mem>>)
      %dma_wait3A_154 = arith.constant 0 : i32
      %dma_wait3A_155 = tpu.memref_slice %arg6[%mul3A_4, %dma_wait3A_154] : memref<2048x128xf32, #tpu.memory_space<hbm>> -> memref<64x128xf32, #tpu.memory_space<hbm>>
      %dma_wait3A_156 = arith.constant 0 : i32
      %dma_wait3A_157 = tpu.memref_slice %arg6[%mul3A_4, %dma_wait3A_156] : memref<2048x128xf32, #tpu.memory_space<hbm>> -> memref<64x128xf32, #tpu.memory_space<hbm>>
      tpu.wait_dma2 semaphore(%run_scoped3A_149 : memref<!tpu.dma_semaphore, #tpu.memory_space<semaphore_mem>>) src(%arg17 : memref<64x128xf32, #tpu.memory_space<vmem>>) dst(%dma_wait3A_157 : memref<64x128xf32, #tpu.memory_space<hbm>>)
      tpu.yield
    }) : () -> ()
    return
  }
}

module attributes {stable_mosaic.version = 14 : i64} {
  func.func @_pack_body(%arg0: i32, %arg1: memref<32x3584xf32, #tpu.memory_space<vmem>>, %arg2: memref<32x3584xf32, #tpu.memory_space<vmem>>, %arg3: memref<32x3584xf32, #tpu.memory_space<vmem>>, %arg4: memref<32x3584xf32, #tpu.memory_space<vmem>>, %arg5: memref<32x3584xf32, #tpu.memory_space<vmem>>, %arg6: memref<32x3584xf32, #tpu.memory_space<vmem>>, %arg7: memref<32x3584xf32, #tpu.memory_space<vmem>>, %arg8: memref<32x3584xf32, #tpu.memory_space<vmem>>, %arg9: memref<32x3584xf32, #tpu.memory_space<vmem>>, %arg10: memref<32x3584xf32, #tpu.memory_space<vmem>>, %arg11: memref<32x3584xf32, #tpu.memory_space<vmem>>, %arg12: memref<32x3584xf32, #tpu.memory_space<vmem>>, %arg13: memref<3584x128xf32, #tpu.memory_space<vmem>>, %arg14: memref<3584x128xf32, #tpu.memory_space<vmem>>, %arg15: memref<3584x128xf32, #tpu.memory_space<vmem>>) attributes {dimension_semantics = [#tpu.dimension_semantics<parallel>], iteration_bounds = array<i64: 7>, scalar_prefetch = 0 : i64, scratch_operands = 0 : i64, tpu.core_type = #tpu.core_type<tc>, window_params = [{transform_indices = @transform_0, window_bounds = array<i64: 32, 3584>}, {transform_indices = @transform_1, window_bounds = array<i64: 32, 3584>}, {transform_indices = @transform_2, window_bounds = array<i64: 32, 3584>}, {transform_indices = @transform_3, window_bounds = array<i64: 32, 3584>}, {transform_indices = @transform_4, window_bounds = array<i64: 32, 3584>}, {transform_indices = @transform_5, window_bounds = array<i64: 32, 3584>}, {transform_indices = @transform_6, window_bounds = array<i64: 32, 3584>}, {transform_indices = @transform_7, window_bounds = array<i64: 32, 3584>}, {transform_indices = @transform_8, window_bounds = array<i64: 32, 3584>}, {transform_indices = @transform_9, window_bounds = array<i64: 32, 3584>}, {transform_indices = @transform_10, window_bounds = array<i64: 32, 3584>}, {transform_indices = @transform_11, window_bounds = array<i64: 32, 3584>}, {transform_indices = @transform_12, window_bounds = array<i64: 3584, 128>}, {transform_indices = @transform_13, window_bounds = array<i64: 3584, 128>}, {transform_indices = @transform_14, window_bounds = array<i64: 3584, 128>}]} {
    %iota3A = tpu.iota {dimensions = array<i32: 0>} : vector<32x128xi32>
    %iota3A_0 = tpu.iota {dimensions = array<i32: 1>} : vector<32x128xi32>
    %sub3A = arith.constant 0 : i32
    %sub3A_1 = vector.broadcast %sub3A : i32 to vector<32x128xi32>
    %sub3A_2 = arith.subi %iota3A_0, %sub3A_1 : vector<32x128xi32>
    %eq3A = arith.cmpi eq, %sub3A_2, %iota3A : vector<32x128xi32>
    %jit3A = arith.constant 1.000000e+00 : f32
    %jit3A_3 = arith.constant 0.000000e+00 : f32
    %broadcast_in_dim3A = vector.broadcast %jit3A : f32 to vector<32x128xf32>
    %broadcast_in_dim3A_4 = vector.broadcast %jit3A_3 : f32 to vector<32x128xf32>
    %select_n3A = arith.select %eq3A, %broadcast_in_dim3A, %broadcast_in_dim3A_4 : vector<32x128xi1>, vector<32x128xf32>
    %convert_element_type3A = arith.truncf %select_n3A : vector<32x128xf32> to vector<32x128xbf16>
    %sub3A_5 = arith.constant 32 : i32
    %sub3A_6 = vector.broadcast %sub3A_5 : i32 to vector<32x128xi32>
    %sub3A_7 = arith.subi %iota3A_0, %sub3A_6 : vector<32x128xi32>
    %eq3A_8 = arith.cmpi eq, %sub3A_7, %iota3A : vector<32x128xi32>
    %jit3A_9 = arith.constant 1.000000e+00 : f32
    %jit3A_10 = arith.constant 0.000000e+00 : f32
    %broadcast_in_dim3A_11 = vector.broadcast %jit3A_9 : f32 to vector<32x128xf32>
    %broadcast_in_dim3A_12 = vector.broadcast %jit3A_10 : f32 to vector<32x128xf32>
    %select_n3A_13 = arith.select %eq3A_8, %broadcast_in_dim3A_11, %broadcast_in_dim3A_12 : vector<32x128xi1>, vector<32x128xf32>
    %convert_element_type3A_14 = arith.truncf %select_n3A_13 : vector<32x128xf32> to vector<32x128xbf16>
    %sub3A_15 = arith.constant 64 : i32
    %sub3A_16 = vector.broadcast %sub3A_15 : i32 to vector<32x128xi32>
    %sub3A_17 = arith.subi %iota3A_0, %sub3A_16 : vector<32x128xi32>
    %eq3A_18 = arith.cmpi eq, %sub3A_17, %iota3A : vector<32x128xi32>
    %jit3A_19 = arith.constant 1.000000e+00 : f32
    %jit3A_20 = arith.constant 0.000000e+00 : f32
    %broadcast_in_dim3A_21 = vector.broadcast %jit3A_19 : f32 to vector<32x128xf32>
    %broadcast_in_dim3A_22 = vector.broadcast %jit3A_20 : f32 to vector<32x128xf32>
    %select_n3A_23 = arith.select %eq3A_18, %broadcast_in_dim3A_21, %broadcast_in_dim3A_22 : vector<32x128xi1>, vector<32x128xf32>
    %convert_element_type3A_24 = arith.truncf %select_n3A_23 : vector<32x128xf32> to vector<32x128xbf16>
    %sub3A_25 = arith.constant 96 : i32
    %sub3A_26 = vector.broadcast %sub3A_25 : i32 to vector<32x128xi32>
    %sub3A_27 = arith.subi %iota3A_0, %sub3A_26 : vector<32x128xi32>
    %eq3A_28 = arith.cmpi eq, %sub3A_27, %iota3A : vector<32x128xi32>
    %jit3A_29 = arith.constant 1.000000e+00 : f32
    %jit3A_30 = arith.constant 0.000000e+00 : f32
    %broadcast_in_dim3A_31 = vector.broadcast %jit3A_29 : f32 to vector<32x128xf32>
    %broadcast_in_dim3A_32 = vector.broadcast %jit3A_30 : f32 to vector<32x128xf32>
    %select_n3A_33 = arith.select %eq3A_28, %broadcast_in_dim3A_31, %broadcast_in_dim3A_32 : vector<32x128xi1>, vector<32x128xf32>
    %convert_element_type3A_34 = arith.truncf %select_n3A_33 : vector<32x128xf32> to vector<32x128xbf16>
    %get3A = arith.constant 0 : index
    %get3A_35 = arith.constant 0 : index
    %get3A_36 = vector.load %arg1[%get3A, %get3A_35] : memref<32x3584xf32, #tpu.memory_space<vmem>>, vector<32x3584xf32>
    %convert_element_type3A_37 = arith.truncf %get3A_36 : vector<32x3584xf32> to vector<32x3584xbf16>
    %dot_general3A = arith.constant dense<0.000000e+00> : vector<3584x128xf32>
    %dot_general3A_38 = tpu.matmul %convert_element_type3A_37, %convert_element_type3A, %dot_general3A {dimension_numbers = #tpu.dot_dimension_numbers<[0], [0], [1], [1], [0, 1, 1, 1], [], []>, transpose_lhs_hint = false} : vector<32x3584xbf16>, vector<32x128xbf16>, vector<3584x128xf32> -> vector<3584x128xf32>
    %get3A_39 = arith.constant 0 : index
    %get3A_40 = arith.constant 0 : index
    %get3A_41 = vector.load %arg2[%get3A_39, %get3A_40] : memref<32x3584xf32, #tpu.memory_space<vmem>>, vector<32x3584xf32>
    %convert_element_type3A_42 = arith.truncf %get3A_41 : vector<32x3584xf32> to vector<32x3584xbf16>
    %dot_general3A_43 = arith.constant dense<0.000000e+00> : vector<3584x128xf32>
    %dot_general3A_44 = tpu.matmul %convert_element_type3A_42, %convert_element_type3A_14, %dot_general3A_43 {dimension_numbers = #tpu.dot_dimension_numbers<[0], [0], [1], [1], [0, 1, 1, 1], [], []>, transpose_lhs_hint = false} : vector<32x3584xbf16>, vector<32x128xbf16>, vector<3584x128xf32> -> vector<3584x128xf32>
    %add3A = arith.addf %dot_general3A_38, %dot_general3A_44 : vector<3584x128xf32>
    %get3A_45 = arith.constant 0 : index
    %get3A_46 = arith.constant 0 : index
    %get3A_47 = vector.load %arg3[%get3A_45, %get3A_46] : memref<32x3584xf32, #tpu.memory_space<vmem>>, vector<32x3584xf32>
    %convert_element_type3A_48 = arith.truncf %get3A_47 : vector<32x3584xf32> to vector<32x3584xbf16>
    %dot_general3A_49 = arith.constant dense<0.000000e+00> : vector<3584x128xf32>
    %dot_general3A_50 = tpu.matmul %convert_element_type3A_48, %convert_element_type3A_24, %dot_general3A_49 {dimension_numbers = #tpu.dot_dimension_numbers<[0], [0], [1], [1], [0, 1, 1, 1], [], []>, transpose_lhs_hint = false} : vector<32x3584xbf16>, vector<32x128xbf16>, vector<3584x128xf32> -> vector<3584x128xf32>
    %add3A_51 = arith.addf %add3A, %dot_general3A_50 : vector<3584x128xf32>
    %get3A_52 = arith.constant 0 : index
    %get3A_53 = arith.constant 0 : index
    %get3A_54 = vector.load %arg4[%get3A_52, %get3A_53] : memref<32x3584xf32, #tpu.memory_space<vmem>>, vector<32x3584xf32>
    %convert_element_type3A_55 = arith.truncf %get3A_54 : vector<32x3584xf32> to vector<32x3584xbf16>
    %dot_general3A_56 = arith.constant dense<0.000000e+00> : vector<3584x128xf32>
    %dot_general3A_57 = tpu.matmul %convert_element_type3A_55, %convert_element_type3A_34, %dot_general3A_56 {dimension_numbers = #tpu.dot_dimension_numbers<[0], [0], [1], [1], [0, 1, 1, 1], [], []>, transpose_lhs_hint = false} : vector<32x3584xbf16>, vector<32x128xbf16>, vector<3584x128xf32> -> vector<3584x128xf32>
    %add3A_58 = arith.addf %add3A_51, %dot_general3A_57 : vector<3584x128xf32>
    %swap3A = arith.constant 0 : index
    %swap3A_59 = arith.constant 0 : index
    %swap3A_60 = vector.load %arg13[%swap3A, %swap3A_59] : memref<3584x128xf32, #tpu.memory_space<vmem>>, vector<3584x128xf32>
    tpu.vector_store %arg13[%swap3A, %swap3A_59], %add3A_58 {strides = array<i32>} : memref<3584x128xf32, #tpu.memory_space<vmem>>, vector<3584x128xf32>,
    %get3A_61 = arith.constant 0 : index
    %get3A_62 = arith.constant 0 : index
    %get3A_63 = vector.load %arg5[%get3A_61, %get3A_62] : memref<32x3584xf32, #tpu.memory_space<vmem>>, vector<32x3584xf32>
    %convert_element_type3A_64 = arith.truncf %get3A_63 : vector<32x3584xf32> to vector<32x3584xbf16>
    %dot_general3A_65 = arith.constant dense<0.000000e+00> : vector<3584x128xf32>
    %dot_general3A_66 = tpu.matmul %convert_element_type3A_64, %convert_element_type3A, %dot_general3A_65 {dimension_numbers = #tpu.dot_dimension_numbers<[0], [0], [1], [1], [0, 1, 1, 1], [], []>, transpose_lhs_hint = false} : vector<32x3584xbf16>, vector<32x128xbf16>, vector<3584x128xf32> -> vector<3584x128xf32>
    %get3A_67 = arith.constant 0 : index
    %get3A_68 = arith.constant 0 : index
    %get3A_69 = vector.load %arg6[%get3A_67, %get3A_68] : memref<32x3584xf32, #tpu.memory_space<vmem>>, vector<32x3584xf32>
    %convert_element_type3A_70 = arith.truncf %get3A_69 : vector<32x3584xf32> to vector<32x3584xbf16>
    %dot_general3A_71 = arith.constant dense<0.000000e+00> : vector<3584x128xf32>
    %dot_general3A_72 = tpu.matmul %convert_element_type3A_70, %convert_element_type3A_14, %dot_general3A_71 {dimension_numbers = #tpu.dot_dimension_numbers<[0], [0], [1], [1], [0, 1, 1, 1], [], []>, transpose_lhs_hint = false} : vector<32x3584xbf16>, vector<32x128xbf16>, vector<3584x128xf32> -> vector<3584x128xf32>
    %add3A_73 = arith.addf %dot_general3A_66, %dot_general3A_72 : vector<3584x128xf32>
    %get3A_74 = arith.constant 0 : index
    %get3A_75 = arith.constant 0 : index
    %get3A_76 = vector.load %arg7[%get3A_74, %get3A_75] : memref<32x3584xf32, #tpu.memory_space<vmem>>, vector<32x3584xf32>
    %convert_element_type3A_77 = arith.truncf %get3A_76 : vector<32x3584xf32> to vector<32x3584xbf16>
    %dot_general3A_78 = arith.constant dense<0.000000e+00> : vector<3584x128xf32>
    %dot_general3A_79 = tpu.matmul %convert_element_type3A_77, %convert_element_type3A_24, %dot_general3A_78 {dimension_numbers = #tpu.dot_dimension_numbers<[0], [0], [1], [1], [0, 1, 1, 1], [], []>, transpose_lhs_hint = false} : vector<32x3584xbf16>, vector<32x128xbf16>, vector<3584x128xf32> -> vector<3584x128xf32>
    %add3A_80 = arith.addf %add3A_73, %dot_general3A_79 : vector<3584x128xf32>
    %get3A_81 = arith.constant 0 : index
    %get3A_82 = arith.constant 0 : index
    %get3A_83 = vector.load %arg8[%get3A_81, %get3A_82] : memref<32x3584xf32, #tpu.memory_space<vmem>>, vector<32x3584xf32>
    %convert_element_type3A_84 = arith.truncf %get3A_83 : vector<32x3584xf32> to vector<32x3584xbf16>
    %dot_general3A_85 = arith.constant dense<0.000000e+00> : vector<3584x128xf32>
    %dot_general3A_86 = tpu.matmul %convert_element_type3A_84, %convert_element_type3A_34, %dot_general3A_85 {dimension_numbers = #tpu.dot_dimension_numbers<[0], [0], [1], [1], [0, 1, 1, 1], [], []>, transpose_lhs_hint = false} : vector<32x3584xbf16>, vector<32x128xbf16>, vector<3584x128xf32> -> vector<3584x128xf32>
    %add3A_87 = arith.addf %add3A_80, %dot_general3A_86 : vector<3584x128xf32>
    %swap3A_88 = arith.constant 0 : index
    %swap3A_89 = arith.constant 0 : index
    %swap3A_90 = vector.load %arg14[%swap3A_88, %swap3A_89] : memref<3584x128xf32, #tpu.memory_space<vmem>>, vector<3584x128xf32>
    tpu.vector_store %arg14[%swap3A_88, %swap3A_89], %add3A_87 {strides = array<i32>} : memref<3584x128xf32, #tpu.memory_space<vmem>>, vector<3584x128xf32>,
    %get3A_91 = arith.constant 0 : index
    %get3A_92 = arith.constant 0 : index
    %get3A_93 = vector.load %arg9[%get3A_91, %get3A_92] : memref<32x3584xf32, #tpu.memory_space<vmem>>, vector<32x3584xf32>
    %convert_element_type3A_94 = arith.truncf %get3A_93 : vector<32x3584xf32> to vector<32x3584xbf16>
    %dot_general3A_95 = arith.constant dense<0.000000e+00> : vector<3584x128xf32>
    %dot_general3A_96 = tpu.matmul %convert_element_type3A_94, %convert_element_type3A, %dot_general3A_95 {dimension_numbers = #tpu.dot_dimension_numbers<[0], [0], [1], [1], [0, 1, 1, 1], [], []>, transpose_lhs_hint = false} : vector<32x3584xbf16>, vector<32x128xbf16>, vector<3584x128xf32> -> vector<3584x128xf32>
    %get3A_97 = arith.constant 0 : index
    %get3A_98 = arith.constant 0 : index
    %get3A_99 = vector.load %arg10[%get3A_97, %get3A_98] : memref<32x3584xf32, #tpu.memory_space<vmem>>, vector<32x3584xf32>
    %convert_element_type3A_100 = arith.truncf %get3A_99 : vector<32x3584xf32> to vector<32x3584xbf16>
    %dot_general3A_101 = arith.constant dense<0.000000e+00> : vector<3584x128xf32>
    %dot_general3A_102 = tpu.matmul %convert_element_type3A_100, %convert_element_type3A_14, %dot_general3A_101 {dimension_numbers = #tpu.dot_dimension_numbers<[0], [0], [1], [1], [0, 1, 1, 1], [], []>, transpose_lhs_hint = false} : vector<32x3584xbf16>, vector<32x128xbf16>, vector<3584x128xf32> -> vector<3584x128xf32>
    %add3A_103 = arith.addf %dot_general3A_96, %dot_general3A_102 : vector<3584x128xf32>
    %get3A_104 = arith.constant 0 : index
    %get3A_105 = arith.constant 0 : index
    %get3A_106 = vector.load %arg11[%get3A_104, %get3A_105] : memref<32x3584xf32, #tpu.memory_space<vmem>>, vector<32x3584xf32>
    %convert_element_type3A_107 = arith.truncf %get3A_106 : vector<32x3584xf32> to vector<32x3584xbf16>
    %dot_general3A_108 = arith.constant dense<0.000000e+00> : vector<3584x128xf32>
    %dot_general3A_109 = tpu.matmul %convert_element_type3A_107, %convert_element_type3A_24, %dot_general3A_108 {dimension_numbers = #tpu.dot_dimension_numbers<[0], [0], [1], [1], [0, 1, 1, 1], [], []>, transpose_lhs_hint = false} : vector<32x3584xbf16>, vector<32x128xbf16>, vector<3584x128xf32> -> vector<3584x128xf32>
    %add3A_110 = arith.addf %add3A_103, %dot_general3A_109 : vector<3584x128xf32>
    %get3A_111 = arith.constant 0 : index
    %get3A_112 = arith.constant 0 : index
    %get3A_113 = vector.load %arg12[%get3A_111, %get3A_112] : memref<32x3584xf32, #tpu.memory_space<vmem>>, vector<32x3584xf32>
    %convert_element_type3A_114 = arith.truncf %get3A_113 : vector<32x3584xf32> to vector<32x3584xbf16>
    %dot_general3A_115 = arith.constant dense<0.000000e+00> : vector<3584x128xf32>
    %dot_general3A_116 = tpu.matmul %convert_element_type3A_114, %convert_element_type3A_34, %dot_general3A_115 {dimension_numbers = #tpu.dot_dimension_numbers<[0], [0], [1], [1], [0, 1, 1, 1], [], []>, transpose_lhs_hint = false} : vector<32x3584xbf16>, vector<32x128xbf16>, vector<3584x128xf32> -> vector<3584x128xf32>
    %add3A_117 = arith.addf %add3A_110, %dot_general3A_116 : vector<3584x128xf32>
    %swap3A_118 = arith.constant 0 : index
    %swap3A_119 = arith.constant 0 : index
    %swap3A_120 = vector.load %arg15[%swap3A_118, %swap3A_119] : memref<3584x128xf32, #tpu.memory_space<vmem>>, vector<3584x128xf32>
    tpu.vector_store %arg15[%swap3A_118, %swap3A_119], %add3A_117 {strides = array<i32>} : memref<3584x128xf32, #tpu.memory_space<vmem>>, vector<3584x128xf32>,
    return
  }
  func.func @transform_0(%arg0: i32) -> (i32, i32) {
    %add3A = arith.constant 0 : i32
    %add3A_0 = arith.addi %add3A, %arg0 : i32
    %c0_i32 = arith.constant 0 : i32
    %c0_i32_1 = arith.constant 0 : i32
    return %c0_i32, %add3A_0 : i32, i32
  }
  func.func @transform_1(%arg0: i32) -> (i32, i32) {
    %add3A = arith.constant 7 : i32
    %add3A_0 = arith.addi %add3A, %arg0 : i32
    %c0_i32 = arith.constant 0 : i32
    %c0_i32_1 = arith.constant 0 : i32
    return %c0_i32, %add3A_0 : i32, i32
  }
  func.func @transform_2(%arg0: i32) -> (i32, i32) {
    %add3A = arith.constant 14 : i32
    %add3A_0 = arith.addi %add3A, %arg0 : i32
    %c0_i32 = arith.constant 0 : i32
    %c0_i32_1 = arith.constant 0 : i32
    return %c0_i32, %add3A_0 : i32, i32
  }
  func.func @transform_3(%arg0: i32) -> (i32, i32) {
    %add3A = arith.constant 21 : i32
    %add3A_0 = arith.addi %add3A, %arg0 : i32
    %c0_i32 = arith.constant 0 : i32
    %c0_i32_1 = arith.constant 0 : i32
    return %c0_i32, %add3A_0 : i32, i32
  }
  func.func @transform_4(%arg0: i32) -> (i32, i32) {
    %add3A = arith.constant 0 : i32
    %add3A_0 = arith.addi %add3A, %arg0 : i32
    %c0_i32 = arith.constant 0 : i32
    %c0_i32_1 = arith.constant 0 : i32
    return %c0_i32, %add3A_0 : i32, i32
  }
  func.func @transform_5(%arg0: i32) -> (i32, i32) {
    %add3A = arith.constant 7 : i32
    %add3A_0 = arith.addi %add3A, %arg0 : i32
    %c0_i32 = arith.constant 0 : i32
    %c0_i32_1 = arith.constant 0 : i32
    return %c0_i32, %add3A_0 : i32, i32
  }
  func.func @transform_6(%arg0: i32) -> (i32, i32) {
    %add3A = arith.constant 14 : i32
    %add3A_0 = arith.addi %add3A, %arg0 : i32
    %c0_i32 = arith.constant 0 : i32
    %c0_i32_1 = arith.constant 0 : i32
    return %c0_i32, %add3A_0 : i32, i32
  }
  func.func @transform_7(%arg0: i32) -> (i32, i32) {
    %add3A = arith.constant 21 : i32
    %add3A_0 = arith.addi %add3A, %arg0 : i32
    %c0_i32 = arith.constant 0 : i32
    %c0_i32_1 = arith.constant 0 : i32
    return %c0_i32, %add3A_0 : i32, i32
  }
  func.func @transform_8(%arg0: i32) -> (i32, i32) {
    %add3A = arith.constant 0 : i32
    %add3A_0 = arith.addi %add3A, %arg0 : i32
    %c0_i32 = arith.constant 0 : i32
    %c0_i32_1 = arith.constant 0 : i32
    return %c0_i32, %add3A_0 : i32, i32
  }
  func.func @transform_9(%arg0: i32) -> (i32, i32) {
    %add3A = arith.constant 7 : i32
    %add3A_0 = arith.addi %add3A, %arg0 : i32
    %c0_i32 = arith.constant 0 : i32
    %c0_i32_1 = arith.constant 0 : i32
    return %c0_i32, %add3A_0 : i32, i32
  }
  func.func @transform_10(%arg0: i32) -> (i32, i32) {
    %add3A = arith.constant 14 : i32
    %add3A_0 = arith.addi %add3A, %arg0 : i32
    %c0_i32 = arith.constant 0 : i32
    %c0_i32_1 = arith.constant 0 : i32
    return %c0_i32, %add3A_0 : i32, i32
  }
  func.func @transform_11(%arg0: i32) -> (i32, i32) {
    %add3A = arith.constant 21 : i32
    %add3A_0 = arith.addi %add3A, %arg0 : i32
    %c0_i32 = arith.constant 0 : i32
    %c0_i32_1 = arith.constant 0 : i32
    return %c0_i32, %add3A_0 : i32, i32
  }
  func.func @transform_12(%arg0: i32) -> (i32, i32) {
    %c0_i32 = arith.constant 0 : i32
    %c0_i32_0 = arith.constant 0 : i32
    return %arg0, %c0_i32 : i32, i32
  }
  func.func @transform_13(%arg0: i32) -> (i32, i32) {
    %c0_i32 = arith.constant 0 : i32
    %c0_i32_0 = arith.constant 0 : i32
    return %arg0, %c0_i32 : i32, i32
  }
  func.func @transform_14(%arg0: i32) -> (i32, i32) {
    %c0_i32 = arith.constant 0 : i32
    %c0_i32_0 = arith.constant 0 : i32
    return %arg0, %c0_i32 : i32, i32
  }
}

module attributes {stable_mosaic.version = 14 : i64} {
  func.func @_lane_sum_body(%arg0: memref<2048x128xf32, #tpu.memory_space<vmem>>, %arg1: memref<2048x8xf32, #tpu.memory_space<vmem>>) attributes {dimension_semantics = [], scalar_prefetch = 0 : i64, scratch_operands = 0 : i64, tpu.core_type = #tpu.core_type<tc>} {
    %iota3A = tpu.iota {dimensions = array<i32: 0>} : vector<128x8xi32>
    %iota3A_0 = tpu.iota {dimensions = array<i32: 1>} : vector<128x8xi32>
    %jit3A = arith.constant 16 : i32
    %div3A = vector.broadcast %jit3A : i32 to vector<128x8xi32>
    %div3A_1 = arith.divsi %iota3A, %div3A : vector<128x8xi32>
    %sign3A = arith.constant 0 : i32
    %sign3A_2 = vector.broadcast %sign3A : i32 to vector<128x8xi32>
    %sign3A_3 = arith.cmpi sgt, %iota3A, %sign3A_2 : vector<128x8xi32>
    %sign3A_4 = arith.extui %sign3A_3 : vector<128x8xi1> to vector<128x8xi32>
    %sign3A_5 = arith.constant 0 : i32
    %sign3A_6 = vector.broadcast %sign3A_5 : i32 to vector<128x8xi32>
    %sign3A_7 = arith.cmpi slt, %iota3A, %sign3A_6 : vector<128x8xi32>
    %sign3A_8 = arith.extui %sign3A_7 : vector<128x8xi1> to vector<128x8xi32>
    %sign3A_9 = arith.subi %sign3A_4, %sign3A_8 : vector<128x8xi32>
    %sign3A_10 = arith.constant 0 : i32
    %sign3A_11 = arith.cmpi sgt, %jit3A, %sign3A_10 : i32
    %sign3A_12 = arith.extui %sign3A_11 : i1 to i32
    %sign3A_13 = arith.constant 0 : i32
    %sign3A_14 = arith.cmpi slt, %jit3A, %sign3A_13 : i32
    %sign3A_15 = arith.extui %sign3A_14 : i1 to i32
    %sign3A_16 = arith.subi %sign3A_12, %sign3A_15 : i32
    %ne3A = vector.broadcast %sign3A_16 : i32 to vector<128x8xi32>
    %ne3A_17 = arith.cmpi ne, %sign3A_9, %ne3A : vector<128x8xi32>
    %rem3A = vector.broadcast %jit3A : i32 to vector<128x8xi32>
    %rem3A_18 = arith.remsi %iota3A, %rem3A : vector<128x8xi32>
    %ne3A_19 = arith.constant 0 : i32
    %ne3A_20 = vector.broadcast %ne3A_19 : i32 to vector<128x8xi32>
    %ne3A_21 = arith.cmpi ne, %rem3A_18, %ne3A_20 : vector<128x8xi32>
    %and3A = arith.andi %ne3A_17, %ne3A_21 : vector<128x8xi1>
    %sub3A = arith.constant 1 : i32
    %sub3A_22 = vector.broadcast %sub3A : i32 to vector<128x8xi32>
    %sub3A_23 = arith.subi %div3A_1, %sub3A_22 : vector<128x8xi32>
    %select_n3A = arith.select %and3A, %sub3A_23, %div3A_1 : vector<128x8xi1>, vector<128x8xi32>
    %eq3A = arith.cmpi eq, %select_n3A, %iota3A_0 : vector<128x8xi32>
    %jit3A_24 = arith.constant 1.000000e+00 : f32
    %jit3A_25 = arith.constant 0.000000e+00 : f32
    %broadcast_in_dim3A = vector.broadcast %jit3A_24 : f32 to vector<128x8xf32>
    %broadcast_in_dim3A_26 = vector.broadcast %jit3A_25 : f32 to vector<128x8xf32>
    %select_n3A_27 = arith.select %eq3A, %broadcast_in_dim3A, %broadcast_in_dim3A_26 : vector<128x8xi1>, vector<128x8xf32>
    %get3A = arith.constant 0 : index
    %get3A_28 = arith.constant 0 : index
    %get3A_29 = vector.load %arg0[%get3A, %get3A_28] : memref<2048x128xf32, #tpu.memory_space<vmem>>, vector<2048x128xf32>
    %dot_general3A = arith.constant dense<0.000000e+00> : vector<2048x8xf32>
    %dot_general3A_30 = tpu.matmul %get3A_29, %select_n3A_27, %dot_general3A {dimension_numbers = #tpu.dot_dimension_numbers<[1], [0], [0], [1], [0, 0, 1, 1], [], []>, transpose_lhs_hint = false} : vector<2048x128xf32>, vector<128x8xf32>, vector<2048x8xf32> -> vector<2048x8xf32>
    %swap3A = arith.constant 0 : index
    %swap3A_31 = arith.constant 0 : index
    %swap3A_32 = vector.load %arg1[%swap3A, %swap3A_31] : memref<2048x8xf32, #tpu.memory_space<vmem>>, vector<2048x8xf32>
    tpu.vector_store %arg1[%swap3A, %swap3A_31], %dot_general3A_30 {strides = array<i32>} : memref<2048x8xf32, #tpu.memory_space<vmem>>, vector<2048x8xf32>,
    return
  }
}

</mosaic_0001>

<sc_bundles>
// kernel: kernel.5.cloned.1.call-start
scs
__scs_entry_jumppad:
0x0: {  	(pc) =	sbr.rel $0x88, $3  }
0x1: {  	(tag) =	ssettag $0x0;
	lr =	simm.s32 $0x1  }
0x2: {  	[smem:$0x3F9D] =	sst lr;
	_ =	strace $0xD0000000  }
0x3: {  	_ = 	snop  }
0x4: {  	_ = 	snop  }
0x5: {  	_ = 	snop  }
0x6: {  	_ = 	snop  }
0x7: {  	_ = 	snop  }
__scs_overlays_trampoline_lowered:
0x8: {  	[smem:$0x3FAC] =	sst s0  }
0x9: {  	[smem:$0x3FAD] =	sst s1  }
0xa: {  	[smem:$0x3FAE] =	sst s2  }
0xb: {  	[smem:$0x3FAF] =	sst s3  }
0xc: {  	[smem:$0x3FB0] =	sst s4  }
0xd: {  	[smem:$0x3FB1] =	sst s5  }
0xe: {  	[smem:$0x3FB2] =	sst s6  }
0xf: {  	[smem:$0x3FB3] =	sst s7  }
0x10: {  	[smem:$0x3FB4] =	sst s8  }
0x11: {  	[smem:$0x3FB5] =	sst s9;
	s0 =	simm.s32 @!p0 $0x0  }
0x12: {  	s1 =	sld [smem:$0x3F9B];
	s0 =	simm.s32 @p0 $0x1  }
0x13: {  	[smem:$0x3FB6] =	sst s0;
	s0 =	simm.s32 @!p1 $0x0  }
0x14: {  	s2 =	sld [smem:$0x3F9A];
	s0 =	simm.s32 @p1 $0x1  }
0x15: {  	[smem:$0x3FB7] =	sst s0;
	s0 =	simm.s32 @!p2 $0x0  }
0x16: {  	s3 =	sld [smem:$0x3FDB];
	s0 =	simm.s32 @p2 $0x1  }
0x17: {  	s4 =	simm.s32 $0x1BF5;
	[smem:$0x3FB9] =	sst s0  }
0x18: {  	s0 =	sld [smem:$0x3F9C];
	_ =	swait.ge [sflag:s4], $0x0  }
0x19: {  	s7 =	sld [smem:$0x3F9D]  }
0x1a: {  	s8 =	sadd.s32 $0xFFFFE003, lr  }
0x1b: {  	s9 =	sadd.s32 $0xFFFFFEF7, lr;
	s5 =	simm.s32 $0xFFFFFFFF;
	p2 =	slt.u32 s8, $0xFFFFF086  }
0x1c: {  	p1 =	slt.u32 s9, $0xF7A;
	s5 =	simm.s32 @!p2 $0x0  }
0x1d: {  	s5 =	simm.s32 @p1 $0x1;
	p0 =	seq.s32 s7, s2  }
0x1e: {  	s7 =	smul.u32 @!p0 $0xF7A, s2;
	p2 =	seq.s32 @!p0 s5, $0x0  }
0x1f: {  	s9 =	smul.u32 $0xF7A, s1;
	s8 =	simm.s32 @!p0 $0x1BF5;
	p2 =	por !p2, p0  }
0x20: {  	[sflag:s8] =	ssyncset.s32 @!p0 $0xFFFFF086;
	s6 =	sadd.s32 @!p0 s3, s7;
	s7 =	simm.s32 @!p0 $0x108  }
0x21: {  	s3 =	sadd.s32 s3, s9;
	s6 =	sadd.s32 @!p0 $0x88, s6;
	s7 =	simm.s32 @p2 $0x1082  }
0x22: {  	[simem:s7], [sflag:s8] =	dma.local @!p0 [hbm:s6], $0xF7A  }
0x23: {  	s9 =	sor.u32 $0xD0000000, s2;
	s6 =	simm.s32 $0x108;
	_ =	swait.ge @!p0 [sflag:s8], $0x0  }
0x24: {  	s3 =	sadd.s32 $0x88, s3;
	s6 =	simm.s32 @!p1 $0x1082;
	[sflag:s4] =	ssyncset.s32 $0xFFFFF086  }
0x25: {  	[simem:s6], [sflag:s4] =	dma.local [hbm:s3], $0xF7A  }
0x26: {  	[smem:$0x3F9D] =	sst s1;
	(tag) =	ssettag s2;
	_ =	strace s9  }
0x27: {  	s1 =	sld [smem:$0x3FAD]  }
0x28: {  	s2 =	sld [smem:$0x3FAE]  }
0x29: {  	s4 =	sld [smem:$0x3FB0]  }
0x2a: {  	p0 =	seq.s32 s5, $0x0;
	s5 =	sld [smem:$0x3FB1]  }
0x2b: {  	s6 =	sld [smem:$0x3FB2]  }
0x2c: {  	s7 =	sld [smem:$0x3FB3]  }
0x2d: {  	s3 =	simm.s32 $0x108;
	s8 =	sld [smem:$0x3FB4]  }
0x2e: {  	s3 =	simm.s32 @!p0 $0x1082;
	s9 =	sld [smem:$0x3FB5]  }
0x2f: {  	lr =	sadd.s32 s0, s3;
	s0 =	sld [smem:$0x3FAC]  }
0x30: {  	s3 =	sld [smem:$0x3FAF]  }
0x31: {  	[smem:$0x3FB8] =	sst s10  }
0x32: {  	s10 =	sld [smem:$0x3FB6];
	_ =	sdelay $0x3  }
0x33: {  	p0 =	seq.s32 s10, $0x1;
	s10 =	sld [smem:$0x3FB8];
	_ =	sdelay $0x3  }
0x34: {  	[smem:$0x3FB8] =	sst s10  }
0x35: {  	s10 =	sld [smem:$0x3FB7];
	_ =	sdelay $0x3  }
0x36: {  	p1 =	seq.s32 s10, $0x1;
	s10 =	sld [smem:$0x3FB8];
	_ =	sdelay $0x3  }
0x37: {  	[smem:$0x3FB8] =	sst s10  }
0x38: {  	s10 =	sld [smem:$0x3FB9]  }
0x39: {  	_ = 	snop;
	(pc) =	sbr.ind lr, $3  }
0x3a: {  	_ = 	snop  }
0x3b: {  	_ = 	snop  }
0x3c: {  	p2 =	seq.s32 s10, $0x1;
	s10 =	sld [smem:$0x3FB8]  }
0x3d: {  	_ =	shalt  }
0x3e: {  	_ =	shalt  }
0x3f: {  	_ =	shalt  }
0x40: {  	_ =	shalt  }
0x41: {  	_ =	shalt  }
0x42: {  	_ =	shalt  }
0x43: {  	_ =	shalt  }
0x44: {  	_ =	shalt  }
0x45: {  	_ =	shalt  }
0x46: {  	_ =	shalt  }
0x47: {  	_ =	shalt  }
0x48: {  	_ =	shalt  }
0x49: {  	_ =	shalt  }
0x4a: {  	_ =	shalt  }
0x4b: {  	_ =	shalt  }
0x4c: {  	_ =	shalt  }
0x4d: {  	_ =	shalt  }
0x4e: {  	_ =	shalt  }
0x4f: {  	_ =	shalt  }
0x50: {  	_ =	shalt  }
0x51: {  	_ =	shalt  }
0x52: {  	_ =	shalt  }
0x53: {  	_ =	shalt  }
0x54: {  	_ =	shalt  }
0x55: {  	_ =	shalt  }
0x56: {  	_ =	shalt  }
0x57: {  	_ =	shalt  }
0x58: {  	_ =	shalt  }
0x59: {  	_ =	shalt  }
0x5a: {  	_ =	shalt  }
0x5b: {  	_ =	shalt  }
0x5c: {  	_ =	shalt  }
0x5d: {  	_ =	shalt  }
0x5e: {  	_ =	shalt  }
0x5f: {  	_ =	shalt  }
0x60: {  	_ =	shalt  }
0x61: {  	_ =	shalt  }
0x62: {  	_ =	shalt  }
0x63: {  	_ =	shalt  }
0x64: {  	_ =	shalt  }
0x65: {  	_ =	shalt  }
0x66: {  	_ =	shalt  }
0x67: {  	_ =	shalt  }
0x68: {  	_ =	shalt  }
0x69: {  	_ =	shalt  }
0x6a: {  	_ =	shalt  }
0x6b: {  	_ =	shalt  }
0x6c: {  	_ =	shalt  }
0x6d: {  	_ =	shalt  }
0x6e: {  	_ =	shalt  }
0x6f: {  	_ =	shalt  }
0x70: {  	_ =	shalt  }
0x71: {  	_ =	shalt  }
0x72: {  	_ =	shalt  }
0x73: {  	_ =	shalt  }
0x74: {  	_ =	shalt  }
0x75: {  	_ =	shalt  }
0x76: {  	_ =	shalt  }
0x77: {  	_ =	shalt  }
0x78: {  	_ =	shalt  }
0x79: {  	_ =	shalt  }
0x7a: {  	_ =	shalt  }
0x7b: {  	_ =	shalt  }
0x7c: {  	_ =	shalt  }
0x7d: {  	_ =	shalt  }
0x7e: {  	_ =	shalt  }
0x7f: {  	_ =	shalt  }
0x80: {  	_ =	shalt  }
0x81: {  	_ =	shalt  }
0x82: {  	_ =	shalt  }
0x83: {  	_ =	shalt  }
0x84: {  	_ =	shalt  }
0x85: {  	_ =	shalt  }
0x86: {  	_ =	shalt  }
0x87: {  	_ =	shalt  }
.Lfunc_end0:
.L_simem_size_0:
called_computation_lowered:
.L_overlay_start_0:
0x88: {  	s2 =	sld [smem:$0x3FD9]  }
0x89: {  	s3 =	sld [smem:$0x3FFE];
	_ =	sdelay $0x1  }
0x8a: {  	s1 =	srdreg.scid  }
0x8b: {  	s0 =	sand.u32 $0x1, s1  }
0x8c: {  	s16 =	sshll.u32 s0, $0xA;
	s2 =	sadd.s32 s3, s2  }
0x8d: {  	s2 =	sadd.s32 s2, s16  }
0x8e: {  	[smem:$0x3FC4] =	sst s2  }
0x8f: {  	_ = 	snop  }
0x90: {  	(tm) =	ssettm $0x1  }
0x91: {  	s17 =	sld [smem:$0x3FFB];
	_ =	sdelay $0x3  }
0x92: {  	_ =	strace s17  }
0x93: {  	s2 =	sld [smem:$0x3FFC];
	_ =	sdelay $0x3  }
0x94: {  	_ =	strace s2  }
0x95: {  	s2 =	sld [smem:$0x3FFD];
	_ =	sdelay $0x3  }
0x96: {  	_ =	strace s2  }
0x97: {  	_ =	strace $0x8FFFFFFF  }
0x98: {  	s18 =	sld [smem:$0x3FDB];
	_ =	sdelay $0x1  }
0x99: {  	s19 =	simm.s32 $_scs_section_size  }
0x9a: {  	s4 =	simm.s32 $_size__tile_overlayer_lowered;
	s5 =	simm.s32 $_tile_overlayer_lowered  }
0x9b: {  	s22 =	simm.s32 $0x1BFF;
	s21 =	sshll.u32 s5, $0x1;
	s2 =	sadd.s32 s19, s18  }
0x9c: {  	s6 =	simm.s32 $0x0;
	s20 =	sshll.u32 s4, $0x1;
	s4 =	sadd.s32 s21, s2  }
0x9d: {  	[timem:s6], [sflag:s22] =	dma.local [hbm:s4], s20  }
0x9e: {  	_ =	swait.ge [sflag:s22], s20  }
0x9f: {  	s3 =	ssub.s32 $0x0, s20;
	[sflag:s22] =	ssyncset.done $0x0  }
0xa0: {  	[sflag:s22] =	ssyncadd.s32 s3;
	_ =	sdelay $0x1  }
0xa1: {  	s23 =	simm.s32 $0x1B8B  }
0xa2: {  	_ =	swait.ge [sflag:s23], $0x1  }
0xa3: {  	[sflag:s23] =	ssyncset.done $0x0  }
0xa4: {  	s25 =	simm.s32 $0x1B8E;
	s24 =	sld [smem:$0x3FFE];
	[sflag:s23] =	ssyncadd.s32 $0xFFFFFFFF  }
0xa5: {  	s26 =	simm.s32 $execute0_lowered;
	[smem:$0x3FD2] =	sst s25  }
0xa6: {  	s4 =	sshll.u32 s26, $0x1;
	_ =	strace $0x80000046;
	[dreg:$0x1] =	wrdreg $0xFFFFFFFF  }
0xa7: {  	s28 =	simm.s32 $_size_execute0_lowered;
	s2 =	sadd.s32 s2, s4;
	[dreg:$0x0] =	wrdreg $0x0  }
0xa8: {  	s4 =	sshll.u32 s28, $0x1;
	[dreg:$0x2] =	wrdreg s2  }
0xa9: {  	[dreg:$0x3] =	wrdreg s4  }
0xaa: {  	[dreg:$0x4] =	wrdreg $0xC0  }
0xab: {  	_ =	task [dreg:s6], $0x5FFFF  }
0xac: {  	[dreg:$0x1] =	wrdreg $0xFFFFFFFF  }
0xad: {  	[dreg:$0x0] =	wrdreg $0x60  }
0xae: {  	[dreg:$0x2] =	wrdreg s24  }
0xaf: {  	[dreg:$0x3] =	wrdreg $0x9  }
0xb0: {  	_ =	task.clear_ibuf [dreg:s6], $0x4FFFF;
	_ =	strace $0x90000046  }
0xb1: {  	s29 =	simm.s32 $0x9;
	_ =	strace $0x80000048  }
0xb2: {  	_ =	swait.ge [sflag:s29], $0x1  }
0xb3: {  	[sflag:s29] =	ssyncadd.s32 $0xFFFFFFFF  }
0xb4: {  	_ =	strace $0x90000048  }
0xb5: {  	_ =	sfence  }
0xb6: {  	s30 =	sld [smem:$0x0];
	_ =	sdelay $0x2  }
0xb7: {  	s31 =	sshll.u32 s1, $0xD;
	s1 =	sshrl.u32 s1, $0x2  }
0xb8: {  	s3 =	sand.u32 $0x4000, s31;
	s1 =	sadd.s32 s1, s30  }
0xb9: {  	s0 =	sor.u32 s3, s0;
	s1 =	sshll.u32 s1, $0x11  }
0xba: {  	s0 =	sor.u32 s1, s0  }
0xbb: {  	s0 =	sadd.s32 $0x8F2B, s0  }
0xbc: {  	[sflag:s0] =	ssyncadd.remote.s32 $0x1  }
0xbd: {  	_ =	sfence.sel $0xFFFF  }
0xbe: {  	[dreg:$0x0] =	wrdreg $0xFFFFFFFF;
	(pc) =	sbr.abs _section_cstart, $3  }
0xbf: {  	[dreg:$0x1] =	wrdreg $0xFFFFFFFF  }
0xc0: {  	_ =	task.clear_ibuf [dreg:s6], $0x2FFFF;
	_ =	strace $0x9FFFFFFF  }
0xc1: {  	(tm) =	ssettm $0x7FFFFFFF  }
tec
execute0_lowered:
.L_overlay_start_1:
0x0: {  	(tag) =	ssettag $0x1  }
0x1: {  	s0 =	srdreg.scid  }
0x2: {  	s2 =	stileid.u32;
	s1 =	rddreg [dreg:$0x0]  }
0x3: {  	s12 =	simm.s32 $0x80;
	s13 =	simm.s32 $0x400;
	s14 =	simm.s32 $0x3  }
0x4: {  	s15 =	simm.s32 $0x200;
	s16 =	simm.s32 $0x800;
	s17 =	simm.s32 $0x4800  }
0x5: {  	s18 =	simm.s32 $0x8800;
	s19 =	simm.s32 $0xC800;
	s21 =	simm.s32 $0x10800  }
0x6: {  	s23 =	simm.s32 $0x14800;
	s24 =	simm.s32 $0x1;
	s29 =	simm.s32 $0x2  }
0x7: {  	s20 =	simm.s32 $0x0;
	s0 =	sand.u32 $0x1, s0;
	s3 =	sshll.u32 s2, $0x1  }
0x8: {  	s2 =	simm.s32 $0x0;
	s4 =	sadd.s32 $0x66E00, s1;
	s5 =	sadd.s32 $0xC8E00, s1  }
0x9: {  	s6 =	sor.u32 s0, s3;
	[smem:$0x7FF] =	sst s2;
	s0 =	ssub.s32 $0x2, s0  }
0xa: {  	s3 =	sshll.u32 s6, $0x9;
	_ =	strace $0x80000047;
	s6 =	sshll.u32 s6, $0xA  }
0xb: {  	s7 =	sshrl.u32 s0, $0x1;
	s9 =	sadd.s32 s3, s1;
	s3 =	sadd.s32 $0x4E00, s1  }
0xc: {  	s1 =	sadd.s32 s6, s1;
	s0 =	ssub.s32 s0, s7;
	s6 =	sadd.s32 $0xE00, s9  }
0xd: {  	s7 =	sadd.s32 $0xE10, s9;
	s8 =	sadd.s32 $0xE20, s9;
	s9 =	sadd.s32 $0xE30, s9  }
0xe: {  	s10 =	sadd.s32 $0x12AE00, s1;
	s11 =	smax.u32 s0, $0x1;
	s0 =	simm.s32 $0x18800  }
.LBB2_1:
0xf: {  	[tilespmem:s2], [sflag:$0x3] =	stream.strided.gather [hbm4b:s6+s12], $0x200, s13, s12, $0x38;
	[tilespmem:$0x1A800] =	vst v63  }
0x10: {  	_ =	swait.ge [sflag:s14], $0x200  }
0x11: {  	[sflag:s14] =	ssyncset.done $0x0  }
0x12: {  	[sflag:s14] =	ssyncadd.s32 $0xFFFFFE00  }
0x13: {  	[tilespmem:s15], [sflag:$0x3] =	stream.strided.gather [hbm4b:s7+s12], $0x200, s13, s12, $0x38;
	[tilespmem:$0x1A800] =	vst v63  }
0x14: {  	_ =	swait.ge [sflag:s14], $0x200  }
0x15: {  	[sflag:s14] =	ssyncset.done $0x0  }
0x16: {  	[sflag:s14] =	ssyncadd.s32 $0xFFFFFE00  }
0x17: {  	[tilespmem:s13], [sflag:$0x3] =	stream.strided.gather [hbm4b:s8+s12], $0x200, s13, s12, $0x38;
	[tilespmem:$0x1A800] =	vst v63  }
0x18: {  	_ =	swait.ge [sflag:s14], $0x200  }
0x19: {  	[sflag:s14] =	ssyncset.done $0x0  }
0x1a: {  	s22 =	simm.s32 $0x600;
	[sflag:s14] =	ssyncadd.s32 $0xFFFFFE00  }
0x1b: {  	[tilespmem:s22], [sflag:$0x3] =	stream.strided.gather [hbm4b:s9+s12], $0x200, s13, s12, $0x38;
	[tilespmem:$0x1A800] =	vst v63  }
0x1c: {  	_ =	swait.ge [sflag:s14], $0x200  }
0x1d: {  	[sflag:s14] =	ssyncset.done $0x0  }
0x1e: {  	[sflag:s14] =	ssyncadd.s32 $0xFFFFFE00  }
0x1f: {  	[tilespmem:s16], [sflag:$0x1] =	stream.indirect.gather [hbm4b:s3+s12], $0x80, s2, s12, $0xb8;
	[tilespmem:$0x1A800] =	vst v63  }
0x20: {  	_ = 	snop  }
0x21: {  	[tilespmem:s17], [sflag:$0x1] =	stream.indirect.gather [hbm4b:s4+s12], $0x80, s15, s12, $0xb8;
	[tilespmem:$0x1A800] =	vst v63  }
0x22: {  	_ = 	snop  }
0x23: {  	[tilespmem:s18], [sflag:$0x1] =	stream.indirect.gather [hbm4b:s5+s12], $0x80, s13, s12, $0xb8;
	[tilespmem:$0x1A800] =	vst v63  }
0x24: {  	_ = 	snop  }
0x25: {  	[tilespmem:s19], [sflag:$0x2] =	stream.indirect.gather [hbm4b:s3+s12], $0x80, s12, s12, $0xb8;
	[tilespmem:$0x1A800] =	vst v63  }
0x26: {  	s1 =	simm.s32 $0x280  }
0x27: {  	[tilespmem:s21], [sflag:$0x2] =	stream.indirect.gather [hbm4b:s4+s12], $0x80, s1, s12, $0xb8;
	[tilespmem:$0x1A800] =	vst v63  }
0x28: {  	s31 =	simm.s32 $0x480  }
0x29: {  	[tilespmem:s23], [sflag:$0x2] =	stream.indirect.gather [hbm4b:s5+s12], $0x80, s31, s12, $0xb8;
	[tilespmem:$0x1A800] =	vst v63  }
0x2a: {  	_ =	swait.ge [sflag:s24], $0x4000  }
0x2b: {  	[sflag:s24] =	ssyncset.done $0x0  }
0x2c: {  	[sflag:s24] =	ssyncadd.s32 $0xFFFFC000  }
0x2d: {  	_ =	swait.ge [sflag:s24], $0x4000  }
0x2e: {  	[sflag:s24] =	ssyncset.done $0x0  }
0x2f: {  	[sflag:s24] =	ssyncadd.s32 $0xFFFFC000  }
0x30: {  	_ =	swait.ge [sflag:s24], $0x4000  }
0x31: {  	[sflag:s24] =	ssyncset.done $0x0  }
0x32: {  	s25 =	simm.s32 $0x18880;
	s26 =	simm.s32 $0x0;
	[sflag:s24] =	ssyncadd.s32 $0xFFFFC000  }
.LBB2_2:
0x33: {  	v0 =	vld [tilespmem:s22+$0x0];
	_ =	sdelay $0x4  }
0x34: {  	(v2sf) =	vpush v0, $0x0;
	_ =	sdelay $0xe  }
0x35: {  	s30 =	spop (v2sf);
	(v2sf) =	vpush v0, $0x1  }
0x36: {  	s28 =	sshra.s32 s26, $0x2;
	s31 =	sand.u32 $0xE0, s30  }
0x37: {  	s1 =	sshrl.u32 s30, $0x8;
	s31 =	sadd.s32 s28, s31  }
0x38: {  	s1 =	sand.u32 $0xE0, s1;
	v1 =	vld [tilespmem:s31+$0x800]  }
0x39: {  	s30 =	sshra.s32 s30, $0x10;
	s1 =	sadd.s32 s28, s1;
	v3 =	vld [tilespmem:s31+$0x810]  }
0x3a: {  	s30 =	sand.u32 $0xFFFFFFE0, s30;
	v2 =	vld [tilespmem:s1+$0x4800]  }
0x3b: {  	s30 =	sadd.s32 s28, s30;
	v4 =	vld [tilespmem:s1+$0x4810]  }
0x3c: {  	v5 =	vld [tilespmem:s30+$0x8800]  }
0x3d: {  	v6 =	vld [tilespmem:s30+$0x8810];
	_ =	sdelay $0x2  }
0x3e: {  	v1 =	vmul.f32 v2, v1;
	v28 =	vmul.f32 v4, v3;
	_ =	sdelay $0x1  }
0x3f: {  	v1 =	vmul.f32 v5, v1;
	v2 =	vmul.f32 v6, v28;
	_ =	sdelay $0x1  }
0x40: {  	v1 =	vadd.f32 v2, v1;
	s1 =	spop (v2sf);
	(v2sf) =	vpush v0, $0x2  }
0x41: {  	s30 =	sand.u32 $0xE0, s1  }
0x42: {  	[tilespmem:s25+$0xFFFFFF80] =	vst v1;
	s31 =	sshrl.u32 s1, $0x8;
	s30 =	sadd.s32 s28, s30  }
0x43: {  	s31 =	sand.u32 $0xE0, s31;
	v1 =	vld [tilespmem:s30+$0x880]  }
0x44: {  	s1 =	sshra.s32 s1, $0x10;
	s31 =	sadd.s32 s28, s31;
	v30 =	vld [tilespmem:s30+$0x890]  }
0x45: {  	s1 =	sand.u32 $0xFFFFFFE0, s1;
	v29 =	vld [tilespmem:s31+$0x4880]  }
0x46: {  	s1 =	sadd.s32 s28, s1;
	v31 =	vld [tilespmem:s31+$0x4890]  }
0x47: {  	v32 =	vld [tilespmem:s1+$0x8880]  }
0x48: {  	v33 =	vld [tilespmem:s1+$0x8890];
	_ =	sdelay $0x2  }
0x49: {  	v1 =	vmul.f32 v29, v1;
	v34 =	vmul.f32 v31, v30;
	_ =	sdelay $0x1  }
0x4a: {  	v1 =	vmul.f32 v32, v1;
	v2 =	vmul.f32 v33, v34;
	_ =	sdelay $0x1  }
0x4b: {  	v1 =	vadd.f32 v2, v1;
	s1 =	spop (v2sf);
	(v2sf) =	vpush v0, $0x3  }
0x4c: {  	s30 =	sand.u32 $0xE0, s1  }
0x4d: {  	[tilespmem:s25+$0xFFFFFF90] =	vst v1;
	s31 =	sshrl.u32 s1, $0x8;
	s30 =	sadd.s32 s28, s30  }
0x4e: {  	s31 =	sand.u32 $0xE0, s31;
	v1 =	vld [tilespmem:s30+$0x900]  }
0x4f: {  	s1 =	sshra.s32 s1, $0x10;
	s31 =	sadd.s32 s28, s31;
	v36 =	vld [tilespmem:s30+$0x910]  }
0x50: {  	s1 =	sand.u32 $0xFFFFFFE0, s1;
	v35 =	vld [tilespmem:s31+$0x4900]  }
0x51: {  	s1 =	sadd.s32 s28, s1;
	v37 =	vld [tilespmem:s31+$0x4910]  }
0x52: {  	v38 =	vld [tilespmem:s1+$0x8900]  }
0x53: {  	v39 =	vld [tilespmem:s1+$0x8910];
	_ =	sdelay $0x2  }
0x54: {  	v1 =	vmul.f32 v35, v1;
	v40 =	vmul.f32 v37, v36;
	_ =	sdelay $0x1  }
0x55: {  	v1 =	vmul.f32 v38, v1;
	v2 =	vmul.f32 v39, v40;
	_ =	sdelay $0x1  }
0x56: {  	v1 =	vadd.f32 v2, v1;
	s1 =	spop (v2sf);
	(v2sf) =	vpush v0, $0x4  }
0x57: {  	s30 =	sand.u32 $0xE0, s1  }
0x58: {  	[tilespmem:s25+$0xFFFFFFA0] =	vst v1;
	s31 =	sshrl.u32 s1, $0x8;
	s30 =	sadd.s32 s28, s30  }
0x59: {  	s31 =	sand.u32 $0xE0, s31;
	v1 =	vld [tilespmem:s30+$0x980]  }
0x5a: {  	s1 =	sshra.s32 s1, $0x10;
	s31 =	sadd.s32 s28, s31;
	v42 =	vld [tilespmem:s30+$0x990]  }
0x5b: {  	s1 =	sand.u32 $0xFFFFFFE0, s1;
	v41 =	vld [tilespmem:s31+$0x4980]  }
0x5c: {  	s1 =	sadd.s32 s28, s1;
	v43 =	vld [tilespmem:s31+$0x4990]  }
0x5d: {  	v44 =	vld [tilespmem:s1+$0x8980]  }
0x5e: {  	v45 =	vld [tilespmem:s1+$0x8990];
	_ =	sdelay $0x2  }
0x5f: {  	v1 =	vmul.f32 v41, v1;
	v46 =	vmul.f32 v43, v42;
	_ =	sdelay $0x1  }
0x60: {  	v1 =	vmul.f32 v44, v1;
	v2 =	vmul.f32 v45, v46;
	_ =	sdelay $0x1  }
0x61: {  	v1 =	vadd.f32 v2, v1;
	s1 =	spop (v2sf);
	(v2sf) =	vpush v0, $0x5  }
0x62: {  	s30 =	sand.u32 $0xE0, s1  }
0x63: {  	[tilespmem:s25+$0xFFFFFFB0] =	vst v1;
	s31 =	sshrl.u32 s1, $0x8;
	s30 =	sadd.s32 s28, s30  }
0x64: {  	s31 =	sand.u32 $0xE0, s31;
	v1 =	vld [tilespmem:s30+$0xA00]  }
0x65: {  	s1 =	sshra.s32 s1, $0x10;
	s31 =	sadd.s32 s28, s31;
	v48 =	vld [tilespmem:s30+$0xA10]  }
0x66: {  	s1 =	sand.u32 $0xFFFFFFE0, s1;
	v47 =	vld [tilespmem:s31+$0x4A00]  }
0x67: {  	s1 =	sadd.s32 s28, s1;
	v49 =	vld [tilespmem:s31+$0x4A10]  }
0x68: {  	v50 =	vld [tilespmem:s1+$0x8A00]  }
0x69: {  	v51 =	vld [tilespmem:s1+$0x8A10];
	_ =	sdelay $0x2  }
0x6a: {  	v1 =	vmul.f32 v47, v1;
	v52 =	vmul.f32 v49, v48;
	_ =	sdelay $0x1  }
0x6b: {  	v1 =	vmul.f32 v50, v1;
	v2 =	vmul.f32 v51, v52;
	_ =	sdelay $0x1  }
0x6c: {  	v1 =	vadd.f32 v2, v1;
	s1 =	spop (v2sf);
	(v2sf) =	vpush v0, $0x6  }
0x6d: {  	s30 =	sand.u32 $0xE0, s1  }
0x6e: {  	[tilespmem:s25+$0xFFFFFFC0] =	vst v1;
	s31 =	sshrl.u32 s1, $0x8;
	s30 =	sadd.s32 s28, s30  }
0x6f: {  	s31 =	sand.u32 $0xE0, s31;
	v1 =	vld [tilespmem:s30+$0xA80]  }
0x70: {  	s1 =	sshra.s32 s1, $0x10;
	s31 =	sadd.s32 s28, s31;
	v54 =	vld [tilespmem:s30+$0xA90]  }
0x71: {  	s1 =	sand.u32 $0xFFFFFFE0, s1;
	v53 =	vld [tilespmem:s31+$0x4A80]  }
0x72: {  	s1 =	sadd.s32 s28, s1;
	v55 =	vld [tilespmem:s31+$0x4A90]  }
0x73: {  	v56 =	vld [tilespmem:s1+$0x8A80]  }
0x74: {  	v57 =	vld [tilespmem:s1+$0x8A90];
	_ =	sdelay $0x2  }
0x75: {  	v1 =	vmul.f32 v53, v1;
	v58 =	vmul.f32 v55, v54;
	_ =	sdelay $0x1  }
0x76: {  	v1 =	vmul.f32 v56, v1;
	v2 =	vmul.f32 v57, v58;
	_ =	sdelay $0x1  }
0x77: {  	v1 =	vadd.f32 v2, v1;
	s1 =	spop (v2sf);
	(v2sf) =	vpush v0, $0x7  }
0x78: {  	s30 =	sand.u32 $0xE0, s1  }
0x79: {  	[tilespmem:s25+$0xFFFFFFD0] =	vst v1;
	s31 =	sshrl.u32 s1, $0x8;
	s30 =	sadd.s32 s28, s30  }
0x7a: {  	s31 =	sand.u32 $0xE0, s31;
	v1 =	vld [tilespmem:s30+$0xB00]  }
0x7b: {  	s1 =	sshra.s32 s1, $0x10;
	s31 =	sadd.s32 s28, s31;
	v60 =	vld [tilespmem:s30+$0xB10]  }
0x7c: {  	s1 =	sand.u32 $0xFFFFFFE0, s1;
	v59 =	vld [tilespmem:s31+$0x4B00]  }
0x7d: {  	s1 =	sadd.s32 s28, s1;
	v61 =	vld [tilespmem:s31+$0x4B10]  }
0x7e: {  	v62 =	vld [tilespmem:s1+$0x8B00]  }
0x7f: {  	v63 =	vld [tilespmem:s1+$0x8B10];
	_ =	sdelay $0x2  }
0x80: {  	v1 =	vmul.f32 v59, v1;
	v9 =	vmul.f32 v61, v60;
	_ =	sdelay $0x1  }
0x81: {  	v1 =	vmul.f32 v62, v1;
	v2 =	vmul.f32 v63, v9;
	_ =	sdelay $0x1  }
0x82: {  	v1 =	vadd.f32 v2, v1;
	s1 =	spop (v2sf);
	(v2sf) =	vpush v0, $0x8  }
0x83: {  	s30 =	sand.u32 $0xE0, s1  }
0x84: {  	[tilespmem:s25+$0xFFFFFFE0] =	vst v1;
	s31 =	sshrl.u32 s1, $0x8;
	s30 =	sadd.s32 s28, s30  }
0x85: {  	s31 =	sand.u32 $0xE0, s31;
	v1 =	vld [tilespmem:s30+$0xB80]  }
0x86: {  	s1 =	sshra.s32 s1, $0x10;
	s31 =	sadd.s32 s28, s31;
	v11 =	vld [tilespmem:s30+$0xB90]  }
0x87: {  	s1 =	sand.u32 $0xFFFFFFE0, s1;
	v10 =	vld [tilespmem:s31+$0x4B80]  }
0x88: {  	s1 =	sadd.s32 s28, s1;
	v12 =	vld [tilespmem:s31+$0x4B90]  }
0x89: {  	v13 =	vld [tilespmem:s1+$0x8B80]  }
0x8a: {  	v14 =	vld [tilespmem:s1+$0x8B90];
	_ =	sdelay $0x2  }
0x8b: {  	v1 =	vmul.f32 v10, v1;
	v15 =	vmul.f32 v12, v11;
	_ =	sdelay $0x1  }
0x8c: {  	v1 =	vmul.f32 v13, v1;
	v2 =	vmul.f32 v14, v15;
	_ =	sdelay $0x1  }
0x8d: {  	v1 =	vadd.f32 v2, v1;
	s1 =	spop (v2sf);
	(v2sf) =	vpush v0, $0x9  }
0x8e: {  	s30 =	sand.u32 $0xE0, s1  }
0x8f: {  	[tilespmem:s25+$0xFFFFFFF0] =	vst v1;
	s31 =	sshrl.u32 s1, $0x8;
	s30 =	sadd.s32 s28, s30  }
0x90: {  	s31 =	sand.u32 $0xE0, s31;
	v1 =	vld [tilespmem:s30+$0xC00]  }
0x91: {  	s1 =	sshra.s32 s1, $0x10;
	s31 =	sadd.s32 s28, s31;
	v17 =	vld [tilespmem:s30+$0xC10]  }
0x92: {  	s1 =	sand.u32 $0xFFFFFFE0, s1;
	v16 =	vld [tilespmem:s31+$0x4C00]  }
0x93: {  	s1 =	sadd.s32 s28, s1;
	v18 =	vld [tilespmem:s31+$0x4C10]  }
0x94: {  	v19 =	vld [tilespmem:s1+$0x8C00]  }
0x95: {  	v20 =	vld [tilespmem:s1+$0x8C10];
	_ =	sdelay $0x2  }
0x96: {  	v1 =	vmul.f32 v16, v1;
	v21 =	vmul.f32 v18, v17;
	_ =	sdelay $0x1  }
0x97: {  	v1 =	vmul.f32 v19, v1;
	v2 =	vmul.f32 v20, v21;
	_ =	sdelay $0x1  }
0x98: {  	v1 =	vadd.f32 v2, v1;
	s1 =	spop (v2sf);
	(v2sf) =	vpush v0, $0xA  }
0x99: {  	s30 =	sand.u32 $0xE0, s1  }
0x9a: {  	[tilespmem:s25+$0x0] =	vst v1;
	s31 =	sshrl.u32 s1, $0x8;
	s30 =	sadd.s32 s28, s30  }
0x9b: {  	s31 =	sand.u32 $0xE0, s31;
	v1 =	vld [tilespmem:s30+$0xC80]  }
0x9c: {  	s1 =	sshra.s32 s1, $0x10;
	s31 =	sadd.s32 s28, s31;
	v23 =	vld [tilespmem:s30+$0xC90]  }
0x9d: {  	s1 =	sand.u32 $0xFFFFFFE0, s1;
	v22 =	vld [tilespmem:s31+$0x4C80]  }
0x9e: {  	s1 =	sadd.s32 s28, s1;
	v24 =	vld [tilespmem:s31+$0x4C90]  }
0x9f: {  	v25 =	vld [tilespmem:s1+$0x8C80]  }
0xa0: {  	v26 =	vld [tilespmem:s1+$0x8C90];
	_ =	sdelay $0x2  }
0xa1: {  	v1 =	vmul.f32 v22, v1;
	v27 =	vmul.f32 v24, v23;
	_ =	sdelay $0x1  }
0xa2: {  	v1 =	vmul.f32 v25, v1;
	v2 =	vmul.f32 v26, v27;
	_ =	sdelay $0x1  }
0xa3: {  	v1 =	vadd.f32 v2, v1;
	s1 =	spop (v2sf);
	(v2sf) =	vpush v0, $0xB  }
0xa4: {  	s30 =	sand.u32 $0xE0, s1  }
0xa5: {  	[tilespmem:s25+$0x10] =	vst v1;
	s31 =	sshrl.u32 s1, $0x8;
	s30 =	sadd.s32 s28, s30  }
0xa6: {  	s31 =	sand.u32 $0xE0, s31;
	v1 =	vld [tilespmem:s30+$0xD00]  }
0xa7: {  	s1 =	sshra.s32 s1, $0x10;
	s31 =	sadd.s32 s28, s31;
	v29 =	vld [tilespmem:s30+$0xD10]  }
0xa8: {  	s1 =	sand.u32 $0xFFFFFFE0, s1;
	v28 =	vld [tilespmem:s31+$0x4D00]  }
0xa9: {  	s1 =	sadd.s32 s28, s1;
	v30 =	vld [tilespmem:s31+$0x4D10]  }
0xaa: {  	v31 =	vld [tilespmem:s1+$0x8D00]  }
0xab: {  	v32 =	vld [tilespmem:s1+$0x8D10];
	_ =	sdelay $0x2  }
0xac: {  	v1 =	vmul.f32 v28, v1;
	v33 =	vmul.f32 v30, v29;
	_ =	sdelay $0x1  }
0xad: {  	v1 =	vmul.f32 v31, v1;
	v2 =	vmul.f32 v32, v33;
	_ =	sdelay $0x1  }
0xae: {  	v1 =	vadd.f32 v2, v1;
	s1 =	spop (v2sf);
	(v2sf) =	vpush v0, $0xC  }
0xaf: {  	s30 =	sand.u32 $0xE0, s1  }
0xb0: {  	[tilespmem:s25+$0x20] =	vst v1;
	s31 =	sshrl.u32 s1, $0x8;
	s30 =	sadd.s32 s28, s30  }
0xb1: {  	s31 =	sand.u32 $0xE0, s31;
	v1 =	vld [tilespmem:s30+$0xD80]  }
0xb2: {  	s1 =	sshra.s32 s1, $0x10;
	s31 =	sadd.s32 s28, s31;
	v35 =	vld [tilespmem:s30+$0xD90]  }
0xb3: {  	s1 =	sand.u32 $0xFFFFFFE0, s1;
	v34 =	vld [tilespmem:s31+$0x4D80]  }
0xb4: {  	s1 =	sadd.s32 s28, s1;
	v36 =	vld [tilespmem:s31+$0x4D90]  }
0xb5: {  	v37 =	vld [tilespmem:s1+$0x8D80]  }
0xb6: {  	v38 =	vld [tilespmem:s1+$0x8D90];
	_ =	sdelay $0x2  }
0xb7: {  	v1 =	vmul.f32 v34, v1;
	v39 =	vmul.f32 v36, v35;
	_ =	sdelay $0x1  }
0xb8: {  	v1 =	vmul.f32 v37, v1;
	v2 =	vmul.f32 v38, v39;
	_ =	sdelay $0x1  }
0xb9: {  	v1 =	vadd.f32 v2, v1;
	s1 =	spop (v2sf);
	(v2sf) =	vpush v0, $0xD  }
0xba: {  	s30 =	sand.u32 $0xE0, s1  }
0xbb: {  	[tilespmem:s25+$0x30] =	vst v1;
	s31 =	sshrl.u32 s1, $0x8;
	s30 =	sadd.s32 s28, s30  }
0xbc: {  	s31 =	sand.u32 $0xE0, s31;
	v1 =	vld [tilespmem:s30+$0xE00]  }
0xbd: {  	s1 =	sshra.s32 s1, $0x10;
	s31 =	sadd.s32 s28, s31;
	v41 =	vld [tilespmem:s30+$0xE10]  }
0xbe: {  	s1 =	sand.u32 $0xFFFFFFE0, s1;
	v40 =	vld [tilespmem:s31+$0x4E00]  }
0xbf: {  	s1 =	sadd.s32 s28, s1;
	v42 =	vld [tilespmem:s31+$0x4E10]  }
0xc0: {  	v43 =	vld [tilespmem:s1+$0x8E00]  }
0xc1: {  	v44 =	vld [tilespmem:s1+$0x8E10];
	_ =	sdelay $0x2  }
0xc2: {  	v1 =	vmul.f32 v40, v1;
	v45 =	vmul.f32 v42, v41;
	_ =	sdelay $0x1  }
0xc3: {  	v1 =	vmul.f32 v43, v1;
	v2 =	vmul.f32 v44, v45;
	_ =	sdelay $0x1  }
0xc4: {  	v1 =	vadd.f32 v2, v1;
	s1 =	spop (v2sf);
	(v2sf) =	vpush v0, $0xE  }
0xc5: {  	s30 =	sand.u32 $0xE0, s1  }
0xc6: {  	[tilespmem:s25+$0x40] =	vst v1;
	s31 =	sshrl.u32 s1, $0x8;
	s30 =	sadd.s32 s28, s30  }
0xc7: {  	s31 =	sand.u32 $0xE0, s31;
	v1 =	vld [tilespmem:s30+$0xE80]  }
0xc8: {  	s1 =	sshra.s32 s1, $0x10;
	s31 =	sadd.s32 s28, s31;
	v47 =	vld [tilespmem:s30+$0xE90]  }
0xc9: {  	s1 =	sand.u32 $0xFFFFFFE0, s1;
	v46 =	vld [tilespmem:s31+$0x4E80]  }
0xca: {  	s1 =	sadd.s32 s28, s1;
	v48 =	vld [tilespmem:s31+$0x4E90]  }
0xcb: {  	v49 =	vld [tilespmem:s1+$0x8E80]  }
0xcc: {  	v50 =	vld [tilespmem:s1+$0x8E90];
	_ =	sdelay $0x2  }
0xcd: {  	v1 =	vmul.f32 v46, v1;
	v51 =	vmul.f32 v48, v47;
	_ =	sdelay $0x1  }
0xce: {  	v1 =	vmul.f32 v49, v1;
	v2 =	vmul.f32 v50, v51;
	_ =	sdelay $0x1  }
0xcf: {  	v1 =	vadd.f32 v2, v1;
	s1 =	spop (v2sf);
	(v2sf) =	vpush v0, $0xF  }
0xd0: {  	s30 =	sand.u32 $0xE0, s1  }
0xd1: {  	[tilespmem:s25+$0x50] =	vst v1;
	s31 =	sshrl.u32 s1, $0x8;
	s30 =	sadd.s32 s28, s30  }
0xd2: {  	s31 =	sand.u32 $0xE0, s31;
	v52 =	vld [tilespmem:s30+$0xF00]  }
0xd3: {  	s1 =	sshra.s32 s1, $0x10;
	s31 =	sadd.s32 s28, s31;
	v53 =	vld [tilespmem:s30+$0xF10]  }
0xd4: {  	s1 =	sand.u32 $0xFFFFFFE0, s1;
	v1 =	vld [tilespmem:s31+$0x4F00]  }
0xd5: {  	s1 =	sadd.s32 s28, s1;
	v54 =	vld [tilespmem:s31+$0x4F10]  }
0xd6: {  	v55 =	vld [tilespmem:s1+$0x8F00]  }
0xd7: {  	v56 =	vld [tilespmem:s1+$0x8F10];
	_ =	sdelay $0x2  }
0xd8: {  	v0 =	vmul.f32 v1, v52;
	v57 =	vmul.f32 v54, v53;
	_ =	sdelay $0x1  }
0xd9: {  	v0 =	vmul.f32 v55, v0;
	v1 =	vmul.f32 v56, v57;
	_ =	sdelay $0x1  }
0xda: {  	v0 =	vadd.f32 v1, v0;
	s1 =	spop (v2sf)  }
0xdb: {  	s30 =	sand.u32 $0xE0, s1  }
0xdc: {  	[tilespmem:s25+$0x60] =	vst v0;
	s31 =	sshrl.u32 s1, $0x8;
	s30 =	sadd.s32 s28, s30  }
0xdd: {  	s31 =	sand.u32 $0xE0, s31;
	v0 =	vld [tilespmem:s30+$0xF80]  }
0xde: {  	s1 =	sshra.s32 s1, $0x10;
	s31 =	sadd.s32 s28, s31;
	v59 =	vld [tilespmem:s30+$0xF90]  }
0xdf: {  	s1 =	sand.u32 $0xFFFFFFE0, s1;
	v58 =	vld [tilespmem:s31+$0x4F80]  }
0xe0: {  	s1 =	sadd.s32 s28, s1;
	v60 =	vld [tilespmem:s31+$0x4F90]  }
0xe1: {  	v61 =	vld [tilespmem:s1+$0x8F80]  }
0xe2: {  	v62 =	vld [tilespmem:s1+$0x8F90];
	_ =	sdelay $0x2  }
0xe3: {  	v0 =	vmul.f32 v58, v0;
	v63 =	vmul.f32 v60, v59  }
0xe4: {  	p0 =	sne.s32 s26, $0xE000  }
.Ltmp0:
0xe5: {  	v0 =	vmul.f32 v61, v0;
	v1 =	vmul.f32 v62, v63;
	(pc) =	sbr.rel @p0 .LBB2_2-.Ltmp0, $3  }
0xe6: {  	_ = 	snop  }
0xe7: {  	v0 =	vadd.f32 v1, v0;
	_ =	sdelay $0x1  }
0xe8: {  	s22 =	sadd.s32 $0x10, s22;
	s26 =	sadd.s32 $0x2000, s26;
	[tilespmem:s25+$0x70] =	vst v0;
	s25 =	sadd.s32 $0x100, s25  }
0xe9: {  	s1 =	simm.s32 $0x100  }
0xea: {  	[tilespmem:s16], [sflag:$0x1] =	stream.indirect.gather [hbm4b:s3+s12], $0x80, s1, s12, $0xb8;
	[tilespmem:$0x1A800] =	vst v63  }
0xeb: {  	s30 =	simm.s32 $0x300  }
0xec: {  	[tilespmem:s17], [sflag:$0x1] =	stream.indirect.gather [hbm4b:s4+s12], $0x80, s30, s12, $0xb8;
	[tilespmem:$0x1A800] =	vst v63  }
0xed: {  	s31 =	simm.s32 $0x500  }
0xee: {  	[tilespmem:s18], [sflag:$0x1] =	stream.indirect.gather [hbm4b:s5+s12], $0x80, s31, s12, $0xb8;
	[tilespmem:$0x1A800] =	vst v63  }
0xef: {  	_ =	swait.ge [sflag:s29], $0x4000  }
0xf0: {  	[sflag:s29] =	ssyncset.done $0x0  }
0xf1: {  	[sflag:s29] =	ssyncadd.s32 $0xFFFFC000  }
0xf2: {  	_ =	swait.ge [sflag:s29], $0x4000  }
0xf3: {  	[sflag:s29] =	ssyncset.done $0x0  }
0xf4: {  	[sflag:s29] =	ssyncadd.s32 $0xFFFFC000  }
0xf5: {  	_ =	swait.ge [sflag:s29], $0x4000  }
0xf6: {  	s22 =	simm.s32 $0x0;
	[sflag:s29] =	ssyncset.done $0x0  }
0xf7: {  	s25 =	simm.s32 $0x680;
	s26 =	simm.s32 $0x190F0;
	[sflag:s29] =	ssyncadd.s32 $0xFFFFC000  }
.LBB2_4:
0xf8: {  	v0 =	vld [tilespmem:s25+$0x0];
	_ =	sdelay $0x4  }
0xf9: {  	(v2sf) =	vpush v0, $0x0;
	_ =	sdelay $0xd  }
0xfa: {  	(v2sf) =	vpush v0, $0x1  }
0xfb: {  	s1 =	spop (v2sf)  }
0xfc: {  	s28 =	sshra.s32 s22, $0x2;
	s30 =	sand.u32 $0xE0, s1  }
0xfd: {  	s31 =	sshrl.u32 s1, $0x8;
	s30 =	sadd.s32 s28, s30  }
0xfe: {  	s31 =	sand.u32 $0xE0, s31;
	v1 =	vld [tilespmem:s30+$0xC800]  }
0xff: {  	s1 =	sshra.s32 s1, $0x10;
	s31 =	sadd.s32 s28, s31;
	v3 =	vld [tilespmem:s30+$0xC810]  }
0x100: {  	s1 =	sand.u32 $0xFFFFFFE0, s1;
	v2 =	vld [tilespmem:s31+$0x10800]  }
0x101: {  	s1 =	sadd.s32 s28, s1;
	v4 =	vld [tilespmem:s31+$0x10810]  }
0x102: {  	s31 =	sadd.s32 $0x14800, s1;
	v5 =	vld [tilespmem:s1+$0x14800]  }
0x103: {  	v6 =	vld [tilespmem:s31+$0x10];
	_ =	sdelay $0x2  }
0x104: {  	v1 =	vmul.f32 v2, v1;
	v28 =	vmul.f32 v4, v3;
	_ =	sdelay $0x1  }
0x105: {  	v1 =	vmul.f32 v5, v1;
	v2 =	vmul.f32 v6, v28  }
0x106: {  	s1 =	spop (v2sf)  }
0x107: {  	(v2sf) =	vpush v0, $0x2;
	s30 =	sshrl.u32 s1, $0x8;
	v1 =	vadd.f32 v2, v1  }
0x108: {  	s31 =	sand.u32 $0xE0, s1;
	s30 =	sand.u32 $0xE0, s30  }
0x109: {  	s31 =	sadd.s32 s28, s31;
	s30 =	sadd.s32 s28, s30;
	[tilespmem:s26+$0xFFFFFF10] =	vst v1  }
0x10a: {  	s1 =	sshra.s32 s1, $0x10;
	s30 =	sadd.s32 $0x10800, s30;
	v1 =	vld [tilespmem:s31+$0xC880]  }
0x10b: {  	s1 =	sand.u32 $0xFFFFFFE0, s1;
	v29 =	vld [tilespmem:s30+$0x80]  }
0x10c: {  	s1 =	sadd.s32 s28, s1;
	v30 =	vld [tilespmem:s31+$0xC890]  }
0x10d: {  	s1 =	sadd.s32 $0x14800, s1;
	v31 =	vld [tilespmem:s30+$0x90]  }
0x10e: {  	v32 =	vld [tilespmem:s1+$0x80]  }
0x10f: {  	v33 =	vld [tilespmem:s1+$0x90];
	_ =	sdelay $0x2  }
0x110: {  	v1 =	vmul.f32 v29, v1;
	v34 =	vmul.f32 v31, v30;
	_ =	sdelay $0x1  }
0x111: {  	v1 =	vmul.f32 v32, v1;
	v2 =	vmul.f32 v33, v34  }
0x112: {  	(v2sf) =	vpush v0, $0x3  }
0x113: {  	s1 =	spop (v2sf);
	v1 =	vadd.f32 v2, v1  }
0x114: {  	s30 =	sand.u32 $0xE0, s1;
	s31 =	sshrl.u32 s1, $0x8  }
0x115: {  	s30 =	sadd.s32 s28, s30;
	s31 =	sand.u32 $0xE0, s31;
	[tilespmem:s26+$0xFFFFFF20] =	vst v1  }
0x116: {  	s1 =	sshra.s32 s1, $0x10;
	s31 =	sadd.s32 s28, s31;
	v1 =	vld [tilespmem:s30+$0xC900]  }
0x117: {  	s1 =	sand.u32 $0xFFFFFFE0, s1;
	v35 =	vld [tilespmem:s31+$0x10900]  }
0x118: {  	s1 =	sadd.s32 s28, s1;
	v36 =	vld [tilespmem:s30+$0xC910]  }
0x119: {  	s1 =	sadd.s32 $0x14800, s1;
	v37 =	vld [tilespmem:s31+$0x10910]  }
0x11a: {  	v38 =	vld [tilespmem:s1+$0x100]  }
0x11b: {  	v39 =	vld [tilespmem:s1+$0x110];
	_ =	sdelay $0x2  }
0x11c: {  	v1 =	vmul.f32 v35, v1;
	v40 =	vmul.f32 v37, v36;
	_ =	sdelay $0x1  }
0x11d: {  	v1 =	vmul.f32 v38, v1;
	v2 =	vmul.f32 v39, v40  }
0x11e: {  	s1 =	spop (v2sf)  }
0x11f: {  	(v2sf) =	vpush v0, $0x4;
	s30 =	sshrl.u32 s1, $0x8;
	v1 =	vadd.f32 v2, v1  }
0x120: {  	s31 =	sand.u32 $0xE0, s1;
	s30 =	sand.u32 $0xE0, s30  }
0x121: {  	s31 =	sadd.s32 s28, s31;
	s30 =	sadd.s32 s28, s30;
	[tilespmem:s26+$0xFFFFFF30] =	vst v1  }
0x122: {  	s1 =	sshra.s32 s1, $0x10;
	s30 =	sadd.s32 $0x10800, s30;
	v1 =	vld [tilespmem:s31+$0xC980]  }
0x123: {  	s1 =	sand.u32 $0xFFFFFFE0, s1;
	v41 =	vld [tilespmem:s30+$0x180]  }
0x124: {  	s1 =	sadd.s32 s28, s1;
	v42 =	vld [tilespmem:s31+$0xC990]  }
0x125: {  	s1 =	sadd.s32 $0x14800, s1;
	v43 =	vld [tilespmem:s30+$0x190]  }
0x126: {  	v44 =	vld [tilespmem:s1+$0x180]  }
0x127: {  	v45 =	vld [tilespmem:s1+$0x190];
	_ =	sdelay $0x2  }
0x128: {  	v1 =	vmul.f32 v41, v1;
	v46 =	vmul.f32 v43, v42;
	_ =	sdelay $0x1  }
0x129: {  	v1 =	vmul.f32 v44, v1;
	v2 =	vmul.f32 v45, v46  }
0x12a: {  	(v2sf) =	vpush v0, $0x5  }
0x12b: {  	s1 =	spop (v2sf);
	v1 =	vadd.f32 v2, v1  }
0x12c: {  	s30 =	sand.u32 $0xE0, s1;
	s31 =	sshrl.u32 s1, $0x8  }
0x12d: {  	s30 =	sadd.s32 s28, s30;
	s31 =	sand.u32 $0xE0, s31;
	[tilespmem:s26+$0xFFFFFF40] =	vst v1  }
0x12e: {  	s1 =	sshra.s32 s1, $0x10;
	s31 =	sadd.s32 s28, s31;
	v1 =	vld [tilespmem:s30+$0xCA00]  }
0x12f: {  	s1 =	sand.u32 $0xFFFFFFE0, s1;
	v47 =	vld [tilespmem:s31+$0x10A00]  }
0x130: {  	s1 =	sadd.s32 s28, s1;
	v48 =	vld [tilespmem:s30+$0xCA10]  }
0x131: {  	s1 =	sadd.s32 $0x14800, s1;
	v49 =	vld [tilespmem:s31+$0x10A10]  }
0x132: {  	v50 =	vld [tilespmem:s1+$0x200]  }
0x133: {  	v51 =	vld [tilespmem:s1+$0x210];
	_ =	sdelay $0x2  }
0x134: {  	v1 =	vmul.f32 v47, v1;
	v52 =	vmul.f32 v49, v48;
	_ =	sdelay $0x1  }
0x135: {  	v1 =	vmul.f32 v50, v1;
	v2 =	vmul.f32 v51, v52  }
0x136: {  	s1 =	spop (v2sf)  }
0x137: {  	(v2sf) =	vpush v0, $0x6;
	s30 =	sshrl.u32 s1, $0x8;
	v1 =	vadd.f32 v2, v1  }
0x138: {  	s31 =	sand.u32 $0xE0, s1;
	s30 =	sand.u32 $0xE0, s30  }
0x139: {  	s31 =	sadd.s32 s28, s31;
	s30 =	sadd.s32 s28, s30;
	[tilespmem:s26+$0xFFFFFF50] =	vst v1  }
0x13a: {  	s1 =	sshra.s32 s1, $0x10;
	s30 =	sadd.s32 $0x10800, s30;
	v1 =	vld [tilespmem:s31+$0xCA80]  }
0x13b: {  	s1 =	sand.u32 $0xFFFFFFE0, s1;
	v53 =	vld [tilespmem:s30+$0x280]  }
0x13c: {  	s1 =	sadd.s32 s28, s1;
	v54 =	vld [tilespmem:s31+$0xCA90]  }
0x13d: {  	s1 =	sadd.s32 $0x14800, s1;
	v55 =	vld [tilespmem:s30+$0x290]  }
0x13e: {  	v56 =	vld [tilespmem:s1+$0x280]  }
0x13f: {  	v57 =	vld [tilespmem:s1+$0x290];
	_ =	sdelay $0x2  }
0x140: {  	v1 =	vmul.f32 v53, v1;
	v58 =	vmul.f32 v55, v54;
	_ =	sdelay $0x1  }
0x141: {  	v1 =	vmul.f32 v56, v1;
	v2 =	vmul.f32 v57, v58  }
0x142: {  	(v2sf) =	vpush v0, $0x7  }
0x143: {  	s1 =	spop (v2sf);
	v1 =	vadd.f32 v2, v1  }
0x144: {  	s30 =	sand.u32 $0xE0, s1;
	s31 =	sshrl.u32 s1, $0x8  }
0x145: {  	s30 =	sadd.s32 s28, s30;
	s31 =	sand.u32 $0xE0, s31;
	[tilespmem:s26+$0xFFFFFF60] =	vst v1  }
0x146: {  	s1 =	sshra.s32 s1, $0x10;
	s31 =	sadd.s32 s28, s31;
	v1 =	vld [tilespmem:s30+$0xCB00]  }
0x147: {  	s1 =	sand.u32 $0xFFFFFFE0, s1;
	v59 =	vld [tilespmem:s31+$0x10B00]  }
0x148: {  	s1 =	sadd.s32 s28, s1;
	v60 =	vld [tilespmem:s30+$0xCB10]  }
0x149: {  	s1 =	sadd.s32 $0x14800, s1;
	v61 =	vld [tilespmem:s31+$0x10B10]  }
0x14a: {  	v62 =	vld [tilespmem:s1+$0x300]  }
0x14b: {  	v63 =	vld [tilespmem:s1+$0x310];
	_ =	sdelay $0x2  }
0x14c: {  	v1 =	vmul.f32 v59, v1;
	v8 =	vmul.f32 v61, v60;
	_ =	sdelay $0x1  }
0x14d: {  	v1 =	vmul.f32 v62, v1;
	v2 =	vmul.f32 v63, v8  }
0x14e: {  	s1 =	spop (v2sf)  }
0x14f: {  	(v2sf) =	vpush v0, $0x8;
	s30 =	sshrl.u32 s1, $0x8;
	v1 =	vadd.f32 v2, v1  }
0x150: {  	s31 =	sand.u32 $0xE0, s1;
	s30 =	sand.u32 $0xE0, s30  }
0x151: {  	s31 =	sadd.s32 s28, s31;
	s30 =	sadd.s32 s28, s30;
	[tilespmem:s26+$0xFFFFFF70] =	vst v1  }
0x152: {  	s1 =	sshra.s32 s1, $0x10;
	s30 =	sadd.s32 $0x10800, s30;
	v1 =	vld [tilespmem:s31+$0xCB80]  }
0x153: {  	s1 =	sand.u32 $0xFFFFFFE0, s1;
	v9 =	vld [tilespmem:s30+$0x380]  }
0x154: {  	s1 =	sadd.s32 s28, s1;
	v10 =	vld [tilespmem:s31+$0xCB90]  }
0x155: {  	s1 =	sadd.s32 $0x14800, s1;
	v11 =	vld [tilespmem:s30+$0x390]  }
0x156: {  	v12 =	vld [tilespmem:s1+$0x380]  }
0x157: {  	v13 =	vld [tilespmem:s1+$0x390];
	_ =	sdelay $0x2  }
0x158: {  	v1 =	vmul.f32 v9, v1;
	v14 =	vmul.f32 v11, v10;
	_ =	sdelay $0x1  }
0x159: {  	v1 =	vmul.f32 v12, v1;
	v2 =	vmul.f32 v13, v14  }
0x15a: {  	(v2sf) =	vpush v0, $0x9  }
0x15b: {  	s1 =	spop (v2sf);
	v1 =	vadd.f32 v2, v1  }
0x15c: {  	s30 =	sand.u32 $0xE0, s1;
	s31 =	sshrl.u32 s1, $0x8  }
0x15d: {  	s30 =	sadd.s32 s28, s30;
	s31 =	sand.u32 $0xE0, s31;
	[tilespmem:s26+$0xFFFFFF80] =	vst v1  }
0x15e: {  	s1 =	sshra.s32 s1, $0x10;
	s31 =	sadd.s32 s28, s31;
	v1 =	vld [tilespmem:s30+$0xCC00]  }
0x15f: {  	s1 =	sand.u32 $0xFFFFFFE0, s1;
	v15 =	vld [tilespmem:s31+$0x10C00]  }
0x160: {  	s1 =	sadd.s32 s28, s1;
	v16 =	vld [tilespmem:s30+$0xCC10]  }
0x161: {  	s1 =	sadd.s32 $0x14800, s1;
	v17 =	vld [tilespmem:s31+$0x10C10]  }
0x162: {  	v18 =	vld [tilespmem:s1+$0x400]  }
0x163: {  	v19 =	vld [tilespmem:s1+$0x410];
	_ =	sdelay $0x2  }
0x164: {  	v1 =	vmul.f32 v15, v1;
	v20 =	vmul.f32 v17, v16;
	_ =	sdelay $0x1  }
0x165: {  	v1 =	vmul.f32 v18, v1;
	v2 =	vmul.f32 v19, v20  }
0x166: {  	s1 =	spop (v2sf)  }
0x167: {  	(v2sf) =	vpush v0, $0xA;
	s30 =	sshrl.u32 s1, $0x8;
	v1 =	vadd.f32 v2, v1  }
0x168: {  	s31 =	sand.u32 $0xE0, s1;
	s30 =	sand.u32 $0xE0, s30  }
0x169: {  	s31 =	sadd.s32 s28, s31;
	s30 =	sadd.s32 s28, s30;
	[tilespmem:s26+$0xFFFFFF90] =	vst v1  }
0x16a: {  	s1 =	sshra.s32 s1, $0x10;
	s30 =	sadd.s32 $0x10800, s30;
	v1 =	vld [tilespmem:s31+$0xCC80]  }
0x16b: {  	s1 =	sand.u32 $0xFFFFFFE0, s1;
	v21 =	vld [tilespmem:s30+$0x480]  }
0x16c: {  	s1 =	sadd.s32 s28, s1;
	v22 =	vld [tilespmem:s31+$0xCC90]  }
0x16d: {  	s1 =	sadd.s32 $0x14800, s1;
	v23 =	vld [tilespmem:s30+$0x490]  }
0x16e: {  	v24 =	vld [tilespmem:s1+$0x480]  }
0x16f: {  	v25 =	vld [tilespmem:s1+$0x490];
	_ =	sdelay $0x2  }
0x170: {  	v1 =	vmul.f32 v21, v1;
	v26 =	vmul.f32 v23, v22;
	_ =	sdelay $0x1  }
0x171: {  	v1 =	vmul.f32 v24, v1;
	v2 =	vmul.f32 v25, v26  }
0x172: {  	(v2sf) =	vpush v0, $0xB  }
0x173: {  	s1 =	spop (v2sf);
	v1 =	vadd.f32 v2, v1  }
0x174: {  	s30 =	sand.u32 $0xE0, s1;
	s31 =	sshrl.u32 s1, $0x8  }
0x175: {  	s30 =	sadd.s32 s28, s30;
	s31 =	sand.u32 $0xE0, s31;
	[tilespmem:s26+$0xFFFFFFA0] =	vst v1  }
0x176: {  	s1 =	sshra.s32 s1, $0x10;
	s31 =	sadd.s32 s28, s31;
	v1 =	vld [tilespmem:s30+$0xCD00]  }
0x177: {  	s1 =	sand.u32 $0xFFFFFFE0, s1;
	v27 =	vld [tilespmem:s31+$0x10D00]  }
0x178: {  	s1 =	sadd.s32 s28, s1;
	v28 =	vld [tilespmem:s30+$0xCD10]  }
0x179: {  	s1 =	sadd.s32 $0x14800, s1;
	v29 =	vld [tilespmem:s31+$0x10D10]  }
0x17a: {  	v30 =	vld [tilespmem:s1+$0x500]  }
0x17b: {  	v31 =	vld [tilespmem:s1+$0x510];
	_ =	sdelay $0x2  }
0x17c: {  	v1 =	vmul.f32 v27, v1;
	v32 =	vmul.f32 v29, v28;
	_ =	sdelay $0x1  }
0x17d: {  	v1 =	vmul.f32 v30, v1;
	v2 =	vmul.f32 v31, v32  }
0x17e: {  	s1 =	spop (v2sf)  }
0x17f: {  	(v2sf) =	vpush v0, $0xC;
	s30 =	sshrl.u32 s1, $0x8;
	v1 =	vadd.f32 v2, v1  }
0x180: {  	s31 =	sand.u32 $0xE0, s1;
	s30 =	sand.u32 $0xE0, s30  }
0x181: {  	s31 =	sadd.s32 s28, s31;
	s30 =	sadd.s32 s28, s30;
	[tilespmem:s26+$0xFFFFFFB0] =	vst v1  }
0x182: {  	s1 =	sshra.s32 s1, $0x10;
	s30 =	sadd.s32 $0x10800, s30;
	v1 =	vld [tilespmem:s31+$0xCD80]  }
0x183: {  	s1 =	sand.u32 $0xFFFFFFE0, s1;
	v33 =	vld [tilespmem:s30+$0x580]  }
0x184: {  	s1 =	sadd.s32 s28, s1;
	v34 =	vld [tilespmem:s31+$0xCD90]  }
0x185: {  	s1 =	sadd.s32 $0x14800, s1;
	v35 =	vld [tilespmem:s30+$0x590]  }
0x186: {  	v36 =	vld [tilespmem:s1+$0x580]  }
0x187: {  	v37 =	vld [tilespmem:s1+$0x590];
	_ =	sdelay $0x2  }
0x188: {  	v1 =	vmul.f32 v33, v1;
	v38 =	vmul.f32 v35, v34;
	_ =	sdelay $0x1  }
0x189: {  	v1 =	vmul.f32 v36, v1;
	v2 =	vmul.f32 v37, v38  }
0x18a: {  	(v2sf) =	vpush v0, $0xD  }
0x18b: {  	s1 =	spop (v2sf);
	v1 =	vadd.f32 v2, v1  }
0x18c: {  	s30 =	sand.u32 $0xE0, s1;
	s31 =	sshrl.u32 s1, $0x8  }
0x18d: {  	s30 =	sadd.s32 s28, s30;
	s31 =	sand.u32 $0xE0, s31;
	[tilespmem:s26+$0xFFFFFFC0] =	vst v1  }
0x18e: {  	s1 =	sshra.s32 s1, $0x10;
	s31 =	sadd.s32 s28, s31;
	v1 =	vld [tilespmem:s30+$0xCE00]  }
0x18f: {  	s1 =	sand.u32 $0xFFFFFFE0, s1;
	v39 =	vld [tilespmem:s31+$0x10E00]  }
0x190: {  	s1 =	sadd.s32 s28, s1;
	v40 =	vld [tilespmem:s30+$0xCE10]  }
0x191: {  	s1 =	sadd.s32 $0x14800, s1;
	v41 =	vld [tilespmem:s31+$0x10E10]  }
0x192: {  	v42 =	vld [tilespmem:s1+$0x600]  }
0x193: {  	v43 =	vld [tilespmem:s1+$0x610];
	_ =	sdelay $0x2  }
0x194: {  	v1 =	vmul.f32 v39, v1;
	v44 =	vmul.f32 v41, v40;
	_ =	sdelay $0x1  }
0x195: {  	v1 =	vmul.f32 v42, v1;
	v2 =	vmul.f32 v43, v44  }
0x196: {  	s1 =	spop (v2sf)  }
0x197: {  	(v2sf) =	vpush v0, $0xE;
	s30 =	sshrl.u32 s1, $0x8;
	v1 =	vadd.f32 v2, v1  }
0x198: {  	s31 =	sand.u32 $0xE0, s1;
	s30 =	sand.u32 $0xE0, s30  }
0x199: {  	s31 =	sadd.s32 s28, s31;
	s30 =	sadd.s32 s28, s30;
	[tilespmem:s26+$0xFFFFFFD0] =	vst v1  }
0x19a: {  	s1 =	sshra.s32 s1, $0x10;
	s30 =	sadd.s32 $0x10800, s30;
	v1 =	vld [tilespmem:s31+$0xCE80]  }
0x19b: {  	s1 =	sand.u32 $0xFFFFFFE0, s1;
	v45 =	vld [tilespmem:s30+$0x680]  }
0x19c: {  	s1 =	sadd.s32 s28, s1;
	v46 =	vld [tilespmem:s31+$0xCE90]  }
0x19d: {  	s1 =	sadd.s32 $0x14800, s1;
	v47 =	vld [tilespmem:s30+$0x690]  }
0x19e: {  	v48 =	vld [tilespmem:s1+$0x680]  }
0x19f: {  	v49 =	vld [tilespmem:s1+$0x690];
	_ =	sdelay $0x2  }
0x1a0: {  	v1 =	vmul.f32 v45, v1;
	v50 =	vmul.f32 v47, v46;
	_ =	sdelay $0x1  }
0x1a1: {  	v1 =	vmul.f32 v48, v1;
	v2 =	vmul.f32 v49, v50  }
0x1a2: {  	(v2sf) =	vpush v0, $0xF  }
0x1a3: {  	s1 =	spop (v2sf);
	v51 =	vadd.f32 v2, v1  }
0x1a4: {  	s30 =	sand.u32 $0xE0, s1;
	s31 =	sshrl.u32 s1, $0x8  }
0x1a5: {  	s30 =	sadd.s32 s28, s30;
	s31 =	sand.u32 $0xE0, s31;
	[tilespmem:s26+$0xFFFFFFE0] =	vst v51  }
0x1a6: {  	s1 =	sshra.s32 s1, $0x10;
	s31 =	sadd.s32 s28, s31;
	v0 =	vld [tilespmem:s30+$0xCF00]  }
0x1a7: {  	s1 =	sand.u32 $0xFFFFFFE0, s1;
	v52 =	vld [tilespmem:s31+$0x10F00]  }
0x1a8: {  	s1 =	sadd.s32 s28, s1;
	v53 =	vld [tilespmem:s30+$0xCF10]  }
0x1a9: {  	s1 =	sadd.s32 $0x14800, s1;
	v54 =	vld [tilespmem:s31+$0x10F10]  }
0x1aa: {  	v55 =	vld [tilespmem:s1+$0x700]  }
0x1ab: {  	v56 =	vld [tilespmem:s1+$0x710];
	_ =	sdelay $0x2  }
0x1ac: {  	v0 =	vmul.f32 v52, v0;
	v57 =	vmul.f32 v54, v53;
	_ =	sdelay $0x1  }
0x1ad: {  	v0 =	vmul.f32 v55, v0;
	v1 =	vmul.f32 v56, v57  }
0x1ae: {  	s1 =	spop (v2sf)  }
0x1af: {  	s30 =	sshrl.u32 s1, $0x8;
	v0 =	vadd.f32 v1, v0  }
0x1b0: {  	s31 =	sand.u32 $0xE0, s1;
	s30 =	sand.u32 $0xE0, s30  }
0x1b1: {  	s31 =	sadd.s32 s28, s31;
	s30 =	sadd.s32 s28, s30;
	[tilespmem:s26+$0xFFFFFFF0] =	vst v0  }
0x1b2: {  	s1 =	sshra.s32 s1, $0x10;
	s30 =	sadd.s32 $0x10800, s30;
	v0 =	vld [tilespmem:s31+$0xCF80]  }
0x1b3: {  	s1 =	sand.u32 $0xFFFFFFE0, s1;
	v58 =	vld [tilespmem:s30+$0x780]  }
0x1b4: {  	s1 =	sadd.s32 s28, s1;
	v59 =	vld [tilespmem:s31+$0xCF90]  }
0x1b5: {  	s1 =	sadd.s32 $0x14800, s1;
	v60 =	vld [tilespmem:s30+$0x790]  }
0x1b6: {  	v61 =	vld [tilespmem:s1+$0x780]  }
0x1b7: {  	v62 =	vld [tilespmem:s1+$0x790];
	_ =	sdelay $0x2  }
0x1b8: {  	v0 =	vmul.f32 v58, v0;
	v63 =	vmul.f32 v60, v59  }
0x1b9: {  	p0 =	sne.s32 s22, $0xE000  }
.Ltmp1:
0x1ba: {  	v0 =	vmul.f32 v61, v0;
	v1 =	vmul.f32 v62, v63;
	(pc) =	sbr.rel @p0 .LBB2_4-.Ltmp1, $3  }
0x1bb: {  	_ = 	snop  }
0x1bc: {  	v0 =	vadd.f32 v1, v0;
	_ =	sdelay $0x1  }
0x1bd: {  	s25 =	sadd.s32 $0x10, s25;
	s22 =	sadd.s32 $0x2000, s22;
	[tilespmem:s26+$0x0] =	vst v0;
	s26 =	sadd.s32 $0x100, s26  }
0x1be: {  	s1 =	simm.s32 $0x180  }
0x1bf: {  	[tilespmem:s19], [sflag:$0x2] =	stream.indirect.gather [hbm4b:s3+s12], $0x80, s1, s12, $0xb8;
	[tilespmem:$0x1A800] =	vst v63  }
0x1c0: {  	s30 =	simm.s32 $0x380  }
0x1c1: {  	[tilespmem:s21], [sflag:$0x2] =	stream.indirect.gather [hbm4b:s4+s12], $0x80, s30, s12, $0xb8;
	[tilespmem:$0x1A800] =	vst v63  }
0x1c2: {  	s31 =	simm.s32 $0x580  }
0x1c3: {  	[tilespmem:s23], [sflag:$0x2] =	stream.indirect.gather [hbm4b:s5+s12], $0x80, s31, s12, $0xb8;
	[tilespmem:$0x1A800] =	vst v63  }
0x1c4: {  	_ =	swait.ge [sflag:s24], $0x4000  }
0x1c5: {  	[sflag:s24] =	ssyncset.done $0x0  }
0x1c6: {  	[sflag:s24] =	ssyncadd.s32 $0xFFFFC000  }
0x1c7: {  	_ =	swait.ge [sflag:s24], $0x4000  }
0x1c8: {  	[sflag:s24] =	ssyncset.done $0x0  }
0x1c9: {  	[sflag:s24] =	ssyncadd.s32 $0xFFFFC000  }
0x1ca: {  	_ =	swait.ge [sflag:s24], $0x4000  }
0x1cb: {  	s22 =	simm.s32 $0x0;
	[sflag:s24] =	ssyncset.done $0x0  }
0x1cc: {  	s25 =	simm.s32 $0x700;
	s26 =	simm.s32 $0x198F0;
	[sflag:s24] =	ssyncadd.s32 $0xFFFFC000  }
.LBB2_6:
0x1cd: {  	v0 =	vld [tilespmem:s25+$0x0];
	_ =	sdelay $0x4  }
0x1ce: {  	(v2sf) =	vpush v0, $0x0;
	_ =	sdelay $0xe  }
0x1cf: {  	s1 =	spop (v2sf);
	(v2sf) =	vpush v0, $0x1  }
0x1d0: {  	s28 =	sshra.s32 s22, $0x2;
	s30 =	sand.u32 $0xE0, s1  }
0x1d1: {  	s31 =	sshrl.u32 s1, $0x8;
	s30 =	sadd.s32 s28, s30  }
0x1d2: {  	s31 =	sand.u32 $0xE0, s31;
	v1 =	vld [tilespmem:s30+$0x800]  }
0x1d3: {  	s1 =	sshra.s32 s1, $0x10;
	s31 =	sadd.s32 s28, s31;
	v3 =	vld [tilespmem:s30+$0x810]  }
0x1d4: {  	s1 =	sand.u32 $0xFFFFFFE0, s1;
	v2 =	vld [tilespmem:s31+$0x4800]  }
0x1d5: {  	s1 =	sadd.s32 s28, s1;
	v4 =	vld [tilespmem:s31+$0x4810]  }
0x1d6: {  	v5 =	vld [tilespmem:s1+$0x8800]  }
0x1d7: {  	v6 =	vld [tilespmem:s1+$0x8810];
	_ =	sdelay $0x2  }
0x1d8: {  	v1 =	vmul.f32 v2, v1;
	v28 =	vmul.f32 v4, v3;
	_ =	sdelay $0x1  }
0x1d9: {  	v1 =	vmul.f32 v5, v1;
	v2 =	vmul.f32 v6, v28;
	_ =	sdelay $0x1  }
0x1da: {  	v1 =	vadd.f32 v2, v1;
	s1 =	spop (v2sf);
	(v2sf) =	vpush v0, $0x2  }
0x1db: {  	s30 =	sand.u32 $0xE0, s1  }
0x1dc: {  	[tilespmem:s26+$0xFFFFFF10] =	vst v1;
	s31 =	sshrl.u32 s1, $0x8;
	s30 =	sadd.s32 s28, s30  }
0x1dd: {  	s31 =	sand.u32 $0xE0, s31;
	v1 =	vld [tilespmem:s30+$0x880]  }
0x1de: {  	s1 =	sshra.s32 s1, $0x10;
	s31 =	sadd.s32 s28, s31;
	v30 =	vld [tilespmem:s30+$0x890]  }
0x1df: {  	s1 =	sand.u32 $0xFFFFFFE0, s1;
	v29 =	vld [tilespmem:s31+$0x4880]  }
0x1e0: {  	s1 =	sadd.s32 s28, s1;
	v31 =	vld [tilespmem:s31+$0x4890]  }
0x1e1: {  	v32 =	vld [tilespmem:s1+$0x8880]  }
0x1e2: {  	v33 =	vld [tilespmem:s1+$0x8890];
	_ =	sdelay $0x2  }
0x1e3: {  	v1 =	vmul.f32 v29, v1;
	v34 =	vmul.f32 v31, v30;
	_ =	sdelay $0x1  }
0x1e4: {  	v1 =	vmul.f32 v32, v1;
	v2 =	vmul.f32 v33, v34;
	_ =	sdelay $0x1  }
0x1e5: {  	v1 =	vadd.f32 v2, v1;
	s1 =	spop (v2sf);
	(v2sf) =	vpush v0, $0x3  }
0x1e6: {  	s30 =	sand.u32 $0xE0, s1  }
0x1e7: {  	[tilespmem:s26+$0xFFFFFF20] =	vst v1;
	s31 =	sshrl.u32 s1, $0x8;
	s30 =	sadd.s32 s28, s30  }
0x1e8: {  	s31 =	sand.u32 $0xE0, s31;
	v1 =	vld [tilespmem:s30+$0x900]  }
0x1e9: {  	s1 =	sshra.s32 s1, $0x10;
	s31 =	sadd.s32 s28, s31;
	v36 =	vld [tilespmem:s30+$0x910]  }
0x1ea: {  	s1 =	sand.u32 $0xFFFFFFE0, s1;
	v35 =	vld [tilespmem:s31+$0x4900]  }
0x1eb: {  	s1 =	sadd.s32 s28, s1;
	v37 =	vld [tilespmem:s31+$0x4910]  }
0x1ec: {  	v38 =	vld [tilespmem:s1+$0x8900]  }
0x1ed: {  	v39 =	vld [tilespmem:s1+$0x8910];
	_ =	sdelay $0x2  }
0x1ee: {  	v1 =	vmul.f32 v35, v1;
	v40 =	vmul.f32 v37, v36;
	_ =	sdelay $0x1  }
0x1ef: {  	v1 =	vmul.f32 v38, v1;
	v2 =	vmul.f32 v39, v40;
	_ =	sdelay $0x1  }
0x1f0: {  	v1 =	vadd.f32 v2, v1;
	s1 =	spop (v2sf);
	(v2sf) =	vpush v0, $0x4  }
0x1f1: {  	s30 =	sand.u32 $0xE0, s1  }
0x1f2: {  	[tilespmem:s26+$0xFFFFFF30] =	vst v1;
	s31 =	sshrl.u32 s1, $0x8;
	s30 =	sadd.s32 s28, s30  }
0x1f3: {  	s31 =	sand.u32 $0xE0, s31;
	v1 =	vld [tilespmem:s30+$0x980]  }
0x1f4: {  	s1 =	sshra.s32 s1, $0x10;
	s31 =	sadd.s32 s28, s31;
	v42 =	vld [tilespmem:s30+$0x990]  }
0x1f5: {  	s1 =	sand.u32 $0xFFFFFFE0, s1;
	v41 =	vld [tilespmem:s31+$0x4980]  }
0x1f6: {  	s1 =	sadd.s32 s28, s1;
	v43 =	vld [tilespmem:s31+$0x4990]  }
0x1f7: {  	v44 =	vld [tilespmem:s1+$0x8980]  }
0x1f8: {  	v45 =	vld [tilespmem:s1+$0x8990];
	_ =	sdelay $0x2  }
0x1f9: {  	v1 =	vmul.f32 v41, v1;
	v46 =	vmul.f32 v43, v42;
	_ =	sdelay $0x1  }
0x1fa: {  	v1 =	vmul.f32 v44, v1;
	v2 =	vmul.f32 v45, v46;
	_ =	sdelay $0x1  }
0x1fb: {  	v1 =	vadd.f32 v2, v1;
	s1 =	spop (v2sf);
	(v2sf) =	vpush v0, $0x5  }
0x1fc: {  	s30 =	sand.u32 $0xE0, s1  }
0x1fd: {  	[tilespmem:s26+$0xFFFFFF40] =	vst v1;
	s31 =	sshrl.u32 s1, $0x8;
	s30 =	sadd.s32 s28, s30  }
0x1fe: {  	s31 =	sand.u32 $0xE0, s31;
	v1 =	vld [tilespmem:s30+$0xA00]  }
0x1ff: {  	s1 =	sshra.s32 s1, $0x10;
	s31 =	sadd.s32 s28, s31;
	v48 =	vld [tilespmem:s30+$0xA10]  }
0x200: {  	s1 =	sand.u32 $0xFFFFFFE0, s1;
	v47 =	vld [tilespmem:s31+$0x4A00]  }
0x201: {  	s1 =	sadd.s32 s28, s1;
	v49 =	vld [tilespmem:s31+$0x4A10]  }
0x202: {  	v50 =	vld [tilespmem:s1+$0x8A00]  }
0x203: {  	v51 =	vld [tilespmem:s1+$0x8A10];
	_ =	sdelay $0x2  }
0x204: {  	v1 =	vmul.f32 v47, v1;
	v52 =	vmul.f32 v49, v48;
	_ =	sdelay $0x1  }
0x205: {  	v1 =	vmul.f32 v50, v1;
	v2 =	vmul.f32 v51, v52;
	_ =	sdelay $0x1  }
0x206: {  	v1 =	vadd.f32 v2, v1;
	s1 =	spop (v2sf);
	(v2sf) =	vpush v0, $0x6  }
0x207: {  	s30 =	sand.u32 $0xE0, s1  }
0x208: {  	[tilespmem:s26+$0xFFFFFF50] =	vst v1;
	s31 =	sshrl.u32 s1, $0x8;
	s30 =	sadd.s32 s28, s30  }
0x209: {  	s31 =	sand.u32 $0xE0, s31;
	v1 =	vld [tilespmem:s30+$0xA80]  }
0x20a: {  	s1 =	sshra.s32 s1, $0x10;
	s31 =	sadd.s32 s28, s31;
	v54 =	vld [tilespmem:s30+$0xA90]  }
0x20b: {  	s1 =	sand.u32 $0xFFFFFFE0, s1;
	v53 =	vld [tilespmem:s31+$0x4A80]  }
0x20c: {  	s1 =	sadd.s32 s28, s1;
	v55 =	vld [tilespmem:s31+$0x4A90]  }
0x20d: {  	v56 =	vld [tilespmem:s1+$0x8A80]  }
0x20e: {  	v57 =	vld [tilespmem:s1+$0x8A90];
	_ =	sdelay $0x2  }
0x20f: {  	v1 =	vmul.f32 v53, v1;
	v58 =	vmul.f32 v55, v54;
	_ =	sdelay $0x1  }
0x210: {  	v1 =	vmul.f32 v56, v1;
	v2 =	vmul.f32 v57, v58;
	_ =	sdelay $0x1  }
0x211: {  	v1 =	vadd.f32 v2, v1;
	s1 =	spop (v2sf);
	(v2sf) =	vpush v0, $0x7  }
0x212: {  	s30 =	sand.u32 $0xE0, s1  }
0x213: {  	[tilespmem:s26+$0xFFFFFF60] =	vst v1;
	s31 =	sshrl.u32 s1, $0x8;
	s30 =	sadd.s32 s28, s30  }
0x214: {  	s31 =	sand.u32 $0xE0, s31;
	v1 =	vld [tilespmem:s30+$0xB00]  }
0x215: {  	s1 =	sshra.s32 s1, $0x10;
	s31 =	sadd.s32 s28, s31;
	v60 =	vld [tilespmem:s30+$0xB10]  }
0x216: {  	s1 =	sand.u32 $0xFFFFFFE0, s1;
	v59 =	vld [tilespmem:s31+$0x4B00]  }
0x217: {  	s1 =	sadd.s32 s28, s1;
	v61 =	vld [tilespmem:s31+$0x4B10]  }
0x218: {  	v62 =	vld [tilespmem:s1+$0x8B00]  }
0x219: {  	v63 =	vld [tilespmem:s1+$0x8B10];
	_ =	sdelay $0x2  }
0x21a: {  	v1 =	vmul.f32 v59, v1;
	v9 =	vmul.f32 v61, v60;
	_ =	sdelay $0x1  }
0x21b: {  	v1 =	vmul.f32 v62, v1;
	v2 =	vmul.f32 v63, v9;
	_ =	sdelay $0x1  }
0x21c: {  	v1 =	vadd.f32 v2, v1;
	s1 =	spop (v2sf);
	(v2sf) =	vpush v0, $0x8  }
0x21d: {  	s30 =	sand.u32 $0xE0, s1  }
0x21e: {  	[tilespmem:s26+$0xFFFFFF70] =	vst v1;
	s31 =	sshrl.u32 s1, $0x8;
	s30 =	sadd.s32 s28, s30  }
0x21f: {  	s31 =	sand.u32 $0xE0, s31;
	v1 =	vld [tilespmem:s30+$0xB80]  }
0x220: {  	s1 =	sshra.s32 s1, $0x10;
	s31 =	sadd.s32 s28, s31;
	v11 =	vld [tilespmem:s30+$0xB90]  }
0x221: {  	s1 =	sand.u32 $0xFFFFFFE0, s1;
	v10 =	vld [tilespmem:s31+$0x4B80]  }
0x222: {  	s1 =	sadd.s32 s28, s1;
	v12 =	vld [tilespmem:s31+$0x4B90]  }
0x223: {  	v13 =	vld [tilespmem:s1+$0x8B80]  }
0x224: {  	v14 =	vld [tilespmem:s1+$0x8B90];
	_ =	sdelay $0x2  }
0x225: {  	v1 =	vmul.f32 v10, v1;
	v15 =	vmul.f32 v12, v11;
	_ =	sdelay $0x1  }
0x226: {  	v1 =	vmul.f32 v13, v1;
	v2 =	vmul.f32 v14, v15;
	_ =	sdelay $0x1  }
0x227: {  	v1 =	vadd.f32 v2, v1;
	s1 =	spop (v2sf);
	(v2sf) =	vpush v0, $0x9  }
0x228: {  	s30 =	sand.u32 $0xE0, s1  }
0x229: {  	[tilespmem:s26+$0xFFFFFF80] =	vst v1;
	s31 =	sshrl.u32 s1, $0x8;
	s30 =	sadd.s32 s28, s30  }
0x22a: {  	s31 =	sand.u32 $0xE0, s31;
	v1 =	vld [tilespmem:s30+$0xC00]  }
0x22b: {  	s1 =	sshra.s32 s1, $0x10;
	s31 =	sadd.s32 s28, s31;
	v17 =	vld [tilespmem:s30+$0xC10]  }
0x22c: {  	s1 =	sand.u32 $0xFFFFFFE0, s1;
	v16 =	vld [tilespmem:s31+$0x4C00]  }
0x22d: {  	s1 =	sadd.s32 s28, s1;
	v18 =	vld [tilespmem:s31+$0x4C10]  }
0x22e: {  	v19 =	vld [tilespmem:s1+$0x8C00]  }
0x22f: {  	v20 =	vld [tilespmem:s1+$0x8C10];
	_ =	sdelay $0x2  }
0x230: {  	v1 =	vmul.f32 v16, v1;
	v21 =	vmul.f32 v18, v17;
	_ =	sdelay $0x1  }
0x231: {  	v1 =	vmul.f32 v19, v1;
	v2 =	vmul.f32 v20, v21;
	_ =	sdelay $0x1  }
0x232: {  	v1 =	vadd.f32 v2, v1;
	s1 =	spop (v2sf);
	(v2sf) =	vpush v0, $0xA  }
0x233: {  	s30 =	sand.u32 $0xE0, s1  }
0x234: {  	[tilespmem:s26+$0xFFFFFF90] =	vst v1;
	s31 =	sshrl.u32 s1, $0x8;
	s30 =	sadd.s32 s28, s30  }
0x235: {  	s31 =	sand.u32 $0xE0, s31;
	v1 =	vld [tilespmem:s30+$0xC80]  }
0x236: {  	s1 =	sshra.s32 s1, $0x10;
	s31 =	sadd.s32 s28, s31;
	v23 =	vld [tilespmem:s30+$0xC90]  }
0x237: {  	s1 =	sand.u32 $0xFFFFFFE0, s1;
	v22 =	vld [tilespmem:s31+$0x4C80]  }
0x238: {  	s1 =	sadd.s32 s28, s1;
	v24 =	vld [tilespmem:s31+$0x4C90]  }
0x239: {  	v25 =	vld [tilespmem:s1+$0x8C80]  }
0x23a: {  	v26 =	vld [tilespmem:s1+$0x8C90];
	_ =	sdelay $0x2  }
0x23b: {  	v1 =	vmul.f32 v22, v1;
	v27 =	vmul.f32 v24, v23;
	_ =	sdelay $0x1  }
0x23c: {  	v1 =	vmul.f32 v25, v1;
	v2 =	vmul.f32 v26, v27;
	_ =	sdelay $0x1  }
0x23d: {  	v1 =	vadd.f32 v2, v1;
	s1 =	spop (v2sf);
	(v2sf) =	vpush v0, $0xB  }
0x23e: {  	s30 =	sand.u32 $0xE0, s1  }
0x23f: {  	[tilespmem:s26+$0xFFFFFFA0] =	vst v1;
	s31 =	sshrl.u32 s1, $0x8;
	s30 =	sadd.s32 s28, s30  }
0x240: {  	s31 =	sand.u32 $0xE0, s31;
	v1 =	vld [tilespmem:s30+$0xD00]  }
0x241: {  	s1 =	sshra.s32 s1, $0x10;
	s31 =	sadd.s32 s28, s31;
	v29 =	vld [tilespmem:s30+$0xD10]  }
0x242: {  	s1 =	sand.u32 $0xFFFFFFE0, s1;
	v28 =	vld [tilespmem:s31+$0x4D00]  }
0x243: {  	s1 =	sadd.s32 s28, s1;
	v30 =	vld [tilespmem:s31+$0x4D10]  }
0x244: {  	v31 =	vld [tilespmem:s1+$0x8D00]  }
0x245: {  	v32 =	vld [tilespmem:s1+$0x8D10];
	_ =	sdelay $0x2  }
0x246: {  	v1 =	vmul.f32 v28, v1;
	v33 =	vmul.f32 v30, v29;
	_ =	sdelay $0x1  }
0x247: {  	v1 =	vmul.f32 v31, v1;
	v2 =	vmul.f32 v32, v33;
	_ =	sdelay $0x1  }
0x248: {  	v1 =	vadd.f32 v2, v1;
	s1 =	spop (v2sf);
	(v2sf) =	vpush v0, $0xC  }
0x249: {  	s30 =	sand.u32 $0xE0, s1  }
0x24a: {  	[tilespmem:s26+$0xFFFFFFB0] =	vst v1;
	s31 =	sshrl.u32 s1, $0x8;
	s30 =	sadd.s32 s28, s30  }
0x24b: {  	s31 =	sand.u32 $0xE0, s31;
	v1 =	vld [tilespmem:s30+$0xD80]  }
0x24c: {  	s1 =	sshra.s32 s1, $0x10;
	s31 =	sadd.s32 s28, s31;
	v35 =	vld [tilespmem:s30+$0xD90]  }
0x24d: {  	s1 =	sand.u32 $0xFFFFFFE0, s1;
	v34 =	vld [tilespmem:s31+$0x4D80]  }
0x24e: {  	s1 =	sadd.s32 s28, s1;
	v36 =	vld [tilespmem:s31+$0x4D90]  }
0x24f: {  	v37 =	vld [tilespmem:s1+$0x8D80]  }
0x250: {  	v38 =	vld [tilespmem:s1+$0x8D90];
	_ =	sdelay $0x2  }
0x251: {  	v1 =	vmul.f32 v34, v1;
	v39 =	vmul.f32 v36, v35;
	_ =	sdelay $0x1  }
0x252: {  	v1 =	vmul.f32 v37, v1;
	v2 =	vmul.f32 v38, v39;
	_ =	sdelay $0x1  }
0x253: {  	v1 =	vadd.f32 v2, v1;
	s1 =	spop (v2sf);
	(v2sf) =	vpush v0, $0xD  }
0x254: {  	s30 =	sand.u32 $0xE0, s1  }
0x255: {  	[tilespmem:s26+$0xFFFFFFC0] =	vst v1;
	s31 =	sshrl.u32 s1, $0x8;
	s30 =	sadd.s32 s28, s30  }
0x256: {  	s31 =	sand.u32 $0xE0, s31;
	v1 =	vld [tilespmem:s30+$0xE00]  }
0x257: {  	s1 =	sshra.s32 s1, $0x10;
	s31 =	sadd.s32 s28, s31;
	v41 =	vld [tilespmem:s30+$0xE10]  }
0x258: {  	s1 =	sand.u32 $0xFFFFFFE0, s1;
	v40 =	vld [tilespmem:s31+$0x4E00]  }
0x259: {  	s1 =	sadd.s32 s28, s1;
	v42 =	vld [tilespmem:s31+$0x4E10]  }
0x25a: {  	v43 =	vld [tilespmem:s1+$0x8E00]  }
0x25b: {  	v44 =	vld [tilespmem:s1+$0x8E10];
	_ =	sdelay $0x2  }
0x25c: {  	v1 =	vmul.f32 v40, v1;
	v45 =	vmul.f32 v42, v41;
	_ =	sdelay $0x1  }
0x25d: {  	v1 =	vmul.f32 v43, v1;
	v2 =	vmul.f32 v44, v45;
	_ =	sdelay $0x1  }
0x25e: {  	v1 =	vadd.f32 v2, v1;
	s1 =	spop (v2sf);
	(v2sf) =	vpush v0, $0xE  }
0x25f: {  	s30 =	sand.u32 $0xE0, s1  }
0x260: {  	[tilespmem:s26+$0xFFFFFFD0] =	vst v1;
	s31 =	sshrl.u32 s1, $0x8;
	s30 =	sadd.s32 s28, s30  }
0x261: {  	s31 =	sand.u32 $0xE0, s31;
	v1 =	vld [tilespmem:s30+$0xE80]  }
0x262: {  	s1 =	sshra.s32 s1, $0x10;
	s31 =	sadd.s32 s28, s31;
	v47 =	vld [tilespmem:s30+$0xE90]  }
0x263: {  	s1 =	sand.u32 $0xFFFFFFE0, s1;
	v46 =	vld [tilespmem:s31+$0x4E80]  }
0x264: {  	s1 =	sadd.s32 s28, s1;
	v48 =	vld [tilespmem:s31+$0x4E90]  }
0x265: {  	v49 =	vld [tilespmem:s1+$0x8E80]  }
0x266: {  	v50 =	vld [tilespmem:s1+$0x8E90];
	_ =	sdelay $0x2  }
0x267: {  	v1 =	vmul.f32 v46, v1;
	v51 =	vmul.f32 v48, v47;
	_ =	sdelay $0x1  }
0x268: {  	v1 =	vmul.f32 v49, v1;
	v2 =	vmul.f32 v50, v51;
	_ =	sdelay $0x1  }
0x269: {  	v1 =	vadd.f32 v2, v1;
	s1 =	spop (v2sf);
	(v2sf) =	vpush v0, $0xF  }
0x26a: {  	s30 =	sand.u32 $0xE0, s1  }
0x26b: {  	[tilespmem:s26+$0xFFFFFFE0] =	vst v1;
	s31 =	sshrl.u32 s1, $0x8;
	s30 =	sadd.s32 s28, s30  }
0x26c: {  	s31 =	sand.u32 $0xE0, s31;
	v52 =	vld [tilespmem:s30+$0xF00]  }
0x26d: {  	s1 =	sshra.s32 s1, $0x10;
	s31 =	sadd.s32 s28, s31;
	v53 =	vld [tilespmem:s30+$0xF10]  }
0x26e: {  	s1 =	sand.u32 $0xFFFFFFE0, s1;
	v1 =	vld [tilespmem:s31+$0x4F00]  }
0x26f: {  	s1 =	sadd.s32 s28, s1;
	v54 =	vld [tilespmem:s31+$0x4F10]  }
0x270: {  	v55 =	vld [tilespmem:s1+$0x8F00]  }
0x271: {  	v56 =	vld [tilespmem:s1+$0x8F10];
	_ =	sdelay $0x2  }
0x272: {  	v0 =	vmul.f32 v1, v52;
	v57 =	vmul.f32 v54, v53;
	_ =	sdelay $0x1  }
0x273: {  	v0 =	vmul.f32 v55, v0;
	v1 =	vmul.f32 v56, v57;
	_ =	sdelay $0x1  }
0x274: {  	v0 =	vadd.f32 v1, v0;
	s1 =	spop (v2sf)  }
0x275: {  	s30 =	sand.u32 $0xE0, s1  }
0x276: {  	[tilespmem:s26+$0xFFFFFFF0] =	vst v0;
	s31 =	sshrl.u32 s1, $0x8;
	s30 =	sadd.s32 s28, s30  }
0x277: {  	s31 =	sand.u32 $0xE0, s31;
	v0 =	vld [tilespmem:s30+$0xF80]  }
0x278: {  	s1 =	sshra.s32 s1, $0x10;
	s31 =	sadd.s32 s28, s31;
	v59 =	vld [tilespmem:s30+$0xF90]  }
0x279: {  	s1 =	sand.u32 $0xFFFFFFE0, s1;
	v58 =	vld [tilespmem:s31+$0x4F80]  }
0x27a: {  	s1 =	sadd.s32 s28, s1;
	v60 =	vld [tilespmem:s31+$0x4F90]  }
0x27b: {  	v61 =	vld [tilespmem:s1+$0x8F80]  }
0x27c: {  	v62 =	vld [tilespmem:s1+$0x8F90];
	_ =	sdelay $0x2  }
0x27d: {  	v0 =	vmul.f32 v58, v0;
	v63 =	vmul.f32 v60, v59  }
0x27e: {  	p0 =	sne.s32 s22, $0xE000  }
.Ltmp2:
0x27f: {  	v0 =	vmul.f32 v61, v0;
	v1 =	vmul.f32 v62, v63;
	(pc) =	sbr.rel @p0 .LBB2_6-.Ltmp2, $3  }
0x280: {  	_ = 	snop  }
0x281: {  	v0 =	vadd.f32 v1, v0;
	_ =	sdelay $0x1  }
0x282: {  	s25 =	sadd.s32 $0x10, s25;
	s22 =	sadd.s32 $0x2000, s22;
	[tilespmem:s26+$0x0] =	vst v0;
	s26 =	sadd.s32 $0x100, s26  }
0x283: {  	_ =	swait.ge [sflag:s29], $0x4000  }
0x284: {  	[sflag:s29] =	ssyncset.done $0x0  }
0x285: {  	[sflag:s29] =	ssyncadd.s32 $0xFFFFC000  }
0x286: {  	_ =	swait.ge [sflag:s29], $0x4000  }
0x287: {  	[sflag:s29] =	ssyncset.done $0x0  }
0x288: {  	[sflag:s29] =	ssyncadd.s32 $0xFFFFC000  }
0x289: {  	_ =	swait.ge [sflag:s29], $0x4000  }
0x28a: {  	s22 =	simm.s32 $0x0;
	[sflag:s29] =	ssyncset.done $0x0  }
0x28b: {  	s25 =	simm.s32 $0x780;
	s26 =	simm.s32 $0x1A0F0;
	[sflag:s29] =	ssyncadd.s32 $0xFFFFC000  }
.LBB2_8:
0x28c: {  	v0 =	vld [tilespmem:s25+$0x0];
	_ =	sdelay $0x4  }
0x28d: {  	(v2sf) =	vpush v0, $0x0;
	_ =	sdelay $0xd  }
0x28e: {  	(v2sf) =	vpush v0, $0x1  }
0x28f: {  	s1 =	spop (v2sf)  }
0x290: {  	s28 =	sshra.s32 s22, $0x2;
	s30 =	sand.u32 $0xE0, s1  }
0x291: {  	s31 =	sshrl.u32 s1, $0x8;
	s30 =	sadd.s32 s28, s30  }
0x292: {  	s31 =	sand.u32 $0xE0, s31;
	v1 =	vld [tilespmem:s30+$0xC800]  }
0x293: {  	s1 =	sshra.s32 s1, $0x10;
	s31 =	sadd.s32 s28, s31;
	v3 =	vld [tilespmem:s30+$0xC810]  }
0x294: {  	s1 =	sand.u32 $0xFFFFFFE0, s1;
	v2 =	vld [tilespmem:s31+$0x10800]  }
0x295: {  	s1 =	sadd.s32 s28, s1;
	v4 =	vld [tilespmem:s31+$0x10810]  }
0x296: {  	s31 =	sadd.s32 $0x14800, s1;
	v5 =	vld [tilespmem:s1+$0x14800]  }
0x297: {  	v6 =	vld [tilespmem:s31+$0x10];
	_ =	sdelay $0x2  }
0x298: {  	v1 =	vmul.f32 v2, v1;
	v28 =	vmul.f32 v4, v3;
	_ =	sdelay $0x1  }
0x299: {  	v1 =	vmul.f32 v5, v1;
	v2 =	vmul.f32 v6, v28  }
0x29a: {  	s1 =	spop (v2sf)  }
0x29b: {  	(v2sf) =	vpush v0, $0x2;
	s30 =	sshrl.u32 s1, $0x8;
	v1 =	vadd.f32 v2, v1  }
0x29c: {  	s31 =	sand.u32 $0xE0, s1;
	s30 =	sand.u32 $0xE0, s30  }
0x29d: {  	s31 =	sadd.s32 s28, s31;
	s30 =	sadd.s32 s28, s30;
	[tilespmem:s26+$0xFFFFFF10] =	vst v1  }
0x29e: {  	s1 =	sshra.s32 s1, $0x10;
	s30 =	sadd.s32 $0x10800, s30;
	v1 =	vld [tilespmem:s31+$0xC880]  }
0x29f: {  	s1 =	sand.u32 $0xFFFFFFE0, s1;
	v29 =	vld [tilespmem:s30+$0x80]  }
0x2a0: {  	s1 =	sadd.s32 s28, s1;
	v30 =	vld [tilespmem:s31+$0xC890]  }
0x2a1: {  	s1 =	sadd.s32 $0x14800, s1;
	v31 =	vld [tilespmem:s30+$0x90]  }
0x2a2: {  	v32 =	vld [tilespmem:s1+$0x80]  }
0x2a3: {  	v33 =	vld [tilespmem:s1+$0x90];
	_ =	sdelay $0x2  }
0x2a4: {  	v1 =	vmul.f32 v29, v1;
	v34 =	vmul.f32 v31, v30;
	_ =	sdelay $0x1  }
0x2a5: {  	v1 =	vmul.f32 v32, v1;
	v2 =	vmul.f32 v33, v34  }
0x2a6: {  	(v2sf) =	vpush v0, $0x3  }
0x2a7: {  	s1 =	spop (v2sf);
	v1 =	vadd.f32 v2, v1  }
0x2a8: {  	s30 =	sand.u32 $0xE0, s1;
	s31 =	sshrl.u32 s1, $0x8  }
0x2a9: {  	s30 =	sadd.s32 s28, s30;
	s31 =	sand.u32 $0xE0, s31;
	[tilespmem:s26+$0xFFFFFF20] =	vst v1  }
0x2aa: {  	s1 =	sshra.s32 s1, $0x10;
	s31 =	sadd.s32 s28, s31;
	v1 =	vld [tilespmem:s30+$0xC900]  }
0x2ab: {  	s1 =	sand.u32 $0xFFFFFFE0, s1;
	v35 =	vld [tilespmem:s31+$0x10900]  }
0x2ac: {  	s1 =	sadd.s32 s28, s1;
	v36 =	vld [tilespmem:s30+$0xC910]  }
0x2ad: {  	s1 =	sadd.s32 $0x14800, s1;
	v37 =	vld [tilespmem:s31+$0x10910]  }
0x2ae: {  	v38 =	vld [tilespmem:s1+$0x100]  }
0x2af: {  	v39 =	vld [tilespmem:s1+$0x110];
	_ =	sdelay $0x2  }
0x2b0: {  	v1 =	vmul.f32 v35, v1;
	v40 =	vmul.f32 v37, v36;
	_ =	sdelay $0x1  }
0x2b1: {  	v1 =	vmul.f32 v38, v1;
	v2 =	vmul.f32 v39, v40  }
0x2b2: {  	s1 =	spop (v2sf)  }
0x2b3: {  	(v2sf) =	vpush v0, $0x4;
	s30 =	sshrl.u32 s1, $0x8;
	v1 =	vadd.f32 v2, v1  }
0x2b4: {  	s31 =	sand.u32 $0xE0, s1;
	s30 =	sand.u32 $0xE0, s30  }
0x2b5: {  	s31 =	sadd.s32 s28, s31;
	s30 =	sadd.s32 s28, s30;
	[tilespmem:s26+$0xFFFFFF30] =	vst v1  }
0x2b6: {  	s1 =	sshra.s32 s1, $0x10;
	s30 =	sadd.s32 $0x10800, s30;
	v1 =	vld [tilespmem:s31+$0xC980]  }
0x2b7: {  	s1 =	sand.u32 $0xFFFFFFE0, s1;
	v41 =	vld [tilespmem:s30+$0x180]  }
0x2b8: {  	s1 =	sadd.s32 s28, s1;
	v42 =	vld [tilespmem:s31+$0xC990]  }
0x2b9: {  	s1 =	sadd.s32 $0x14800, s1;
	v43 =	vld [tilespmem:s30+$0x190]  }
0x2ba: {  	v44 =	vld [tilespmem:s1+$0x180]  }
0x2bb: {  	v45 =	vld [tilespmem:s1+$0x190];
	_ =	sdelay $0x2  }
0x2bc: {  	v1 =	vmul.f32 v41, v1;
	v46 =	vmul.f32 v43, v42;
	_ =	sdelay $0x1  }
0x2bd: {  	v1 =	vmul.f32 v44, v1;
	v2 =	vmul.f32 v45, v46  }
0x2be: {  	(v2sf) =	vpush v0, $0x5  }
0x2bf: {  	s1 =	spop (v2sf);
	v1 =	vadd.f32 v2, v1  }
0x2c0: {  	s30 =	sand.u32 $0xE0, s1;
	s31 =	sshrl.u32 s1, $0x8  }
0x2c1: {  	s30 =	sadd.s32 s28, s30;
	s31 =	sand.u32 $0xE0, s31;
	[tilespmem:s26+$0xFFFFFF40] =	vst v1  }
0x2c2: {  	s1 =	sshra.s32 s1, $0x10;
	s31 =	sadd.s32 s28, s31;
	v1 =	vld [tilespmem:s30+$0xCA00]  }
0x2c3: {  	s1 =	sand.u32 $0xFFFFFFE0, s1;
	v47 =	vld [tilespmem:s31+$0x10A00]  }
0x2c4: {  	s1 =	sadd.s32 s28, s1;
	v48 =	vld [tilespmem:s30+$0xCA10]  }
0x2c5: {  	s1 =	sadd.s32 $0x14800, s1;
	v49 =	vld [tilespmem:s31+$0x10A10]  }
0x2c6: {  	v50 =	vld [tilespmem:s1+$0x200]  }
0x2c7: {  	v51 =	vld [tilespmem:s1+$0x210];
	_ =	sdelay $0x2  }
0x2c8: {  	v1 =	vmul.f32 v47, v1;
	v52 =	vmul.f32 v49, v48;
	_ =	sdelay $0x1  }
0x2c9: {  	v1 =	vmul.f32 v50, v1;
	v2 =	vmul.f32 v51, v52  }
0x2ca: {  	s1 =	spop (v2sf)  }
0x2cb: {  	(v2sf) =	vpush v0, $0x6;
	s30 =	sshrl.u32 s1, $0x8;
	v1 =	vadd.f32 v2, v1  }
0x2cc: {  	s31 =	sand.u32 $0xE0, s1;
	s30 =	sand.u32 $0xE0, s30  }
0x2cd: {  	s31 =	sadd.s32 s28, s31;
	s30 =	sadd.s32 s28, s30;
	[tilespmem:s26+$0xFFFFFF50] =	vst v1  }
0x2ce: {  	s1 =	sshra.s32 s1, $0x10;
	s30 =	sadd.s32 $0x10800, s30;
	v1 =	vld [tilespmem:s31+$0xCA80]  }
0x2cf: {  	s1 =	sand.u32 $0xFFFFFFE0, s1;
	v53 =	vld [tilespmem:s30+$0x280]  }
0x2d0: {  	s1 =	sadd.s32 s28, s1;
	v54 =	vld [tilespmem:s31+$0xCA90]  }
0x2d1: {  	s1 =	sadd.s32 $0x14800, s1;
	v55 =	vld [tilespmem:s30+$0x290]  }
0x2d2: {  	v56 =	vld [tilespmem:s1+$0x280]  }
0x2d3: {  	v57 =	vld [tilespmem:s1+$0x290];
	_ =	sdelay $0x2  }
0x2d4: {  	v1 =	vmul.f32 v53, v1;
	v58 =	vmul.f32 v55, v54;
	_ =	sdelay $0x1  }
0x2d5: {  	v1 =	vmul.f32 v56, v1;
	v2 =	vmul.f32 v57, v58  }
0x2d6: {  	(v2sf) =	vpush v0, $0x7  }
0x2d7: {  	s1 =	spop (v2sf);
	v1 =	vadd.f32 v2, v1  }
0x2d8: {  	s30 =	sand.u32 $0xE0, s1;
	s31 =	sshrl.u32 s1, $0x8  }
0x2d9: {  	s30 =	sadd.s32 s28, s30;
	s31 =	sand.u32 $0xE0, s31;
	[tilespmem:s26+$0xFFFFFF60] =	vst v1  }
0x2da: {  	s1 =	sshra.s32 s1, $0x10;
	s31 =	sadd.s32 s28, s31;
	v1 =	vld [tilespmem:s30+$0xCB00]  }
0x2db: {  	s1 =	sand.u32 $0xFFFFFFE0, s1;
	v59 =	vld [tilespmem:s31+$0x10B00]  }
0x2dc: {  	s1 =	sadd.s32 s28, s1;
	v60 =	vld [tilespmem:s30+$0xCB10]  }
0x2dd: {  	s1 =	sadd.s32 $0x14800, s1;
	v61 =	vld [tilespmem:s31+$0x10B10]  }
0x2de: {  	v62 =	vld [tilespmem:s1+$0x300]  }
0x2df: {  	v63 =	vld [tilespmem:s1+$0x310];
	_ =	sdelay $0x2  }
0x2e0: {  	v1 =	vmul.f32 v59, v1;
	v8 =	vmul.f32 v61, v60;
	_ =	sdelay $0x1  }
0x2e1: {  	v1 =	vmul.f32 v62, v1;
	v2 =	vmul.f32 v63, v8  }
0x2e2: {  	s1 =	spop (v2sf)  }
0x2e3: {  	(v2sf) =	vpush v0, $0x8;
	s30 =	sshrl.u32 s1, $0x8;
	v1 =	vadd.f32 v2, v1  }
0x2e4: {  	s31 =	sand.u32 $0xE0, s1;
	s30 =	sand.u32 $0xE0, s30  }
0x2e5: {  	s31 =	sadd.s32 s28, s31;
	s30 =	sadd.s32 s28, s30;
	[tilespmem:s26+$0xFFFFFF70] =	vst v1  }
0x2e6: {  	s1 =	sshra.s32 s1, $0x10;
	s30 =	sadd.s32 $0x10800, s30;
	v1 =	vld [tilespmem:s31+$0xCB80]  }
0x2e7: {  	s1 =	sand.u32 $0xFFFFFFE0, s1;
	v9 =	vld [tilespmem:s30+$0x380]  }
0x2e8: {  	s1 =	sadd.s32 s28, s1;
	v10 =	vld [tilespmem:s31+$0xCB90]  }
0x2e9: {  	s1 =	sadd.s32 $0x14800, s1;
	v11 =	vld [tilespmem:s30+$0x390]  }
0x2ea: {  	v12 =	vld [tilespmem:s1+$0x380]  }
0x2eb: {  	v13 =	vld [tilespmem:s1+$0x390];
	_ =	sdelay $0x2  }
0x2ec: {  	v1 =	vmul.f32 v9, v1;
	v14 =	vmul.f32 v11, v10;
	_ =	sdelay $0x1  }
0x2ed: {  	v1 =	vmul.f32 v12, v1;
	v2 =	vmul.f32 v13, v14  }
0x2ee: {  	(v2sf) =	vpush v0, $0x9  }
0x2ef: {  	s1 =	spop (v2sf);
	v1 =	vadd.f32 v2, v1  }
0x2f0: {  	s30 =	sand.u32 $0xE0, s1;
	s31 =	sshrl.u32 s1, $0x8  }
0x2f1: {  	s30 =	sadd.s32 s28, s30;
	s31 =	sand.u32 $0xE0, s31;
	[tilespmem:s26+$0xFFFFFF80] =	vst v1  }
0x2f2: {  	s1 =	sshra.s32 s1, $0x10;
	s31 =	sadd.s32 s28, s31;
	v1 =	vld [tilespmem:s30+$0xCC00]  }
0x2f3: {  	s1 =	sand.u32 $0xFFFFFFE0, s1;
	v15 =	vld [tilespmem:s31+$0x10C00]  }
0x2f4: {  	s1 =	sadd.s32 s28, s1;
	v16 =	vld [tilespmem:s30+$0xCC10]  }
0x2f5: {  	s1 =	sadd.s32 $0x14800, s1;
	v17 =	vld [tilespmem:s31+$0x10C10]  }
0x2f6: {  	v18 =	vld [tilespmem:s1+$0x400]  }
0x2f7: {  	v19 =	vld [tilespmem:s1+$0x410];
	_ =	sdelay $0x2  }
0x2f8: {  	v1 =	vmul.f32 v15, v1;
	v20 =	vmul.f32 v17, v16;
	_ =	sdelay $0x1  }
0x2f9: {  	v1 =	vmul.f32 v18, v1;
	v2 =	vmul.f32 v19, v20  }
0x2fa: {  	s1 =	spop (v2sf)  }
0x2fb: {  	(v2sf) =	vpush v0, $0xA;
	s30 =	sshrl.u32 s1, $0x8;
	v1 =	vadd.f32 v2, v1  }
0x2fc: {  	s31 =	sand.u32 $0xE0, s1;
	s30 =	sand.u32 $0xE0, s30  }
0x2fd: {  	s31 =	sadd.s32 s28, s31;
	s30 =	sadd.s32 s28, s30;
	[tilespmem:s26+$0xFFFFFF90] =	vst v1  }
0x2fe: {  	s1 =	sshra.s32 s1, $0x10;
	s30 =	sadd.s32 $0x10800, s30;
	v1 =	vld [tilespmem:s31+$0xCC80]  }
0x2ff: {  	s1 =	sand.u32 $0xFFFFFFE0, s1;
	v21 =	vld [tilespmem:s30+$0x480]  }
0x300: {  	s1 =	sadd.s32 s28, s1;
	v22 =	vld [tilespmem:s31+$0xCC90]  }
0x301: {  	s1 =	sadd.s32 $0x14800, s1;
	v23 =	vld [tilespmem:s30+$0x490]  }
0x302: {  	v24 =	vld [tilespmem:s1+$0x480]  }
0x303: {  	v25 =	vld [tilespmem:s1+$0x490];
	_ =	sdelay $0x2  }
0x304: {  	v1 =	vmul.f32 v21, v1;
	v26 =	vmul.f32 v23, v22;
	_ =	sdelay $0x1  }
0x305: {  	v1 =	vmul.f32 v24, v1;
	v2 =	vmul.f32 v25, v26  }
0x306: {  	(v2sf) =	vpush v0, $0xB  }
0x307: {  	s1 =	spop (v2sf);
	v1 =	vadd.f32 v2, v1  }
0x308: {  	s30 =	sand.u32 $0xE0, s1;
	s31 =	sshrl.u32 s1, $0x8  }
0x309: {  	s30 =	sadd.s32 s28, s30;
	s31 =	sand.u32 $0xE0, s31;
	[tilespmem:s26+$0xFFFFFFA0] =	vst v1  }
0x30a: {  	s1 =	sshra.s32 s1, $0x10;
	s31 =	sadd.s32 s28, s31;
	v1 =	vld [tilespmem:s30+$0xCD00]  }
0x30b: {  	s1 =	sand.u32 $0xFFFFFFE0, s1;
	v27 =	vld [tilespmem:s31+$0x10D00]  }
0x30c: {  	s1 =	sadd.s32 s28, s1;
	v28 =	vld [tilespmem:s30+$0xCD10]  }
0x30d: {  	s1 =	sadd.s32 $0x14800, s1;
	v29 =	vld [tilespmem:s31+$0x10D10]  }
0x30e: {  	v30 =	vld [tilespmem:s1+$0x500]  }
0x30f: {  	v31 =	vld [tilespmem:s1+$0x510];
	_ =	sdelay $0x2  }
0x310: {  	v1 =	vmul.f32 v27, v1;
	v32 =	vmul.f32 v29, v28;
	_ =	sdelay $0x1  }
0x311: {  	v1 =	vmul.f32 v30, v1;
	v2 =	vmul.f32 v31, v32  }
0x312: {  	s1 =	spop (v2sf)  }
0x313: {  	(v2sf) =	vpush v0, $0xC;
	s30 =	sshrl.u32 s1, $0x8;
	v1 =	vadd.f32 v2, v1  }
0x314: {  	s31 =	sand.u32 $0xE0, s1;
	s30 =	sand.u32 $0xE0, s30  }
0x315: {  	s31 =	sadd.s32 s28, s31;
	s30 =	sadd.s32 s28, s30;
	[tilespmem:s26+$0xFFFFFFB0] =	vst v1  }
0x316: {  	s1 =	sshra.s32 s1, $0x10;
	s30 =	sadd.s32 $0x10800, s30;
	v1 =	vld [tilespmem:s31+$0xCD80]  }
0x317: {  	s1 =	sand.u32 $0xFFFFFFE0, s1;
	v33 =	vld [tilespmem:s30+$0x580]  }
0x318: {  	s1 =	sadd.s32 s28, s1;
	v34 =	vld [tilespmem:s31+$0xCD90]  }
0x319: {  	s1 =	sadd.s32 $0x14800, s1;
	v35 =	vld [tilespmem:s30+$0x590]  }
0x31a: {  	v36 =	vld [tilespmem:s1+$0x580]  }
0x31b: {  	v37 =	vld [tilespmem:s1+$0x590];
	_ =	sdelay $0x2  }
0x31c: {  	v1 =	vmul.f32 v33, v1;
	v38 =	vmul.f32 v35, v34;
	_ =	sdelay $0x1  }
0x31d: {  	v1 =	vmul.f32 v36, v1;
	v2 =	vmul.f32 v37, v38  }
0x31e: {  	(v2sf) =	vpush v0, $0xD  }
0x31f: {  	s1 =	spop (v2sf);
	v1 =	vadd.f32 v2, v1  }
0x320: {  	s30 =	sand.u32 $0xE0, s1;
	s31 =	sshrl.u32 s1, $0x8  }
0x321: {  	s30 =	sadd.s32 s28, s30;
	s31 =	sand.u32 $0xE0, s31;
	[tilespmem:s26+$0xFFFFFFC0] =	vst v1  }
0x322: {  	s1 =	sshra.s32 s1, $0x10;
	s31 =	sadd.s32 s28, s31;
	v1 =	vld [tilespmem:s30+$0xCE00]  }
0x323: {  	s1 =	sand.u32 $0xFFFFFFE0, s1;
	v39 =	vld [tilespmem:s31+$0x10E00]  }
0x324: {  	s1 =	sadd.s32 s28, s1;
	v40 =	vld [tilespmem:s30+$0xCE10]  }
0x325: {  	s1 =	sadd.s32 $0x14800, s1;
	v41 =	vld [tilespmem:s31+$0x10E10]  }
0x326: {  	v42 =	vld [tilespmem:s1+$0x600]  }
0x327: {  	v43 =	vld [tilespmem:s1+$0x610];
	_ =	sdelay $0x2  }
0x328: {  	v1 =	vmul.f32 v39, v1;
	v44 =	vmul.f32 v41, v40;
	_ =	sdelay $0x1  }
0x329: {  	v1 =	vmul.f32 v42, v1;
	v2 =	vmul.f32 v43, v44  }
0x32a: {  	s1 =	spop (v2sf)  }
0x32b: {  	(v2sf) =	vpush v0, $0xE;
	s30 =	sshrl.u32 s1, $0x8;
	v1 =	vadd.f32 v2, v1  }
0x32c: {  	s31 =	sand.u32 $0xE0, s1;
	s30 =	sand.u32 $0xE0, s30  }
0x32d: {  	s31 =	sadd.s32 s28, s31;
	s30 =	sadd.s32 s28, s30;
	[tilespmem:s26+$0xFFFFFFD0] =	vst v1  }
0x32e: {  	s1 =	sshra.s32 s1, $0x10;
	s30 =	sadd.s32 $0x10800, s30;
	v1 =	vld [tilespmem:s31+$0xCE80]  }
0x32f: {  	s1 =	sand.u32 $0xFFFFFFE0, s1;
	v45 =	vld [tilespmem:s30+$0x680]  }
0x330: {  	s1 =	sadd.s32 s28, s1;
	v46 =	vld [tilespmem:s31+$0xCE90]  }
0x331: {  	s1 =	sadd.s32 $0x14800, s1;
	v47 =	vld [tilespmem:s30+$0x690]  }
0x332: {  	v48 =	vld [tilespmem:s1+$0x680]  }
0x333: {  	v49 =	vld [tilespmem:s1+$0x690];
	_ =	sdelay $0x2  }
0x334: {  	v1 =	vmul.f32 v45, v1;
	v50 =	vmul.f32 v47, v46;
	_ =	sdelay $0x1  }
0x335: {  	v1 =	vmul.f32 v48, v1;
	v2 =	vmul.f32 v49, v50  }
0x336: {  	(v2sf) =	vpush v0, $0xF  }
0x337: {  	s1 =	spop (v2sf);
	v51 =	vadd.f32 v2, v1  }
0x338: {  	s30 =	sand.u32 $0xE0, s1;
	s31 =	sshrl.u32 s1, $0x8  }
0x339: {  	s30 =	sadd.s32 s28, s30;
	s31 =	sand.u32 $0xE0, s31;
	[tilespmem:s26+$0xFFFFFFE0] =	vst v51  }
0x33a: {  	s1 =	sshra.s32 s1, $0x10;
	s31 =	sadd.s32 s28, s31;
	v0 =	vld [tilespmem:s30+$0xCF00]  }
0x33b: {  	s1 =	sand.u32 $0xFFFFFFE0, s1;
	v52 =	vld [tilespmem:s31+$0x10F00]  }
0x33c: {  	s1 =	sadd.s32 s28, s1;
	v53 =	vld [tilespmem:s30+$0xCF10]  }
0x33d: {  	s1 =	sadd.s32 $0x14800, s1;
	v54 =	vld [tilespmem:s31+$0x10F10]  }
0x33e: {  	v55 =	vld [tilespmem:s1+$0x700]  }
0x33f: {  	v56 =	vld [tilespmem:s1+$0x710];
	_ =	sdelay $0x2  }
0x340: {  	v0 =	vmul.f32 v52, v0;
	v57 =	vmul.f32 v54, v53;
	_ =	sdelay $0x1  }
0x341: {  	v0 =	vmul.f32 v55, v0;
	v1 =	vmul.f32 v56, v57  }
0x342: {  	s1 =	spop (v2sf)  }
0x343: {  	s30 =	sshrl.u32 s1, $0x8;
	v0 =	vadd.f32 v1, v0  }
0x344: {  	s31 =	sand.u32 $0xE0, s1;
	s30 =	sand.u32 $0xE0, s30  }
0x345: {  	s31 =	sadd.s32 s28, s31;
	s30 =	sadd.s32 s28, s30;
	[tilespmem:s26+$0xFFFFFFF0] =	vst v0  }
0x346: {  	s1 =	sshra.s32 s1, $0x10;
	s30 =	sadd.s32 $0x10800, s30;
	v0 =	vld [tilespmem:s31+$0xCF80]  }
0x347: {  	s1 =	sand.u32 $0xFFFFFFE0, s1;
	v58 =	vld [tilespmem:s30+$0x780]  }
0x348: {  	s1 =	sadd.s32 s28, s1;
	v59 =	vld [tilespmem:s31+$0xCF90]  }
0x349: {  	s1 =	sadd.s32 $0x14800, s1;
	v60 =	vld [tilespmem:s30+$0x790]  }
0x34a: {  	v61 =	vld [tilespmem:s1+$0x780]  }
0x34b: {  	v62 =	vld [tilespmem:s1+$0x790];
	_ =	sdelay $0x2  }
0x34c: {  	v0 =	vmul.f32 v58, v0;
	v63 =	vmul.f32 v60, v59  }
0x34d: {  	p0 =	sne.s32 s22, $0xE000  }
.Ltmp3:
0x34e: {  	v0 =	vmul.f32 v61, v0;
	v1 =	vmul.f32 v62, v63;
	(pc) =	sbr.rel @p0 .LBB2_8-.Ltmp3, $3  }
0x34f: {  	_ = 	snop  }
0x350: {  	v0 =	vadd.f32 v1, v0;
	_ =	sdelay $0x1  }
0x351: {  	s25 =	sadd.s32 $0x10, s25;
	s22 =	sadd.s32 $0x2000, s22;
	[tilespmem:s26+$0x0] =	vst v0;
	s26 =	sadd.s32 $0x100, s26  }
0x352: {  	s20 =	sadd.s32 $0x1, s20  }
0x353: {  	p0 =	sne.s32 s20, s11  }
.Ltmp4:
0x354: {  	_ = 	snop;
	(pc) =	sbr.rel @p0 .LBB2_1-.Ltmp4, $4  }
0x355: {  	[hbm4b:s10+s2] =	stream.linear.scatter [tilespmem:s0], [sflag:$0x3], $0x2000, $0x38;
	[tilespmem:$0x1A800] =	vst v63  }
0x356: {  	_ =	swait.ge [sflag:s14], $0x2000  }
0x357: {  	[sflag:s14] =	ssyncset.done $0x0  }
0x358: {  	[sflag:s14] =	ssyncadd.s32 $0xFFFFE000  }
0x359: {  	_ =	sfence.sel $0x180000  }
0x35a: {  	[bflag:$0x0] =	sbarrier.arrive $0xFFFF  }
0x35b: {  	_ =	strace $0x90000047  }
0x35c: {  	s0 =	stileid.u32;
	[bflag:$0x2] =	sbarrier.arrive $0xFFFF  }
0x35d: {  	p0 =	sne.s32 s0, $0x0;
	s0 =	rddreg [dreg:$0x1]  }
0x35e: {  	s0 =	sadd.s32 @!p0 $0x100000, s0  }
0x35f: {  	[sflag:s0] =	ssyncadd.tile.s32 @!p0 $0x1;
	_ =	shalt  }
.Lfunc_end2:
_tile_overlayer_lowered:
.L_overlay_start_2:
0x360: {  	(tag) =	ssettag $0x2  }
0x361: {  	s0 =	rddreg [dreg:$0x0];
	s2 =	stileid.u32  }
0x362: {  	s1 =	rddreg [dreg:$0x1];
	p0 =	sne.s32 s2, $0x0  }
0x363: {  	s3 =	rddreg [dreg:$0x2];
	[bflag:$0x3] =	sbarrier.arrive $0xFFFF;
	s2 =	simm.s32 @!p0 $0x1C03  }
0x364: {  	[timem:s3], [sflag:s2] =	dma.local @!p0 [hbm:s0], s1  }
0x365: {  	s0 =	simm.s32 @!p0 $0x3  }
0x366: {  	_ =	swait.ge @!p0 [sflag:s0], s1  }
0x367: {  	s1 =	ssub.s32 @!p0 $0x0, s1;
	[sflag:s0] =	ssyncset.done @!p0 $0x0  }
0x368: {  	[sflag:s0] =	ssyncadd.s32 @!p0 s1  }
0x369: {  	[bflag:$0x3] =	sbarrier.arrive $0xFFFF  }
0x36a: {  	_ =	shalt  }

</sc_bundles>
